<compile_context>
chip_gen: v7x
topology: tpu7x:2x2x1
jax: 0.10.2.dev20260603
libtpu: 0.0.44.dev20260713+nightly
codegen_flags: <defaults>
</compile_context>

<pallas_src>
import functools

import jax
import jax.numpy as jnp
from jax import lax
from jax.experimental import pallas as pl
from jax.experimental.pallas import tpu as pltpu
from jax.experimental.pallas import tpu_sc as plsc

_DOWN_RATES = [1, 4, 2]
_KNNS = [16, 12, 8]
_DIM_IN = 128
_DIM = 64
_F32 = jnp.float32


_FPS_R = 16


def _fps_body(xyz_ref, xyzs_ref, idx_ref, npoint, B, N):
    R, C = _FPS_R, N // _FPS_R
    ii = (lax.broadcasted_iota(jnp.int32, (R, C), 0) * C
          + lax.broadcasted_iota(jnp.int32, (R, C), 1))
    coords = [[xyz_ref[3 * b + c] for c in range(3)] for b in range(B)]

    def body(i, state):
        new_state = []
        for b in range(B):
            dist, far = state[2 * b], state[2 * b + 1]
            idx_ref[b, i] = far
            cx = xyzs_ref[3 * b + 0, far]
            cy = xyzs_ref[3 * b + 1, far]
            cz = xyzs_ref[3 * b + 2, far]
            px, py, pz = coords[b]
            d = (px - cx) ** 2 + (py - cy) ** 2 + (pz - cz) ** 2
            dist = jnp.minimum(dist, d)
            lmax = jnp.max(dist, axis=1, keepdims=True)
            lidx = jnp.argmax(dist, axis=1)[:, None]
            m = jnp.max(lmax)
            riota = lax.broadcasted_iota(jnp.int32, (R, 1), 0)
            r_star = jnp.min(jnp.where(lmax == m, riota, R))
            far = r_star * C + jnp.sum(
                jnp.where(riota == r_star, lidx, 0))
            new_state += [dist, far]
        return tuple(new_state)

    init = ()
    for b in range(B):
        init += (jnp.full((R, C), 1e10, _F32), jnp.int32(0))
    lax.fori_loop(0, npoint, body, init)


def _fps_pallas(pq, npoint):
    B, _, N = pq.shape
    xyz = pq.reshape(B * 3, _FPS_R, N // _FPS_R)
    xyzs = pq.reshape(B * 3, N)
    return pl.pallas_call(
        functools.partial(_fps_body, npoint=npoint, B=B, N=N),
        in_specs=[
            pl.BlockSpec(memory_space=pltpu.VMEM),
            pl.BlockSpec(memory_space=pltpu.SMEM),
        ],
        out_shape=jax.ShapeDtypeStruct((B, npoint), jnp.int32),
        out_specs=pl.BlockSpec(memory_space=pltpu.SMEM),
    )(xyz, xyzs)


def _knn_body(qt_ref, st_ref, idx_ref, dv_ref, K, KO, T, M):
    q = qt_ref[0]
    s = st_ref[0]
    mm = jnp.dot(q, s, preferred_element_type=_F32)
    q2 = jnp.sum(q * q, axis=1, keepdims=True)
    s2 = jnp.sum(s * s, axis=0, keepdims=True)
    d = -2.0 * mm + q2 + s2
    lane = lax.broadcasted_iota(jnp.int32, (T, M), 1)
    kiota = lax.broadcasted_iota(jnp.int32, (T, KO), 1)
    idxs = jnp.zeros((T, KO), jnp.int32)
    dvs = jnp.zeros((T, KO), _F32)
    for k in range(K):
        mk = jnp.min(d, axis=1)
        idxk = jnp.min(jnp.where(d == mk[:, None], lane, M), axis=1)
        idxs = jnp.where(kiota == k, idxk[:, None], idxs)
        dvs = jnp.where(kiota == k, mk[:, None], dvs)
        if k < K - 1:
            d = jnp.where(lane == idxk[:, None], jnp.inf, d)
    idx_ref[0] = idxs
    dv_ref[0] = dvs


def _knn_pallas(K, qt16, st16, KO=None):
    B, Nq, _ = qt16.shape
    M = st16.shape[2]
    KO = KO or K
    T = min(512, Nq)
    grid = (B, Nq // T)
    idx, dv = pl.pallas_call(
        functools.partial(_knn_body, K=K, KO=KO, T=T, M=M),
        grid=grid,
        in_specs=[
            pl.BlockSpec((1, T, 16), lambda b, t: (b, t, 0)),
            pl.BlockSpec((1, 16, M), lambda b, t: (b, 0, 0)),
        ],
        out_specs=[
            pl.BlockSpec((1, T, KO), lambda b, t: (b, t, 0)),
            pl.BlockSpec((1, T, KO), lambda b, t: (b, t, 0)),
        ],
        out_shape=[
            jax.ShapeDtypeStruct((B, Nq, KO), jnp.int32),
            jax.ShapeDtypeStruct((B, Nq, KO), _F32),
        ],
    )(qt16, st16)
    return idx, dv


def _sc_gather(table, idx):
    R, D = table.shape
    G = idx.shape[0]
    NC, NS = 2, 16
    NW = NC * NS
    assert G % NW == 0, (G, NW)
    per_w = G // NW
    chunk = min(128, per_w)
    nchunk = per_w // chunk
    assert per_w % chunk == 0 and chunk % 8 == 0

    mesh = plsc.VectorSubcoreMesh(core_axis_name="c", subcore_axis_name="s")

    @functools.partial(
        pl.kernel, mesh=mesh,
        out_type=jax.ShapeDtypeStruct((G, D), _F32),
        scratch_types=[
            pltpu.VMEM((chunk,), jnp.int32),
            pltpu.VMEM((chunk, D), _F32),
            pltpu.SemaphoreType.DMA,
        ],
    )
    def k(table_hbm, idx_hbm, out_hbm, idx_v, rows_v, sem):
        wid = lax.axis_index("s") * NC + lax.axis_index("c")
        for c in range(nchunk):
            base = wid * per_w + c * chunk
            pltpu.sync_copy(idx_hbm.at[pl.ds(base, chunk)], idx_v)
            pltpu.async_copy(table_hbm.at[idx_v], rows_v, sem).wait()
            pltpu.sync_copy(rows_v, out_hbm.at[pl.ds(base, chunk)])

    return k(table, idx)


def _kvp_body(fst_ref, ps16_ref, wk_ref, bk_ref, wv_ref, bv_ref, tab_ref, Tm):
    fs_t = fst_ref[...]
    k = (jnp.dot(fs_t, wk_ref[...], preferred_element_type=_F32)
         + bk_ref[...])
    v = (jnp.dot(fs_t, wv_ref[...], preferred_element_type=_F32)
         + bv_ref[...])
    ki = lax.bitcast_convert_type(k, jnp.int32)
    vi = lax.bitcast_convert_type(v, jnp.int32)
    rk = (ki + 0x7FFF + ((ki >> 16) & 1)) >> 16
    rv = (vi + 0x7FFF + ((vi >> 16) & 1)) >> 16
    kvw = lax.bitcast_convert_type((rk & 0xFFFF) | (rv << 16), _F32)
    tab_ref[...] = jnp.concatenate(
        [kvw, ps16_ref[...], jnp.zeros((Tm, 48), _F32)], axis=1)


def _kv_table(fst, ps16f, p):
    BM = fst.shape[0]
    Tm = 512
    return pl.pallas_call(
        functools.partial(_kvp_body, Tm=Tm),
        grid=(BM // Tm,),
        in_specs=[
            pl.BlockSpec((Tm, _DIM_IN), lambda t: (t, 0)),
            pl.BlockSpec((Tm, 16), lambda t: (t, 0)),
            pl.BlockSpec((_DIM_IN, _DIM), lambda t: (0, 0)),
            pl.BlockSpec((1, _DIM), lambda t: (0, 0)),
            pl.BlockSpec((_DIM_IN, _DIM), lambda t: (0, 0)),
            pl.BlockSpec((1, _DIM), lambda t: (0, 0)),
        ],
        out_specs=pl.BlockSpec((Tm, 128), lambda t: (t, 0)),
        out_shape=jax.ShapeDtypeStruct((BM, 128), _F32),
    )(fst, ps16f, p['Wk'].T, p['bk'][None, :], p['Wv'].T, p['bv'][None, :])


def _prep_body(f1g_ref, pref_ref, idx3_ref, dv3_ref,
               w1_ref, b1_ref, w2_ref, b2_ref, ws_ref, bs_ref,
               f1t_ref, T, m):
    f1g = f1g_ref[0]
    pref = pref_ref[0]
    idx3 = idx3_ref[0]
    dv3 = dv3_ref[0]
    d = jnp.maximum(dv3, 1e-10)
    recip = 1.0 / d
    lane8 = lax.broadcasted_iota(jnp.int32, (T, 8), 1)
    recip3 = jnp.where(lane8 < 3, recip, 0.0)
    norm = jnp.sum(recip3, axis=1, keepdims=True)
    w = recip3 / norm
    ci = lax.broadcasted_iota(jnp.int32, (T, m), 1)
    wmat = jnp.zeros((T, m), _F32)
    for j in range(3):
        sel = ci == idx3[:, j:j + 1]
        wmat = wmat + jnp.where(sel, w[:, j:j + 1], 0.0)
    proj = jnp.dot(wmat, pref, preferred_element_type=_F32)
    x = jnp.concatenate([f1g, proj], axis=1)
    h = jax.nn.relu(jnp.dot(x, w1_ref[...], preferred_element_type=_F32)
                    + b1_ref[...])
    out = (jnp.dot(h, w2_ref[...], preferred_element_type=_F32) + b2_ref[...]
           + jnp.dot(x, ws_ref[...], preferred_element_type=_F32)
           + bs_ref[...])
    f1t_ref[0] = out


def _prep_pallas(f1g, pre_f, idx3, dv3, p):
    B, Nq, _ = f1g.shape
    m = pre_f.shape[1]
    T = min(512, Nq)
    grid = (B, Nq // T)
    two = 2 * _DIM_IN
    return pl.pallas_call(
        functools.partial(_prep_body, T=T, m=m),
        grid=grid,
        in_specs=[
            pl.BlockSpec((1, T, _DIM_IN), lambda b, t: (b, t, 0)),
            pl.BlockSpec((1, m, _DIM_IN), lambda b, t: (b, 0, 0)),
            pl.BlockSpec((1, T, 8), lambda b, t: (b, t, 0)),
            pl.BlockSpec((1, T, 8), lambda b, t: (b, t, 0)),
            pl.BlockSpec((two, _DIM_IN), lambda b, t: (0, 0)),
            pl.BlockSpec((1, _DIM_IN), lambda b, t: (0, 0)),
            pl.BlockSpec((_DIM_IN, _DIM_IN), lambda b, t: (0, 0)),
            pl.BlockSpec((1, _DIM_IN), lambda b, t: (0, 0)),
            pl.BlockSpec((two, _DIM_IN), lambda b, t: (0, 0)),
            pl.BlockSpec((1, _DIM_IN), lambda b, t: (0, 0)),
        ],
        out_specs=pl.BlockSpec((1, T, _DIM_IN), lambda b, t: (b, t, 0)),
        out_shape=jax.ShapeDtypeStruct((B, Nq, _DIM_IN), _F32),
    )(f1g, pre_f, idx3, dv3,
      p['W1'].T, p['b1'][None, :], p['W2'].T, p['b2'][None, :],
      p['Ws'].T, p['bs'][None, :])


def _dga_body(f1t_ref, pq16_ref, g_ref,
              wq_ref, bq_ref, pw1_ref, pb1_ref, pw2_ref, pb2_ref,
              aw1_ref, ab1_ref, aw2_ref, ab2_ref, ew_ref, eb_ref,
              out_ref, st1_ref, st2_ref, sty_ref, T, K, n_total):
    ph = pl.program_id(0)
    b = pl.program_id(1)
    t = pl.program_id(2)
    TK = T * K
    first = (b == 0) & (t == 0)

    @pl.when((ph == 0) & first)
    def _init():
        st1_ref[...] = jnp.zeros_like(st1_ref)
        st2_ref[...] = jnp.zeros_like(st2_ref)
        sty_ref[...] = jnp.zeros_like(sty_ref)

    @pl.when((ph == 1) & first)
    def _fin1():
        mu = st1_ref[0:1, :] * (1.0 / n_total)
        ex2 = st1_ref[1:2, :] * (1.0 / n_total)
        inv = lax.rsqrt(jnp.maximum(ex2 - mu * mu, 0.0) + 1e-5)
        st1_ref[0:1, :] = mu
        st1_ref[1:2, :] = inv

    @pl.when((ph == 2) & first)
    def _fin2():
        W = aw1_ref[...]
        b2v = ab1_ref[...]
        mu_y = sty_ref[64:65, :] * (1.0 / n_total)
        mean_a1 = jnp.dot(mu_y, W, preferred_element_type=_F32) + b2v
        Z = jnp.dot(sty_ref[0:64, :] * (1.0 / n_total), W,
                    preferred_element_type=_F32)
        e2 = (jnp.sum(W * Z, axis=0, keepdims=True)
              + 2.0 * b2v * (mean_a1 - b2v) + b2v * b2v)
        inv = lax.rsqrt(jnp.maximum(e2 - mean_a1 * mean_a1, 0.0) + 1e-5)
        st2_ref[0:1, :] = mean_a1
        st2_ref[1:2, :] = inv

    def expand(x):
        C = x.shape[1]
        return jnp.broadcast_to(x[:, None, :], (T, K, C)).reshape(TK, C)

    def segsum(x):
        C = x.shape[1]
        return jnp.sum(x.reshape(T, K, C), axis=1)

    pq16 = pq16_ref[0]
    psg = g_ref[0, :, 64:80]
    kvw = lax.bitcast_convert_type(g_ref[0, :, 0:64], jnp.int32)
    kg = lax.bitcast_convert_type(kvw << 16, _F32)
    vg = lax.bitcast_convert_type(kvw & jnp.int32(0xFFFF0000 - (1 << 32)),
                                  _F32)
    pos_rel = expand(pq16) - psg
    pe = (jnp.dot(pos_rel, pw1_ref[...], preferred_element_type=_F32)
          + pb1_ref[...])

    @pl.when(ph == 0)
    def _acc1():
        st1_ref[0:1, :] += jnp.sum(pe, axis=0, keepdims=True)
        st1_ref[1:2, :] += jnp.sum(pe * pe, axis=0, keepdims=True)

    @pl.when(ph > 0)
    def _main():
        x1 = jax.nn.relu((pe - st1_ref[0:1, :]) * st1_ref[1:2, :])
        pos_emb = (jnp.dot(x1, pw2_ref[...], preferred_element_type=_F32)
                   + pb2_ref[...])
        f1t = f1t_ref[0]
        q = (jnp.dot(f1t, wq_ref[...], preferred_element_type=_F32)
             + bq_ref[...])
        y = expand(q) - kg + pos_emb

        @pl.when(ph == 1)
        def _acc2():
            sty_ref[0:64, :] += lax.dot_general(
                y, y, (((0,), (0,)), ((), ())),
                preferred_element_type=_F32)
            sty_ref[64:65, :] += jnp.sum(y, axis=0, keepdims=True)

        @pl.when(ph == 2)
        def _tail():
            a1 = (jnp.dot(y, aw1_ref[...], preferred_element_type=_F32)
                  + ab1_ref[...])
            x2 = jax.nn.relu((a1 - st2_ref[0:1, :]) * st2_ref[1:2, :])
            a2 = (jnp.dot(x2, aw2_ref[...], preferred_element_type=_F32)
                  + ab2_ref[...])
            ex = jnp.exp(a2)
            att = ex / expand(segsum(ex))
            value = vg + pos_emb
            agg = segsum(att * value)
            o = (jnp.dot(agg, ew_ref[...], preferred_element_type=_F32)
                 + eb_ref[...] + f1t)
            out_ref[0] = o


def _dga_pallas(p, f1t, pq16, g, K):
    B, Nq, _ = f1t.shape
    T = min(512, Nq)
    NT = Nq // T
    TK = T * K
    n_total = float(B * Nq * K)
    grid = (3, B, NT)
    g3 = g.reshape(B * NT, TK, 128)
    return pl.pallas_call(
        functools.partial(_dga_body, T=T, K=K, n_total=n_total),
        grid=grid,
        in_specs=[
            pl.BlockSpec((1, T, _DIM_IN), lambda ph, b, t: (b, t, 0)),
            pl.BlockSpec((1, T, 16), lambda ph, b, t: (b, t, 0)),
            pl.BlockSpec((1, TK, 128), lambda ph, b, t, NT=NT: (b * NT + t, 0, 0)),
            pl.BlockSpec((_DIM_IN, _DIM), lambda ph, b, t: (0, 0)),
            pl.BlockSpec((1, _DIM), lambda ph, b, t: (0, 0)),
            pl.BlockSpec((16, _DIM), lambda ph, b, t: (0, 0)),
            pl.BlockSpec((1, _DIM), lambda ph, b, t: (0, 0)),
            pl.BlockSpec((_DIM, _DIM), lambda ph, b, t: (0, 0)),
            pl.BlockSpec((1, _DIM), lambda ph, b, t: (0, 0)),
            pl.BlockSpec((_DIM, 4 * _DIM), lambda ph, b, t: (0, 0)),
            pl.BlockSpec((1, 4 * _DIM), lambda ph, b, t: (0, 0)),
            pl.BlockSpec((4 * _DIM, _DIM), lambda ph, b, t: (0, 0)),
            pl.BlockSpec((1, _DIM), lambda ph, b, t: (0, 0)),
            pl.BlockSpec((_DIM, _DIM_IN), lambda ph, b, t: (0, 0)),
            pl.BlockSpec((1, _DIM_IN), lambda ph, b, t: (0, 0)),
        ],
        out_specs=pl.BlockSpec((1, T, _DIM_IN), lambda ph, b, t: (b, t, 0)),
        out_shape=jax.ShapeDtypeStruct((B, Nq, _DIM_IN), _F32),
        scratch_shapes=[
            pltpu.VMEM((8, _DIM), _F32),
            pltpu.VMEM((8, 4 * _DIM), _F32),
            pltpu.VMEM((72, _DIM), _F32),
        ],
    )(f1t, pq16, g3,
      p['Wq'].T, p['bq'][None, :],
      jnp.pad(p['pos_W1'], ((0, 0), (0, 13))).T, p['pos_b1'][None, :],
      p['pos_W2'].T, p['pos_b2'][None, :],
      p['attn_W1'].T, p['attn_b1'][None, :],
      p['attn_W2'].T, p['attn_b2'][None, :],
      p['end_W'].T, p['end_b'][None, :])


def kernel(pq, fq, ps, fs, params):
    B, _, N = pq.shape
    M = ps.shape[2]

    pq16 = jnp.pad(pq.transpose(0, 2, 1), ((0, 0), (0, 0), (0, 13)))
    ps16 = jnp.pad(ps.transpose(0, 2, 1), ((0, 0), (0, 0), (0, 13)))
    st16 = ps16.transpose(0, 2, 1)
    fqt = fq.transpose(0, 2, 1).reshape(B * N, _DIM_IN)
    pq16f = pq16.reshape(B * N, 16)
    ps16f = ps16.reshape(B * M, 16)
    boff_n = (jnp.arange(B, dtype=jnp.int32) * N)[:, None]
    fpq_tab = jnp.concatenate(
        [fqt, pq16f, jnp.zeros((B * N, 112), _F32)], axis=1)
    fst = fs.transpose(0, 2, 1).reshape(B * M, _DIM_IN)

    idx512 = _fps_pallas(pq, 512)
    fps_idxs = [None, idx512, idx512[:, :256]]

    f512 = (idx512 + boff_n).reshape(-1)
    f256 = (idx512[:, :256] + boff_n).reshape(-1)
    gf_all = _sc_gather(fpq_tab, jnp.concatenate([f512, f256]))
    fps_g = {512: gf_all[:f512.shape[0]], 256: gf_all[f512.shape[0]:]}

    pre_f = None
    pre_pos16 = None
    for i in range(2, -1, -1):
        fi = fps_idxs[i]
        if fi is None:
            pos1_16 = pq16
            f1g = fqt.reshape(B, N, _DIM_IN)
        else:
            nq = fi.shape[1]
            gf = fps_g[nq]
            pos1_16 = gf[:, 128:144].reshape(B, nq, 16)
            f1g = gf[:, :128].reshape(B, nq, _DIM_IN)
        Nq = pos1_16.shape[1]
        if i != 2:
            qt_pre = pos1_16
            st_pre = pre_pos16.transpose(0, 2, 1)
            idx3, dv3 = _knn_pallas(3, qt_pre, st_pre, KO=8)
            f1t = _prep_pallas(f1g, pre_f, idx3, dv3, params['qmlp'][i])
        else:
            f1t = f1g

        K = _KNNS[i]
        p = params['dga'][i]
        idx_knn, _ = _knn_pallas(K, pos1_16, st16)
        kflat = (idx_knn + (jnp.arange(B, dtype=jnp.int32) * M)[:, None, None]
                 ).reshape(-1)
        kvtab = _kv_table(fst, ps16f, p)
        g = _sc_gather(kvtab, kflat)
        pre_f = _dga_pallas(p, f1t, pos1_16, g, K)
        pre_pos16 = pos1_16

    return pre_f.transpose(0, 2, 1)

# --- scband reference (transcript-rebuilt; emitter-appended) ---
"""Pipeline reference for scband-dgageo-generation-25735444037773 (READ-ONLY COPY).

The authoritative reference and input builder live on the scoring server;
editing this copy changes nothing except your own understanding.
"""

import jax, jax.numpy as jnp
import numpy as np

DOWN_RATES = [1, 4, 2]
KNNS = [16, 12, 8]
DIM_IN = 128
DIM = 64

def square_distance(src, dst):
    dist = -2.0 * jnp.matmul(src, dst.transpose(0, 2, 1))
    dist = dist + jnp.sum(src ** 2, -1)[:, :, None]
    dist = dist + jnp.sum(dst ** 2, -1)[:, None, :]
    return dist

def query_knn(nsample, xyz, new_xyz):
    sqrdists = square_distance(new_xyz, xyz)
    _, idx = jax.lax.top_k(-sqrdists, nsample)
    return idx

def fps(xyz, npoint):
    B, N, _ = xyz.shape
    def body(i, state):
        dist, far, idxs = state
        idxs = idxs.at[:, i].set(far)
        centroid = jnp.take_along_axis(xyz, far[:, None, None], axis=1)
        d = jnp.sum((xyz - centroid) ** 2, axis=-1)
        dist = jnp.minimum(dist, d)
        far = jnp.argmax(dist, axis=-1).astype(jnp.int32)
        return (dist, far, idxs)
    state = (jnp.full((B, N), 1e10, xyz.dtype), jnp.zeros((B,), jnp.int32), jnp.zeros((B, npoint), jnp.int32))
    _, _, idxs = jax.lax.fori_loop(0, npoint, body, state)
    return idxs

def gather_operation(features, idx):
    return jnp.take_along_axis(features, idx[:, None, :], axis=2)

def grouping_operation(features, idx):
    B, C, M = features.shape
    _, N, K = idx.shape
    g = jnp.take_along_axis(features, idx.reshape(B, 1, N * K), axis=2)
    return g.reshape(B, C, N, K)

def three_nn(unknown, known):
    sqrdists = square_distance(unknown, known)
    neg, idx = jax.lax.top_k(-sqrdists, 3)
    return -neg, idx

def three_interpolate(features, idx, weight):
    B, C, m = features.shape
    n = idx.shape[1]
    g = jnp.take_along_axis(features, idx.reshape(B, 1, n * 3), axis=2).reshape(B, C, n, 3)
    return jnp.sum(g * weight[:, None, :, :], axis=-1)

def three_inter(f, p1, p2):
    p1_flipped = p1.transpose(0, 2, 1)
    p2_flipped = p2.transpose(0, 2, 1)
    dist, idx = three_nn(p2_flipped, p1_flipped)
    dist = jnp.maximum(dist, 1e-10)
    recip = 1.0 / dist
    norm = jnp.sum(recip, 2, keepdims=True)
    weight = recip / norm
    return three_interpolate(f, idx, weight)

def conv1d(x, W, b):
    return jnp.einsum('oi,bin->bon', W, x) + b[None, :, None]

def conv2d(x, W, b):
    return jnp.einsum('oi,bink->bonk', W, x) + b[None, :, None, None]

def bn2d(x, eps=1e-5):
    mean = jnp.mean(x, axis=(0, 2, 3), keepdims=True)
    var = jnp.var(x, axis=(0, 2, 3), keepdims=True)
    return (x - mean) / jnp.sqrt(var + eps)

def mlp_res(x, p):
    shortcut = conv1d(x, p['Ws'], p['bs'])
    h = jax.nn.relu(conv1d(x, p['W1'], p['b1']))
    return conv1d(h, p['W2'], p['b2']) + shortcut

def dga_forward(p, pq, fq, ps, fs, n_knn):
    identity = fq
    q = conv1d(fq, p['Wq'], p['bq'])
    k = conv1d(fs, p['Wk'], p['bk'])
    v = conv1d(fs, p['Wv'], p['bv'])
    B, D, N = q.shape
    idx_knn = query_knn(n_knn, ps.transpose(0, 2, 1), pq.transpose(0, 2, 1))
    key_g = grouping_operation(k, idx_knn)
    qk_rel = q.reshape(B, -1, N, 1) - key_g
    pos_rel = pq.reshape(B, -1, N, 1) - grouping_operation(ps, idx_knn)
    pe = conv2d(pos_rel, p['pos_W1'], p['pos_b1'])
    pe = jax.nn.relu(bn2d(pe))
    pos_embedding = conv2d(pe, p['pos_W2'], p['pos_b2'])
    a = conv2d(qk_rel + pos_embedding, p['attn_W1'], p['attn_b1'])
    a = jax.nn.relu(bn2d(a))
    a = conv2d(a, p['attn_W2'], p['attn_b2'])
    attention = jax.nn.softmax(a, axis=-1)
    value = grouping_operation(v, idx_knn) + pos_embedding
    agg = jnp.sum(attention * value, axis=-1)
    return conv1d(agg, p['end_W'], p['end_b']) + identity

def _forward_with_idxs(pq, fq, ps, fs, params, fps_idxs):
    num_scale = len(DOWN_RATES)
    pre_f = None
    pre_pos = None
    for i in range(num_scale - 1, -1, -1):
        _pos1 = pq if fps_idxs[i] is None else gather_operation(pq, fps_idxs[i])
        _f1 = fq if fps_idxs[i] is None else gather_operation(fq, fps_idxs[i])
        if i != num_scale - 1:
            proj_f1 = three_inter(pre_f, pre_pos, _pos1)
            _f1 = mlp_res(jnp.concatenate([_f1, proj_f1], axis=1), params['qmlp'][i])
        pre_f = dga_forward(params['dga'][i], _pos1, _f1, ps, fs, KNNS[i])
        pre_pos = _pos1
    return pre_f

def hierarchical_fps(pq):
    B, _, N = pq.shape
    pq_flipped = pq.transpose(0, 2, 1)
    now = N
    fps_idxs = []
    for r in DOWN_RATES:
        now = now // r
        fps_idxs.append(None if now == N else fps(pq_flipped, now))
    return fps_idxs

def setup_inputs(seed: int = 0):
    key = jax.random.key(seed)
    B, N, M = 2, 2048, 2048
    keys = iter(jax.random.split(key, 80))
    pq = jax.random.uniform(next(keys), (B, 3, N), jnp.float32)
    fq = jax.random.normal(next(keys), (B, DIM_IN, N), jnp.float32)
    ps = jax.random.uniform(next(keys), (B, 3, M), jnp.float32)
    fs = jax.random.normal(next(keys), (B, DIM_IN, M), jnp.float32)
    def w(shape):
        return jax.random.normal(next(keys), shape, jnp.float32) * 0.05
    dga = []
    for _ in range(3):
        dga.append({'Wq': w((DIM, DIM_IN)), 'bq': w((DIM,)), 'Wk': w((DIM, DIM_IN)), 'bk': w((DIM,)), 'Wv': w((DIM, DIM_IN)), 'bv': w((DIM,)), 'pos_W1': w((DIM, 3)), 'pos_b1': w((DIM,)), 'pos_W2': w((DIM, DIM)), 'pos_b2': w((DIM,)), 'attn_W1': w((DIM * 4, DIM)), 'attn_b1': w((DIM * 4,)), 'attn_W2': w((DIM, DIM * 4)), 'attn_b2': w((DIM,)), 'end_W': w((DIM_IN, DIM)), 'end_b': w((DIM_IN,))})
    qmlp = []
    for _ in range(2):
        qmlp.append({'W1': w((DIM_IN, DIM_IN * 2)), 'b1': w((DIM_IN,)), 'W2': w((DIM_IN, DIM_IN)), 'b2': w((DIM_IN,)), 'Ws': w((DIM_IN, DIM_IN * 2)), 'bs': w((DIM_IN,))})
    return {'pq': pq, 'fq': fq, 'ps': ps, 'fs': fs, 'params': {'dga': dga, 'qmlp': qmlp}}

def reference(pq, fq, ps, fs, params):
    fps_idxs = hierarchical_fps(pq)
    return _forward_with_idxs(pq, fq, ps, fs, params, fps_idxs)

if __name__ == "__main__":
    import jax
    _d = setup_inputs()
    print(jax.jit(kernel)(*tuple(_d.values())))

</pallas_src>

<mosaic_0001>
#map = affine_map<(d0, d1) -> (0, 0)>
#map1 = affine_map<(d0, d1) -> (0)>
module attributes {stable_mosaic.version = 14 : i64} {
  func.func @k(%arg0: i32, %arg1: i32, %arg2: memref<4096x256xf32, #tpu.memory_space<hbm>>, %arg3: memref<1536xi32, #tpu.memory_space<hbm>>, %arg4: memref<1536x256xf32, #tpu.memory_space<hbm>>, %arg5: memref<48xi32, #tpu.memory_space<vmem>>, %arg6: memref<48x256xf32, #tpu.memory_space<vmem>>, %arg7: memref<!tpu.dma_semaphore, #tpu.memory_space<semaphore_mem>>) attributes {dimension_semantics = [#tpu.dimension_semantics<core_parallel>, #tpu.dimension_semantics<subcore_parallel>], iteration_bounds = array<i64: 2, 16>, scalar_prefetch = 0 : i64, scratch_operands = 3 : i64, tpu.core_type = #tpu.core_type<sc_vector_subcore>, window_params = [{transform_indices = #map}, {transform_indices = #map1}, {transform_indices = #map}]} {
    %mul3A = arith.constant 2 : i32
    %mul3A_0 = arith.muli %arg1, %mul3A : i32
    %add3A = arith.addi %mul3A_0, %arg0 : i32
    %mul3A_1 = arith.constant 48 : i32
    %mul3A_2 = arith.muli %add3A, %mul3A_1 : i32
    %add3A_3 = arith.constant 0 : i32
    %add3A_4 = arith.addi %mul3A_2, %add3A_3 : i32
    "tpu.region"() ({
      %run_scoped3A = tpu.sem_alloc : memref<!tpu.dma_semaphore, #tpu.memory_space<semaphore_mem>>
      %dma_start3A_9 = tpu.memref_slice %arg3[%add3A_4] : memref<1536xi32, #tpu.memory_space<hbm>> -> memref<48xi32, #tpu.memory_space<hbm>>
      %dma_start3A_10 = tpu.memref_slice %arg3[%add3A_4] : memref<1536xi32, #tpu.memory_space<hbm>> -> memref<48xi32, #tpu.memory_space<hbm>>
      tpu.enqueue_dma source(%dma_start3A_10 : memref<48xi32, #tpu.memory_space<hbm>>) target(%arg5 : memref<48xi32, #tpu.memory_space<vmem>>) target_semaphore(%run_scoped3A : memref<!tpu.dma_semaphore, #tpu.memory_space<semaphore_mem>>)
      %dma_wait3A_11 = tpu.memref_slice %arg3[%add3A_4] : memref<1536xi32, #tpu.memory_space<hbm>> -> memref<48xi32, #tpu.memory_space<hbm>>
      %dma_wait3A_12 = tpu.memref_slice %arg3[%add3A_4] : memref<1536xi32, #tpu.memory_space<hbm>> -> memref<48xi32, #tpu.memory_space<hbm>>
      tpu.wait_dma2 semaphore(%run_scoped3A : memref<!tpu.dma_semaphore, #tpu.memory_space<semaphore_mem>>) src(%dma_wait3A_12 : memref<48xi32, #tpu.memory_space<hbm>>) dst(%arg5 : memref<48xi32, #tpu.memory_space<vmem>>)
      tpu.yield
    }) : () -> ()
    %dma_start3A = arith.constant 0 : i32
    %dma_start3A_5 = arith.constant 0 : i32
    %dma_start3A_6 = tpu.memref_slice %arg2[%dma_start3A, %dma_start3A_5] : memref<4096x256xf32, #tpu.memory_space<hbm>> -> memref<4096x256xf32, #tpu.memory_space<hbm>>
    tpu.enqueue_indirect_dma source(%dma_start3A_6 : memref<4096x256xf32, #tpu.memory_space<hbm>>) target(%arg6 : memref<48x256xf32, #tpu.memory_space<vmem>>) offsets(%arg5 : memref<48xi32, #tpu.memory_space<vmem>>) semaphore(%arg7 : memref<!tpu.dma_semaphore, #tpu.memory_space<semaphore_mem>>)
    %dma_wait3A = arith.constant 0 : i32
    %dma_wait3A_7 = arith.constant 0 : i32
    %dma_wait3A_8 = tpu.memref_slice %arg2[%dma_wait3A, %dma_wait3A_7] : memref<4096x256xf32, #tpu.memory_space<hbm>> -> memref<4096x256xf32, #tpu.memory_space<hbm>>
    tpu.wait_indirect_dma semaphore(%arg7 : memref<!tpu.dma_semaphore, #tpu.memory_space<semaphore_mem>>) src(%dma_wait3A_8 : memref<4096x256xf32, #tpu.memory_space<hbm>>) dst(%arg6 : memref<48x256xf32, #tpu.memory_space<vmem>>)
    "tpu.region"() ({
      %run_scoped3A = tpu.sem_alloc : memref<!tpu.dma_semaphore, #tpu.memory_space<semaphore_mem>>
      %dma_start3A_9 = arith.constant 0 : i32
      %dma_start3A_10 = tpu.memref_slice %arg4[%add3A_4, %dma_start3A_9] : memref<1536x256xf32, #tpu.memory_space<hbm>> -> memref<48x256xf32, #tpu.memory_space<hbm>>
      %dma_start3A_11 = arith.constant 0 : i32
      %dma_start3A_12 = tpu.memref_slice %arg4[%add3A_4, %dma_start3A_11] : memref<1536x256xf32, #tpu.memory_space<hbm>> -> memref<48x256xf32, #tpu.memory_space<hbm>>
      tpu.enqueue_dma source(%arg6 : memref<48x256xf32, #tpu.memory_space<vmem>>) target(%dma_start3A_12 : memref<48x256xf32, #tpu.memory_space<hbm>>) target_semaphore(%run_scoped3A : memref<!tpu.dma_semaphore, #tpu.memory_space<semaphore_mem>>)
      %dma_wait3A_13 = arith.constant 0 : i32
      %dma_wait3A_14 = tpu.memref_slice %arg4[%add3A_4, %dma_wait3A_13] : memref<1536x256xf32, #tpu.memory_space<hbm>> -> memref<48x256xf32, #tpu.memory_space<hbm>>
      %dma_wait3A_15 = arith.constant 0 : i32
      %dma_wait3A_16 = tpu.memref_slice %arg4[%add3A_4, %dma_wait3A_15] : memref<1536x256xf32, #tpu.memory_space<hbm>> -> memref<48x256xf32, #tpu.memory_space<hbm>>
      tpu.wait_dma2 semaphore(%run_scoped3A : memref<!tpu.dma_semaphore, #tpu.memory_space<semaphore_mem>>) src(%arg6 : memref<48x256xf32, #tpu.memory_space<vmem>>) dst(%dma_wait3A_16 : memref<48x256xf32, #tpu.memory_space<hbm>>)
      tpu.yield
    }) : () -> ()
    return
  }
}

#map = affine_map<(d0, d1) -> (0, 0)>
#map1 = affine_map<(d0, d1) -> (0)>
module attributes {stable_mosaic.version = 14 : i64} {
  func.func @k(%arg0: i32, %arg1: i32, %arg2: memref<4096x128xf32, #tpu.memory_space<hbm>>, %arg3: memref<12288xi32, #tpu.memory_space<hbm>>, %arg4: memref<12288x128xf32, #tpu.memory_space<hbm>>, %arg5: memref<128xi32, #tpu.memory_space<vmem>>, %arg6: memref<128x128xf32, #tpu.memory_space<vmem>>, %arg7: memref<!tpu.dma_semaphore, #tpu.memory_space<semaphore_mem>>) attributes {dimension_semantics = [#tpu.dimension_semantics<core_parallel>, #tpu.dimension_semantics<subcore_parallel>], iteration_bounds = array<i64: 2, 16>, scalar_prefetch = 0 : i64, scratch_operands = 3 : i64, tpu.core_type = #tpu.core_type<sc_vector_subcore>, window_params = [{transform_indices = #map}, {transform_indices = #map1}, {transform_indices = #map}]} {
    %mul3A = arith.constant 2 : i32
    %mul3A_0 = arith.muli %arg1, %mul3A : i32
    %add3A = arith.addi %mul3A_0, %arg0 : i32
    %mul3A_1 = arith.constant 384 : i32
    %mul3A_2 = arith.muli %add3A, %mul3A_1 : i32
    %add3A_3 = arith.constant 0 : i32
    %add3A_4 = arith.addi %mul3A_2, %add3A_3 : i32
    "tpu.region"() ({
      %run_scoped3A = tpu.sem_alloc : memref<!tpu.dma_semaphore, #tpu.memory_space<semaphore_mem>>
      %dma_start3A_29 = tpu.memref_slice %arg3[%add3A_4] : memref<12288xi32, #tpu.memory_space<hbm>> -> memref<128xi32, #tpu.memory_space<hbm>>
      %dma_start3A_30 = tpu.memref_slice %arg3[%add3A_4] : memref<12288xi32, #tpu.memory_space<hbm>> -> memref<128xi32, #tpu.memory_space<hbm>>
      tpu.enqueue_dma source(%dma_start3A_30 : memref<128xi32, #tpu.memory_space<hbm>>) target(%arg5 : memref<128xi32, #tpu.memory_space<vmem>>) target_semaphore(%run_scoped3A : memref<!tpu.dma_semaphore, #tpu.memory_space<semaphore_mem>>)
      %dma_wait3A_31 = tpu.memref_slice %arg3[%add3A_4] : memref<12288xi32, #tpu.memory_space<hbm>> -> memref<128xi32, #tpu.memory_space<hbm>>
      %dma_wait3A_32 = tpu.memref_slice %arg3[%add3A_4] : memref<12288xi32, #tpu.memory_space<hbm>> -> memref<128xi32, #tpu.memory_space<hbm>>
      tpu.wait_dma2 semaphore(%run_scoped3A : memref<!tpu.dma_semaphore, #tpu.memory_space<semaphore_mem>>) src(%dma_wait3A_32 : memref<128xi32, #tpu.memory_space<hbm>>) dst(%arg5 : memref<128xi32, #tpu.memory_space<vmem>>)
      tpu.yield
    }) : () -> ()
    %dma_start3A = arith.constant 0 : i32
    %dma_start3A_5 = arith.constant 0 : i32
    %dma_start3A_6 = tpu.memref_slice %arg2[%dma_start3A, %dma_start3A_5] : memref<4096x128xf32, #tpu.memory_space<hbm>> -> memref<4096x128xf32, #tpu.memory_space<hbm>>
    tpu.enqueue_indirect_dma source(%dma_start3A_6 : memref<4096x128xf32, #tpu.memory_space<hbm>>) target(%arg6 : memref<128x128xf32, #tpu.memory_space<vmem>>) offsets(%arg5 : memref<128xi32, #tpu.memory_space<vmem>>) semaphore(%arg7 : memref<!tpu.dma_semaphore, #tpu.memory_space<semaphore_mem>>)
    %dma_wait3A = arith.constant 0 : i32
    %dma_wait3A_7 = arith.constant 0 : i32
    %dma_wait3A_8 = tpu.memref_slice %arg2[%dma_wait3A, %dma_wait3A_7] : memref<4096x128xf32, #tpu.memory_space<hbm>> -> memref<4096x128xf32, #tpu.memory_space<hbm>>
    tpu.wait_indirect_dma semaphore(%arg7 : memref<!tpu.dma_semaphore, #tpu.memory_space<semaphore_mem>>) src(%dma_wait3A_8 : memref<4096x128xf32, #tpu.memory_space<hbm>>) dst(%arg6 : memref<128x128xf32, #tpu.memory_space<vmem>>)
    "tpu.region"() ({
      %run_scoped3A = tpu.sem_alloc : memref<!tpu.dma_semaphore, #tpu.memory_space<semaphore_mem>>
      %dma_start3A_29 = arith.constant 0 : i32
      %dma_start3A_30 = tpu.memref_slice %arg4[%add3A_4, %dma_start3A_29] : memref<12288x128xf32, #tpu.memory_space<hbm>> -> memref<128x128xf32, #tpu.memory_space<hbm>>
      %dma_start3A_31 = arith.constant 0 : i32
      %dma_start3A_32 = tpu.memref_slice %arg4[%add3A_4, %dma_start3A_31] : memref<12288x128xf32, #tpu.memory_space<hbm>> -> memref<128x128xf32, #tpu.memory_space<hbm>>
      tpu.enqueue_dma source(%arg6 : memref<128x128xf32, #tpu.memory_space<vmem>>) target(%dma_start3A_32 : memref<128x128xf32, #tpu.memory_space<hbm>>) target_semaphore(%run_scoped3A : memref<!tpu.dma_semaphore, #tpu.memory_space<semaphore_mem>>)
      %dma_wait3A_33 = arith.constant 0 : i32
      %dma_wait3A_34 = tpu.memref_slice %arg4[%add3A_4, %dma_wait3A_33] : memref<12288x128xf32, #tpu.memory_space<hbm>> -> memref<128x128xf32, #tpu.memory_space<hbm>>
      %dma_wait3A_35 = arith.constant 0 : i32
      %dma_wait3A_36 = tpu.memref_slice %arg4[%add3A_4, %dma_wait3A_35] : memref<12288x128xf32, #tpu.memory_space<hbm>> -> memref<128x128xf32, #tpu.memory_space<hbm>>
      tpu.wait_dma2 semaphore(%run_scoped3A : memref<!tpu.dma_semaphore, #tpu.memory_space<semaphore_mem>>) src(%arg6 : memref<128x128xf32, #tpu.memory_space<vmem>>) dst(%dma_wait3A_36 : memref<128x128xf32, #tpu.memory_space<hbm>>)
      tpu.yield
    }) : () -> ()
    %mul3A_9 = arith.constant 384 : i32
    %mul3A_10 = arith.muli %add3A, %mul3A_9 : i32
    %add3A_11 = arith.constant 128 : i32
    %add3A_12 = arith.addi %mul3A_10, %add3A_11 : i32
    "tpu.region"() ({
      %run_scoped3A = tpu.sem_alloc : memref<!tpu.dma_semaphore, #tpu.memory_space<semaphore_mem>>
      %dma_start3A_29 = tpu.memref_slice %arg3[%add3A_12] : memref<12288xi32, #tpu.memory_space<hbm>> -> memref<128xi32, #tpu.memory_space<hbm>>
      %dma_start3A_30 = tpu.memref_slice %arg3[%add3A_12] : memref<12288xi32, #tpu.memory_space<hbm>> -> memref<128xi32, #tpu.memory_space<hbm>>
      tpu.enqueue_dma source(%dma_start3A_30 : memref<128xi32, #tpu.memory_space<hbm>>) target(%arg5 : memref<128xi32, #tpu.memory_space<vmem>>) target_semaphore(%run_scoped3A : memref<!tpu.dma_semaphore, #tpu.memory_space<semaphore_mem>>)
      %dma_wait3A_31 = tpu.memref_slice %arg3[%add3A_12] : memref<12288xi32, #tpu.memory_space<hbm>> -> memref<128xi32, #tpu.memory_space<hbm>>
      %dma_wait3A_32 = tpu.memref_slice %arg3[%add3A_12] : memref<12288xi32, #tpu.memory_space<hbm>> -> memref<128xi32, #tpu.memory_space<hbm>>
      tpu.wait_dma2 semaphore(%run_scoped3A : memref<!tpu.dma_semaphore, #tpu.memory_space<semaphore_mem>>) src(%dma_wait3A_32 : memref<128xi32, #tpu.memory_space<hbm>>) dst(%arg5 : memref<128xi32, #tpu.memory_space<vmem>>)
      tpu.yield
    }) : () -> ()
    %dma_start3A_13 = arith.constant 0 : i32
    %dma_start3A_14 = arith.constant 0 : i32
    %dma_start3A_15 = tpu.memref_slice %arg2[%dma_start3A_13, %dma_start3A_14] : memref<4096x128xf32, #tpu.memory_space<hbm>> -> memref<4096x128xf32, #tpu.memory_space<hbm>>
    tpu.enqueue_indirect_dma source(%dma_start3A_15 : memref<4096x128xf32, #tpu.memory_space<hbm>>) target(%arg6 : memref<128x128xf32, #tpu.memory_space<vmem>>) offsets(%arg5 : memref<128xi32, #tpu.memory_space<vmem>>) semaphore(%arg7 : memref<!tpu.dma_semaphore, #tpu.memory_space<semaphore_mem>>)
    %dma_wait3A_16 = arith.constant 0 : i32
    %dma_wait3A_17 = arith.constant 0 : i32
    %dma_wait3A_18 = tpu.memref_slice %arg2[%dma_wait3A_16, %dma_wait3A_17] : memref<4096x128xf32, #tpu.memory_space<hbm>> -> memref<4096x128xf32, #tpu.memory_space<hbm>>
    tpu.wait_indirect_dma semaphore(%arg7 : memref<!tpu.dma_semaphore, #tpu.memory_space<semaphore_mem>>) src(%dma_wait3A_18 : memref<4096x128xf32, #tpu.memory_space<hbm>>) dst(%arg6 : memref<128x128xf32, #tpu.memory_space<vmem>>)
    "tpu.region"() ({
      %run_scoped3A = tpu.sem_alloc : memref<!tpu.dma_semaphore, #tpu.memory_space<semaphore_mem>>
      %dma_start3A_29 = arith.constant 0 : i32
      %dma_start3A_30 = tpu.memref_slice %arg4[%add3A_12, %dma_start3A_29] : memref<12288x128xf32, #tpu.memory_space<hbm>> -> memref<128x128xf32, #tpu.memory_space<hbm>>
      %dma_start3A_31 = arith.constant 0 : i32
      %dma_start3A_32 = tpu.memref_slice %arg4[%add3A_12, %dma_start3A_31] : memref<12288x128xf32, #tpu.memory_space<hbm>> -> memref<128x128xf32, #tpu.memory_space<hbm>>
      tpu.enqueue_dma source(%arg6 : memref<128x128xf32, #tpu.memory_space<vmem>>) target(%dma_start3A_32 : memref<128x128xf32, #tpu.memory_space<hbm>>) target_semaphore(%run_scoped3A : memref<!tpu.dma_semaphore, #tpu.memory_space<semaphore_mem>>)
      %dma_wait3A_33 = arith.constant 0 : i32
      %dma_wait3A_34 = tpu.memref_slice %arg4[%add3A_12, %dma_wait3A_33] : memref<12288x128xf32, #tpu.memory_space<hbm>> -> memref<128x128xf32, #tpu.memory_space<hbm>>
      %dma_wait3A_35 = arith.constant 0 : i32
      %dma_wait3A_36 = tpu.memref_slice %arg4[%add3A_12, %dma_wait3A_35] : memref<12288x128xf32, #tpu.memory_space<hbm>> -> memref<128x128xf32, #tpu.memory_space<hbm>>
      tpu.wait_dma2 semaphore(%run_scoped3A : memref<!tpu.dma_semaphore, #tpu.memory_space<semaphore_mem>>) src(%arg6 : memref<128x128xf32, #tpu.memory_space<vmem>>) dst(%dma_wait3A_36 : memref<128x128xf32, #tpu.memory_space<hbm>>)
      tpu.yield
    }) : () -> ()
    %mul3A_19 = arith.constant 384 : i32
    %mul3A_20 = arith.muli %add3A, %mul3A_19 : i32
    %add3A_21 = arith.constant 256 : i32
    %add3A_22 = arith.addi %mul3A_20, %add3A_21 : i32
    "tpu.region"() ({
      %run_scoped3A = tpu.sem_alloc : memref<!tpu.dma_semaphore, #tpu.memory_space<semaphore_mem>>
      %dma_start3A_29 = tpu.memref_slice %arg3[%add3A_22] : memref<12288xi32, #tpu.memory_space<hbm>> -> memref<128xi32, #tpu.memory_space<hbm>>
      %dma_start3A_30 = tpu.memref_slice %arg3[%add3A_22] : memref<12288xi32, #tpu.memory_space<hbm>> -> memref<128xi32, #tpu.memory_space<hbm>>
      tpu.enqueue_dma source(%dma_start3A_30 : memref<128xi32, #tpu.memory_space<hbm>>) target(%arg5 : memref<128xi32, #tpu.memory_space<vmem>>) target_semaphore(%run_scoped3A : memref<!tpu.dma_semaphore, #tpu.memory_space<semaphore_mem>>)
      %dma_wait3A_31 = tpu.memref_slice %arg3[%add3A_22] : memref<12288xi32, #tpu.memory_space<hbm>> -> memref<128xi32, #tpu.memory_space<hbm>>
      %dma_wait3A_32 = tpu.memref_slice %arg3[%add3A_22] : memref<12288xi32, #tpu.memory_space<hbm>> -> memref<128xi32, #tpu.memory_space<hbm>>
      tpu.wait_dma2 semaphore(%run_scoped3A : memref<!tpu.dma_semaphore, #tpu.memory_space<semaphore_mem>>) src(%dma_wait3A_32 : memref<128xi32, #tpu.memory_space<hbm>>) dst(%arg5 : memref<128xi32, #tpu.memory_space<vmem>>)
      tpu.yield
    }) : () -> ()
    %dma_start3A_23 = arith.constant 0 : i32
    %dma_start3A_24 = arith.constant 0 : i32
    %dma_start3A_25 = tpu.memref_slice %arg2[%dma_start3A_23, %dma_start3A_24] : memref<4096x128xf32, #tpu.memory_space<hbm>> -> memref<4096x128xf32, #tpu.memory_space<hbm>>
    tpu.enqueue_indirect_dma source(%dma_start3A_25 : memref<4096x128xf32, #tpu.memory_space<hbm>>) target(%arg6 : memref<128x128xf32, #tpu.memory_space<vmem>>) offsets(%arg5 : memref<128xi32, #tpu.memory_space<vmem>>) semaphore(%arg7 : memref<!tpu.dma_semaphore, #tpu.memory_space<semaphore_mem>>)
    %dma_wait3A_26 = arith.constant 0 : i32
    %dma_wait3A_27 = arith.constant 0 : i32
    %dma_wait3A_28 = tpu.memref_slice %arg2[%dma_wait3A_26, %dma_wait3A_27] : memref<4096x128xf32, #tpu.memory_space<hbm>> -> memref<4096x128xf32, #tpu.memory_space<hbm>>
    tpu.wait_indirect_dma semaphore(%arg7 : memref<!tpu.dma_semaphore, #tpu.memory_space<semaphore_mem>>) src(%dma_wait3A_28 : memref<4096x128xf32, #tpu.memory_space<hbm>>) dst(%arg6 : memref<128x128xf32, #tpu.memory_space<vmem>>)
    "tpu.region"() ({
      %run_scoped3A = tpu.sem_alloc : memref<!tpu.dma_semaphore, #tpu.memory_space<semaphore_mem>>
      %dma_start3A_29 = arith.constant 0 : i32
      %dma_start3A_30 = tpu.memref_slice %arg4[%add3A_22, %dma_start3A_29] : memref<12288x128xf32, #tpu.memory_space<hbm>> -> memref<128x128xf32, #tpu.memory_space<hbm>>
      %dma_start3A_31 = arith.constant 0 : i32
      %dma_start3A_32 = tpu.memref_slice %arg4[%add3A_22, %dma_start3A_31] : memref<12288x128xf32, #tpu.memory_space<hbm>> -> memref<128x128xf32, #tpu.memory_space<hbm>>
      tpu.enqueue_dma source(%arg6 : memref<128x128xf32, #tpu.memory_space<vmem>>) target(%dma_start3A_32 : memref<128x128xf32, #tpu.memory_space<hbm>>) target_semaphore(%run_scoped3A : memref<!tpu.dma_semaphore, #tpu.memory_space<semaphore_mem>>)
      %dma_wait3A_33 = arith.constant 0 : i32
      %dma_wait3A_34 = tpu.memref_slice %arg4[%add3A_22, %dma_wait3A_33] : memref<12288x128xf32, #tpu.memory_space<hbm>> -> memref<128x128xf32, #tpu.memory_space<hbm>>
      %dma_wait3A_35 = arith.constant 0 : i32
      %dma_wait3A_36 = tpu.memref_slice %arg4[%add3A_22, %dma_wait3A_35] : memref<12288x128xf32, #tpu.memory_space<hbm>> -> memref<128x128xf32, #tpu.memory_space<hbm>>
      tpu.wait_dma2 semaphore(%run_scoped3A : memref<!tpu.dma_semaphore, #tpu.memory_space<semaphore_mem>>) src(%arg6 : memref<128x128xf32, #tpu.memory_space<vmem>>) dst(%dma_wait3A_36 : memref<128x128xf32, #tpu.memory_space<hbm>>)
      tpu.yield
    }) : () -> ()
    return
  }
}

#map = affine_map<(d0, d1) -> (0, 0)>
#map1 = affine_map<(d0, d1) -> (0)>
module attributes {stable_mosaic.version = 14 : i64} {
  func.func @k(%arg0: i32, %arg1: i32, %arg2: memref<4096x128xf32, #tpu.memory_space<hbm>>, %arg3: memref<4096xi32, #tpu.memory_space<hbm>>, %arg4: memref<4096x128xf32, #tpu.memory_space<hbm>>, %arg5: memref<128xi32, #tpu.memory_space<vmem>>, %arg6: memref<128x128xf32, #tpu.memory_space<vmem>>, %arg7: memref<!tpu.dma_semaphore, #tpu.memory_space<semaphore_mem>>) attributes {dimension_semantics = [#tpu.dimension_semantics<core_parallel>, #tpu.dimension_semantics<subcore_parallel>], iteration_bounds = array<i64: 2, 16>, scalar_prefetch = 0 : i64, scratch_operands = 3 : i64, tpu.core_type = #tpu.core_type<sc_vector_subcore>, window_params = [{transform_indices = #map}, {transform_indices = #map1}, {transform_indices = #map}]} {
    %mul3A = arith.constant 2 : i32
    %mul3A_0 = arith.muli %arg1, %mul3A : i32
    %add3A = arith.addi %mul3A_0, %arg0 : i32
    %mul3A_1 = arith.constant 128 : i32
    %mul3A_2 = arith.muli %add3A, %mul3A_1 : i32
    %add3A_3 = arith.constant 0 : i32
    %add3A_4 = arith.addi %mul3A_2, %add3A_3 : i32
    "tpu.region"() ({
      %run_scoped3A = tpu.sem_alloc : memref<!tpu.dma_semaphore, #tpu.memory_space<semaphore_mem>>
      %dma_start3A_9 = tpu.memref_slice %arg3[%add3A_4] : memref<4096xi32, #tpu.memory_space<hbm>> -> memref<128xi32, #tpu.memory_space<hbm>>
      %dma_start3A_10 = tpu.memref_slice %arg3[%add3A_4] : memref<4096xi32, #tpu.memory_space<hbm>> -> memref<128xi32, #tpu.memory_space<hbm>>
      tpu.enqueue_dma source(%dma_start3A_10 : memref<128xi32, #tpu.memory_space<hbm>>) target(%arg5 : memref<128xi32, #tpu.memory_space<vmem>>) target_semaphore(%run_scoped3A : memref<!tpu.dma_semaphore, #tpu.memory_space<semaphore_mem>>)
      %dma_wait3A_11 = tpu.memref_slice %arg3[%add3A_4] : memref<4096xi32, #tpu.memory_space<hbm>> -> memref<128xi32, #tpu.memory_space<hbm>>
      %dma_wait3A_12 = tpu.memref_slice %arg3[%add3A_4] : memref<4096xi32, #tpu.memory_space<hbm>> -> memref<128xi32, #tpu.memory_space<hbm>>
      tpu.wait_dma2 semaphore(%run_scoped3A : memref<!tpu.dma_semaphore, #tpu.memory_space<semaphore_mem>>) src(%dma_wait3A_12 : memref<128xi32, #tpu.memory_space<hbm>>) dst(%arg5 : memref<128xi32, #tpu.memory_space<vmem>>)
      tpu.yield
    }) : () -> ()
    %dma_start3A = arith.constant 0 : i32
    %dma_start3A_5 = arith.constant 0 : i32
    %dma_start3A_6 = tpu.memref_slice %arg2[%dma_start3A, %dma_start3A_5] : memref<4096x128xf32, #tpu.memory_space<hbm>> -> memref<4096x128xf32, #tpu.memory_space<hbm>>
    tpu.enqueue_indirect_dma source(%dma_start3A_6 : memref<4096x128xf32, #tpu.memory_space<hbm>>) target(%arg6 : memref<128x128xf32, #tpu.memory_space<vmem>>) offsets(%arg5 : memref<128xi32, #tpu.memory_space<vmem>>) semaphore(%arg7 : memref<!tpu.dma_semaphore, #tpu.memory_space<semaphore_mem>>)
    %dma_wait3A = arith.constant 0 : i32
    %dma_wait3A_7 = arith.constant 0 : i32
    %dma_wait3A_8 = tpu.memref_slice %arg2[%dma_wait3A, %dma_wait3A_7] : memref<4096x128xf32, #tpu.memory_space<hbm>> -> memref<4096x128xf32, #tpu.memory_space<hbm>>
    tpu.wait_indirect_dma semaphore(%arg7 : memref<!tpu.dma_semaphore, #tpu.memory_space<semaphore_mem>>) src(%dma_wait3A_8 : memref<4096x128xf32, #tpu.memory_space<hbm>>) dst(%arg6 : memref<128x128xf32, #tpu.memory_space<vmem>>)
    "tpu.region"() ({
      %run_scoped3A = tpu.sem_alloc : memref<!tpu.dma_semaphore, #tpu.memory_space<semaphore_mem>>
      %dma_start3A_9 = arith.constant 0 : i32
      %dma_start3A_10 = tpu.memref_slice %arg4[%add3A_4, %dma_start3A_9] : memref<4096x128xf32, #tpu.memory_space<hbm>> -> memref<128x128xf32, #tpu.memory_space<hbm>>
      %dma_start3A_11 = arith.constant 0 : i32
      %dma_start3A_12 = tpu.memref_slice %arg4[%add3A_4, %dma_start3A_11] : memref<4096x128xf32, #tpu.memory_space<hbm>> -> memref<128x128xf32, #tpu.memory_space<hbm>>
      tpu.enqueue_dma source(%arg6 : memref<128x128xf32, #tpu.memory_space<vmem>>) target(%dma_start3A_12 : memref<128x128xf32, #tpu.memory_space<hbm>>) target_semaphore(%run_scoped3A : memref<!tpu.dma_semaphore, #tpu.memory_space<semaphore_mem>>)
      %dma_wait3A_13 = arith.constant 0 : i32
      %dma_wait3A_14 = tpu.memref_slice %arg4[%add3A_4, %dma_wait3A_13] : memref<4096x128xf32, #tpu.memory_space<hbm>> -> memref<128x128xf32, #tpu.memory_space<hbm>>
      %dma_wait3A_15 = arith.constant 0 : i32
      %dma_wait3A_16 = tpu.memref_slice %arg4[%add3A_4, %dma_wait3A_15] : memref<4096x128xf32, #tpu.memory_space<hbm>> -> memref<128x128xf32, #tpu.memory_space<hbm>>
      tpu.wait_dma2 semaphore(%run_scoped3A : memref<!tpu.dma_semaphore, #tpu.memory_space<semaphore_mem>>) src(%arg6 : memref<128x128xf32, #tpu.memory_space<vmem>>) dst(%dma_wait3A_16 : memref<128x128xf32, #tpu.memory_space<hbm>>)
      tpu.yield
    }) : () -> ()
    return
  }
}

#map = affine_map<(d0, d1) -> (0, 0)>
#map1 = affine_map<(d0, d1) -> (0)>
module attributes {stable_mosaic.version = 14 : i64} {
  func.func @k(%arg0: i32, %arg1: i32, %arg2: memref<4096x128xf32, #tpu.memory_space<hbm>>, %arg3: memref<65536xi32, #tpu.memory_space<hbm>>, %arg4: memref<65536x128xf32, #tpu.memory_space<hbm>>, %arg5: memref<128xi32, #tpu.memory_space<vmem>>, %arg6: memref<128x128xf32, #tpu.memory_space<vmem>>, %arg7: memref<!tpu.dma_semaphore, #tpu.memory_space<semaphore_mem>>) attributes {dimension_semantics = [#tpu.dimension_semantics<core_parallel>, #tpu.dimension_semantics<subcore_parallel>], iteration_bounds = array<i64: 2, 16>, scalar_prefetch = 0 : i64, scratch_operands = 3 : i64, tpu.core_type = #tpu.core_type<sc_vector_subcore>, window_params = [{transform_indices = #map}, {transform_indices = #map1}, {transform_indices = #map}]} {
    %mul3A = arith.constant 2 : i32
    %mul3A_0 = arith.muli %arg1, %mul3A : i32
    %add3A = arith.addi %mul3A_0, %arg0 : i32
    %mul3A_1 = arith.constant 2048 : i32
    %mul3A_2 = arith.muli %add3A, %mul3A_1 : i32
    %add3A_3 = arith.constant 0 : i32
    %add3A_4 = arith.addi %mul3A_2, %add3A_3 : i32
    "tpu.region"() ({
      %run_scoped3A = tpu.sem_alloc : memref<!tpu.dma_semaphore, #tpu.memory_space<semaphore_mem>>
      %dma_start3A_159 = tpu.memref_slice %arg3[%add3A_4] : memref<65536xi32, #tpu.memory_space<hbm>> -> memref<128xi32, #tpu.memory_space<hbm>>
      %dma_start3A_160 = tpu.memref_slice %arg3[%add3A_4] : memref<65536xi32, #tpu.memory_space<hbm>> -> memref<128xi32, #tpu.memory_space<hbm>>
      tpu.enqueue_dma source(%dma_start3A_160 : memref<128xi32, #tpu.memory_space<hbm>>) target(%arg5 : memref<128xi32, #tpu.memory_space<vmem>>) target_semaphore(%run_scoped3A : memref<!tpu.dma_semaphore, #tpu.memory_space<semaphore_mem>>)
      %dma_wait3A_161 = tpu.memref_slice %arg3[%add3A_4] : memref<65536xi32, #tpu.memory_space<hbm>> -> memref<128xi32, #tpu.memory_space<hbm>>
      %dma_wait3A_162 = tpu.memref_slice %arg3[%add3A_4] : memref<65536xi32, #tpu.memory_space<hbm>> -> memref<128xi32, #tpu.memory_space<hbm>>
      tpu.wait_dma2 semaphore(%run_scoped3A : memref<!tpu.dma_semaphore, #tpu.memory_space<semaphore_mem>>) src(%dma_wait3A_162 : memref<128xi32, #tpu.memory_space<hbm>>) dst(%arg5 : memref<128xi32, #tpu.memory_space<vmem>>)
      tpu.yield
    }) : () -> ()
    %dma_start3A = arith.constant 0 : i32
    %dma_start3A_5 = arith.constant 0 : i32
    %dma_start3A_6 = tpu.memref_slice %arg2[%dma_start3A, %dma_start3A_5] : memref<4096x128xf32, #tpu.memory_space<hbm>> -> memref<4096x128xf32, #tpu.memory_space<hbm>>
    tpu.enqueue_indirect_dma source(%dma_start3A_6 : memref<4096x128xf32, #tpu.memory_space<hbm>>) target(%arg6 : memref<128x128xf32, #tpu.memory_space<vmem>>) offsets(%arg5 : memref<128xi32, #tpu.memory_space<vmem>>) semaphore(%arg7 : memref<!tpu.dma_semaphore, #tpu.memory_space<semaphore_mem>>)
    %dma_wait3A = arith.constant 0 : i32
    %dma_wait3A_7 = arith.constant 0 : i32
    %dma_wait3A_8 = tpu.memref_slice %arg2[%dma_wait3A, %dma_wait3A_7] : memref<4096x128xf32, #tpu.memory_space<hbm>> -> memref<4096x128xf32, #tpu.memory_space<hbm>>
    tpu.wait_indirect_dma semaphore(%arg7 : memref<!tpu.dma_semaphore, #tpu.memory_space<semaphore_mem>>) src(%dma_wait3A_8 : memref<4096x128xf32, #tpu.memory_space<hbm>>) dst(%arg6 : memref<128x128xf32, #tpu.memory_space<vmem>>)
    "tpu.region"() ({
      %run_scoped3A = tpu.sem_alloc : memref<!tpu.dma_semaphore, #tpu.memory_space<semaphore_mem>>
      %dma_start3A_159 = arith.constant 0 : i32
      %dma_start3A_160 = tpu.memref_slice %arg4[%add3A_4, %dma_start3A_159] : memref<65536x128xf32, #tpu.memory_space<hbm>> -> memref<128x128xf32, #tpu.memory_space<hbm>>
      %dma_start3A_161 = arith.constant 0 : i32
      %dma_start3A_162 = tpu.memref_slice %arg4[%add3A_4, %dma_start3A_161] : memref<65536x128xf32, #tpu.memory_space<hbm>> -> memref<128x128xf32, #tpu.memory_space<hbm>>
      tpu.enqueue_dma source(%arg6 : memref<128x128xf32, #tpu.memory_space<vmem>>) target(%dma_start3A_162 : memref<128x128xf32, #tpu.memory_space<hbm>>) target_semaphore(%run_scoped3A : memref<!tpu.dma_semaphore, #tpu.memory_space<semaphore_mem>>)
      %dma_wait3A_163 = arith.constant 0 : i32
      %dma_wait3A_164 = tpu.memref_slice %arg4[%add3A_4, %dma_wait3A_163] : memref<65536x128xf32, #tpu.memory_space<hbm>> -> memref<128x128xf32, #tpu.memory_space<hbm>>
      %dma_wait3A_165 = arith.constant 0 : i32
      %dma_wait3A_166 = tpu.memref_slice %arg4[%add3A_4, %dma_wait3A_165] : memref<65536x128xf32, #tpu.memory_space<hbm>> -> memref<128x128xf32, #tpu.memory_space<hbm>>
      tpu.wait_dma2 semaphore(%run_scoped3A : memref<!tpu.dma_semaphore, #tpu.memory_space<semaphore_mem>>) src(%arg6 : memref<128x128xf32, #tpu.memory_space<vmem>>) dst(%dma_wait3A_166 : memref<128x128xf32, #tpu.memory_space<hbm>>)
      tpu.yield
    }) : () -> ()
    %mul3A_9 = arith.constant 2048 : i32
    %mul3A_10 = arith.muli %add3A, %mul3A_9 : i32
    %add3A_11 = arith.constant 128 : i32
    %add3A_12 = arith.addi %mul3A_10, %add3A_11 : i32
    "tpu.region"() ({
      %run_scoped3A = tpu.sem_alloc : memref<!tpu.dma_semaphore, #tpu.memory_space<semaphore_mem>>
      %dma_start3A_159 = tpu.memref_slice %arg3[%add3A_12] : memref<65536xi32, #tpu.memory_space<hbm>> -> memref<128xi32, #tpu.memory_space<hbm>>
      %dma_start3A_160 = tpu.memref_slice %arg3[%add3A_12] : memref<65536xi32, #tpu.memory_space<hbm>> -> memref<128xi32, #tpu.memory_space<hbm>>
      tpu.enqueue_dma source(%dma_start3A_160 : memref<128xi32, #tpu.memory_space<hbm>>) target(%arg5 : memref<128xi32, #tpu.memory_space<vmem>>) target_semaphore(%run_scoped3A : memref<!tpu.dma_semaphore, #tpu.memory_space<semaphore_mem>>)
      %dma_wait3A_161 = tpu.memref_slice %arg3[%add3A_12] : memref<65536xi32, #tpu.memory_space<hbm>> -> memref<128xi32, #tpu.memory_space<hbm>>
      %dma_wait3A_162 = tpu.memref_slice %arg3[%add3A_12] : memref<65536xi32, #tpu.memory_space<hbm>> -> memref<128xi32, #tpu.memory_space<hbm>>
      tpu.wait_dma2 semaphore(%run_scoped3A : memref<!tpu.dma_semaphore, #tpu.memory_space<semaphore_mem>>) src(%dma_wait3A_162 : memref<128xi32, #tpu.memory_space<hbm>>) dst(%arg5 : memref<128xi32, #tpu.memory_space<vmem>>)
      tpu.yield
    }) : () -> ()
    %dma_start3A_13 = arith.constant 0 : i32
    %dma_start3A_14 = arith.constant 0 : i32
    %dma_start3A_15 = tpu.memref_slice %arg2[%dma_start3A_13, %dma_start3A_14] : memref<4096x128xf32, #tpu.memory_space<hbm>> -> memref<4096x128xf32, #tpu.memory_space<hbm>>
    tpu.enqueue_indirect_dma source(%dma_start3A_15 : memref<4096x128xf32, #tpu.memory_space<hbm>>) target(%arg6 : memref<128x128xf32, #tpu.memory_space<vmem>>) offsets(%arg5 : memref<128xi32, #tpu.memory_space<vmem>>) semaphore(%arg7 : memref<!tpu.dma_semaphore, #tpu.memory_space<semaphore_mem>>)
    %dma_wait3A_16 = arith.constant 0 : i32
    %dma_wait3A_17 = arith.constant 0 : i32
    %dma_wait3A_18 = tpu.memref_slice %arg2[%dma_wait3A_16, %dma_wait3A_17] : memref<4096x128xf32, #tpu.memory_space<hbm>> -> memref<4096x128xf32, #tpu.memory_space<hbm>>
    tpu.wait_indirect_dma semaphore(%arg7 : memref<!tpu.dma_semaphore, #tpu.memory_space<semaphore_mem>>) src(%dma_wait3A_18 : memref<4096x128xf32, #tpu.memory_space<hbm>>) dst(%arg6 : memref<128x128xf32, #tpu.memory_space<vmem>>)
    "tpu.region"() ({
      %run_scoped3A = tpu.sem_alloc : memref<!tpu.dma_semaphore, #tpu.memory_space<semaphore_mem>>
      %dma_start3A_159 = arith.constant 0 : i32
      %dma_start3A_160 = tpu.memref_slice %arg4[%add3A_12, %dma_start3A_159] : memref<65536x128xf32, #tpu.memory_space<hbm>> -> memref<128x128xf32, #tpu.memory_space<hbm>>
      %dma_start3A_161 = arith.constant 0 : i32
      %dma_start3A_162 = tpu.memref_slice %arg4[%add3A_12, %dma_start3A_161] : memref<65536x128xf32, #tpu.memory_space<hbm>> -> memref<128x128xf32, #tpu.memory_space<hbm>>
      tpu.enqueue_dma source(%arg6 : memref<128x128xf32, #tpu.memory_space<vmem>>) target(%dma_start3A_162 : memref<128x128xf32, #tpu.memory_space<hbm>>) target_semaphore(%run_scoped3A : memref<!tpu.dma_semaphore, #tpu.memory_space<semaphore_mem>>)
      %dma_wait3A_163 = arith.constant 0 : i32
      %dma_wait3A_164 = tpu.memref_slice %arg4[%add3A_12, %dma_wait3A_163] : memref<65536x128xf32, #tpu.memory_space<hbm>> -> memref<128x128xf32, #tpu.memory_space<hbm>>
      %dma_wait3A_165 = arith.constant 0 : i32
      %dma_wait3A_166 = tpu.memref_slice %arg4[%add3A_12, %dma_wait3A_165] : memref<65536x128xf32, #tpu.memory_space<hbm>> -> memref<128x128xf32, #tpu.memory_space<hbm>>
      tpu.wait_dma2 semaphore(%run_scoped3A : memref<!tpu.dma_semaphore, #tpu.memory_space<semaphore_mem>>) src(%arg6 : memref<128x128xf32, #tpu.memory_space<vmem>>) dst(%dma_wait3A_166 : memref<128x128xf32, #tpu.memory_space<hbm>>)
      tpu.yield
    }) : () -> ()
    %mul3A_19 = arith.constant 2048 : i32
    %mul3A_20 = arith.muli %add3A, %mul3A_19 : i32
    %add3A_21 = arith.constant 256 : i32
    %add3A_22 = arith.addi %mul3A_20, %add3A_21 : i32
    "tpu.region"() ({
      %run_scoped3A = tpu.sem_alloc : memref<!tpu.dma_semaphore, #tpu.memory_space<semaphore_mem>>
      %dma_start3A_159 = tpu.memref_slice %arg3[%add3A_22] : memref<65536xi32, #tpu.memory_space<hbm>> -> memref<128xi32, #tpu.memory_space<hbm>>
      %dma_start3A_160 = tpu.memref_slice %arg3[%add3A_22] : memref<65536xi32, #tpu.memory_space<hbm>> -> memref<128xi32, #tpu.memory_space<hbm>>
      tpu.enqueue_dma source(%dma_start3A_160 : memref<128xi32, #tpu.memory_space<hbm>>) target(%arg5 : memref<128xi32, #tpu.memory_space<vmem>>) target_semaphore(%run_scoped3A : memref<!tpu.dma_semaphore, #tpu.memory_space<semaphore_mem>>)
      %dma_wait3A_161 = tpu.memref_slice %arg3[%add3A_22] : memref<65536xi32, #tpu.memory_space<hbm>> -> memref<128xi32, #tpu.memory_space<hbm>>
      %dma_wait3A_162 = tpu.memref_slice %arg3[%add3A_22] : memref<65536xi32, #tpu.memory_space<hbm>> -> memref<128xi32, #tpu.memory_space<hbm>>
      tpu.wait_dma2 semaphore(%run_scoped3A : memref<!tpu.dma_semaphore, #tpu.memory_space<semaphore_mem>>) src(%dma_wait3A_162 : memref<128xi32, #tpu.memory_space<hbm>>) dst(%arg5 : memref<128xi32, #tpu.memory_space<vmem>>)
      tpu.yield
    }) : () -> ()
    %dma_start3A_23 = arith.constant 0 : i32
    %dma_start3A_24 = arith.constant 0 : i32
    %dma_start3A_25 = tpu.memref_slice %arg2[%dma_start3A_23, %dma_start3A_24] : memref<4096x128xf32, #tpu.memory_space<hbm>> -> memref<4096x128xf32, #tpu.memory_space<hbm>>
    tpu.enqueue_indirect_dma source(%dma_start3A_25 : memref<4096x128xf32, #tpu.memory_space<hbm>>) target(%arg6 : memref<128x128xf32, #tpu.memory_space<vmem>>) offsets(%arg5 : memref<128xi32, #tpu.memory_space<vmem>>) semaphore(%arg7 : memref<!tpu.dma_semaphore, #tpu.memory_space<semaphore_mem>>)
    %dma_wait3A_26 = arith.constant 0 : i32
    %dma_wait3A_27 = arith.constant 0 : i32
    %dma_wait3A_28 = tpu.memref_slice %arg2[%dma_wait3A_26, %dma_wait3A_27] : memref<4096x128xf32, #tpu.memory_space<hbm>> -> memref<4096x128xf32, #tpu.memory_space<hbm>>
    tpu.wait_indirect_dma semaphore(%arg7 : memref<!tpu.dma_semaphore, #tpu.memory_space<semaphore_mem>>) src(%dma_wait3A_28 : memref<4096x128xf32, #tpu.memory_space<hbm>>) dst(%arg6 : memref<128x128xf32, #tpu.memory_space<vmem>>)
    "tpu.region"() ({
      %run_scoped3A = tpu.sem_alloc : memref<!tpu.dma_semaphore, #tpu.memory_space<semaphore_mem>>
      %dma_start3A_159 = arith.constant 0 : i32
      %dma_start3A_160 = tpu.memref_slice %arg4[%add3A_22, %dma_start3A_159] : memref<65536x128xf32, #tpu.memory_space<hbm>> -> memref<128x128xf32, #tpu.memory_space<hbm>>
      %dma_start3A_161 = arith.constant 0 : i32
      %dma_start3A_162 = tpu.memref_slice %arg4[%add3A_22, %dma_start3A_161] : memref<65536x128xf32, #tpu.memory_space<hbm>> -> memref<128x128xf32, #tpu.memory_space<hbm>>
      tpu.enqueue_dma source(%arg6 : memref<128x128xf32, #tpu.memory_space<vmem>>) target(%dma_start3A_162 : memref<128x128xf32, #tpu.memory_space<hbm>>) target_semaphore(%run_scoped3A : memref<!tpu.dma_semaphore, #tpu.memory_space<semaphore_mem>>)
      %dma_wait3A_163 = arith.constant 0 : i32
      %dma_wait3A_164 = tpu.memref_slice %arg4[%add3A_22, %dma_wait3A_163] : memref<65536x128xf32, #tpu.memory_space<hbm>> -> memref<128x128xf32, #tpu.memory_space<hbm>>
      %dma_wait3A_165 = arith.constant 0 : i32
      %dma_wait3A_166 = tpu.memref_slice %arg4[%add3A_22, %dma_wait3A_165] : memref<65536x128xf32, #tpu.memory_space<hbm>> -> memref<128x128xf32, #tpu.memory_space<hbm>>
      tpu.wait_dma2 semaphore(%run_scoped3A : memref<!tpu.dma_semaphore, #tpu.memory_space<semaphore_mem>>) src(%arg6 : memref<128x128xf32, #tpu.memory_space<vmem>>) dst(%dma_wait3A_166 : memref<128x128xf32, #tpu.memory_space<hbm>>)
      tpu.yield
    }) : () -> ()
    %mul3A_29 = arith.constant 2048 : i32
    %mul3A_30 = arith.muli %add3A, %mul3A_29 : i32
    %add3A_31 = arith.constant 384 : i32
    %add3A_32 = arith.addi %mul3A_30, %add3A_31 : i32
    "tpu.region"() ({
      %run_scoped3A = tpu.sem_alloc : memref<!tpu.dma_semaphore, #tpu.memory_space<semaphore_mem>>
      %dma_start3A_159 = tpu.memref_slice %arg3[%add3A_32] : memref<65536xi32, #tpu.memory_space<hbm>> -> memref<128xi32, #tpu.memory_space<hbm>>
      %dma_start3A_160 = tpu.memref_slice %arg3[%add3A_32] : memref<65536xi32, #tpu.memory_space<hbm>> -> memref<128xi32, #tpu.memory_space<hbm>>
      tpu.enqueue_dma source(%dma_start3A_160 : memref<128xi32, #tpu.memory_space<hbm>>) target(%arg5 : memref<128xi32, #tpu.memory_space<vmem>>) target_semaphore(%run_scoped3A : memref<!tpu.dma_semaphore, #tpu.memory_space<semaphore_mem>>)
      %dma_wait3A_161 = tpu.memref_slice %arg3[%add3A_32] : memref<65536xi32, #tpu.memory_space<hbm>> -> memref<128xi32, #tpu.memory_space<hbm>>
      %dma_wait3A_162 = tpu.memref_slice %arg3[%add3A_32] : memref<65536xi32, #tpu.memory_space<hbm>> -> memref<128xi32, #tpu.memory_space<hbm>>
      tpu.wait_dma2 semaphore(%run_scoped3A : memref<!tpu.dma_semaphore, #tpu.memory_space<semaphore_mem>>) src(%dma_wait3A_162 : memref<128xi32, #tpu.memory_space<hbm>>) dst(%arg5 : memref<128xi32, #tpu.memory_space<vmem>>)
      tpu.yield
    }) : () -> ()
    %dma_start3A_33 = arith.constant 0 : i32
    %dma_start3A_34 = arith.constant 0 : i32
    %dma_start3A_35 = tpu.memref_slice %arg2[%dma_start3A_33, %dma_start3A_34] : memref<4096x128xf32, #tpu.memory_space<hbm>> -> memref<4096x128xf32, #tpu.memory_space<hbm>>
    tpu.enqueue_indirect_dma source(%dma_start3A_35 : memref<4096x128xf32, #tpu.memory_space<hbm>>) target(%arg6 : memref<128x128xf32, #tpu.memory_space<vmem>>) offsets(%arg5 : memref<128xi32, #tpu.memory_space<vmem>>) semaphore(%arg7 : memref<!tpu.dma_semaphore, #tpu.memory_space<semaphore_mem>>)
    %dma_wait3A_36 = arith.constant 0 : i32
    %dma_wait3A_37 = arith.constant 0 : i32
    %dma_wait3A_38 = tpu.memref_slice %arg2[%dma_wait3A_36, %dma_wait3A_37] : memref<4096x128xf32, #tpu.memory_space<hbm>> -> memref<4096x128xf32, #tpu.memory_space<hbm>>
    tpu.wait_indirect_dma semaphore(%arg7 : memref<!tpu.dma_semaphore, #tpu.memory_space<semaphore_mem>>) src(%dma_wait3A_38 : memref<4096x128xf32, #tpu.memory_space<hbm>>) dst(%arg6 : memref<128x128xf32, #tpu.memory_space<vmem>>)
    "tpu.region"() ({
      %run_scoped3A = tpu.sem_alloc : memref<!tpu.dma_semaphore, #tpu.memory_space<semaphore_mem>>
      %dma_start3A_159 = arith.constant 0 : i32
      %dma_start3A_160 = tpu.memref_slice %arg4[%add3A_32, %dma_start3A_159] : memref<65536x128xf32, #tpu.memory_space<hbm>> -> memref<128x128xf32, #tpu.memory_space<hbm>>
      %dma_start3A_161 = arith.constant 0 : i32
      %dma_start3A_162 = tpu.memref_slice %arg4[%add3A_32, %dma_start3A_161] : memref<65536x128xf32, #tpu.memory_space<hbm>> -> memref<128x128xf32, #tpu.memory_space<hbm>>
      tpu.enqueue_dma source(%arg6 : memref<128x128xf32, #tpu.memory_space<vmem>>) target(%dma_start3A_162 : memref<128x128xf32, #tpu.memory_space<hbm>>) target_semaphore(%run_scoped3A : memref<!tpu.dma_semaphore, #tpu.memory_space<semaphore_mem>>)
      %dma_wait3A_163 = arith.constant 0 : i32
      %dma_wait3A_164 = tpu.memref_slice %arg4[%add3A_32, %dma_wait3A_163] : memref<65536x128xf32, #tpu.memory_space<hbm>> -> memref<128x128xf32, #tpu.memory_space<hbm>>
      %dma_wait3A_165 = arith.constant 0 : i32
      %dma_wait3A_166 = tpu.memref_slice %arg4[%add3A_32, %dma_wait3A_165] : memref<65536x128xf32, #tpu.memory_space<hbm>> -> memref<128x128xf32, #tpu.memory_space<hbm>>
      tpu.wait_dma2 semaphore(%run_scoped3A : memref<!tpu.dma_semaphore, #tpu.memory_space<semaphore_mem>>) src(%arg6 : memref<128x128xf32, #tpu.memory_space<vmem>>) dst(%dma_wait3A_166 : memref<128x128xf32, #tpu.memory_space<hbm>>)
      tpu.yield
    }) : () -> ()
    %mul3A_39 = arith.constant 2048 : i32
    %mul3A_40 = arith.muli %add3A, %mul3A_39 : i32
    %add3A_41 = arith.constant 512 : i32
    %add3A_42 = arith.addi %mul3A_40, %add3A_41 : i32
    "tpu.region"() ({
      %run_scoped3A = tpu.sem_alloc : memref<!tpu.dma_semaphore, #tpu.memory_space<semaphore_mem>>
      %dma_start3A_159 = tpu.memref_slice %arg3[%add3A_42] : memref<65536xi32, #tpu.memory_space<hbm>> -> memref<128xi32, #tpu.memory_space<hbm>>
      %dma_start3A_160 = tpu.memref_slice %arg3[%add3A_42] : memref<65536xi32, #tpu.memory_space<hbm>> -> memref<128xi32, #tpu.memory_space<hbm>>
      tpu.enqueue_dma source(%dma_start3A_160 : memref<128xi32, #tpu.memory_space<hbm>>) target(%arg5 : memref<128xi32, #tpu.memory_space<vmem>>) target_semaphore(%run_scoped3A : memref<!tpu.dma_semaphore, #tpu.memory_space<semaphore_mem>>)
      %dma_wait3A_161 = tpu.memref_slice %arg3[%add3A_42] : memref<65536xi32, #tpu.memory_space<hbm>> -> memref<128xi32, #tpu.memory_space<hbm>>
      %dma_wait3A_162 = tpu.memref_slice %arg3[%add3A_42] : memref<65536xi32, #tpu.memory_space<hbm>> -> memref<128xi32, #tpu.memory_space<hbm>>
      tpu.wait_dma2 semaphore(%run_scoped3A : memref<!tpu.dma_semaphore, #tpu.memory_space<semaphore_mem>>) src(%dma_wait3A_162 : memref<128xi32, #tpu.memory_space<hbm>>) dst(%arg5 : memref<128xi32, #tpu.memory_space<vmem>>)
      tpu.yield
    }) : () -> ()
    %dma_start3A_43 = arith.constant 0 : i32
    %dma_start3A_44 = arith.constant 0 : i32
    %dma_start3A_45 = tpu.memref_slice %arg2[%dma_start3A_43, %dma_start3A_44] : memref<4096x128xf32, #tpu.memory_space<hbm>> -> memref<4096x128xf32, #tpu.memory_space<hbm>>
    tpu.enqueue_indirect_dma source(%dma_start3A_45 : memref<4096x128xf32, #tpu.memory_space<hbm>>) target(%arg6 : memref<128x128xf32, #tpu.memory_space<vmem>>) offsets(%arg5 : memref<128xi32, #tpu.memory_space<vmem>>) semaphore(%arg7 : memref<!tpu.dma_semaphore, #tpu.memory_space<semaphore_mem>>)
    %dma_wait3A_46 = arith.constant 0 : i32
    %dma_wait3A_47 = arith.constant 0 : i32
    %dma_wait3A_48 = tpu.memref_slice %arg2[%dma_wait3A_46, %dma_wait3A_47] : memref<4096x128xf32, #tpu.memory_space<hbm>> -> memref<4096x128xf32, #tpu.memory_space<hbm>>
    tpu.wait_indirect_dma semaphore(%arg7 : memref<!tpu.dma_semaphore, #tpu.memory_space<semaphore_mem>>) src(%dma_wait3A_48 : memref<4096x128xf32, #tpu.memory_space<hbm>>) dst(%arg6 : memref<128x128xf32, #tpu.memory_space<vmem>>)
    "tpu.region"() ({
      %run_scoped3A = tpu.sem_alloc : memref<!tpu.dma_semaphore, #tpu.memory_space<semaphore_mem>>
      %dma_start3A_159 = arith.constant 0 : i32
      %dma_start3A_160 = tpu.memref_slice %arg4[%add3A_42, %dma_start3A_159] : memref<65536x128xf32, #tpu.memory_space<hbm>> -> memref<128x128xf32, #tpu.memory_space<hbm>>
      %dma_start3A_161 = arith.constant 0 : i32
      %dma_start3A_162 = tpu.memref_slice %arg4[%add3A_42, %dma_start3A_161] : memref<65536x128xf32, #tpu.memory_space<hbm>> -> memref<128x128xf32, #tpu.memory_space<hbm>>
      tpu.enqueue_dma source(%arg6 : memref<128x128xf32, #tpu.memory_space<vmem>>) target(%dma_start3A_162 : memref<128x128xf32, #tpu.memory_space<hbm>>) target_semaphore(%run_scoped3A : memref<!tpu.dma_semaphore, #tpu.memory_space<semaphore_mem>>)
      %dma_wait3A_163 = arith.constant 0 : i32
      %dma_wait3A_164 = tpu.memref_slice %arg4[%add3A_42, %dma_wait3A_163] : memref<65536x128xf32, #tpu.memory_space<hbm>> -> memref<128x128xf32, #tpu.memory_space<hbm>>
      %dma_wait3A_165 = arith.constant 0 : i32
      %dma_wait3A_166 = tpu.memref_slice %arg4[%add3A_42, %dma_wait3A_165] : memref<65536x128xf32, #tpu.memory_space<hbm>> -> memref<128x128xf32, #tpu.memory_space<hbm>>
      tpu.wait_dma2 semaphore(%run_scoped3A : memref<!tpu.dma_semaphore, #tpu.memory_space<semaphore_mem>>) src(%arg6 : memref<128x128xf32, #tpu.memory_space<vmem>>) dst(%dma_wait3A_166 : memref<128x128xf32, #tpu.memory_space<hbm>>)
      tpu.yield
    }) : () -> ()
    %mul3A_49 = arith.constant 2048 : i32
    %mul3A_50 = arith.muli %add3A, %mul3A_49 : i32
    %add3A_51 = arith.constant 640 : i32
    %add3A_52 = arith.addi %mul3A_50, %add3A_51 : i32
    "tpu.region"() ({
      %run_scoped3A = tpu.sem_alloc : memref<!tpu.dma_semaphore, #tpu.memory_space<semaphore_mem>>
      %dma_start3A_159 = tpu.memref_slice %arg3[%add3A_52] : memref<65536xi32, #tpu.memory_space<hbm>> -> memref<128xi32, #tpu.memory_space<hbm>>
      %dma_start3A_160 = tpu.memref_slice %arg3[%add3A_52] : memref<65536xi32, #tpu.memory_space<hbm>> -> memref<128xi32, #tpu.memory_space<hbm>>
      tpu.enqueue_dma source(%dma_start3A_160 : memref<128xi32, #tpu.memory_space<hbm>>) target(%arg5 : memref<128xi32, #tpu.memory_space<vmem>>) target_semaphore(%run_scoped3A : memref<!tpu.dma_semaphore, #tpu.memory_space<semaphore_mem>>)
      %dma_wait3A_161 = tpu.memref_slice %arg3[%add3A_52] : memref<65536xi32, #tpu.memory_space<hbm>> -> memref<128xi32, #tpu.memory_space<hbm>>
      %dma_wait3A_162 = tpu.memref_slice %arg3[%add3A_52] : memref<65536xi32, #tpu.memory_space<hbm>> -> memref<128xi32, #tpu.memory_space<hbm>>
      tpu.wait_dma2 semaphore(%run_scoped3A : memref<!tpu.dma_semaphore, #tpu.memory_space<semaphore_mem>>) src(%dma_wait3A_162 : memref<128xi32, #tpu.memory_space<hbm>>) dst(%arg5 : memref<128xi32, #tpu.memory_space<vmem>>)
      tpu.yield
    }) : () -> ()
    %dma_start3A_53 = arith.constant 0 : i32
    %dma_start3A_54 = arith.constant 0 : i32
    %dma_start3A_55 = tpu.memref_slice %arg2[%dma_start3A_53, %dma_start3A_54] : memref<4096x128xf32, #tpu.memory_space<hbm>> -> memref<4096x128xf32, #tpu.memory_space<hbm>>
    tpu.enqueue_indirect_dma source(%dma_start3A_55 : memref<4096x128xf32, #tpu.memory_space<hbm>>) target(%arg6 : memref<128x128xf32, #tpu.memory_space<vmem>>) offsets(%arg5 : memref<128xi32, #tpu.memory_space<vmem>>) semaphore(%arg7 : memref<!tpu.dma_semaphore, #tpu.memory_space<semaphore_mem>>)
    %dma_wait3A_56 = arith.constant 0 : i32
    %dma_wait3A_57 = arith.constant 0 : i32
    %dma_wait3A_58 = tpu.memref_slice %arg2[%dma_wait3A_56, %dma_wait3A_57] : memref<4096x128xf32, #tpu.memory_space<hbm>> -> memref<4096x128xf32, #tpu.memory_space<hbm>>
    tpu.wait_indirect_dma semaphore(%arg7 : memref<!tpu.dma_semaphore, #tpu.memory_space<semaphore_mem>>) src(%dma_wait3A_58 : memref<4096x128xf32, #tpu.memory_space<hbm>>) dst(%arg6 : memref<128x128xf32, #tpu.memory_space<vmem>>)
    "tpu.region"() ({
      %run_scoped3A = tpu.sem_alloc : memref<!tpu.dma_semaphore, #tpu.memory_space<semaphore_mem>>
      %dma_start3A_159 = arith.constant 0 : i32
      %dma_start3A_160 = tpu.memref_slice %arg4[%add3A_52, %dma_start3A_159] : memref<65536x128xf32, #tpu.memory_space<hbm>> -> memref<128x128xf32, #tpu.memory_space<hbm>>
      %dma_start3A_161 = arith.constant 0 : i32
      %dma_start3A_162 = tpu.memref_slice %arg4[%add3A_52, %dma_start3A_161] : memref<65536x128xf32, #tpu.memory_space<hbm>> -> memref<128x128xf32, #tpu.memory_space<hbm>>
      tpu.enqueue_dma source(%arg6 : memref<128x128xf32, #tpu.memory_space<vmem>>) target(%dma_start3A_162 : memref<128x128xf32, #tpu.memory_space<hbm>>) target_semaphore(%run_scoped3A : memref<!tpu.dma_semaphore, #tpu.memory_space<semaphore_mem>>)
      %dma_wait3A_163 = arith.constant 0 : i32
      %dma_wait3A_164 = tpu.memref_slice %arg4[%add3A_52, %dma_wait3A_163] : memref<65536x128xf32, #tpu.memory_space<hbm>> -> memref<128x128xf32, #tpu.memory_space<hbm>>
      %dma_wait3A_165 = arith.constant 0 : i32
      %dma_wait3A_166 = tpu.memref_slice %arg4[%add3A_52, %dma_wait3A_165] : memref<65536x128xf32, #tpu.memory_space<hbm>> -> memref<128x128xf32, #tpu.memory_space<hbm>>
      tpu.wait_dma2 semaphore(%run_scoped3A : memref<!tpu.dma_semaphore, #tpu.memory_space<semaphore_mem>>) src(%arg6 : memref<128x128xf32, #tpu.memory_space<vmem>>) dst(%dma_wait3A_166 : memref<128x128xf32, #tpu.memory_space<hbm>>)
      tpu.yield
    }) : () -> ()
    %mul3A_59 = arith.constant 2048 : i32
    %mul3A_60 = arith.muli %add3A, %mul3A_59 : i32
    %add3A_61 = arith.constant 768 : i32
    %add3A_62 = arith.addi %mul3A_60, %add3A_61 : i32
    "tpu.region"() ({
      %run_scoped3A = tpu.sem_alloc : memref<!tpu.dma_semaphore, #tpu.memory_space<semaphore_mem>>
      %dma_start3A_159 = tpu.memref_slice %arg3[%add3A_62] : memref<65536xi32, #tpu.memory_space<hbm>> -> memref<128xi32, #tpu.memory_space<hbm>>
      %dma_start3A_160 = tpu.memref_slice %arg3[%add3A_62] : memref<65536xi32, #tpu.memory_space<hbm>> -> memref<128xi32, #tpu.memory_space<hbm>>
      tpu.enqueue_dma source(%dma_start3A_160 : memref<128xi32, #tpu.memory_space<hbm>>) target(%arg5 : memref<128xi32, #tpu.memory_space<vmem>>) target_semaphore(%run_scoped3A : memref<!tpu.dma_semaphore, #tpu.memory_space<semaphore_mem>>)
      %dma_wait3A_161 = tpu.memref_slice %arg3[%add3A_62] : memref<65536xi32, #tpu.memory_space<hbm>> -> memref<128xi32, #tpu.memory_space<hbm>>
      %dma_wait3A_162 = tpu.memref_slice %arg3[%add3A_62] : memref<65536xi32, #tpu.memory_space<hbm>> -> memref<128xi32, #tpu.memory_space<hbm>>
      tpu.wait_dma2 semaphore(%run_scoped3A : memref<!tpu.dma_semaphore, #tpu.memory_space<semaphore_mem>>) src(%dma_wait3A_162 : memref<128xi32, #tpu.memory_space<hbm>>) dst(%arg5 : memref<128xi32, #tpu.memory_space<vmem>>)
      tpu.yield
    }) : () -> ()
    %dma_start3A_63 = arith.constant 0 : i32
    %dma_start3A_64 = arith.constant 0 : i32
    %dma_start3A_65 = tpu.memref_slice %arg2[%dma_start3A_63, %dma_start3A_64] : memref<4096x128xf32, #tpu.memory_space<hbm>> -> memref<4096x128xf32, #tpu.memory_space<hbm>>
    tpu.enqueue_indirect_dma source(%dma_start3A_65 : memref<4096x128xf32, #tpu.memory_space<hbm>>) target(%arg6 : memref<128x128xf32, #tpu.memory_space<vmem>>) offsets(%arg5 : memref<128xi32, #tpu.memory_space<vmem>>) semaphore(%arg7 : memref<!tpu.dma_semaphore, #tpu.memory_space<semaphore_mem>>)
    %dma_wait3A_66 = arith.constant 0 : i32
    %dma_wait3A_67 = arith.constant 0 : i32
    %dma_wait3A_68 = tpu.memref_slice %arg2[%dma_wait3A_66, %dma_wait3A_67] : memref<4096x128xf32, #tpu.memory_space<hbm>> -> memref<4096x128xf32, #tpu.memory_space<hbm>>
    tpu.wait_indirect_dma semaphore(%arg7 : memref<!tpu.dma_semaphore, #tpu.memory_space<semaphore_mem>>) src(%dma_wait3A_68 : memref<4096x128xf32, #tpu.memory_space<hbm>>) dst(%arg6 : memref<128x128xf32, #tpu.memory_space<vmem>>)
    "tpu.region"() ({
      %run_scoped3A = tpu.sem_alloc : memref<!tpu.dma_semaphore, #tpu.memory_space<semaphore_mem>>
      %dma_start3A_159 = arith.constant 0 : i32
      %dma_start3A_160 = tpu.memref_slice %arg4[%add3A_62, %dma_start3A_159] : memref<65536x128xf32, #tpu.memory_space<hbm>> -> memref<128x128xf32, #tpu.memory_space<hbm>>
      %dma_start3A_161 = arith.constant 0 : i32
      %dma_start3A_162 = tpu.memref_slice %arg4[%add3A_62, %dma_start3A_161] : memref<65536x128xf32, #tpu.memory_space<hbm>> -> memref<128x128xf32, #tpu.memory_space<hbm>>
      tpu.enqueue_dma source(%arg6 : memref<128x128xf32, #tpu.memory_space<vmem>>) target(%dma_start3A_162 : memref<128x128xf32, #tpu.memory_space<hbm>>) target_semaphore(%run_scoped3A : memref<!tpu.dma_semaphore, #tpu.memory_space<semaphore_mem>>)
      %dma_wait3A_163 = arith.constant 0 : i32
      %dma_wait3A_164 = tpu.memref_slice %arg4[%add3A_62, %dma_wait3A_163] : memref<65536x128xf32, #tpu.memory_space<hbm>> -> memref<128x128xf32, #tpu.memory_space<hbm>>
      %dma_wait3A_165 = arith.constant 0 : i32
      %dma_wait3A_166 = tpu.memref_slice %arg4[%add3A_62, %dma_wait3A_165] : memref<65536x128xf32, #tpu.memory_space<hbm>> -> memref<128x128xf32, #tpu.memory_space<hbm>>
      tpu.wait_dma2 semaphore(%run_scoped3A : memref<!tpu.dma_semaphore, #tpu.memory_space<semaphore_mem>>) src(%arg6 : memref<128x128xf32, #tpu.memory_space<vmem>>) dst(%dma_wait3A_166 : memref<128x128xf32, #tpu.memory_space<hbm>>)
      tpu.yield
    }) : () -> ()
    %mul3A_69 = arith.constant 2048 : i32
    %mul3A_70 = arith.muli %add3A, %mul3A_69 : i32
    %add3A_71 = arith.constant 896 : i32
    %add3A_72 = arith.addi %mul3A_70, %add3A_71 : i32
    "tpu.region"() ({
      %run_scoped3A = tpu.sem_alloc : memref<!tpu.dma_semaphore, #tpu.memory_space<semaphore_mem>>
      %dma_start3A_159 = tpu.memref_slice %arg3[%add3A_72] : memref<65536xi32, #tpu.memory_space<hbm>> -> memref<128xi32, #tpu.memory_space<hbm>>
      %dma_start3A_160 = tpu.memref_slice %arg3[%add3A_72] : memref<65536xi32, #tpu.memory_space<hbm>> -> memref<128xi32, #tpu.memory_space<hbm>>
      tpu.enqueue_dma source(%dma_start3A_160 : memref<128xi32, #tpu.memory_space<hbm>>) target(%arg5 : memref<128xi32, #tpu.memory_space<vmem>>) target_semaphore(%run_scoped3A : memref<!tpu.dma_semaphore, #tpu.memory_space<semaphore_mem>>)
      %dma_wait3A_161 = tpu.memref_slice %arg3[%add3A_72] : memref<65536xi32, #tpu.memory_space<hbm>> -> memref<128xi32, #tpu.memory_space<hbm>>
      %dma_wait3A_162 = tpu.memref_slice %arg3[%add3A_72] : memref<65536xi32, #tpu.memory_space<hbm>> -> memref<128xi32, #tpu.memory_space<hbm>>
      tpu.wait_dma2 semaphore(%run_scoped3A : memref<!tpu.dma_semaphore, #tpu.memory_space<semaphore_mem>>) src(%dma_wait3A_162 : memref<128xi32, #tpu.memory_space<hbm>>) dst(%arg5 : memref<128xi32, #tpu.memory_space<vmem>>)
      tpu.yield
    }) : () -> ()
    %dma_start3A_73 = arith.constant 0 : i32
    %dma_start3A_74 = arith.constant 0 : i32
    %dma_start3A_75 = tpu.memref_slice %arg2[%dma_start3A_73, %dma_start3A_74] : memref<4096x128xf32, #tpu.memory_space<hbm>> -> memref<4096x128xf32, #tpu.memory_space<hbm>>
    tpu.enqueue_indirect_dma source(%dma_start3A_75 : memref<4096x128xf32, #tpu.memory_space<hbm>>) target(%arg6 : memref<128x128xf32, #tpu.memory_space<vmem>>) offsets(%arg5 : memref<128xi32, #tpu.memory_space<vmem>>) semaphore(%arg7 : memref<!tpu.dma_semaphore, #tpu.memory_space<semaphore_mem>>)
    %dma_wait3A_76 = arith.constant 0 : i32
    %dma_wait3A_77 = arith.constant 0 : i32
    %dma_wait3A_78 = tpu.memref_slice %arg2[%dma_wait3A_76, %dma_wait3A_77] : memref<4096x128xf32, #tpu.memory_space<hbm>> -> memref<4096x128xf32, #tpu.memory_space<hbm>>
    tpu.wait_indirect_dma semaphore(%arg7 : memref<!tpu.dma_semaphore, #tpu.memory_space<semaphore_mem>>) src(%dma_wait3A_78 : memref<4096x128xf32, #tpu.memory_space<hbm>>) dst(%arg6 : memref<128x128xf32, #tpu.memory_space<vmem>>)
    "tpu.region"() ({
      %run_scoped3A = tpu.sem_alloc : memref<!tpu.dma_semaphore, #tpu.memory_space<semaphore_mem>>
      %dma_start3A_159 = arith.constant 0 : i32
      %dma_start3A_160 = tpu.memref_slice %arg4[%add3A_72, %dma_start3A_159] : memref<65536x128xf32, #tpu.memory_space<hbm>> -> memref<128x128xf32, #tpu.memory_space<hbm>>
      %dma_start3A_161 = arith.constant 0 : i32
      %dma_start3A_162 = tpu.memref_slice %arg4[%add3A_72, %dma_start3A_161] : memref<65536x128xf32, #tpu.memory_space<hbm>> -> memref<128x128xf32, #tpu.memory_space<hbm>>
      tpu.enqueue_dma source(%arg6 : memref<128x128xf32, #tpu.memory_space<vmem>>) target(%dma_start3A_162 : memref<128x128xf32, #tpu.memory_space<hbm>>) target_semaphore(%run_scoped3A : memref<!tpu.dma_semaphore, #tpu.memory_space<semaphore_mem>>)
      %dma_wait3A_163 = arith.constant 0 : i32
      %dma_wait3A_164 = tpu.memref_slice %arg4[%add3A_72, %dma_wait3A_163] : memref<65536x128xf32, #tpu.memory_space<hbm>> -> memref<128x128xf32, #tpu.memory_space<hbm>>
      %dma_wait3A_165 = arith.constant 0 : i32
      %dma_wait3A_166 = tpu.memref_slice %arg4[%add3A_72, %dma_wait3A_165] : memref<65536x128xf32, #tpu.memory_space<hbm>> -> memref<128x128xf32, #tpu.memory_space<hbm>>
      tpu.wait_dma2 semaphore(%run_scoped3A : memref<!tpu.dma_semaphore, #tpu.memory_space<semaphore_mem>>) src(%arg6 : memref<128x128xf32, #tpu.memory_space<vmem>>) dst(%dma_wait3A_166 : memref<128x128xf32, #tpu.memory_space<hbm>>)
      tpu.yield
    }) : () -> ()
    %mul3A_79 = arith.constant 2048 : i32
    %mul3A_80 = arith.muli %add3A, %mul3A_79 : i32
    %add3A_81 = arith.constant 1024 : i32
    %add3A_82 = arith.addi %mul3A_80, %add3A_81 : i32
    "tpu.region"() ({
      %run_scoped3A = tpu.sem_alloc : memref<!tpu.dma_semaphore, #tpu.memory_space<semaphore_mem>>
      %dma_start3A_159 = tpu.memref_slice %arg3[%add3A_82] : memref<65536xi32, #tpu.memory_space<hbm>> -> memref<128xi32, #tpu.memory_space<hbm>>
      %dma_start3A_160 = tpu.memref_slice %arg3[%add3A_82] : memref<65536xi32, #tpu.memory_space<hbm>> -> memref<128xi32, #tpu.memory_space<hbm>>
      tpu.enqueue_dma source(%dma_start3A_160 : memref<128xi32, #tpu.memory_space<hbm>>) target(%arg5 : memref<128xi32, #tpu.memory_space<vmem>>) target_semaphore(%run_scoped3A : memref<!tpu.dma_semaphore, #tpu.memory_space<semaphore_mem>>)
      %dma_wait3A_161 = tpu.memref_slice %arg3[%add3A_82] : memref<65536xi32, #tpu.memory_space<hbm>> -> memref<128xi32, #tpu.memory_space<hbm>>
      %dma_wait3A_162 = tpu.memref_slice %arg3[%add3A_82] : memref<65536xi32, #tpu.memory_space<hbm>> -> memref<128xi32, #tpu.memory_space<hbm>>
      tpu.wait_dma2 semaphore(%run_scoped3A : memref<!tpu.dma_semaphore, #tpu.memory_space<semaphore_mem>>) src(%dma_wait3A_162 : memref<128xi32, #tpu.memory_space<hbm>>) dst(%arg5 : memref<128xi32, #tpu.memory_space<vmem>>)
      tpu.yield
    }) : () -> ()
    %dma_start3A_83 = arith.constant 0 : i32
    %dma_start3A_84 = arith.constant 0 : i32
    %dma_start3A_85 = tpu.memref_slice %arg2[%dma_start3A_83, %dma_start3A_84] : memref<4096x128xf32, #tpu.memory_space<hbm>> -> memref<4096x128xf32, #tpu.memory_space<hbm>>
    tpu.enqueue_indirect_dma source(%dma_start3A_85 : memref<4096x128xf32, #tpu.memory_space<hbm>>) target(%arg6 : memref<128x128xf32, #tpu.memory_space<vmem>>) offsets(%arg5 : memref<128xi32, #tpu.memory_space<vmem>>) semaphore(%arg7 : memref<!tpu.dma_semaphore, #tpu.memory_space<semaphore_mem>>)
    %dma_wait3A_86 = arith.constant 0 : i32
    %dma_wait3A_87 = arith.constant 0 : i32
    %dma_wait3A_88 = tpu.memref_slice %arg2[%dma_wait3A_86, %dma_wait3A_87] : memref<4096x128xf32, #tpu.memory_space<hbm>> -> memref<4096x128xf32, #tpu.memory_space<hbm>>
    tpu.wait_indirect_dma semaphore(%arg7 : memref<!tpu.dma_semaphore, #tpu.memory_space<semaphore_mem>>) src(%dma_wait3A_88 : memref<4096x128xf32, #tpu.memory_space<hbm>>) dst(%arg6 : memref<128x128xf32, #tpu.memory_space<vmem>>)
    "tpu.region"() ({
      %run_scoped3A = tpu.sem_alloc : memref<!tpu.dma_semaphore, #tpu.memory_space<semaphore_mem>>
      %dma_start3A_159 = arith.constant 0 : i32
      %dma_start3A_160 = tpu.memref_slice %arg4[%add3A_82, %dma_start3A_159] : memref<65536x128xf32, #tpu.memory_space<hbm>> -> memref<128x128xf32, #tpu.memory_space<hbm>>
      %dma_start3A_161 = arith.constant 0 : i32
      %dma_start3A_162 = tpu.memref_slice %arg4[%add3A_82, %dma_start3A_161] : memref<65536x128xf32, #tpu.memory_space<hbm>> -> memref<128x128xf32, #tpu.memory_space<hbm>>
      tpu.enqueue_dma source(%arg6 : memref<128x128xf32, #tpu.memory_space<vmem>>) target(%dma_start3A_162 : memref<128x128xf32, #tpu.memory_space<hbm>>) target_semaphore(%run_scoped3A : memref<!tpu.dma_semaphore, #tpu.memory_space<semaphore_mem>>)
      %dma_wait3A_163 = arith.constant 0 : i32
      %dma_wait3A_164 = tpu.memref_slice %arg4[%add3A_82, %dma_wait3A_163] : memref<65536x128xf32, #tpu.memory_space<hbm>> -> memref<128x128xf32, #tpu.memory_space<hbm>>
      %dma_wait3A_165 = arith.constant 0 : i32
      %dma_wait3A_166 = tpu.memref_slice %arg4[%add3A_82, %dma_wait3A_165] : memref<65536x128xf32, #tpu.memory_space<hbm>> -> memref<128x128xf32, #tpu.memory_space<hbm>>
      tpu.wait_dma2 semaphore(%run_scoped3A : memref<!tpu.dma_semaphore, #tpu.memory_space<semaphore_mem>>) src(%arg6 : memref<128x128xf32, #tpu.memory_space<vmem>>) dst(%dma_wait3A_166 : memref<128x128xf32, #tpu.memory_space<hbm>>)
      tpu.yield
    }) : () -> ()
    %mul3A_89 = arith.constant 2048 : i32
    %mul3A_90 = arith.muli %add3A, %mul3A_89 : i32
    %add3A_91 = arith.constant 1152 : i32
    %add3A_92 = arith.addi %mul3A_90, %add3A_91 : i32
    "tpu.region"() ({
      %run_scoped3A = tpu.sem_alloc : memref<!tpu.dma_semaphore, #tpu.memory_space<semaphore_mem>>
      %dma_start3A_159 = tpu.memref_slice %arg3[%add3A_92] : memref<65536xi32, #tpu.memory_space<hbm>> -> memref<128xi32, #tpu.memory_space<hbm>>
      %dma_start3A_160 = tpu.memref_slice %arg3[%add3A_92] : memref<65536xi32, #tpu.memory_space<hbm>> -> memref<128xi32, #tpu.memory_space<hbm>>
      tpu.enqueue_dma source(%dma_start3A_160 : memref<128xi32, #tpu.memory_space<hbm>>) target(%arg5 : memref<128xi32, #tpu.memory_space<vmem>>) target_semaphore(%run_scoped3A : memref<!tpu.dma_semaphore, #tpu.memory_space<semaphore_mem>>)
      %dma_wait3A_161 = tpu.memref_slice %arg3[%add3A_92] : memref<65536xi32, #tpu.memory_space<hbm>> -> memref<128xi32, #tpu.memory_space<hbm>>
      %dma_wait3A_162 = tpu.memref_slice %arg3[%add3A_92] : memref<65536xi32, #tpu.memory_space<hbm>> -> memref<128xi32, #tpu.memory_space<hbm>>
      tpu.wait_dma2 semaphore(%run_scoped3A : memref<!tpu.dma_semaphore, #tpu.memory_space<semaphore_mem>>) src(%dma_wait3A_162 : memref<128xi32, #tpu.memory_space<hbm>>) dst(%arg5 : memref<128xi32, #tpu.memory_space<vmem>>)
      tpu.yield
    }) : () -> ()
    %dma_start3A_93 = arith.constant 0 : i32
    %dma_start3A_94 = arith.constant 0 : i32
    %dma_start3A_95 = tpu.memref_slice %arg2[%dma_start3A_93, %dma_start3A_94] : memref<4096x128xf32, #tpu.memory_space<hbm>> -> memref<4096x128xf32, #tpu.memory_space<hbm>>
    tpu.enqueue_indirect_dma source(%dma_start3A_95 : memref<4096x128xf32, #tpu.memory_space<hbm>>) target(%arg6 : memref<128x128xf32, #tpu.memory_space<vmem>>) offsets(%arg5 : memref<128xi32, #tpu.memory_space<vmem>>) semaphore(%arg7 : memref<!tpu.dma_semaphore, #tpu.memory_space<semaphore_mem>>)
    %dma_wait3A_96 = arith.constant 0 : i32
    %dma_wait3A_97 = arith.constant 0 : i32
    %dma_wait3A_98 = tpu.memref_slice %arg2[%dma_wait3A_96, %dma_wait3A_97] : memref<4096x128xf32, #tpu.memory_space<hbm>> -> memref<4096x128xf32, #tpu.memory_space<hbm>>
    tpu.wait_indirect_dma semaphore(%arg7 : memref<!tpu.dma_semaphore, #tpu.memory_space<semaphore_mem>>) src(%dma_wait3A_98 : memref<4096x128xf32, #tpu.memory_space<hbm>>) dst(%arg6 : memref<128x128xf32, #tpu.memory_space<vmem>>)
    "tpu.region"() ({
      %run_scoped3A = tpu.sem_alloc : memref<!tpu.dma_semaphore, #tpu.memory_space<semaphore_mem>>
      %dma_start3A_159 = arith.constant 0 : i32
      %dma_start3A_160 = tpu.memref_slice %arg4[%add3A_92, %dma_start3A_159] : memref<65536x128xf32, #tpu.memory_space<hbm>> -> memref<128x128xf32, #tpu.memory_space<hbm>>
      %dma_start3A_161 = arith.constant 0 : i32
      %dma_start3A_162 = tpu.memref_slice %arg4[%add3A_92, %dma_start3A_161] : memref<65536x128xf32, #tpu.memory_space<hbm>> -> memref<128x128xf32, #tpu.memory_space<hbm>>
      tpu.enqueue_dma source(%arg6 : memref<128x128xf32, #tpu.memory_space<vmem>>) target(%dma_start3A_162 : memref<128x128xf32, #tpu.memory_space<hbm>>) target_semaphore(%run_scoped3A : memref<!tpu.dma_semaphore, #tpu.memory_space<semaphore_mem>>)
      %dma_wait3A_163 = arith.constant 0 : i32
      %dma_wait3A_164 = tpu.memref_slice %arg4[%add3A_92, %dma_wait3A_163] : memref<65536x128xf32, #tpu.memory_space<hbm>> -> memref<128x128xf32, #tpu.memory_space<hbm>>
      %dma_wait3A_165 = arith.constant 0 : i32
      %dma_wait3A_166 = tpu.memref_slice %arg4[%add3A_92, %dma_wait3A_165] : memref<65536x128xf32, #tpu.memory_space<hbm>> -> memref<128x128xf32, #tpu.memory_space<hbm>>
      tpu.wait_dma2 semaphore(%run_scoped3A : memref<!tpu.dma_semaphore, #tpu.memory_space<semaphore_mem>>) src(%arg6 : memref<128x128xf32, #tpu.memory_space<vmem>>) dst(%dma_wait3A_166 : memref<128x128xf32, #tpu.memory_space<hbm>>)
      tpu.yield
    }) : () -> ()
    %mul3A_99 = arith.constant 2048 : i32
    %mul3A_100 = arith.muli %add3A, %mul3A_99 : i32
    %add3A_101 = arith.constant 1280 : i32
    %add3A_102 = arith.addi %mul3A_100, %add3A_101 : i32
    "tpu.region"() ({
      %run_scoped3A = tpu.sem_alloc : memref<!tpu.dma_semaphore, #tpu.memory_space<semaphore_mem>>
      %dma_start3A_159 = tpu.memref_slice %arg3[%add3A_102] : memref<65536xi32, #tpu.memory_space<hbm>> -> memref<128xi32, #tpu.memory_space<hbm>>
      %dma_start3A_160 = tpu.memref_slice %arg3[%add3A_102] : memref<65536xi32, #tpu.memory_space<hbm>> -> memref<128xi32, #tpu.memory_space<hbm>>
      tpu.enqueue_dma source(%dma_start3A_160 : memref<128xi32, #tpu.memory_space<hbm>>) target(%arg5 : memref<128xi32, #tpu.memory_space<vmem>>) target_semaphore(%run_scoped3A : memref<!tpu.dma_semaphore, #tpu.memory_space<semaphore_mem>>)
      %dma_wait3A_161 = tpu.memref_slice %arg3[%add3A_102] : memref<65536xi32, #tpu.memory_space<hbm>> -> memref<128xi32, #tpu.memory_space<hbm>>
      %dma_wait3A_162 = tpu.memref_slice %arg3[%add3A_102] : memref<65536xi32, #tpu.memory_space<hbm>> -> memref<128xi32, #tpu.memory_space<hbm>>
      tpu.wait_dma2 semaphore(%run_scoped3A : memref<!tpu.dma_semaphore, #tpu.memory_space<semaphore_mem>>) src(%dma_wait3A_162 : memref<128xi32, #tpu.memory_space<hbm>>) dst(%arg5 : memref<128xi32, #tpu.memory_space<vmem>>)
      tpu.yield
    }) : () -> ()
    %dma_start3A_103 = arith.constant 0 : i32
    %dma_start3A_104 = arith.constant 0 : i32
    %dma_start3A_105 = tpu.memref_slice %arg2[%dma_start3A_103, %dma_start3A_104] : memref<4096x128xf32, #tpu.memory_space<hbm>> -> memref<4096x128xf32, #tpu.memory_space<hbm>>
    tpu.enqueue_indirect_dma source(%dma_start3A_105 : memref<4096x128xf32, #tpu.memory_space<hbm>>) target(%arg6 : memref<128x128xf32, #tpu.memory_space<vmem>>) offsets(%arg5 : memref<128xi32, #tpu.memory_space<vmem>>) semaphore(%arg7 : memref<!tpu.dma_semaphore, #tpu.memory_space<semaphore_mem>>)
    %dma_wait3A_106 = arith.constant 0 : i32
    %dma_wait3A_107 = arith.constant 0 : i32
    %dma_wait3A_108 = tpu.memref_slice %arg2[%dma_wait3A_106, %dma_wait3A_107] : memref<4096x128xf32, #tpu.memory_space<hbm>> -> memref<4096x128xf32, #tpu.memory_space<hbm>>
    tpu.wait_indirect_dma semaphore(%arg7 : memref<!tpu.dma_semaphore, #tpu.memory_space<semaphore_mem>>) src(%dma_wait3A_108 : memref<4096x128xf32, #tpu.memory_space<hbm>>) dst(%arg6 : memref<128x128xf32, #tpu.memory_space<vmem>>)
    "tpu.region"() ({
      %run_scoped3A = tpu.sem_alloc : memref<!tpu.dma_semaphore, #tpu.memory_space<semaphore_mem>>
      %dma_start3A_159 = arith.constant 0 : i32
      %dma_start3A_160 = tpu.memref_slice %arg4[%add3A_102, %dma_start3A_159] : memref<65536x128xf32, #tpu.memory_space<hbm>> -> memref<128x128xf32, #tpu.memory_space<hbm>>
      %dma_start3A_161 = arith.constant 0 : i32
      %dma_start3A_162 = tpu.memref_slice %arg4[%add3A_102, %dma_start3A_161] : memref<65536x128xf32, #tpu.memory_space<hbm>> -> memref<128x128xf32, #tpu.memory_space<hbm>>
      tpu.enqueue_dma source(%arg6 : memref<128x128xf32, #tpu.memory_space<vmem>>) target(%dma_start3A_162 : memref<128x128xf32, #tpu.memory_space<hbm>>) target_semaphore(%run_scoped3A : memref<!tpu.dma_semaphore, #tpu.memory_space<semaphore_mem>>)
      %dma_wait3A_163 = arith.constant 0 : i32
      %dma_wait3A_164 = tpu.memref_slice %arg4[%add3A_102, %dma_wait3A_163] : memref<65536x128xf32, #tpu.memory_space<hbm>> -> memref<128x128xf32, #tpu.memory_space<hbm>>
      %dma_wait3A_165 = arith.constant 0 : i32
      %dma_wait3A_166 = tpu.memref_slice %arg4[%add3A_102, %dma_wait3A_165] : memref<65536x128xf32, #tpu.memory_space<hbm>> -> memref<128x128xf32, #tpu.memory_space<hbm>>
      tpu.wait_dma2 semaphore(%run_scoped3A : memref<!tpu.dma_semaphore, #tpu.memory_space<semaphore_mem>>) src(%arg6 : memref<128x128xf32, #tpu.memory_space<vmem>>) dst(%dma_wait3A_166 : memref<128x128xf32, #tpu.memory_space<hbm>>)
      tpu.yield
    }) : () -> ()
    %mul3A_109 = arith.constant 2048 : i32
    %mul3A_110 = arith.muli %add3A, %mul3A_109 : i32
    %add3A_111 = arith.constant 1408 : i32
    %add3A_112 = arith.addi %mul3A_110, %add3A_111 : i32
    "tpu.region"() ({
      %run_scoped3A = tpu.sem_alloc : memref<!tpu.dma_semaphore, #tpu.memory_space<semaphore_mem>>
      %dma_start3A_159 = tpu.memref_slice %arg3[%add3A_112] : memref<65536xi32, #tpu.memory_space<hbm>> -> memref<128xi32, #tpu.memory_space<hbm>>
      %dma_start3A_160 = tpu.memref_slice %arg3[%add3A_112] : memref<65536xi32, #tpu.memory_space<hbm>> -> memref<128xi32, #tpu.memory_space<hbm>>
      tpu.enqueue_dma source(%dma_start3A_160 : memref<128xi32, #tpu.memory_space<hbm>>) target(%arg5 : memref<128xi32, #tpu.memory_space<vmem>>) target_semaphore(%run_scoped3A : memref<!tpu.dma_semaphore, #tpu.memory_space<semaphore_mem>>)
      %dma_wait3A_161 = tpu.memref_slice %arg3[%add3A_112] : memref<65536xi32, #tpu.memory_space<hbm>> -> memref<128xi32, #tpu.memory_space<hbm>>
      %dma_wait3A_162 = tpu.memref_slice %arg3[%add3A_112] : memref<65536xi32, #tpu.memory_space<hbm>> -> memref<128xi32, #tpu.memory_space<hbm>>
      tpu.wait_dma2 semaphore(%run_scoped3A : memref<!tpu.dma_semaphore, #tpu.memory_space<semaphore_mem>>) src(%dma_wait3A_162 : memref<128xi32, #tpu.memory_space<hbm>>) dst(%arg5 : memref<128xi32, #tpu.memory_space<vmem>>)
      tpu.yield
    }) : () -> ()
    %dma_start3A_113 = arith.constant 0 : i32
    %dma_start3A_114 = arith.constant 0 : i32
    %dma_start3A_115 = tpu.memref_slice %arg2[%dma_start3A_113, %dma_start3A_114] : memref<4096x128xf32, #tpu.memory_space<hbm>> -> memref<4096x128xf32, #tpu.memory_space<hbm>>
    tpu.enqueue_indirect_dma source(%dma_start3A_115 : memref<4096x128xf32, #tpu.memory_space<hbm>>) target(%arg6 : memref<128x128xf32, #tpu.memory_space<vmem>>) offsets(%arg5 : memref<128xi32, #tpu.memory_space<vmem>>) semaphore(%arg7 : memref<!tpu.dma_semaphore, #tpu.memory_space<semaphore_mem>>)
    %dma_wait3A_116 = arith.constant 0 : i32
    %dma_wait3A_117 = arith.constant 0 : i32
    %dma_wait3A_118 = tpu.memref_slice %arg2[%dma_wait3A_116, %dma_wait3A_117] : memref<4096x128xf32, #tpu.memory_space<hbm>> -> memref<4096x128xf32, #tpu.memory_space<hbm>>
    tpu.wait_indirect_dma semaphore(%arg7 : memref<!tpu.dma_semaphore, #tpu.memory_space<semaphore_mem>>) src(%dma_wait3A_118 : memref<4096x128xf32, #tpu.memory_space<hbm>>) dst(%arg6 : memref<128x128xf32, #tpu.memory_space<vmem>>)
    "tpu.region"() ({
      %run_scoped3A = tpu.sem_alloc : memref<!tpu.dma_semaphore, #tpu.memory_space<semaphore_mem>>
      %dma_start3A_159 = arith.constant 0 : i32
      %dma_start3A_160 = tpu.memref_slice %arg4[%add3A_112, %dma_start3A_159] : memref<65536x128xf32, #tpu.memory_space<hbm>> -> memref<128x128xf32, #tpu.memory_space<hbm>>
      %dma_start3A_161 = arith.constant 0 : i32
      %dma_start3A_162 = tpu.memref_slice %arg4[%add3A_112, %dma_start3A_161] : memref<65536x128xf32, #tpu.memory_space<hbm>> -> memref<128x128xf32, #tpu.memory_space<hbm>>
      tpu.enqueue_dma source(%arg6 : memref<128x128xf32, #tpu.memory_space<vmem>>) target(%dma_start3A_162 : memref<128x128xf32, #tpu.memory_space<hbm>>) target_semaphore(%run_scoped3A : memref<!tpu.dma_semaphore, #tpu.memory_space<semaphore_mem>>)
      %dma_wait3A_163 = arith.constant 0 : i32
      %dma_wait3A_164 = tpu.memref_slice %arg4[%add3A_112, %dma_wait3A_163] : memref<65536x128xf32, #tpu.memory_space<hbm>> -> memref<128x128xf32, #tpu.memory_space<hbm>>
      %dma_wait3A_165 = arith.constant 0 : i32
      %dma_wait3A_166 = tpu.memref_slice %arg4[%add3A_112, %dma_wait3A_165] : memref<65536x128xf32, #tpu.memory_space<hbm>> -> memref<128x128xf32, #tpu.memory_space<hbm>>
      tpu.wait_dma2 semaphore(%run_scoped3A : memref<!tpu.dma_semaphore, #tpu.memory_space<semaphore_mem>>) src(%arg6 : memref<128x128xf32, #tpu.memory_space<vmem>>) dst(%dma_wait3A_166 : memref<128x128xf32, #tpu.memory_space<hbm>>)
      tpu.yield
    }) : () -> ()
    %mul3A_119 = arith.constant 2048 : i32
    %mul3A_120 = arith.muli %add3A, %mul3A_119 : i32
    %add3A_121 = arith.constant 1536 : i32
    %add3A_122 = arith.addi %mul3A_120, %add3A_121 : i32
    "tpu.region"() ({
      %run_scoped3A = tpu.sem_alloc : memref<!tpu.dma_semaphore, #tpu.memory_space<semaphore_mem>>
      %dma_start3A_159 = tpu.memref_slice %arg3[%add3A_122] : memref<65536xi32, #tpu.memory_space<hbm>> -> memref<128xi32, #tpu.memory_space<hbm>>
      %dma_start3A_160 = tpu.memref_slice %arg3[%add3A_122] : memref<65536xi32, #tpu.memory_space<hbm>> -> memref<128xi32, #tpu.memory_space<hbm>>
      tpu.enqueue_dma source(%dma_start3A_160 : memref<128xi32, #tpu.memory_space<hbm>>) target(%arg5 : memref<128xi32, #tpu.memory_space<vmem>>) target_semaphore(%run_scoped3A : memref<!tpu.dma_semaphore, #tpu.memory_space<semaphore_mem>>)
      %dma_wait3A_161 = tpu.memref_slice %arg3[%add3A_122] : memref<65536xi32, #tpu.memory_space<hbm>> -> memref<128xi32, #tpu.memory_space<hbm>>
      %dma_wait3A_162 = tpu.memref_slice %arg3[%add3A_122] : memref<65536xi32, #tpu.memory_space<hbm>> -> memref<128xi32, #tpu.memory_space<hbm>>
      tpu.wait_dma2 semaphore(%run_scoped3A : memref<!tpu.dma_semaphore, #tpu.memory_space<semaphore_mem>>) src(%dma_wait3A_162 : memref<128xi32, #tpu.memory_space<hbm>>) dst(%arg5 : memref<128xi32, #tpu.memory_space<vmem>>)
      tpu.yield
    }) : () -> ()
    %dma_start3A_123 = arith.constant 0 : i32
    %dma_start3A_124 = arith.constant 0 : i32
    %dma_start3A_125 = tpu.memref_slice %arg2[%dma_start3A_123, %dma_start3A_124] : memref<4096x128xf32, #tpu.memory_space<hbm>> -> memref<4096x128xf32, #tpu.memory_space<hbm>>
    tpu.enqueue_indirect_dma source(%dma_start3A_125 : memref<4096x128xf32, #tpu.memory_space<hbm>>) target(%arg6 : memref<128x128xf32, #tpu.memory_space<vmem>>) offsets(%arg5 : memref<128xi32, #tpu.memory_space<vmem>>) semaphore(%arg7 : memref<!tpu.dma_semaphore, #tpu.memory_space<semaphore_mem>>)
    %dma_wait3A_126 = arith.constant 0 : i32
    %dma_wait3A_127 = arith.constant 0 : i32
    %dma_wait3A_128 = tpu.memref_slice %arg2[%dma_wait3A_126, %dma_wait3A_127] : memref<4096x128xf32, #tpu.memory_space<hbm>> -> memref<4096x128xf32, #tpu.memory_space<hbm>>
    tpu.wait_indirect_dma semaphore(%arg7 : memref<!tpu.dma_semaphore, #tpu.memory_space<semaphore_mem>>) src(%dma_wait3A_128 : memref<4096x128xf32, #tpu.memory_space<hbm>>) dst(%arg6 : memref<128x128xf32, #tpu.memory_space<vmem>>)
    "tpu.region"() ({
      %run_scoped3A = tpu.sem_alloc : memref<!tpu.dma_semaphore, #tpu.memory_space<semaphore_mem>>
      %dma_start3A_159 = arith.constant 0 : i32
      %dma_start3A_160 = tpu.memref_slice %arg4[%add3A_122, %dma_start3A_159] : memref<65536x128xf32, #tpu.memory_space<hbm>> -> memref<128x128xf32, #tpu.memory_space<hbm>>
      %dma_start3A_161 = arith.constant 0 : i32
      %dma_start3A_162 = tpu.memref_slice %arg4[%add3A_122, %dma_start3A_161] : memref<65536x128xf32, #tpu.memory_space<hbm>> -> memref<128x128xf32, #tpu.memory_space<hbm>>
      tpu.enqueue_dma source(%arg6 : memref<128x128xf32, #tpu.memory_space<vmem>>) target(%dma_start3A_162 : memref<128x128xf32, #tpu.memory_space<hbm>>) target_semaphore(%run_scoped3A : memref<!tpu.dma_semaphore, #tpu.memory_space<semaphore_mem>>)
      %dma_wait3A_163 = arith.constant 0 : i32
      %dma_wait3A_164 = tpu.memref_slice %arg4[%add3A_122, %dma_wait3A_163] : memref<65536x128xf32, #tpu.memory_space<hbm>> -> memref<128x128xf32, #tpu.memory_space<hbm>>
      %dma_wait3A_165 = arith.constant 0 : i32
      %dma_wait3A_166 = tpu.memref_slice %arg4[%add3A_122, %dma_wait3A_165] : memref<65536x128xf32, #tpu.memory_space<hbm>> -> memref<128x128xf32, #tpu.memory_space<hbm>>
      tpu.wait_dma2 semaphore(%run_scoped3A : memref<!tpu.dma_semaphore, #tpu.memory_space<semaphore_mem>>) src(%arg6 : memref<128x128xf32, #tpu.memory_space<vmem>>) dst(%dma_wait3A_166 : memref<128x128xf32, #tpu.memory_space<hbm>>)
      tpu.yield
    }) : () -> ()
    %mul3A_129 = arith.constant 2048 : i32
    %mul3A_130 = arith.muli %add3A, %mul3A_129 : i32
    %add3A_131 = arith.constant 1664 : i32
    %add3A_132 = arith.addi %mul3A_130, %add3A_131 : i32
    "tpu.region"() ({
      %run_scoped3A = tpu.sem_alloc : memref<!tpu.dma_semaphore, #tpu.memory_space<semaphore_mem>>
      %dma_start3A_159 = tpu.memref_slice %arg3[%add3A_132] : memref<65536xi32, #tpu.memory_space<hbm>> -> memref<128xi32, #tpu.memory_space<hbm>>
      %dma_start3A_160 = tpu.memref_slice %arg3[%add3A_132] : memref<65536xi32, #tpu.memory_space<hbm>> -> memref<128xi32, #tpu.memory_space<hbm>>
      tpu.enqueue_dma source(%dma_start3A_160 : memref<128xi32, #tpu.memory_space<hbm>>) target(%arg5 : memref<128xi32, #tpu.memory_space<vmem>>) target_semaphore(%run_scoped3A : memref<!tpu.dma_semaphore, #tpu.memory_space<semaphore_mem>>)
      %dma_wait3A_161 = tpu.memref_slice %arg3[%add3A_132] : memref<65536xi32, #tpu.memory_space<hbm>> -> memref<128xi32, #tpu.memory_space<hbm>>
      %dma_wait3A_162 = tpu.memref_slice %arg3[%add3A_132] : memref<65536xi32, #tpu.memory_space<hbm>> -> memref<128xi32, #tpu.memory_space<hbm>>
      tpu.wait_dma2 semaphore(%run_scoped3A : memref<!tpu.dma_semaphore, #tpu.memory_space<semaphore_mem>>) src(%dma_wait3A_162 : memref<128xi32, #tpu.memory_space<hbm>>) dst(%arg5 : memref<128xi32, #tpu.memory_space<vmem>>)
      tpu.yield
    }) : () -> ()
    %dma_start3A_133 = arith.constant 0 : i32
    %dma_start3A_134 = arith.constant 0 : i32
    %dma_start3A_135 = tpu.memref_slice %arg2[%dma_start3A_133, %dma_start3A_134] : memref<4096x128xf32, #tpu.memory_space<hbm>> -> memref<4096x128xf32, #tpu.memory_space<hbm>>
    tpu.enqueue_indirect_dma source(%dma_start3A_135 : memref<4096x128xf32, #tpu.memory_space<hbm>>) target(%arg6 : memref<128x128xf32, #tpu.memory_space<vmem>>) offsets(%arg5 : memref<128xi32, #tpu.memory_space<vmem>>) semaphore(%arg7 : memref<!tpu.dma_semaphore, #tpu.memory_space<semaphore_mem>>)
    %dma_wait3A_136 = arith.constant 0 : i32
    %dma_wait3A_137 = arith.constant 0 : i32
    %dma_wait3A_138 = tpu.memref_slice %arg2[%dma_wait3A_136, %dma_wait3A_137] : memref<4096x128xf32, #tpu.memory_space<hbm>> -> memref<4096x128xf32, #tpu.memory_space<hbm>>
    tpu.wait_indirect_dma semaphore(%arg7 : memref<!tpu.dma_semaphore, #tpu.memory_space<semaphore_mem>>) src(%dma_wait3A_138 : memref<4096x128xf32, #tpu.memory_space<hbm>>) dst(%arg6 : memref<128x128xf32, #tpu.memory_space<vmem>>)
    "tpu.region"() ({
      %run_scoped3A = tpu.sem_alloc : memref<!tpu.dma_semaphore, #tpu.memory_space<semaphore_mem>>
      %dma_start3A_159 = arith.constant 0 : i32
      %dma_start3A_160 = tpu.memref_slice %arg4[%add3A_132, %dma_start3A_159] : memref<65536x128xf32, #tpu.memory_space<hbm>> -> memref<128x128xf32, #tpu.memory_space<hbm>>
      %dma_start3A_161 = arith.constant 0 : i32
      %dma_start3A_162 = tpu.memref_slice %arg4[%add3A_132, %dma_start3A_161] : memref<65536x128xf32, #tpu.memory_space<hbm>> -> memref<128x128xf32, #tpu.memory_space<hbm>>
      tpu.enqueue_dma source(%arg6 : memref<128x128xf32, #tpu.memory_space<vmem>>) target(%dma_start3A_162 : memref<128x128xf32, #tpu.memory_space<hbm>>) target_semaphore(%run_scoped3A : memref<!tpu.dma_semaphore, #tpu.memory_space<semaphore_mem>>)
      %dma_wait3A_163 = arith.constant 0 : i32
      %dma_wait3A_164 = tpu.memref_slice %arg4[%add3A_132, %dma_wait3A_163] : memref<65536x128xf32, #tpu.memory_space<hbm>> -> memref<128x128xf32, #tpu.memory_space<hbm>>
      %dma_wait3A_165 = arith.constant 0 : i32
      %dma_wait3A_166 = tpu.memref_slice %arg4[%add3A_132, %dma_wait3A_165] : memref<65536x128xf32, #tpu.memory_space<hbm>> -> memref<128x128xf32, #tpu.memory_space<hbm>>
      tpu.wait_dma2 semaphore(%run_scoped3A : memref<!tpu.dma_semaphore, #tpu.memory_space<semaphore_mem>>) src(%arg6 : memref<128x128xf32, #tpu.memory_space<vmem>>) dst(%dma_wait3A_166 : memref<128x128xf32, #tpu.memory_space<hbm>>)
      tpu.yield
    }) : () -> ()
    %mul3A_139 = arith.constant 2048 : i32
    %mul3A_140 = arith.muli %add3A, %mul3A_139 : i32
    %add3A_141 = arith.constant 1792 : i32
    %add3A_142 = arith.addi %mul3A_140, %add3A_141 : i32
    "tpu.region"() ({
      %run_scoped3A = tpu.sem_alloc : memref<!tpu.dma_semaphore, #tpu.memory_space<semaphore_mem>>
      %dma_start3A_159 = tpu.memref_slice %arg3[%add3A_142] : memref<65536xi32, #tpu.memory_space<hbm>> -> memref<128xi32, #tpu.memory_space<hbm>>
      %dma_start3A_160 = tpu.memref_slice %arg3[%add3A_142] : memref<65536xi32, #tpu.memory_space<hbm>> -> memref<128xi32, #tpu.memory_space<hbm>>
      tpu.enqueue_dma source(%dma_start3A_160 : memref<128xi32, #tpu.memory_space<hbm>>) target(%arg5 : memref<128xi32, #tpu.memory_space<vmem>>) target_semaphore(%run_scoped3A : memref<!tpu.dma_semaphore, #tpu.memory_space<semaphore_mem>>)
      %dma_wait3A_161 = tpu.memref_slice %arg3[%add3A_142] : memref<65536xi32, #tpu.memory_space<hbm>> -> memref<128xi32, #tpu.memory_space<hbm>>
      %dma_wait3A_162 = tpu.memref_slice %arg3[%add3A_142] : memref<65536xi32, #tpu.memory_space<hbm>> -> memref<128xi32, #tpu.memory_space<hbm>>
      tpu.wait_dma2 semaphore(%run_scoped3A : memref<!tpu.dma_semaphore, #tpu.memory_space<semaphore_mem>>) src(%dma_wait3A_162 : memref<128xi32, #tpu.memory_space<hbm>>) dst(%arg5 : memref<128xi32, #tpu.memory_space<vmem>>)
      tpu.yield
    }) : () -> ()
    %dma_start3A_143 = arith.constant 0 : i32
    %dma_start3A_144 = arith.constant 0 : i32
    %dma_start3A_145 = tpu.memref_slice %arg2[%dma_start3A_143, %dma_start3A_144] : memref<4096x128xf32, #tpu.memory_space<hbm>> -> memref<4096x128xf32, #tpu.memory_space<hbm>>
    tpu.enqueue_indirect_dma source(%dma_start3A_145 : memref<4096x128xf32, #tpu.memory_space<hbm>>) target(%arg6 : memref<128x128xf32, #tpu.memory_space<vmem>>) offsets(%arg5 : memref<128xi32, #tpu.memory_space<vmem>>) semaphore(%arg7 : memref<!tpu.dma_semaphore, #tpu.memory_space<semaphore_mem>>)
    %dma_wait3A_146 = arith.constant 0 : i32
    %dma_wait3A_147 = arith.constant 0 : i32
    %dma_wait3A_148 = tpu.memref_slice %arg2[%dma_wait3A_146, %dma_wait3A_147] : memref<4096x128xf32, #tpu.memory_space<hbm>> -> memref<4096x128xf32, #tpu.memory_space<hbm>>
    tpu.wait_indirect_dma semaphore(%arg7 : memref<!tpu.dma_semaphore, #tpu.memory_space<semaphore_mem>>) src(%dma_wait3A_148 : memref<4096x128xf32, #tpu.memory_space<hbm>>) dst(%arg6 : memref<128x128xf32, #tpu.memory_space<vmem>>)
    "tpu.region"() ({
      %run_scoped3A = tpu.sem_alloc : memref<!tpu.dma_semaphore, #tpu.memory_space<semaphore_mem>>
      %dma_start3A_159 = arith.constant 0 : i32
      %dma_start3A_160 = tpu.memref_slice %arg4[%add3A_142, %dma_start3A_159] : memref<65536x128xf32, #tpu.memory_space<hbm>> -> memref<128x128xf32, #tpu.memory_space<hbm>>
      %dma_start3A_161 = arith.constant 0 : i32
      %dma_start3A_162 = tpu.memref_slice %arg4[%add3A_142, %dma_start3A_161] : memref<65536x128xf32, #tpu.memory_space<hbm>> -> memref<128x128xf32, #tpu.memory_space<hbm>>
      tpu.enqueue_dma source(%arg6 : memref<128x128xf32, #tpu.memory_space<vmem>>) target(%dma_start3A_162 : memref<128x128xf32, #tpu.memory_space<hbm>>) target_semaphore(%run_scoped3A : memref<!tpu.dma_semaphore, #tpu.memory_space<semaphore_mem>>)
      %dma_wait3A_163 = arith.constant 0 : i32
      %dma_wait3A_164 = tpu.memref_slice %arg4[%add3A_142, %dma_wait3A_163] : memref<65536x128xf32, #tpu.memory_space<hbm>> -> memref<128x128xf32, #tpu.memory_space<hbm>>
      %dma_wait3A_165 = arith.constant 0 : i32
      %dma_wait3A_166 = tpu.memref_slice %arg4[%add3A_142, %dma_wait3A_165] : memref<65536x128xf32, #tpu.memory_space<hbm>> -> memref<128x128xf32, #tpu.memory_space<hbm>>
      tpu.wait_dma2 semaphore(%run_scoped3A : memref<!tpu.dma_semaphore, #tpu.memory_space<semaphore_mem>>) src(%arg6 : memref<128x128xf32, #tpu.memory_space<vmem>>) dst(%dma_wait3A_166 : memref<128x128xf32, #tpu.memory_space<hbm>>)
      tpu.yield
    }) : () -> ()
    %mul3A_149 = arith.constant 2048 : i32
    %mul3A_150 = arith.muli %add3A, %mul3A_149 : i32
    %add3A_151 = arith.constant 1920 : i32
    %add3A_152 = arith.addi %mul3A_150, %add3A_151 : i32
    "tpu.region"() ({
      %run_scoped3A = tpu.sem_alloc : memref<!tpu.dma_semaphore, #tpu.memory_space<semaphore_mem>>
      %dma_start3A_159 = tpu.memref_slice %arg3[%add3A_152] : memref<65536xi32, #tpu.memory_space<hbm>> -> memref<128xi32, #tpu.memory_space<hbm>>
      %dma_start3A_160 = tpu.memref_slice %arg3[%add3A_152] : memref<65536xi32, #tpu.memory_space<hbm>> -> memref<128xi32, #tpu.memory_space<hbm>>
      tpu.enqueue_dma source(%dma_start3A_160 : memref<128xi32, #tpu.memory_space<hbm>>) target(%arg5 : memref<128xi32, #tpu.memory_space<vmem>>) target_semaphore(%run_scoped3A : memref<!tpu.dma_semaphore, #tpu.memory_space<semaphore_mem>>)
      %dma_wait3A_161 = tpu.memref_slice %arg3[%add3A_152] : memref<65536xi32, #tpu.memory_space<hbm>> -> memref<128xi32, #tpu.memory_space<hbm>>
      %dma_wait3A_162 = tpu.memref_slice %arg3[%add3A_152] : memref<65536xi32, #tpu.memory_space<hbm>> -> memref<128xi32, #tpu.memory_space<hbm>>
      tpu.wait_dma2 semaphore(%run_scoped3A : memref<!tpu.dma_semaphore, #tpu.memory_space<semaphore_mem>>) src(%dma_wait3A_162 : memref<128xi32, #tpu.memory_space<hbm>>) dst(%arg5 : memref<128xi32, #tpu.memory_space<vmem>>)
      tpu.yield
    }) : () -> ()
    %dma_start3A_153 = arith.constant 0 : i32
    %dma_start3A_154 = arith.constant 0 : i32
    %dma_start3A_155 = tpu.memref_slice %arg2[%dma_start3A_153, %dma_start3A_154] : memref<4096x128xf32, #tpu.memory_space<hbm>> -> memref<4096x128xf32, #tpu.memory_space<hbm>>
    tpu.enqueue_indirect_dma source(%dma_start3A_155 : memref<4096x128xf32, #tpu.memory_space<hbm>>) target(%arg6 : memref<128x128xf32, #tpu.memory_space<vmem>>) offsets(%arg5 : memref<128xi32, #tpu.memory_space<vmem>>) semaphore(%arg7 : memref<!tpu.dma_semaphore, #tpu.memory_space<semaphore_mem>>)
    %dma_wait3A_156 = arith.constant 0 : i32
    %dma_wait3A_157 = arith.constant 0 : i32
    %dma_wait3A_158 = tpu.memref_slice %arg2[%dma_wait3A_156, %dma_wait3A_157] : memref<4096x128xf32, #tpu.memory_space<hbm>> -> memref<4096x128xf32, #tpu.memory_space<hbm>>
    tpu.wait_indirect_dma semaphore(%arg7 : memref<!tpu.dma_semaphore, #tpu.memory_space<semaphore_mem>>) src(%dma_wait3A_158 : memref<4096x128xf32, #tpu.memory_space<hbm>>) dst(%arg6 : memref<128x128xf32, #tpu.memory_space<vmem>>)
    "tpu.region"() ({
      %run_scoped3A = tpu.sem_alloc : memref<!tpu.dma_semaphore, #tpu.memory_space<semaphore_mem>>
      %dma_start3A_159 = arith.constant 0 : i32
      %dma_start3A_160 = tpu.memref_slice %arg4[%add3A_152, %dma_start3A_159] : memref<65536x128xf32, #tpu.memory_space<hbm>> -> memref<128x128xf32, #tpu.memory_space<hbm>>
      %dma_start3A_161 = arith.constant 0 : i32
      %dma_start3A_162 = tpu.memref_slice %arg4[%add3A_152, %dma_start3A_161] : memref<65536x128xf32, #tpu.memory_space<hbm>> -> memref<128x128xf32, #tpu.memory_space<hbm>>
      tpu.enqueue_dma source(%arg6 : memref<128x128xf32, #tpu.memory_space<vmem>>) target(%dma_start3A_162 : memref<128x128xf32, #tpu.memory_space<hbm>>) target_semaphore(%run_scoped3A : memref<!tpu.dma_semaphore, #tpu.memory_space<semaphore_mem>>)
      %dma_wait3A_163 = arith.constant 0 : i32
      %dma_wait3A_164 = tpu.memref_slice %arg4[%add3A_152, %dma_wait3A_163] : memref<65536x128xf32, #tpu.memory_space<hbm>> -> memref<128x128xf32, #tpu.memory_space<hbm>>
      %dma_wait3A_165 = arith.constant 0 : i32
      %dma_wait3A_166 = tpu.memref_slice %arg4[%add3A_152, %dma_wait3A_165] : memref<65536x128xf32, #tpu.memory_space<hbm>> -> memref<128x128xf32, #tpu.memory_space<hbm>>
      tpu.wait_dma2 semaphore(%run_scoped3A : memref<!tpu.dma_semaphore, #tpu.memory_space<semaphore_mem>>) src(%arg6 : memref<128x128xf32, #tpu.memory_space<vmem>>) dst(%dma_wait3A_166 : memref<128x128xf32, #tpu.memory_space<hbm>>)
      tpu.yield
    }) : () -> ()
    return
  }
}

module attributes {stable_mosaic.version = 14 : i64} {
  func.func @_fps_body(%arg0: memref<6x16x128xf32, #tpu.memory_space<vmem>>, %arg1: memref<6x2048xf32, #tpu.memory_space<smem>>, %arg2: memref<2x512xi32, #tpu.memory_space<smem>>) attributes {dimension_semantics = [], scalar_prefetch = 0 : i64, scratch_operands = 0 : i64, tpu.core_type = #tpu.core_type<tc>} {
    %get3A = arith.constant 0 : index
    %get3A_0 = arith.constant 0 : index
    %get3A_1 = arith.constant 0 : index
    %get3A_2 = vector.load %arg0[%get3A, %get3A_0, %get3A_1] : memref<6x16x128xf32, #tpu.memory_space<vmem>>, vector<1x16x128xf32>
    %get3A_3 = vector.shape_cast %get3A_2 : vector<1x16x128xf32> to vector<16x128xf32>
    %get3A_4 = arith.constant 1 : index
    %get3A_5 = arith.constant 0 : index
    %get3A_6 = arith.constant 0 : index
    %get3A_7 = vector.load %arg0[%get3A_4, %get3A_5, %get3A_6] : memref<6x16x128xf32, #tpu.memory_space<vmem>>, vector<1x16x128xf32>
    %get3A_8 = vector.shape_cast %get3A_7 : vector<1x16x128xf32> to vector<16x128xf32>
    %get3A_9 = arith.constant 2 : index
    %get3A_10 = arith.constant 0 : index
    %get3A_11 = arith.constant 0 : index
    %get3A_12 = vector.load %arg0[%get3A_9, %get3A_10, %get3A_11] : memref<6x16x128xf32, #tpu.memory_space<vmem>>, vector<1x16x128xf32>
    %get3A_13 = vector.shape_cast %get3A_12 : vector<1x16x128xf32> to vector<16x128xf32>
    %get3A_14 = arith.constant 3 : index
    %get3A_15 = arith.constant 0 : index
    %get3A_16 = arith.constant 0 : index
    %get3A_17 = vector.load %arg0[%get3A_14, %get3A_15, %get3A_16] : memref<6x16x128xf32, #tpu.memory_space<vmem>>, vector<1x16x128xf32>
    %get3A_18 = vector.shape_cast %get3A_17 : vector<1x16x128xf32> to vector<16x128xf32>
    %get3A_19 = arith.constant 4 : index
    %get3A_20 = arith.constant 0 : index
    %get3A_21 = arith.constant 0 : index
    %get3A_22 = vector.load %arg0[%get3A_19, %get3A_20, %get3A_21] : memref<6x16x128xf32, #tpu.memory_space<vmem>>, vector<1x16x128xf32>
    %get3A_23 = vector.shape_cast %get3A_22 : vector<1x16x128xf32> to vector<16x128xf32>
    %get3A_24 = arith.constant 5 : index
    %get3A_25 = arith.constant 0 : index
    %get3A_26 = arith.constant 0 : index
    %get3A_27 = vector.load %arg0[%get3A_24, %get3A_25, %get3A_26] : memref<6x16x128xf32, #tpu.memory_space<vmem>>, vector<1x16x128xf32>
    %get3A_28 = vector.shape_cast %get3A_27 : vector<1x16x128xf32> to vector<16x128xf32>
    %broadcast_in_dim3A = arith.constant 1.000000e+10 : f32
    %broadcast_in_dim3A_29 = vector.broadcast %broadcast_in_dim3A : f32 to vector<16x128xf32>
    %broadcast_in_dim3A_30 = arith.constant 1.000000e+10 : f32
    %broadcast_in_dim3A_31 = vector.broadcast %broadcast_in_dim3A_30 : f32 to vector<16x128xf32>
    %scan3A = arith.constant 0 : i32
    %scan3A_32 = arith.constant 0 : i32
    %scan3A_33 = arith.constant 0 : i32
    %scan3A_34 = arith.constant 512 : i32
    %scan3A_35 = arith.addi %scan3A_33, %scan3A_34 : i32
    %scan3A_36 = arith.constant 1 : i32
    %scan3A_37:4 = scf.for %scan3A_39 = %scan3A_33 to %scan3A_35 step %scan3A_36 iter_args(%scan3A_40 = %broadcast_in_dim3A_29, %scan3A_41 = %scan3A, %scan3A_42 = %broadcast_in_dim3A_31, %scan3A_43 = %scan3A_32) -> (vector<16x128xf32>, i32, vector<16x128xf32>, i32)  : i32 {
      %swap3A = arith.constant 0 : index
      %swap3A_44 = arith.index_cast %scan3A_39 : i32 to index
      %swap3A_45 = memref.load %arg2[%swap3A, %swap3A_44] : memref<2x512xi32, #tpu.memory_space<smem>>
      memref.store %scan3A_41, %arg2[%swap3A, %swap3A_44] : memref<2x512xi32, #tpu.memory_space<smem>>
      %get3A_46 = arith.constant 0 : index
      %get3A_47 = arith.index_cast %scan3A_41 : i32 to index
      %get3A_48 = memref.load %arg1[%get3A_46, %get3A_47] : memref<6x2048xf32, #tpu.memory_space<smem>>
      %get3A_49 = arith.constant 1 : index
      %get3A_50 = arith.index_cast %scan3A_41 : i32 to index
      %get3A_51 = memref.load %arg1[%get3A_49, %get3A_50] : memref<6x2048xf32, #tpu.memory_space<smem>>
      %get3A_52 = arith.constant 2 : index
      %get3A_53 = arith.index_cast %scan3A_41 : i32 to index
      %get3A_54 = memref.load %arg1[%get3A_52, %get3A_53] : memref<6x2048xf32, #tpu.memory_space<smem>>
      %sub3A = vector.broadcast %get3A_48 : f32 to vector<16x128xf32>
      %sub3A_55 = arith.subf %get3A_3, %sub3A : vector<16x128xf32>
      %integer_pow3A = arith.mulf %sub3A_55, %sub3A_55 : vector<16x128xf32>
      %sub3A_56 = vector.broadcast %get3A_51 : f32 to vector<16x128xf32>
      %sub3A_57 = arith.subf %get3A_8, %sub3A_56 : vector<16x128xf32>
      %integer_pow3A_58 = arith.mulf %sub3A_57, %sub3A_57 : vector<16x128xf32>
      %add3A = arith.addf %integer_pow3A, %integer_pow3A_58 : vector<16x128xf32>
      %sub3A_59 = vector.broadcast %get3A_54 : f32 to vector<16x128xf32>
      %sub3A_60 = arith.subf %get3A_13, %sub3A_59 : vector<16x128xf32>
      %integer_pow3A_61 = arith.mulf %sub3A_60, %sub3A_60 : vector<16x128xf32>
      %add3A_62 = arith.addf %add3A, %integer_pow3A_61 : vector<16x128xf32>
      %min3A = arith.minimumf %scan3A_40, %add3A_62 : vector<16x128xf32>
      %reduce_max3A = arith.constant dense<0xFF800000> : vector<16xf32>
      %reduce_max3A_63 = vector.multi_reduction <maximumf>, %min3A, %reduce_max3A [1] : vector<16x128xf32> to vector<16xf32>
      %broadcast_in_dim3A_64 = vector.shape_cast %reduce_max3A_63 : vector<16xf32> to vector<16x1xf32>
      %argmax3A = tpu.reduce_index %min3A {axis = 1 : i32, kind = #tpu.reduction_kind<arg_max>} : vector<16x128xf32> -> vector<16xi32>
      %broadcast_in_dim3A_65 = vector.shape_cast %argmax3A : vector<16xi32> to vector<16x1xi32>
      %reduce_max3A_66 = vector.shape_cast %broadcast_in_dim3A_64 : vector<16x1xf32> to vector<1x16x1xf32>
      %reduce_max3A_67 = arith.constant dense<0xFF800000> : vector<1xf32>
      %reduce_max3A_68 = vector.multi_reduction <maximumf>, %reduce_max3A_66, %reduce_max3A_67 [1, 2] : vector<1x16x1xf32> to vector<1xf32>
      %reduce_max3A_69 = vector.shape_cast %reduce_max3A_68 : vector<1xf32> to vector<1x1x1xf32>
      %reduce_max3A_70 = vector.extract %reduce_max3A_69[0, 0, 0] : f32 from vector<1x1x1xf32>
      %iota3A = tpu.iota {dimensions = array<i32: 0>} : vector<16x1xi32>
      %eq3A = vector.broadcast %reduce_max3A_70 : f32 to vector<16x1xf32>
      %eq3A_71 = arith.cmpf oeq, %broadcast_in_dim3A_64, %eq3A : vector<16x1xf32>
      %jit3A = arith.constant 16 : i32
      %broadcast_in_dim3A_72 = vector.broadcast %jit3A : i32 to vector<16x1xi32>
      %select_n3A = arith.select %eq3A_71, %iota3A, %broadcast_in_dim3A_72 : vector<16x1xi1>, vector<16x1xi32>
      %reduce_min3A = vector.shape_cast %select_n3A : vector<16x1xi32> to vector<1x16x1xi32>
      %reduce_min3A_73 = arith.constant dense<2147483647> : vector<1xi32>
      %reduce_min3A_74 = vector.multi_reduction <minsi>, %reduce_min3A, %reduce_min3A_73 [1, 2] : vector<1x16x1xi32> to vector<1xi32>
      %reduce_min3A_75 = vector.shape_cast %reduce_min3A_74 : vector<1xi32> to vector<1x1x1xi32>
      %reduce_min3A_76 = vector.extract %reduce_min3A_75[0, 0, 0] : i32 from vector<1x1x1xi32>
      %mul3A = arith.constant 128 : i32
      %mul3A_77 = arith.muli %reduce_min3A_76, %mul3A : i32
      %eq3A_78 = vector.broadcast %reduce_min3A_76 : i32 to vector<16x1xi32>
      %eq3A_79 = arith.cmpi eq, %iota3A, %eq3A_78 : vector<16x1xi32>
      %jit3A_80 = arith.constant 0 : i32
      %broadcast_in_dim3A_81 = vector.broadcast %jit3A_80 : i32 to vector<16x1xi32>
      %select_n3A_82 = arith.select %eq3A_79, %broadcast_in_dim3A_65, %broadcast_in_dim3A_81 : vector<16x1xi1>, vector<16x1xi32>
      %reduce_sum3A = vector.shape_cast %select_n3A_82 : vector<16x1xi32> to vector<1x16x1xi32>
      %reduce_sum3A_83 = arith.constant dense<0> : vector<1xi32>
      %reduce_sum3A_84 = vector.multi_reduction <add>, %reduce_sum3A, %reduce_sum3A_83 [1, 2] : vector<1x16x1xi32> to vector<1xi32>
      %reduce_sum3A_85 = vector.shape_cast %reduce_sum3A_84 : vector<1xi32> to vector<1x1x1xi32>
      %reduce_sum3A_86 = vector.extract %reduce_sum3A_85[0, 0, 0] : i32 from vector<1x1x1xi32>
      %add3A_87 = arith.addi %mul3A_77, %reduce_sum3A_86 : i32
      %swap3A_88 = arith.constant 1 : index
      %swap3A_89 = arith.index_cast %scan3A_39 : i32 to index
      %swap3A_90 = memref.load %arg2[%swap3A_88, %swap3A_89] : memref<2x512xi32, #tpu.memory_space<smem>>
      memref.store %scan3A_43, %arg2[%swap3A_88, %swap3A_89] : memref<2x512xi32, #tpu.memory_space<smem>>
      %get3A_91 = arith.constant 3 : index
      %get3A_92 = arith.index_cast %scan3A_43 : i32 to index
      %get3A_93 = memref.load %arg1[%get3A_91, %get3A_92] : memref<6x2048xf32, #tpu.memory_space<smem>>
      %get3A_94 = arith.constant 4 : index
      %get3A_95 = arith.index_cast %scan3A_43 : i32 to index
      %get3A_96 = memref.load %arg1[%get3A_94, %get3A_95] : memref<6x2048xf32, #tpu.memory_space<smem>>
      %get3A_97 = arith.constant 5 : index
      %get3A_98 = arith.index_cast %scan3A_43 : i32 to index
      %get3A_99 = memref.load %arg1[%get3A_97, %get3A_98] : memref<6x2048xf32, #tpu.memory_space<smem>>
      %sub3A_100 = vector.broadcast %get3A_93 : f32 to vector<16x128xf32>
      %sub3A_101 = arith.subf %get3A_18, %sub3A_100 : vector<16x128xf32>
      %integer_pow3A_102 = arith.mulf %sub3A_101, %sub3A_101 : vector<16x128xf32>
      %sub3A_103 = vector.broadcast %get3A_96 : f32 to vector<16x128xf32>
      %sub3A_104 = arith.subf %get3A_23, %sub3A_103 : vector<16x128xf32>
      %integer_pow3A_105 = arith.mulf %sub3A_104, %sub3A_104 : vector<16x128xf32>
      %add3A_106 = arith.addf %integer_pow3A_102, %integer_pow3A_105 : vector<16x128xf32>
      %sub3A_107 = vector.broadcast %get3A_99 : f32 to vector<16x128xf32>
      %sub3A_108 = arith.subf %get3A_28, %sub3A_107 : vector<16x128xf32>
      %integer_pow3A_109 = arith.mulf %sub3A_108, %sub3A_108 : vector<16x128xf32>
      %add3A_110 = arith.addf %add3A_106, %integer_pow3A_109 : vector<16x128xf32>
      %min3A_111 = arith.minimumf %scan3A_42, %add3A_110 : vector<16x128xf32>
      %reduce_max3A_112 = arith.constant dense<0xFF800000> : vector<16xf32>
      %reduce_max3A_113 = vector.multi_reduction <maximumf>, %min3A_111, %reduce_max3A_112 [1] : vector<16x128xf32> to vector<16xf32>
      %broadcast_in_dim3A_114 = vector.shape_cast %reduce_max3A_113 : vector<16xf32> to vector<16x1xf32>
      %argmax3A_115 = tpu.reduce_index %min3A_111 {axis = 1 : i32, kind = #tpu.reduction_kind<arg_max>} : vector<16x128xf32> -> vector<16xi32>
      %broadcast_in_dim3A_116 = vector.shape_cast %argmax3A_115 : vector<16xi32> to vector<16x1xi32>
      %reduce_max3A_117 = vector.shape_cast %broadcast_in_dim3A_114 : vector<16x1xf32> to vector<1x16x1xf32>
      %reduce_max3A_118 = arith.constant dense<0xFF800000> : vector<1xf32>
      %reduce_max3A_119 = vector.multi_reduction <maximumf>, %reduce_max3A_117, %reduce_max3A_118 [1, 2] : vector<1x16x1xf32> to vector<1xf32>
      %reduce_max3A_120 = vector.shape_cast %reduce_max3A_119 : vector<1xf32> to vector<1x1x1xf32>
      %reduce_max3A_121 = vector.extract %reduce_max3A_120[0, 0, 0] : f32 from vector<1x1x1xf32>
      %iota3A_122 = tpu.iota {dimensions = array<i32: 0>} : vector<16x1xi32>
      %eq3A_123 = vector.broadcast %reduce_max3A_121 : f32 to vector<16x1xf32>
      %eq3A_124 = arith.cmpf oeq, %broadcast_in_dim3A_114, %eq3A_123 : vector<16x1xf32>
      %jit3A_125 = arith.constant 16 : i32
      %broadcast_in_dim3A_126 = vector.broadcast %jit3A_125 : i32 to vector<16x1xi32>
      %select_n3A_127 = arith.select %eq3A_124, %iota3A_122, %broadcast_in_dim3A_126 : vector<16x1xi1>, vector<16x1xi32>
      %reduce_min3A_128 = vector.shape_cast %select_n3A_127 : vector<16x1xi32> to vector<1x16x1xi32>
      %reduce_min3A_129 = arith.constant dense<2147483647> : vector<1xi32>
      %reduce_min3A_130 = vector.multi_reduction <minsi>, %reduce_min3A_128, %reduce_min3A_129 [1, 2] : vector<1x16x1xi32> to vector<1xi32>
      %reduce_min3A_131 = vector.shape_cast %reduce_min3A_130 : vector<1xi32> to vector<1x1x1xi32>
      %reduce_min3A_132 = vector.extract %reduce_min3A_131[0, 0, 0] : i32 from vector<1x1x1xi32>
      %mul3A_133 = arith.constant 128 : i32
      %mul3A_134 = arith.muli %reduce_min3A_132, %mul3A_133 : i32
      %eq3A_135 = vector.broadcast %reduce_min3A_132 : i32 to vector<16x1xi32>
      %eq3A_136 = arith.cmpi eq, %iota3A_122, %eq3A_135 : vector<16x1xi32>
      %jit3A_137 = arith.constant 0 : i32
      %broadcast_in_dim3A_138 = vector.broadcast %jit3A_137 : i32 to vector<16x1xi32>
      %select_n3A_139 = arith.select %eq3A_136, %broadcast_in_dim3A_116, %broadcast_in_dim3A_138 : vector<16x1xi1>, vector<16x1xi32>
      %reduce_sum3A_140 = vector.shape_cast %select_n3A_139 : vector<16x1xi32> to vector<1x16x1xi32>
      %reduce_sum3A_141 = arith.constant dense<0> : vector<1xi32>
      %reduce_sum3A_142 = vector.multi_reduction <add>, %reduce_sum3A_140, %reduce_sum3A_141 [1, 2] : vector<1x16x1xi32> to vector<1xi32>
      %reduce_sum3A_143 = vector.shape_cast %reduce_sum3A_142 : vector<1xi32> to vector<1x1x1xi32>
      %reduce_sum3A_144 = vector.extract %reduce_sum3A_143[0, 0, 0] : i32 from vector<1x1x1xi32>
      %add3A_145 = arith.addi %mul3A_134, %reduce_sum3A_144 : i32
      scf.yield %min3A, %add3A_87, %min3A_111, %add3A_145 : vector<16x128xf32>, i32, vector<16x128xf32>, i32
    }
    %scan3A_38 = arith.constant 512 : i32
    return
  }
}

module attributes {stable_mosaic.version = 14 : i64} {
  func.func @_kvp_body(%arg0: i32, %arg1: memref<512x128xf32, #tpu.memory_space<vmem>>, %arg2: memref<512x16xf32, #tpu.memory_space<vmem>>, %arg3: memref<128x64xf32, #tpu.memory_space<vmem>>, %arg4: memref<1x64xf32, #tpu.memory_space<vmem>>, %arg5: memref<128x64xf32, #tpu.memory_space<vmem>>, %arg6: memref<1x64xf32, #tpu.memory_space<vmem>>, %arg7: memref<512x128xf32, #tpu.memory_space<vmem>>) attributes {dimension_semantics = [#tpu.dimension_semantics<arbitrary>], iteration_bounds = array<i64: 8>, scalar_prefetch = 0 : i64, scratch_operands = 0 : i64, tpu.core_type = #tpu.core_type<tc>, window_params = [{transform_indices = @transform_0, window_bounds = array<i64: 512, 128>}, {transform_indices = @transform_1, window_bounds = array<i64: 512, 16>}, {pipeline_mode = #tpu.pipeline_mode<synchronous>, transform_indices = @transform_2, window_bounds = array<i64: 128, 64>}, {pipeline_mode = #tpu.pipeline_mode<synchronous>, transform_indices = @transform_3, window_bounds = array<i64: 1, 64>}, {pipeline_mode = #tpu.pipeline_mode<synchronous>, transform_indices = @transform_4, window_bounds = array<i64: 128, 64>}, {pipeline_mode = #tpu.pipeline_mode<synchronous>, transform_indices = @transform_5, window_bounds = array<i64: 1, 64>}, {transform_indices = @transform_6, window_bounds = array<i64: 512, 128>}]} {
    %get3A = arith.constant 0 : index
    %get3A_0 = arith.constant 0 : index
    %get3A_1 = vector.load %arg1[%get3A, %get3A_0] : memref<512x128xf32, #tpu.memory_space<vmem>>, vector<512x128xf32>
    %get3A_2 = arith.constant 0 : index
    %get3A_3 = arith.constant 0 : index
    %get3A_4 = vector.load %arg3[%get3A_2, %get3A_3] : memref<128x64xf32, #tpu.memory_space<vmem>>, vector<128x64xf32>
    %dot_general3A = arith.constant dense<0.000000e+00> : vector<512x64xf32>
    %dot_general3A_5 = tpu.matmul %get3A_1, %get3A_4, %dot_general3A {dimension_numbers = #tpu.dot_dimension_numbers<[1], [0], [0], [1], [0, 0, 1, 1], [], []>, transpose_lhs_hint = false} : vector<512x128xf32>, vector<128x64xf32>, vector<512x64xf32> -> vector<512x64xf32>
    %get3A_6 = arith.constant 0 : index
    %get3A_7 = arith.constant 0 : index
    %get3A_8 = vector.load %arg4[%get3A_6, %get3A_7] : memref<1x64xf32, #tpu.memory_space<vmem>>, vector<1x64xf32>
    %add3A = vector.broadcast %get3A_8 : vector<1x64xf32> to vector<512x64xf32>
    %add3A_9 = arith.addf %dot_general3A_5, %add3A : vector<512x64xf32>
    %get3A_10 = arith.constant 0 : index
    %get3A_11 = arith.constant 0 : index
    %get3A_12 = vector.load %arg5[%get3A_10, %get3A_11] : memref<128x64xf32, #tpu.memory_space<vmem>>, vector<128x64xf32>
    %dot_general3A_13 = arith.constant dense<0.000000e+00> : vector<512x64xf32>
    %dot_general3A_14 = tpu.matmul %get3A_1, %get3A_12, %dot_general3A_13 {dimension_numbers = #tpu.dot_dimension_numbers<[1], [0], [0], [1], [0, 0, 1, 1], [], []>, transpose_lhs_hint = false} : vector<512x128xf32>, vector<128x64xf32>, vector<512x64xf32> -> vector<512x64xf32>
    %get3A_15 = arith.constant 0 : index
    %get3A_16 = arith.constant 0 : index
    %get3A_17 = vector.load %arg6[%get3A_15, %get3A_16] : memref<1x64xf32, #tpu.memory_space<vmem>>, vector<1x64xf32>
    %add3A_18 = vector.broadcast %get3A_17 : vector<1x64xf32> to vector<512x64xf32>
    %add3A_19 = arith.addf %dot_general3A_14, %add3A_18 : vector<512x64xf32>
    %bitcast_convert_type3A = tpu.bitcast %add3A_9 : vector<512x64xf32> -> vector<512x64xi32>
    %bitcast_convert_type3A_20 = tpu.bitcast %add3A_19 : vector<512x64xf32> -> vector<512x64xi32>
    %add3A_21 = arith.constant 32767 : i32
    %add3A_22 = vector.broadcast %add3A_21 : i32 to vector<512x64xi32>
    %add3A_23 = arith.addi %bitcast_convert_type3A, %add3A_22 : vector<512x64xi32>
    %shift_right_arithmetic3A = arith.constant 16 : i32
    %shift_right_arithmetic3A_24 = vector.broadcast %shift_right_arithmetic3A : i32 to vector<512x64xi32>
    %shift_right_arithmetic3A_25 = arith.shrsi %bitcast_convert_type3A, %shift_right_arithmetic3A_24 : vector<512x64xi32>
    %and3A = arith.constant 1 : i32
    %and3A_26 = vector.broadcast %and3A : i32 to vector<512x64xi32>
    %and3A_27 = arith.andi %shift_right_arithmetic3A_25, %and3A_26 : vector<512x64xi32>
    %add3A_28 = arith.addi %add3A_23, %and3A_27 : vector<512x64xi32>
    %shift_right_arithmetic3A_29 = arith.constant 16 : i32
    %shift_right_arithmetic3A_30 = vector.broadcast %shift_right_arithmetic3A_29 : i32 to vector<512x64xi32>
    %shift_right_arithmetic3A_31 = arith.shrsi %add3A_28, %shift_right_arithmetic3A_30 : vector<512x64xi32>
    %add3A_32 = arith.constant 32767 : i32
    %add3A_33 = vector.broadcast %add3A_32 : i32 to vector<512x64xi32>
    %add3A_34 = arith.addi %bitcast_convert_type3A_20, %add3A_33 : vector<512x64xi32>
    %shift_right_arithmetic3A_35 = arith.constant 16 : i32
    %shift_right_arithmetic3A_36 = vector.broadcast %shift_right_arithmetic3A_35 : i32 to vector<512x64xi32>
    %shift_right_arithmetic3A_37 = arith.shrsi %bitcast_convert_type3A_20, %shift_right_arithmetic3A_36 : vector<512x64xi32>
    %and3A_38 = arith.constant 1 : i32
    %and3A_39 = vector.broadcast %and3A_38 : i32 to vector<512x64xi32>
    %and3A_40 = arith.andi %shift_right_arithmetic3A_37, %and3A_39 : vector<512x64xi32>
    %add3A_41 = arith.addi %add3A_34, %and3A_40 : vector<512x64xi32>
    %shift_right_arithmetic3A_42 = arith.constant 16 : i32
    %shift_right_arithmetic3A_43 = vector.broadcast %shift_right_arithmetic3A_42 : i32 to vector<512x64xi32>
    %shift_right_arithmetic3A_44 = arith.shrsi %add3A_41, %shift_right_arithmetic3A_43 : vector<512x64xi32>
    %and3A_45 = arith.constant 65535 : i32
    %and3A_46 = vector.broadcast %and3A_45 : i32 to vector<512x64xi32>
    %and3A_47 = arith.andi %shift_right_arithmetic3A_31, %and3A_46 : vector<512x64xi32>
    %shift_left3A = arith.constant 16 : i32
    %shift_left3A_48 = vector.broadcast %shift_left3A : i32 to vector<512x64xi32>
    %shift_left3A_49 = arith.shli %shift_right_arithmetic3A_44, %shift_left3A_48 : vector<512x64xi32>
    %or3A = arith.ori %and3A_47, %shift_left3A_49 : vector<512x64xi32>
    %bitcast_convert_type3A_50 = tpu.bitcast %or3A : vector<512x64xi32> -> vector<512x64xf32>
    %get3A_51 = arith.constant 0 : index
    %get3A_52 = arith.constant 0 : index
    %get3A_53 = vector.load %arg2[%get3A_51, %get3A_52] : memref<512x16xf32, #tpu.memory_space<vmem>>, vector<512x16xf32>
    %broadcast_in_dim3A = arith.constant 0.000000e+00 : f32
    %broadcast_in_dim3A_54 = vector.broadcast %broadcast_in_dim3A : f32 to vector<512x48xf32>
    %concatenate3A = tpu.concatenate %bitcast_convert_type3A_50, %get3A_53, %broadcast_in_dim3A_54 in 1 : vector<512x64xf32>, vector<512x16xf32>, vector<512x48xf32> -> vector<512x128xf32>
    %swap3A = arith.constant 0 : index
    %swap3A_55 = arith.constant 0 : index
    %swap3A_56 = vector.load %arg7[%swap3A, %swap3A_55] : memref<512x128xf32, #tpu.memory_space<vmem>>, vector<512x128xf32>
    tpu.vector_store %arg7[%swap3A, %swap3A_55], %concatenate3A {strides = array<i32>} : memref<512x128xf32, #tpu.memory_space<vmem>>, vector<512x128xf32>,
    return
  }
  func.func @transform_0(%arg0: i32) -> (i32, i32) {
    %c0_i32 = arith.constant 0 : i32
    %c0_i32_0 = arith.constant 0 : i32
    return %arg0, %c0_i32 : i32, i32
  }
  func.func @transform_1(%arg0: i32) -> (i32, i32) {
    %c0_i32 = arith.constant 0 : i32
    %c0_i32_0 = arith.constant 0 : i32
    return %arg0, %c0_i32 : i32, i32
  }
  func.func @transform_2(%arg0: i32) -> (i32, i32) {
    %c0_i32 = arith.constant 0 : i32
    %c0_i32_0 = arith.constant 0 : i32
    %c0_i32_1 = arith.constant 0 : i32
    return %c0_i32, %c0_i32_0 : i32, i32
  }
  func.func @transform_3(%arg0: i32) -> (i32, i32) {
    %c0_i32 = arith.constant 0 : i32
    %c0_i32_0 = arith.constant 0 : i32
    %c0_i32_1 = arith.constant 0 : i32
    return %c0_i32, %c0_i32_0 : i32, i32
  }
  func.func @transform_4(%arg0: i32) -> (i32, i32) {
    %c0_i32 = arith.constant 0 : i32
    %c0_i32_0 = arith.constant 0 : i32
    %c0_i32_1 = arith.constant 0 : i32
    return %c0_i32, %c0_i32_0 : i32, i32
  }
  func.func @transform_5(%arg0: i32) -> (i32, i32) {
    %c0_i32 = arith.constant 0 : i32
    %c0_i32_0 = arith.constant 0 : i32
    %c0_i32_1 = arith.constant 0 : i32
    return %c0_i32, %c0_i32_0 : i32, i32
  }
  func.func @transform_6(%arg0: i32) -> (i32, i32) {
    %c0_i32 = arith.constant 0 : i32
    %c0_i32_0 = arith.constant 0 : i32
    return %arg0, %c0_i32 : i32, i32
  }
}

module attributes {stable_mosaic.version = 14 : i64} {
  func.func @_knn_body(%arg0: i32, %arg1: i32, %arg2: memref<1x256x16xf32, #tpu.memory_space<vmem>>, %arg3: memref<1x16x2048xf32, #tpu.memory_space<vmem>>, %arg4: memref<1x256x8xi32, #tpu.memory_space<vmem>>, %arg5: memref<1x256x8xf32, #tpu.memory_space<vmem>>) attributes {dimension_semantics = [#tpu.dimension_semantics<arbitrary>, #tpu.dimension_semantics<arbitrary>], iteration_bounds = array<i64: 2, 1>, scalar_prefetch = 0 : i64, scratch_operands = 0 : i64, tpu.core_type = #tpu.core_type<tc>, window_params = [{transform_indices = @transform_0, window_bounds = array<i64: 1, 256, 16>}, {transform_indices = @transform_1, window_bounds = array<i64: 1, 16, 2048>}, {transform_indices = @transform_2, window_bounds = array<i64: 1, 256, 8>}, {transform_indices = @transform_3, window_bounds = array<i64: 1, 256, 8>}]} {
    %get3A = arith.constant 0 : index
    %get3A_0 = arith.constant 0 : index
    %get3A_1 = arith.constant 0 : index
    %get3A_2 = vector.load %arg2[%get3A, %get3A_0, %get3A_1] : memref<1x256x16xf32, #tpu.memory_space<vmem>>, vector<1x256x16xf32>
    %get3A_3 = vector.shape_cast %get3A_2 : vector<1x256x16xf32> to vector<256x16xf32>
    %get3A_4 = arith.constant 0 : index
    %get3A_5 = arith.constant 0 : index
    %get3A_6 = arith.constant 0 : index
    %get3A_7 = vector.load %arg3[%get3A_4, %get3A_5, %get3A_6] : memref<1x16x2048xf32, #tpu.memory_space<vmem>>, vector<1x16x2048xf32>
    %get3A_8 = vector.shape_cast %get3A_7 : vector<1x16x2048xf32> to vector<16x2048xf32>
    %dot_general3A = arith.constant dense<0.000000e+00> : vector<256x2048xf32>
    %dot_general3A_9 = tpu.matmul %get3A_3, %get3A_8, %dot_general3A {dimension_numbers = #tpu.dot_dimension_numbers<[1], [0], [0], [1], [0, 0, 1, 1], [], []>, transpose_lhs_hint = false} : vector<256x16xf32>, vector<16x2048xf32>, vector<256x2048xf32> -> vector<256x2048xf32>
    %mul3A = arith.mulf %get3A_3, %get3A_3 : vector<256x16xf32>
    %reduce_sum3A = arith.constant dense<0.000000e+00> : vector<256xf32>
    %reduce_sum3A_10 = vector.multi_reduction <add>, %mul3A, %reduce_sum3A [1] : vector<256x16xf32> to vector<256xf32>
    %broadcast_in_dim3A = vector.shape_cast %reduce_sum3A_10 : vector<256xf32> to vector<256x1xf32>
    %mul3A_11 = arith.mulf %get3A_8, %get3A_8 : vector<16x2048xf32>
    %reduce_sum3A_12 = arith.constant dense<0.000000e+00> : vector<2048xf32>
    %reduce_sum3A_13 = vector.multi_reduction <add>, %mul3A_11, %reduce_sum3A_12 [0] : vector<16x2048xf32> to vector<2048xf32>
    %broadcast_in_dim3A_14 = vector.shape_cast %reduce_sum3A_13 : vector<2048xf32> to vector<1x2048xf32>
    %mul3A_15 = arith.constant -2.000000e+00 : f32
    %mul3A_16 = vector.broadcast %mul3A_15 : f32 to vector<256x2048xf32>
    %mul3A_17 = arith.mulf %mul3A_16, %dot_general3A_9 : vector<256x2048xf32>
    %add3A = vector.broadcast %broadcast_in_dim3A : vector<256x1xf32> to vector<256x2048xf32>
    %add3A_18 = arith.addf %mul3A_17, %add3A : vector<256x2048xf32>
    %add3A_19 = vector.broadcast %broadcast_in_dim3A_14 : vector<1x2048xf32> to vector<256x2048xf32>
    %add3A_20 = arith.addf %add3A_18, %add3A_19 : vector<256x2048xf32>
    %iota3A = tpu.iota {dimensions = array<i32: 1>} : vector<256x2048xi32>
    %iota3A_21 = tpu.iota {dimensions = array<i32: 1>} : vector<256x8xi32>
    %broadcast_in_dim3A_22 = arith.constant 0 : i32
    %broadcast_in_dim3A_23 = vector.broadcast %broadcast_in_dim3A_22 : i32 to vector<256x8xi32>
    %broadcast_in_dim3A_24 = arith.constant 0.000000e+00 : f32
    %broadcast_in_dim3A_25 = vector.broadcast %broadcast_in_dim3A_24 : f32 to vector<256x8xf32>
    %reduce_min3A = arith.constant dense<0x7F800000> : vector<256xf32>
    %reduce_min3A_26 = vector.multi_reduction <minimumf>, %add3A_20, %reduce_min3A [1] : vector<256x2048xf32> to vector<256xf32>
    %broadcast_in_dim3A_27 = vector.shape_cast %reduce_min3A_26 : vector<256xf32> to vector<256x1xf32>
    %eq3A = vector.broadcast %broadcast_in_dim3A_27 : vector<256x1xf32> to vector<256x2048xf32>
    %eq3A_28 = arith.cmpf oeq, %add3A_20, %eq3A : vector<256x2048xf32>
    %jit3A = arith.constant 2048 : i32
    %broadcast_in_dim3A_29 = vector.broadcast %jit3A : i32 to vector<256x2048xi32>
    %select_n3A = arith.select %eq3A_28, %iota3A, %broadcast_in_dim3A_29 : vector<256x2048xi1>, vector<256x2048xi32>
    %reduce_min3A_30 = arith.constant dense<2147483647> : vector<256xi32>
    %reduce_min3A_31 = vector.multi_reduction <minsi>, %select_n3A, %reduce_min3A_30 [1] : vector<256x2048xi32> to vector<256xi32>
    %eq3A_32 = arith.constant 0 : i32
    %eq3A_33 = vector.broadcast %eq3A_32 : i32 to vector<256x8xi32>
    %eq3A_34 = arith.cmpi eq, %iota3A_21, %eq3A_33 : vector<256x8xi32>
    %broadcast_in_dim3A_35 = vector.shape_cast %reduce_min3A_31 : vector<256xi32> to vector<256x1xi32>
    %broadcast_in_dim3A_36 = vector.shape_cast %broadcast_in_dim3A_35 : vector<256x1xi32> to vector<256x1xi32>
    %broadcast_in_dim3A_37 = vector.broadcast %broadcast_in_dim3A_36 : vector<256x1xi32> to vector<256x8xi32>
    %select_n3A_38 = arith.select %eq3A_34, %broadcast_in_dim3A_37, %broadcast_in_dim3A_23 : vector<256x8xi1>, vector<256x8xi32>
    %eq3A_39 = arith.constant 0 : i32
    %eq3A_40 = vector.broadcast %eq3A_39 : i32 to vector<256x8xi32>
    %eq3A_41 = arith.cmpi eq, %iota3A_21, %eq3A_40 : vector<256x8xi32>
    %broadcast_in_dim3A_42 = vector.shape_cast %reduce_min3A_26 : vector<256xf32> to vector<256x1xf32>
    %broadcast_in_dim3A_43 = vector.shape_cast %broadcast_in_dim3A_42 : vector<256x1xf32> to vector<256x1xf32>
    %broadcast_in_dim3A_44 = vector.broadcast %broadcast_in_dim3A_43 : vector<256x1xf32> to vector<256x8xf32>
    %select_n3A_45 = arith.select %eq3A_41, %broadcast_in_dim3A_44, %broadcast_in_dim3A_25 : vector<256x8xi1>, vector<256x8xf32>
    %broadcast_in_dim3A_46 = vector.shape_cast %reduce_min3A_31 : vector<256xi32> to vector<256x1xi32>
    %eq3A_47 = vector.broadcast %broadcast_in_dim3A_46 : vector<256x1xi32> to vector<256x2048xi32>
    %eq3A_48 = arith.cmpi eq, %iota3A, %eq3A_47 : vector<256x2048xi32>
    %jit3A_49 = arith.constant 0x7F800000 : f32
    %broadcast_in_dim3A_50 = vector.broadcast %jit3A_49 : f32 to vector<256x2048xf32>
    %select_n3A_51 = arith.select %eq3A_48, %broadcast_in_dim3A_50, %add3A_20 : vector<256x2048xi1>, vector<256x2048xf32>
    %reduce_min3A_52 = arith.constant dense<0x7F800000> : vector<256xf32>
    %reduce_min3A_53 = vector.multi_reduction <minimumf>, %select_n3A_51, %reduce_min3A_52 [1] : vector<256x2048xf32> to vector<256xf32>
    %broadcast_in_dim3A_54 = vector.shape_cast %reduce_min3A_53 : vector<256xf32> to vector<256x1xf32>
    %eq3A_55 = vector.broadcast %broadcast_in_dim3A_54 : vector<256x1xf32> to vector<256x2048xf32>
    %eq3A_56 = arith.cmpf oeq, %select_n3A_51, %eq3A_55 : vector<256x2048xf32>
    %jit3A_57 = arith.constant 2048 : i32
    %broadcast_in_dim3A_58 = vector.broadcast %jit3A_57 : i32 to vector<256x2048xi32>
    %select_n3A_59 = arith.select %eq3A_56, %iota3A, %broadcast_in_dim3A_58 : vector<256x2048xi1>, vector<256x2048xi32>
    %reduce_min3A_60 = arith.constant dense<2147483647> : vector<256xi32>
    %reduce_min3A_61 = vector.multi_reduction <minsi>, %select_n3A_59, %reduce_min3A_60 [1] : vector<256x2048xi32> to vector<256xi32>
    %eq3A_62 = arith.constant 1 : i32
    %eq3A_63 = vector.broadcast %eq3A_62 : i32 to vector<256x8xi32>
    %eq3A_64 = arith.cmpi eq, %iota3A_21, %eq3A_63 : vector<256x8xi32>
    %broadcast_in_dim3A_65 = vector.shape_cast %reduce_min3A_61 : vector<256xi32> to vector<256x1xi32>
    %broadcast_in_dim3A_66 = vector.shape_cast %broadcast_in_dim3A_65 : vector<256x1xi32> to vector<256x1xi32>
    %broadcast_in_dim3A_67 = vector.broadcast %broadcast_in_dim3A_66 : vector<256x1xi32> to vector<256x8xi32>
    %select_n3A_68 = arith.select %eq3A_64, %broadcast_in_dim3A_67, %select_n3A_38 : vector<256x8xi1>, vector<256x8xi32>
    %eq3A_69 = arith.constant 1 : i32
    %eq3A_70 = vector.broadcast %eq3A_69 : i32 to vector<256x8xi32>
    %eq3A_71 = arith.cmpi eq, %iota3A_21, %eq3A_70 : vector<256x8xi32>
    %broadcast_in_dim3A_72 = vector.shape_cast %reduce_min3A_53 : vector<256xf32> to vector<256x1xf32>
    %broadcast_in_dim3A_73 = vector.shape_cast %broadcast_in_dim3A_72 : vector<256x1xf32> to vector<256x1xf32>
    %broadcast_in_dim3A_74 = vector.broadcast %broadcast_in_dim3A_73 : vector<256x1xf32> to vector<256x8xf32>
    %select_n3A_75 = arith.select %eq3A_71, %broadcast_in_dim3A_74, %select_n3A_45 : vector<256x8xi1>, vector<256x8xf32>
    %broadcast_in_dim3A_76 = vector.shape_cast %reduce_min3A_61 : vector<256xi32> to vector<256x1xi32>
    %eq3A_77 = vector.broadcast %broadcast_in_dim3A_76 : vector<256x1xi32> to vector<256x2048xi32>
    %eq3A_78 = arith.cmpi eq, %iota3A, %eq3A_77 : vector<256x2048xi32>
    %jit3A_79 = arith.constant 0x7F800000 : f32
    %broadcast_in_dim3A_80 = vector.broadcast %jit3A_79 : f32 to vector<256x2048xf32>
    %select_n3A_81 = arith.select %eq3A_78, %broadcast_in_dim3A_80, %select_n3A_51 : vector<256x2048xi1>, vector<256x2048xf32>
    %reduce_min3A_82 = arith.constant dense<0x7F800000> : vector<256xf32>
    %reduce_min3A_83 = vector.multi_reduction <minimumf>, %select_n3A_81, %reduce_min3A_82 [1] : vector<256x2048xf32> to vector<256xf32>
    %broadcast_in_dim3A_84 = vector.shape_cast %reduce_min3A_83 : vector<256xf32> to vector<256x1xf32>
    %eq3A_85 = vector.broadcast %broadcast_in_dim3A_84 : vector<256x1xf32> to vector<256x2048xf32>
    %eq3A_86 = arith.cmpf oeq, %select_n3A_81, %eq3A_85 : vector<256x2048xf32>
    %jit3A_87 = arith.constant 2048 : i32
    %broadcast_in_dim3A_88 = vector.broadcast %jit3A_87 : i32 to vector<256x2048xi32>
    %select_n3A_89 = arith.select %eq3A_86, %iota3A, %broadcast_in_dim3A_88 : vector<256x2048xi1>, vector<256x2048xi32>
    %reduce_min3A_90 = arith.constant dense<2147483647> : vector<256xi32>
    %reduce_min3A_91 = vector.multi_reduction <minsi>, %select_n3A_89, %reduce_min3A_90 [1] : vector<256x2048xi32> to vector<256xi32>
    %eq3A_92 = arith.constant 2 : i32
    %eq3A_93 = vector.broadcast %eq3A_92 : i32 to vector<256x8xi32>
    %eq3A_94 = arith.cmpi eq, %iota3A_21, %eq3A_93 : vector<256x8xi32>
    %broadcast_in_dim3A_95 = vector.shape_cast %reduce_min3A_91 : vector<256xi32> to vector<256x1xi32>
    %broadcast_in_dim3A_96 = vector.shape_cast %broadcast_in_dim3A_95 : vector<256x1xi32> to vector<256x1xi32>
    %broadcast_in_dim3A_97 = vector.broadcast %broadcast_in_dim3A_96 : vector<256x1xi32> to vector<256x8xi32>
    %select_n3A_98 = arith.select %eq3A_94, %broadcast_in_dim3A_97, %select_n3A_68 : vector<256x8xi1>, vector<256x8xi32>
    %eq3A_99 = arith.constant 2 : i32
    %eq3A_100 = vector.broadcast %eq3A_99 : i32 to vector<256x8xi32>
    %eq3A_101 = arith.cmpi eq, %iota3A_21, %eq3A_100 : vector<256x8xi32>
    %broadcast_in_dim3A_102 = vector.shape_cast %reduce_min3A_83 : vector<256xf32> to vector<256x1xf32>
    %broadcast_in_dim3A_103 = vector.shape_cast %broadcast_in_dim3A_102 : vector<256x1xf32> to vector<256x1xf32>
    %broadcast_in_dim3A_104 = vector.broadcast %broadcast_in_dim3A_103 : vector<256x1xf32> to vector<256x8xf32>
    %select_n3A_105 = arith.select %eq3A_101, %broadcast_in_dim3A_104, %select_n3A_75 : vector<256x8xi1>, vector<256x8xf32>
    %broadcast_in_dim3A_106 = vector.shape_cast %reduce_min3A_91 : vector<256xi32> to vector<256x1xi32>
    %eq3A_107 = vector.broadcast %broadcast_in_dim3A_106 : vector<256x1xi32> to vector<256x2048xi32>
    %eq3A_108 = arith.cmpi eq, %iota3A, %eq3A_107 : vector<256x2048xi32>
    %jit3A_109 = arith.constant 0x7F800000 : f32
    %broadcast_in_dim3A_110 = vector.broadcast %jit3A_109 : f32 to vector<256x2048xf32>
    %select_n3A_111 = arith.select %eq3A_108, %broadcast_in_dim3A_110, %select_n3A_81 : vector<256x2048xi1>, vector<256x2048xf32>
    %reduce_min3A_112 = arith.constant dense<0x7F800000> : vector<256xf32>
    %reduce_min3A_113 = vector.multi_reduction <minimumf>, %select_n3A_111, %reduce_min3A_112 [1] : vector<256x2048xf32> to vector<256xf32>
    %broadcast_in_dim3A_114 = vector.shape_cast %reduce_min3A_113 : vector<256xf32> to vector<256x1xf32>
    %eq3A_115 = vector.broadcast %broadcast_in_dim3A_114 : vector<256x1xf32> to vector<256x2048xf32>
    %eq3A_116 = arith.cmpf oeq, %select_n3A_111, %eq3A_115 : vector<256x2048xf32>
    %jit3A_117 = arith.constant 2048 : i32
    %broadcast_in_dim3A_118 = vector.broadcast %jit3A_117 : i32 to vector<256x2048xi32>
    %select_n3A_119 = arith.select %eq3A_116, %iota3A, %broadcast_in_dim3A_118 : vector<256x2048xi1>, vector<256x2048xi32>
    %reduce_min3A_120 = arith.constant dense<2147483647> : vector<256xi32>
    %reduce_min3A_121 = vector.multi_reduction <minsi>, %select_n3A_119, %reduce_min3A_120 [1] : vector<256x2048xi32> to vector<256xi32>
    %eq3A_122 = arith.constant 3 : i32
    %eq3A_123 = vector.broadcast %eq3A_122 : i32 to vector<256x8xi32>
    %eq3A_124 = arith.cmpi eq, %iota3A_21, %eq3A_123 : vector<256x8xi32>
    %broadcast_in_dim3A_125 = vector.shape_cast %reduce_min3A_121 : vector<256xi32> to vector<256x1xi32>
    %broadcast_in_dim3A_126 = vector.shape_cast %broadcast_in_dim3A_125 : vector<256x1xi32> to vector<256x1xi32>
    %broadcast_in_dim3A_127 = vector.broadcast %broadcast_in_dim3A_126 : vector<256x1xi32> to vector<256x8xi32>
    %select_n3A_128 = arith.select %eq3A_124, %broadcast_in_dim3A_127, %select_n3A_98 : vector<256x8xi1>, vector<256x8xi32>
    %eq3A_129 = arith.constant 3 : i32
    %eq3A_130 = vector.broadcast %eq3A_129 : i32 to vector<256x8xi32>
    %eq3A_131 = arith.cmpi eq, %iota3A_21, %eq3A_130 : vector<256x8xi32>
    %broadcast_in_dim3A_132 = vector.shape_cast %reduce_min3A_113 : vector<256xf32> to vector<256x1xf32>
    %broadcast_in_dim3A_133 = vector.shape_cast %broadcast_in_dim3A_132 : vector<256x1xf32> to vector<256x1xf32>
    %broadcast_in_dim3A_134 = vector.broadcast %broadcast_in_dim3A_133 : vector<256x1xf32> to vector<256x8xf32>
    %select_n3A_135 = arith.select %eq3A_131, %broadcast_in_dim3A_134, %select_n3A_105 : vector<256x8xi1>, vector<256x8xf32>
    %broadcast_in_dim3A_136 = vector.shape_cast %reduce_min3A_121 : vector<256xi32> to vector<256x1xi32>
    %eq3A_137 = vector.broadcast %broadcast_in_dim3A_136 : vector<256x1xi32> to vector<256x2048xi32>
    %eq3A_138 = arith.cmpi eq, %iota3A, %eq3A_137 : vector<256x2048xi32>
    %jit3A_139 = arith.constant 0x7F800000 : f32
    %broadcast_in_dim3A_140 = vector.broadcast %jit3A_139 : f32 to vector<256x2048xf32>
    %select_n3A_141 = arith.select %eq3A_138, %broadcast_in_dim3A_140, %select_n3A_111 : vector<256x2048xi1>, vector<256x2048xf32>
    %reduce_min3A_142 = arith.constant dense<0x7F800000> : vector<256xf32>
    %reduce_min3A_143 = vector.multi_reduction <minimumf>, %select_n3A_141, %reduce_min3A_142 [1] : vector<256x2048xf32> to vector<256xf32>
    %broadcast_in_dim3A_144 = vector.shape_cast %reduce_min3A_143 : vector<256xf32> to vector<256x1xf32>
    %eq3A_145 = vector.broadcast %broadcast_in_dim3A_144 : vector<256x1xf32> to vector<256x2048xf32>
    %eq3A_146 = arith.cmpf oeq, %select_n3A_141, %eq3A_145 : vector<256x2048xf32>
    %jit3A_147 = arith.constant 2048 : i32
    %broadcast_in_dim3A_148 = vector.broadcast %jit3A_147 : i32 to vector<256x2048xi32>
    %select_n3A_149 = arith.select %eq3A_146, %iota3A, %broadcast_in_dim3A_148 : vector<256x2048xi1>, vector<256x2048xi32>
    %reduce_min3A_150 = arith.constant dense<2147483647> : vector<256xi32>
    %reduce_min3A_151 = vector.multi_reduction <minsi>, %select_n3A_149, %reduce_min3A_150 [1] : vector<256x2048xi32> to vector<256xi32>
    %eq3A_152 = arith.constant 4 : i32
    %eq3A_153 = vector.broadcast %eq3A_152 : i32 to vector<256x8xi32>
    %eq3A_154 = arith.cmpi eq, %iota3A_21, %eq3A_153 : vector<256x8xi32>
    %broadcast_in_dim3A_155 = vector.shape_cast %reduce_min3A_151 : vector<256xi32> to vector<256x1xi32>
    %broadcast_in_dim3A_156 = vector.shape_cast %broadcast_in_dim3A_155 : vector<256x1xi32> to vector<256x1xi32>
    %broadcast_in_dim3A_157 = vector.broadcast %broadcast_in_dim3A_156 : vector<256x1xi32> to vector<256x8xi32>
    %select_n3A_158 = arith.select %eq3A_154, %broadcast_in_dim3A_157, %select_n3A_128 : vector<256x8xi1>, vector<256x8xi32>
    %eq3A_159 = arith.constant 4 : i32
    %eq3A_160 = vector.broadcast %eq3A_159 : i32 to vector<256x8xi32>
    %eq3A_161 = arith.cmpi eq, %iota3A_21, %eq3A_160 : vector<256x8xi32>
    %broadcast_in_dim3A_162 = vector.shape_cast %reduce_min3A_143 : vector<256xf32> to vector<256x1xf32>
    %broadcast_in_dim3A_163 = vector.shape_cast %broadcast_in_dim3A_162 : vector<256x1xf32> to vector<256x1xf32>
    %broadcast_in_dim3A_164 = vector.broadcast %broadcast_in_dim3A_163 : vector<256x1xf32> to vector<256x8xf32>
    %select_n3A_165 = arith.select %eq3A_161, %broadcast_in_dim3A_164, %select_n3A_135 : vector<256x8xi1>, vector<256x8xf32>
    %broadcast_in_dim3A_166 = vector.shape_cast %reduce_min3A_151 : vector<256xi32> to vector<256x1xi32>
    %eq3A_167 = vector.broadcast %broadcast_in_dim3A_166 : vector<256x1xi32> to vector<256x2048xi32>
    %eq3A_168 = arith.cmpi eq, %iota3A, %eq3A_167 : vector<256x2048xi32>
    %jit3A_169 = arith.constant 0x7F800000 : f32
    %broadcast_in_dim3A_170 = vector.broadcast %jit3A_169 : f32 to vector<256x2048xf32>
    %select_n3A_171 = arith.select %eq3A_168, %broadcast_in_dim3A_170, %select_n3A_141 : vector<256x2048xi1>, vector<256x2048xf32>
    %reduce_min3A_172 = arith.constant dense<0x7F800000> : vector<256xf32>
    %reduce_min3A_173 = vector.multi_reduction <minimumf>, %select_n3A_171, %reduce_min3A_172 [1] : vector<256x2048xf32> to vector<256xf32>
    %broadcast_in_dim3A_174 = vector.shape_cast %reduce_min3A_173 : vector<256xf32> to vector<256x1xf32>
    %eq3A_175 = vector.broadcast %broadcast_in_dim3A_174 : vector<256x1xf32> to vector<256x2048xf32>
    %eq3A_176 = arith.cmpf oeq, %select_n3A_171, %eq3A_175 : vector<256x2048xf32>
    %jit3A_177 = arith.constant 2048 : i32
    %broadcast_in_dim3A_178 = vector.broadcast %jit3A_177 : i32 to vector<256x2048xi32>
    %select_n3A_179 = arith.select %eq3A_176, %iota3A, %broadcast_in_dim3A_178 : vector<256x2048xi1>, vector<256x2048xi32>
    %reduce_min3A_180 = arith.constant dense<2147483647> : vector<256xi32>
    %reduce_min3A_181 = vector.multi_reduction <minsi>, %select_n3A_179, %reduce_min3A_180 [1] : vector<256x2048xi32> to vector<256xi32>
    %eq3A_182 = arith.constant 5 : i32
    %eq3A_183 = vector.broadcast %eq3A_182 : i32 to vector<256x8xi32>
    %eq3A_184 = arith.cmpi eq, %iota3A_21, %eq3A_183 : vector<256x8xi32>
    %broadcast_in_dim3A_185 = vector.shape_cast %reduce_min3A_181 : vector<256xi32> to vector<256x1xi32>
    %broadcast_in_dim3A_186 = vector.shape_cast %broadcast_in_dim3A_185 : vector<256x1xi32> to vector<256x1xi32>
    %broadcast_in_dim3A_187 = vector.broadcast %broadcast_in_dim3A_186 : vector<256x1xi32> to vector<256x8xi32>
    %select_n3A_188 = arith.select %eq3A_184, %broadcast_in_dim3A_187, %select_n3A_158 : vector<256x8xi1>, vector<256x8xi32>
    %eq3A_189 = arith.constant 5 : i32
    %eq3A_190 = vector.broadcast %eq3A_189 : i32 to vector<256x8xi32>
    %eq3A_191 = arith.cmpi eq, %iota3A_21, %eq3A_190 : vector<256x8xi32>
    %broadcast_in_dim3A_192 = vector.shape_cast %reduce_min3A_173 : vector<256xf32> to vector<256x1xf32>
    %broadcast_in_dim3A_193 = vector.shape_cast %broadcast_in_dim3A_192 : vector<256x1xf32> to vector<256x1xf32>
    %broadcast_in_dim3A_194 = vector.broadcast %broadcast_in_dim3A_193 : vector<256x1xf32> to vector<256x8xf32>
    %select_n3A_195 = arith.select %eq3A_191, %broadcast_in_dim3A_194, %select_n3A_165 : vector<256x8xi1>, vector<256x8xf32>
    %broadcast_in_dim3A_196 = vector.shape_cast %reduce_min3A_181 : vector<256xi32> to vector<256x1xi32>
    %eq3A_197 = vector.broadcast %broadcast_in_dim3A_196 : vector<256x1xi32> to vector<256x2048xi32>
    %eq3A_198 = arith.cmpi eq, %iota3A, %eq3A_197 : vector<256x2048xi32>
    %jit3A_199 = arith.constant 0x7F800000 : f32
    %broadcast_in_dim3A_200 = vector.broadcast %jit3A_199 : f32 to vector<256x2048xf32>
    %select_n3A_201 = arith.select %eq3A_198, %broadcast_in_dim3A_200, %select_n3A_171 : vector<256x2048xi1>, vector<256x2048xf32>
    %reduce_min3A_202 = arith.constant dense<0x7F800000> : vector<256xf32>
    %reduce_min3A_203 = vector.multi_reduction <minimumf>, %select_n3A_201, %reduce_min3A_202 [1] : vector<256x2048xf32> to vector<256xf32>
    %broadcast_in_dim3A_204 = vector.shape_cast %reduce_min3A_203 : vector<256xf32> to vector<256x1xf32>
    %eq3A_205 = vector.broadcast %broadcast_in_dim3A_204 : vector<256x1xf32> to vector<256x2048xf32>
    %eq3A_206 = arith.cmpf oeq, %select_n3A_201, %eq3A_205 : vector<256x2048xf32>
    %jit3A_207 = arith.constant 2048 : i32
    %broadcast_in_dim3A_208 = vector.broadcast %jit3A_207 : i32 to vector<256x2048xi32>
    %select_n3A_209 = arith.select %eq3A_206, %iota3A, %broadcast_in_dim3A_208 : vector<256x2048xi1>, vector<256x2048xi32>
    %reduce_min3A_210 = arith.constant dense<2147483647> : vector<256xi32>
    %reduce_min3A_211 = vector.multi_reduction <minsi>, %select_n3A_209, %reduce_min3A_210 [1] : vector<256x2048xi32> to vector<256xi32>
    %eq3A_212 = arith.constant 6 : i32
    %eq3A_213 = vector.broadcast %eq3A_212 : i32 to vector<256x8xi32>
    %eq3A_214 = arith.cmpi eq, %iota3A_21, %eq3A_213 : vector<256x8xi32>
    %broadcast_in_dim3A_215 = vector.shape_cast %reduce_min3A_211 : vector<256xi32> to vector<256x1xi32>
    %broadcast_in_dim3A_216 = vector.shape_cast %broadcast_in_dim3A_215 : vector<256x1xi32> to vector<256x1xi32>
    %broadcast_in_dim3A_217 = vector.broadcast %broadcast_in_dim3A_216 : vector<256x1xi32> to vector<256x8xi32>
    %select_n3A_218 = arith.select %eq3A_214, %broadcast_in_dim3A_217, %select_n3A_188 : vector<256x8xi1>, vector<256x8xi32>
    %eq3A_219 = arith.constant 6 : i32
    %eq3A_220 = vector.broadcast %eq3A_219 : i32 to vector<256x8xi32>
    %eq3A_221 = arith.cmpi eq, %iota3A_21, %eq3A_220 : vector<256x8xi32>
    %broadcast_in_dim3A_222 = vector.shape_cast %reduce_min3A_203 : vector<256xf32> to vector<256x1xf32>
    %broadcast_in_dim3A_223 = vector.shape_cast %broadcast_in_dim3A_222 : vector<256x1xf32> to vector<256x1xf32>
    %broadcast_in_dim3A_224 = vector.broadcast %broadcast_in_dim3A_223 : vector<256x1xf32> to vector<256x8xf32>
    %select_n3A_225 = arith.select %eq3A_221, %broadcast_in_dim3A_224, %select_n3A_195 : vector<256x8xi1>, vector<256x8xf32>
    %broadcast_in_dim3A_226 = vector.shape_cast %reduce_min3A_211 : vector<256xi32> to vector<256x1xi32>
    %eq3A_227 = vector.broadcast %broadcast_in_dim3A_226 : vector<256x1xi32> to vector<256x2048xi32>
    %eq3A_228 = arith.cmpi eq, %iota3A, %eq3A_227 : vector<256x2048xi32>
    %jit3A_229 = arith.constant 0x7F800000 : f32
    %broadcast_in_dim3A_230 = vector.broadcast %jit3A_229 : f32 to vector<256x2048xf32>
    %select_n3A_231 = arith.select %eq3A_228, %broadcast_in_dim3A_230, %select_n3A_201 : vector<256x2048xi1>, vector<256x2048xf32>
    %reduce_min3A_232 = arith.constant dense<0x7F800000> : vector<256xf32>
    %reduce_min3A_233 = vector.multi_reduction <minimumf>, %select_n3A_231, %reduce_min3A_232 [1] : vector<256x2048xf32> to vector<256xf32>
    %broadcast_in_dim3A_234 = vector.shape_cast %reduce_min3A_233 : vector<256xf32> to vector<256x1xf32>
    %eq3A_235 = vector.broadcast %broadcast_in_dim3A_234 : vector<256x1xf32> to vector<256x2048xf32>
    %eq3A_236 = arith.cmpf oeq, %select_n3A_231, %eq3A_235 : vector<256x2048xf32>
    %jit3A_237 = arith.constant 2048 : i32
    %broadcast_in_dim3A_238 = vector.broadcast %jit3A_237 : i32 to vector<256x2048xi32>
    %select_n3A_239 = arith.select %eq3A_236, %iota3A, %broadcast_in_dim3A_238 : vector<256x2048xi1>, vector<256x2048xi32>
    %reduce_min3A_240 = arith.constant dense<2147483647> : vector<256xi32>
    %reduce_min3A_241 = vector.multi_reduction <minsi>, %select_n3A_239, %reduce_min3A_240 [1] : vector<256x2048xi32> to vector<256xi32>
    %eq3A_242 = arith.constant 7 : i32
    %eq3A_243 = vector.broadcast %eq3A_242 : i32 to vector<256x8xi32>
    %eq3A_244 = arith.cmpi eq, %iota3A_21, %eq3A_243 : vector<256x8xi32>
    %broadcast_in_dim3A_245 = vector.shape_cast %reduce_min3A_241 : vector<256xi32> to vector<256x1xi32>
    %broadcast_in_dim3A_246 = vector.shape_cast %broadcast_in_dim3A_245 : vector<256x1xi32> to vector<256x1xi32>
    %broadcast_in_dim3A_247 = vector.broadcast %broadcast_in_dim3A_246 : vector<256x1xi32> to vector<256x8xi32>
    %select_n3A_248 = arith.select %eq3A_244, %broadcast_in_dim3A_247, %select_n3A_218 : vector<256x8xi1>, vector<256x8xi32>
    %eq3A_249 = arith.constant 7 : i32
    %eq3A_250 = vector.broadcast %eq3A_249 : i32 to vector<256x8xi32>
    %eq3A_251 = arith.cmpi eq, %iota3A_21, %eq3A_250 : vector<256x8xi32>
    %broadcast_in_dim3A_252 = vector.shape_cast %reduce_min3A_233 : vector<256xf32> to vector<256x1xf32>
    %broadcast_in_dim3A_253 = vector.shape_cast %broadcast_in_dim3A_252 : vector<256x1xf32> to vector<256x1xf32>
    %broadcast_in_dim3A_254 = vector.broadcast %broadcast_in_dim3A_253 : vector<256x1xf32> to vector<256x8xf32>
    %select_n3A_255 = arith.select %eq3A_251, %broadcast_in_dim3A_254, %select_n3A_225 : vector<256x8xi1>, vector<256x8xf32>
    %swap3A = arith.constant 0 : index
    %swap3A_256 = arith.constant 0 : index
    %swap3A_257 = arith.constant 0 : index
    %swap3A_258 = vector.load %arg4[%swap3A, %swap3A_256, %swap3A_257] : memref<1x256x8xi32, #tpu.memory_space<vmem>>, vector<1x256x8xi32>
    %swap3A_259 = vector.shape_cast %swap3A_258 : vector<1x256x8xi32> to vector<256x8xi32>
    %swap3A_260 = vector.shape_cast %select_n3A_248 : vector<256x8xi32> to vector<1x256x8xi32>
    tpu.vector_store %arg4[%swap3A, %swap3A_256, %swap3A_257], %swap3A_260 {strides = array<i32>} : memref<1x256x8xi32, #tpu.memory_space<vmem>>, vector<1x256x8xi32>,
    %swap3A_261 = arith.constant 0 : index
    %swap3A_262 = arith.constant 0 : index
    %swap3A_263 = arith.constant 0 : index
    %swap3A_264 = vector.load %arg5[%swap3A_261, %swap3A_262, %swap3A_263] : memref<1x256x8xf32, #tpu.memory_space<vmem>>, vector<1x256x8xf32>
    %swap3A_265 = vector.shape_cast %swap3A_264 : vector<1x256x8xf32> to vector<256x8xf32>
    %swap3A_266 = vector.shape_cast %select_n3A_255 : vector<256x8xf32> to vector<1x256x8xf32>
    tpu.vector_store %arg5[%swap3A_261, %swap3A_262, %swap3A_263], %swap3A_266 {strides = array<i32>} : memref<1x256x8xf32, #tpu.memory_space<vmem>>, vector<1x256x8xf32>,
    return
  }
  func.func @transform_0(%arg0: i32, %arg1: i32) -> (i32, i32, i32) {
    %c0_i32 = arith.constant 0 : i32
    %c0_i32_0 = arith.constant 0 : i32
    return %arg0, %arg1, %c0_i32 : i32, i32, i32
  }
  func.func @transform_1(%arg0: i32, %arg1: i32) -> (i32, i32, i32) {
    %c0_i32 = arith.constant 0 : i32
    %c0_i32_0 = arith.constant 0 : i32
    %c0_i32_1 = arith.constant 0 : i32
    return %arg0, %c0_i32, %c0_i32_0 : i32, i32, i32
  }
  func.func @transform_2(%arg0: i32, %arg1: i32) -> (i32, i32, i32) {
    %c0_i32 = arith.constant 0 : i32
    %c0_i32_0 = arith.constant 0 : i32
    return %arg0, %arg1, %c0_i32 : i32, i32, i32
  }
  func.func @transform_3(%arg0: i32, %arg1: i32) -> (i32, i32, i32) {
    %c0_i32 = arith.constant 0 : i32
    %c0_i32_0 = arith.constant 0 : i32
    return %arg0, %arg1, %c0_i32 : i32, i32, i32
  }
}

module attributes {stable_mosaic.version = 14 : i64} {
  func.func @_knn_body(%arg0: i32, %arg1: i32, %arg2: memref<1x512x16xf32, #tpu.memory_space<vmem>>, %arg3: memref<1x16x2048xf32, #tpu.memory_space<vmem>>, %arg4: memref<1x512x12xi32, #tpu.memory_space<vmem>>, %arg5: memref<1x512x12xf32, #tpu.memory_space<vmem>>) attributes {dimension_semantics = [#tpu.dimension_semantics<arbitrary>, #tpu.dimension_semantics<arbitrary>], iteration_bounds = array<i64: 2, 1>, scalar_prefetch = 0 : i64, scratch_operands = 0 : i64, tpu.core_type = #tpu.core_type<tc>, window_params = [{transform_indices = @transform_0, window_bounds = array<i64: 1, 512, 16>}, {transform_indices = @transform_1, window_bounds = array<i64: 1, 16, 2048>}, {transform_indices = @transform_2, window_bounds = array<i64: 1, 512, 12>}, {transform_indices = @transform_3, window_bounds = array<i64: 1, 512, 12>}]} {
    %get3A = arith.constant 0 : index
    %get3A_0 = arith.constant 0 : index
    %get3A_1 = arith.constant 0 : index
    %get3A_2 = vector.load %arg2[%get3A, %get3A_0, %get3A_1] : memref<1x512x16xf32, #tpu.memory_space<vmem>>, vector<1x512x16xf32>
    %get3A_3 = vector.shape_cast %get3A_2 : vector<1x512x16xf32> to vector<512x16xf32>
    %get3A_4 = arith.constant 0 : index
    %get3A_5 = arith.constant 0 : index
    %get3A_6 = arith.constant 0 : index
    %get3A_7 = vector.load %arg3[%get3A_4, %get3A_5, %get3A_6] : memref<1x16x2048xf32, #tpu.memory_space<vmem>>, vector<1x16x2048xf32>
    %get3A_8 = vector.shape_cast %get3A_7 : vector<1x16x2048xf32> to vector<16x2048xf32>
    %dot_general3A = arith.constant dense<0.000000e+00> : vector<512x2048xf32>
    %dot_general3A_9 = tpu.matmul %get3A_3, %get3A_8, %dot_general3A {dimension_numbers = #tpu.dot_dimension_numbers<[1], [0], [0], [1], [0, 0, 1, 1], [], []>, transpose_lhs_hint = false} : vector<512x16xf32>, vector<16x2048xf32>, vector<512x2048xf32> -> vector<512x2048xf32>
    %mul3A = arith.mulf %get3A_3, %get3A_3 : vector<512x16xf32>
    %reduce_sum3A = arith.constant dense<0.000000e+00> : vector<512xf32>
    %reduce_sum3A_10 = vector.multi_reduction <add>, %mul3A, %reduce_sum3A [1] : vector<512x16xf32> to vector<512xf32>
    %broadcast_in_dim3A = vector.shape_cast %reduce_sum3A_10 : vector<512xf32> to vector<512x1xf32>
    %mul3A_11 = arith.mulf %get3A_8, %get3A_8 : vector<16x2048xf32>
    %reduce_sum3A_12 = arith.constant dense<0.000000e+00> : vector<2048xf32>
    %reduce_sum3A_13 = vector.multi_reduction <add>, %mul3A_11, %reduce_sum3A_12 [0] : vector<16x2048xf32> to vector<2048xf32>
    %broadcast_in_dim3A_14 = vector.shape_cast %reduce_sum3A_13 : vector<2048xf32> to vector<1x2048xf32>
    %mul3A_15 = arith.constant -2.000000e+00 : f32
    %mul3A_16 = vector.broadcast %mul3A_15 : f32 to vector<512x2048xf32>
    %mul3A_17 = arith.mulf %mul3A_16, %dot_general3A_9 : vector<512x2048xf32>
    %add3A = vector.broadcast %broadcast_in_dim3A : vector<512x1xf32> to vector<512x2048xf32>
    %add3A_18 = arith.addf %mul3A_17, %add3A : vector<512x2048xf32>
    %add3A_19 = vector.broadcast %broadcast_in_dim3A_14 : vector<1x2048xf32> to vector<512x2048xf32>
    %add3A_20 = arith.addf %add3A_18, %add3A_19 : vector<512x2048xf32>
    %iota3A = tpu.iota {dimensions = array<i32: 1>} : vector<512x2048xi32>
    %iota3A_21 = tpu.iota {dimensions = array<i32: 1>} : vector<512x12xi32>
    %broadcast_in_dim3A_22 = arith.constant 0 : i32
    %broadcast_in_dim3A_23 = vector.broadcast %broadcast_in_dim3A_22 : i32 to vector<512x12xi32>
    %broadcast_in_dim3A_24 = arith.constant 0.000000e+00 : f32
    %broadcast_in_dim3A_25 = vector.broadcast %broadcast_in_dim3A_24 : f32 to vector<512x12xf32>
    %reduce_min3A = arith.constant dense<0x7F800000> : vector<512xf32>
    %reduce_min3A_26 = vector.multi_reduction <minimumf>, %add3A_20, %reduce_min3A [1] : vector<512x2048xf32> to vector<512xf32>
    %broadcast_in_dim3A_27 = vector.shape_cast %reduce_min3A_26 : vector<512xf32> to vector<512x1xf32>
    %eq3A = vector.broadcast %broadcast_in_dim3A_27 : vector<512x1xf32> to vector<512x2048xf32>
    %eq3A_28 = arith.cmpf oeq, %add3A_20, %eq3A : vector<512x2048xf32>
    %jit3A = arith.constant 2048 : i32
    %broadcast_in_dim3A_29 = vector.broadcast %jit3A : i32 to vector<512x2048xi32>
    %select_n3A = arith.select %eq3A_28, %iota3A, %broadcast_in_dim3A_29 : vector<512x2048xi1>, vector<512x2048xi32>
    %reduce_min3A_30 = arith.constant dense<2147483647> : vector<512xi32>
    %reduce_min3A_31 = vector.multi_reduction <minsi>, %select_n3A, %reduce_min3A_30 [1] : vector<512x2048xi32> to vector<512xi32>
    %eq3A_32 = arith.constant 0 : i32
    %eq3A_33 = vector.broadcast %eq3A_32 : i32 to vector<512x12xi32>
    %eq3A_34 = arith.cmpi eq, %iota3A_21, %eq3A_33 : vector<512x12xi32>
    %broadcast_in_dim3A_35 = vector.shape_cast %reduce_min3A_31 : vector<512xi32> to vector<512x1xi32>
    %broadcast_in_dim3A_36 = vector.shape_cast %broadcast_in_dim3A_35 : vector<512x1xi32> to vector<512x1xi32>
    %broadcast_in_dim3A_37 = vector.broadcast %broadcast_in_dim3A_36 : vector<512x1xi32> to vector<512x12xi32>
    %select_n3A_38 = arith.select %eq3A_34, %broadcast_in_dim3A_37, %broadcast_in_dim3A_23 : vector<512x12xi1>, vector<512x12xi32>
    %eq3A_39 = arith.constant 0 : i32
    %eq3A_40 = vector.broadcast %eq3A_39 : i32 to vector<512x12xi32>
    %eq3A_41 = arith.cmpi eq, %iota3A_21, %eq3A_40 : vector<512x12xi32>
    %broadcast_in_dim3A_42 = vector.shape_cast %reduce_min3A_26 : vector<512xf32> to vector<512x1xf32>
    %broadcast_in_dim3A_43 = vector.shape_cast %broadcast_in_dim3A_42 : vector<512x1xf32> to vector<512x1xf32>
    %broadcast_in_dim3A_44 = vector.broadcast %broadcast_in_dim3A_43 : vector<512x1xf32> to vector<512x12xf32>
    %select_n3A_45 = arith.select %eq3A_41, %broadcast_in_dim3A_44, %broadcast_in_dim3A_25 : vector<512x12xi1>, vector<512x12xf32>
    %broadcast_in_dim3A_46 = vector.shape_cast %reduce_min3A_31 : vector<512xi32> to vector<512x1xi32>
    %eq3A_47 = vector.broadcast %broadcast_in_dim3A_46 : vector<512x1xi32> to vector<512x2048xi32>
    %eq3A_48 = arith.cmpi eq, %iota3A, %eq3A_47 : vector<512x2048xi32>
    %jit3A_49 = arith.constant 0x7F800000 : f32
    %broadcast_in_dim3A_50 = vector.broadcast %jit3A_49 : f32 to vector<512x2048xf32>
    %select_n3A_51 = arith.select %eq3A_48, %broadcast_in_dim3A_50, %add3A_20 : vector<512x2048xi1>, vector<512x2048xf32>
    %reduce_min3A_52 = arith.constant dense<0x7F800000> : vector<512xf32>
    %reduce_min3A_53 = vector.multi_reduction <minimumf>, %select_n3A_51, %reduce_min3A_52 [1] : vector<512x2048xf32> to vector<512xf32>
    %broadcast_in_dim3A_54 = vector.shape_cast %reduce_min3A_53 : vector<512xf32> to vector<512x1xf32>
    %eq3A_55 = vector.broadcast %broadcast_in_dim3A_54 : vector<512x1xf32> to vector<512x2048xf32>
    %eq3A_56 = arith.cmpf oeq, %select_n3A_51, %eq3A_55 : vector<512x2048xf32>
    %jit3A_57 = arith.constant 2048 : i32
    %broadcast_in_dim3A_58 = vector.broadcast %jit3A_57 : i32 to vector<512x2048xi32>
    %select_n3A_59 = arith.select %eq3A_56, %iota3A, %broadcast_in_dim3A_58 : vector<512x2048xi1>, vector<512x2048xi32>
    %reduce_min3A_60 = arith.constant dense<2147483647> : vector<512xi32>
    %reduce_min3A_61 = vector.multi_reduction <minsi>, %select_n3A_59, %reduce_min3A_60 [1] : vector<512x2048xi32> to vector<512xi32>
    %eq3A_62 = arith.constant 1 : i32
    %eq3A_63 = vector.broadcast %eq3A_62 : i32 to vector<512x12xi32>
    %eq3A_64 = arith.cmpi eq, %iota3A_21, %eq3A_63 : vector<512x12xi32>
    %broadcast_in_dim3A_65 = vector.shape_cast %reduce_min3A_61 : vector<512xi32> to vector<512x1xi32>
    %broadcast_in_dim3A_66 = vector.shape_cast %broadcast_in_dim3A_65 : vector<512x1xi32> to vector<512x1xi32>
    %broadcast_in_dim3A_67 = vector.broadcast %broadcast_in_dim3A_66 : vector<512x1xi32> to vector<512x12xi32>
    %select_n3A_68 = arith.select %eq3A_64, %broadcast_in_dim3A_67, %select_n3A_38 : vector<512x12xi1>, vector<512x12xi32>
    %eq3A_69 = arith.constant 1 : i32
    %eq3A_70 = vector.broadcast %eq3A_69 : i32 to vector<512x12xi32>
    %eq3A_71 = arith.cmpi eq, %iota3A_21, %eq3A_70 : vector<512x12xi32>
    %broadcast_in_dim3A_72 = vector.shape_cast %reduce_min3A_53 : vector<512xf32> to vector<512x1xf32>
    %broadcast_in_dim3A_73 = vector.shape_cast %broadcast_in_dim3A_72 : vector<512x1xf32> to vector<512x1xf32>
    %broadcast_in_dim3A_74 = vector.broadcast %broadcast_in_dim3A_73 : vector<512x1xf32> to vector<512x12xf32>
    %select_n3A_75 = arith.select %eq3A_71, %broadcast_in_dim3A_74, %select_n3A_45 : vector<512x12xi1>, vector<512x12xf32>
    %broadcast_in_dim3A_76 = vector.shape_cast %reduce_min3A_61 : vector<512xi32> to vector<512x1xi32>
    %eq3A_77 = vector.broadcast %broadcast_in_dim3A_76 : vector<512x1xi32> to vector<512x2048xi32>
    %eq3A_78 = arith.cmpi eq, %iota3A, %eq3A_77 : vector<512x2048xi32>
    %jit3A_79 = arith.constant 0x7F800000 : f32
    %broadcast_in_dim3A_80 = vector.broadcast %jit3A_79 : f32 to vector<512x2048xf32>
    %select_n3A_81 = arith.select %eq3A_78, %broadcast_in_dim3A_80, %select_n3A_51 : vector<512x2048xi1>, vector<512x2048xf32>
    %reduce_min3A_82 = arith.constant dense<0x7F800000> : vector<512xf32>
    %reduce_min3A_83 = vector.multi_reduction <minimumf>, %select_n3A_81, %reduce_min3A_82 [1] : vector<512x2048xf32> to vector<512xf32>
    %broadcast_in_dim3A_84 = vector.shape_cast %reduce_min3A_83 : vector<512xf32> to vector<512x1xf32>
    %eq3A_85 = vector.broadcast %broadcast_in_dim3A_84 : vector<512x1xf32> to vector<512x2048xf32>
    %eq3A_86 = arith.cmpf oeq, %select_n3A_81, %eq3A_85 : vector<512x2048xf32>
    %jit3A_87 = arith.constant 2048 : i32
    %broadcast_in_dim3A_88 = vector.broadcast %jit3A_87 : i32 to vector<512x2048xi32>
    %select_n3A_89 = arith.select %eq3A_86, %iota3A, %broadcast_in_dim3A_88 : vector<512x2048xi1>, vector<512x2048xi32>
    %reduce_min3A_90 = arith.constant dense<2147483647> : vector<512xi32>
    %reduce_min3A_91 = vector.multi_reduction <minsi>, %select_n3A_89, %reduce_min3A_90 [1] : vector<512x2048xi32> to vector<512xi32>
    %eq3A_92 = arith.constant 2 : i32
    %eq3A_93 = vector.broadcast %eq3A_92 : i32 to vector<512x12xi32>
    %eq3A_94 = arith.cmpi eq, %iota3A_21, %eq3A_93 : vector<512x12xi32>
    %broadcast_in_dim3A_95 = vector.shape_cast %reduce_min3A_91 : vector<512xi32> to vector<512x1xi32>
    %broadcast_in_dim3A_96 = vector.shape_cast %broadcast_in_dim3A_95 : vector<512x1xi32> to vector<512x1xi32>
    %broadcast_in_dim3A_97 = vector.broadcast %broadcast_in_dim3A_96 : vector<512x1xi32> to vector<512x12xi32>
    %select_n3A_98 = arith.select %eq3A_94, %broadcast_in_dim3A_97, %select_n3A_68 : vector<512x12xi1>, vector<512x12xi32>
    %eq3A_99 = arith.constant 2 : i32
    %eq3A_100 = vector.broadcast %eq3A_99 : i32 to vector<512x12xi32>
    %eq3A_101 = arith.cmpi eq, %iota3A_21, %eq3A_100 : vector<512x12xi32>
    %broadcast_in_dim3A_102 = vector.shape_cast %reduce_min3A_83 : vector<512xf32> to vector<512x1xf32>
    %broadcast_in_dim3A_103 = vector.shape_cast %broadcast_in_dim3A_102 : vector<512x1xf32> to vector<512x1xf32>
    %broadcast_in_dim3A_104 = vector.broadcast %broadcast_in_dim3A_103 : vector<512x1xf32> to vector<512x12xf32>
    %select_n3A_105 = arith.select %eq3A_101, %broadcast_in_dim3A_104, %select_n3A_75 : vector<512x12xi1>, vector<512x12xf32>
    %broadcast_in_dim3A_106 = vector.shape_cast %reduce_min3A_91 : vector<512xi32> to vector<512x1xi32>
    %eq3A_107 = vector.broadcast %broadcast_in_dim3A_106 : vector<512x1xi32> to vector<512x2048xi32>
    %eq3A_108 = arith.cmpi eq, %iota3A, %eq3A_107 : vector<512x2048xi32>
    %jit3A_109 = arith.constant 0x7F800000 : f32
    %broadcast_in_dim3A_110 = vector.broadcast %jit3A_109 : f32 to vector<512x2048xf32>
    %select_n3A_111 = arith.select %eq3A_108, %broadcast_in_dim3A_110, %select_n3A_81 : vector<512x2048xi1>, vector<512x2048xf32>
    %reduce_min3A_112 = arith.constant dense<0x7F800000> : vector<512xf32>
    %reduce_min3A_113 = vector.multi_reduction <minimumf>, %select_n3A_111, %reduce_min3A_112 [1] : vector<512x2048xf32> to vector<512xf32>
    %broadcast_in_dim3A_114 = vector.shape_cast %reduce_min3A_113 : vector<512xf32> to vector<512x1xf32>
    %eq3A_115 = vector.broadcast %broadcast_in_dim3A_114 : vector<512x1xf32> to vector<512x2048xf32>
    %eq3A_116 = arith.cmpf oeq, %select_n3A_111, %eq3A_115 : vector<512x2048xf32>
    %jit3A_117 = arith.constant 2048 : i32
    %broadcast_in_dim3A_118 = vector.broadcast %jit3A_117 : i32 to vector<512x2048xi32>
    %select_n3A_119 = arith.select %eq3A_116, %iota3A, %broadcast_in_dim3A_118 : vector<512x2048xi1>, vector<512x2048xi32>
    %reduce_min3A_120 = arith.constant dense<2147483647> : vector<512xi32>
    %reduce_min3A_121 = vector.multi_reduction <minsi>, %select_n3A_119, %reduce_min3A_120 [1] : vector<512x2048xi32> to vector<512xi32>
    %eq3A_122 = arith.constant 3 : i32
    %eq3A_123 = vector.broadcast %eq3A_122 : i32 to vector<512x12xi32>
    %eq3A_124 = arith.cmpi eq, %iota3A_21, %eq3A_123 : vector<512x12xi32>
    %broadcast_in_dim3A_125 = vector.shape_cast %reduce_min3A_121 : vector<512xi32> to vector<512x1xi32>
    %broadcast_in_dim3A_126 = vector.shape_cast %broadcast_in_dim3A_125 : vector<512x1xi32> to vector<512x1xi32>
    %broadcast_in_dim3A_127 = vector.broadcast %broadcast_in_dim3A_126 : vector<512x1xi32> to vector<512x12xi32>
    %select_n3A_128 = arith.select %eq3A_124, %broadcast_in_dim3A_127, %select_n3A_98 : vector<512x12xi1>, vector<512x12xi32>
    %eq3A_129 = arith.constant 3 : i32
    %eq3A_130 = vector.broadcast %eq3A_129 : i32 to vector<512x12xi32>
    %eq3A_131 = arith.cmpi eq, %iota3A_21, %eq3A_130 : vector<512x12xi32>
    %broadcast_in_dim3A_132 = vector.shape_cast %reduce_min3A_113 : vector<512xf32> to vector<512x1xf32>
    %broadcast_in_dim3A_133 = vector.shape_cast %broadcast_in_dim3A_132 : vector<512x1xf32> to vector<512x1xf32>
    %broadcast_in_dim3A_134 = vector.broadcast %broadcast_in_dim3A_133 : vector<512x1xf32> to vector<512x12xf32>
    %select_n3A_135 = arith.select %eq3A_131, %broadcast_in_dim3A_134, %select_n3A_105 : vector<512x12xi1>, vector<512x12xf32>
    %broadcast_in_dim3A_136 = vector.shape_cast %reduce_min3A_121 : vector<512xi32> to vector<512x1xi32>
    %eq3A_137 = vector.broadcast %broadcast_in_dim3A_136 : vector<512x1xi32> to vector<512x2048xi32>
    %eq3A_138 = arith.cmpi eq, %iota3A, %eq3A_137 : vector<512x2048xi32>
    %jit3A_139 = arith.constant 0x7F800000 : f32
    %broadcast_in_dim3A_140 = vector.broadcast %jit3A_139 : f32 to vector<512x2048xf32>
    %select_n3A_141 = arith.select %eq3A_138, %broadcast_in_dim3A_140, %select_n3A_111 : vector<512x2048xi1>, vector<512x2048xf32>
    %reduce_min3A_142 = arith.constant dense<0x7F800000> : vector<512xf32>
    %reduce_min3A_143 = vector.multi_reduction <minimumf>, %select_n3A_141, %reduce_min3A_142 [1] : vector<512x2048xf32> to vector<512xf32>
    %broadcast_in_dim3A_144 = vector.shape_cast %reduce_min3A_143 : vector<512xf32> to vector<512x1xf32>
    %eq3A_145 = vector.broadcast %broadcast_in_dim3A_144 : vector<512x1xf32> to vector<512x2048xf32>
    %eq3A_146 = arith.cmpf oeq, %select_n3A_141, %eq3A_145 : vector<512x2048xf32>
    %jit3A_147 = arith.constant 2048 : i32
    %broadcast_in_dim3A_148 = vector.broadcast %jit3A_147 : i32 to vector<512x2048xi32>
    %select_n3A_149 = arith.select %eq3A_146, %iota3A, %broadcast_in_dim3A_148 : vector<512x2048xi1>, vector<512x2048xi32>
    %reduce_min3A_150 = arith.constant dense<2147483647> : vector<512xi32>
    %reduce_min3A_151 = vector.multi_reduction <minsi>, %select_n3A_149, %reduce_min3A_150 [1] : vector<512x2048xi32> to vector<512xi32>
    %eq3A_152 = arith.constant 4 : i32
    %eq3A_153 = vector.broadcast %eq3A_152 : i32 to vector<512x12xi32>
    %eq3A_154 = arith.cmpi eq, %iota3A_21, %eq3A_153 : vector<512x12xi32>
    %broadcast_in_dim3A_155 = vector.shape_cast %reduce_min3A_151 : vector<512xi32> to vector<512x1xi32>
    %broadcast_in_dim3A_156 = vector.shape_cast %broadcast_in_dim3A_155 : vector<512x1xi32> to vector<512x1xi32>
    %broadcast_in_dim3A_157 = vector.broadcast %broadcast_in_dim3A_156 : vector<512x1xi32> to vector<512x12xi32>
    %select_n3A_158 = arith.select %eq3A_154, %broadcast_in_dim3A_157, %select_n3A_128 : vector<512x12xi1>, vector<512x12xi32>
    %eq3A_159 = arith.constant 4 : i32
    %eq3A_160 = vector.broadcast %eq3A_159 : i32 to vector<512x12xi32>
    %eq3A_161 = arith.cmpi eq, %iota3A_21, %eq3A_160 : vector<512x12xi32>
    %broadcast_in_dim3A_162 = vector.shape_cast %reduce_min3A_143 : vector<512xf32> to vector<512x1xf32>
    %broadcast_in_dim3A_163 = vector.shape_cast %broadcast_in_dim3A_162 : vector<512x1xf32> to vector<512x1xf32>
    %broadcast_in_dim3A_164 = vector.broadcast %broadcast_in_dim3A_163 : vector<512x1xf32> to vector<512x12xf32>
    %select_n3A_165 = arith.select %eq3A_161, %broadcast_in_dim3A_164, %select_n3A_135 : vector<512x12xi1>, vector<512x12xf32>
    %broadcast_in_dim3A_166 = vector.shape_cast %reduce_min3A_151 : vector<512xi32> to vector<512x1xi32>
    %eq3A_167 = vector.broadcast %broadcast_in_dim3A_166 : vector<512x1xi32> to vector<512x2048xi32>
    %eq3A_168 = arith.cmpi eq, %iota3A, %eq3A_167 : vector<512x2048xi32>
    %jit3A_169 = arith.constant 0x7F800000 : f32
    %broadcast_in_dim3A_170 = vector.broadcast %jit3A_169 : f32 to vector<512x2048xf32>
    %select_n3A_171 = arith.select %eq3A_168, %broadcast_in_dim3A_170, %select_n3A_141 : vector<512x2048xi1>, vector<512x2048xf32>
    %reduce_min3A_172 = arith.constant dense<0x7F800000> : vector<512xf32>
    %reduce_min3A_173 = vector.multi_reduction <minimumf>, %select_n3A_171, %reduce_min3A_172 [1] : vector<512x2048xf32> to vector<512xf32>
    %broadcast_in_dim3A_174 = vector.shape_cast %reduce_min3A_173 : vector<512xf32> to vector<512x1xf32>
    %eq3A_175 = vector.broadcast %broadcast_in_dim3A_174 : vector<512x1xf32> to vector<512x2048xf32>
    %eq3A_176 = arith.cmpf oeq, %select_n3A_171, %eq3A_175 : vector<512x2048xf32>
    %jit3A_177 = arith.constant 2048 : i32
    %broadcast_in_dim3A_178 = vector.broadcast %jit3A_177 : i32 to vector<512x2048xi32>
    %select_n3A_179 = arith.select %eq3A_176, %iota3A, %broadcast_in_dim3A_178 : vector<512x2048xi1>, vector<512x2048xi32>
    %reduce_min3A_180 = arith.constant dense<2147483647> : vector<512xi32>
    %reduce_min3A_181 = vector.multi_reduction <minsi>, %select_n3A_179, %reduce_min3A_180 [1] : vector<512x2048xi32> to vector<512xi32>
    %eq3A_182 = arith.constant 5 : i32
    %eq3A_183 = vector.broadcast %eq3A_182 : i32 to vector<512x12xi32>
    %eq3A_184 = arith.cmpi eq, %iota3A_21, %eq3A_183 : vector<512x12xi32>
    %broadcast_in_dim3A_185 = vector.shape_cast %reduce_min3A_181 : vector<512xi32> to vector<512x1xi32>
    %broadcast_in_dim3A_186 = vector.shape_cast %broadcast_in_dim3A_185 : vector<512x1xi32> to vector<512x1xi32>
    %broadcast_in_dim3A_187 = vector.broadcast %broadcast_in_dim3A_186 : vector<512x1xi32> to vector<512x12xi32>
    %select_n3A_188 = arith.select %eq3A_184, %broadcast_in_dim3A_187, %select_n3A_158 : vector<512x12xi1>, vector<512x12xi32>
    %eq3A_189 = arith.constant 5 : i32
    %eq3A_190 = vector.broadcast %eq3A_189 : i32 to vector<512x12xi32>
    %eq3A_191 = arith.cmpi eq, %iota3A_21, %eq3A_190 : vector<512x12xi32>
    %broadcast_in_dim3A_192 = vector.shape_cast %reduce_min3A_173 : vector<512xf32> to vector<512x1xf32>
    %broadcast_in_dim3A_193 = vector.shape_cast %broadcast_in_dim3A_192 : vector<512x1xf32> to vector<512x1xf32>
    %broadcast_in_dim3A_194 = vector.broadcast %broadcast_in_dim3A_193 : vector<512x1xf32> to vector<512x12xf32>
    %select_n3A_195 = arith.select %eq3A_191, %broadcast_in_dim3A_194, %select_n3A_165 : vector<512x12xi1>, vector<512x12xf32>
    %broadcast_in_dim3A_196 = vector.shape_cast %reduce_min3A_181 : vector<512xi32> to vector<512x1xi32>
    %eq3A_197 = vector.broadcast %broadcast_in_dim3A_196 : vector<512x1xi32> to vector<512x2048xi32>
    %eq3A_198 = arith.cmpi eq, %iota3A, %eq3A_197 : vector<512x2048xi32>
    %jit3A_199 = arith.constant 0x7F800000 : f32
    %broadcast_in_dim3A_200 = vector.broadcast %jit3A_199 : f32 to vector<512x2048xf32>
    %select_n3A_201 = arith.select %eq3A_198, %broadcast_in_dim3A_200, %select_n3A_171 : vector<512x2048xi1>, vector<512x2048xf32>
    %reduce_min3A_202 = arith.constant dense<0x7F800000> : vector<512xf32>
    %reduce_min3A_203 = vector.multi_reduction <minimumf>, %select_n3A_201, %reduce_min3A_202 [1] : vector<512x2048xf32> to vector<512xf32>
    %broadcast_in_dim3A_204 = vector.shape_cast %reduce_min3A_203 : vector<512xf32> to vector<512x1xf32>
    %eq3A_205 = vector.broadcast %broadcast_in_dim3A_204 : vector<512x1xf32> to vector<512x2048xf32>
    %eq3A_206 = arith.cmpf oeq, %select_n3A_201, %eq3A_205 : vector<512x2048xf32>
    %jit3A_207 = arith.constant 2048 : i32
    %broadcast_in_dim3A_208 = vector.broadcast %jit3A_207 : i32 to vector<512x2048xi32>
    %select_n3A_209 = arith.select %eq3A_206, %iota3A, %broadcast_in_dim3A_208 : vector<512x2048xi1>, vector<512x2048xi32>
    %reduce_min3A_210 = arith.constant dense<2147483647> : vector<512xi32>
    %reduce_min3A_211 = vector.multi_reduction <minsi>, %select_n3A_209, %reduce_min3A_210 [1] : vector<512x2048xi32> to vector<512xi32>
    %eq3A_212 = arith.constant 6 : i32
    %eq3A_213 = vector.broadcast %eq3A_212 : i32 to vector<512x12xi32>
    %eq3A_214 = arith.cmpi eq, %iota3A_21, %eq3A_213 : vector<512x12xi32>
    %broadcast_in_dim3A_215 = vector.shape_cast %reduce_min3A_211 : vector<512xi32> to vector<512x1xi32>
    %broadcast_in_dim3A_216 = vector.shape_cast %broadcast_in_dim3A_215 : vector<512x1xi32> to vector<512x1xi32>
    %broadcast_in_dim3A_217 = vector.broadcast %broadcast_in_dim3A_216 : vector<512x1xi32> to vector<512x12xi32>
    %select_n3A_218 = arith.select %eq3A_214, %broadcast_in_dim3A_217, %select_n3A_188 : vector<512x12xi1>, vector<512x12xi32>
    %eq3A_219 = arith.constant 6 : i32
    %eq3A_220 = vector.broadcast %eq3A_219 : i32 to vector<512x12xi32>
    %eq3A_221 = arith.cmpi eq, %iota3A_21, %eq3A_220 : vector<512x12xi32>
    %broadcast_in_dim3A_222 = vector.shape_cast %reduce_min3A_203 : vector<512xf32> to vector<512x1xf32>
    %broadcast_in_dim3A_223 = vector.shape_cast %broadcast_in_dim3A_222 : vector<512x1xf32> to vector<512x1xf32>
    %broadcast_in_dim3A_224 = vector.broadcast %broadcast_in_dim3A_223 : vector<512x1xf32> to vector<512x12xf32>
    %select_n3A_225 = arith.select %eq3A_221, %broadcast_in_dim3A_224, %select_n3A_195 : vector<512x12xi1>, vector<512x12xf32>
    %broadcast_in_dim3A_226 = vector.shape_cast %reduce_min3A_211 : vector<512xi32> to vector<512x1xi32>
    %eq3A_227 = vector.broadcast %broadcast_in_dim3A_226 : vector<512x1xi32> to vector<512x2048xi32>
    %eq3A_228 = arith.cmpi eq, %iota3A, %eq3A_227 : vector<512x2048xi32>
    %jit3A_229 = arith.constant 0x7F800000 : f32
    %broadcast_in_dim3A_230 = vector.broadcast %jit3A_229 : f32 to vector<512x2048xf32>
    %select_n3A_231 = arith.select %eq3A_228, %broadcast_in_dim3A_230, %select_n3A_201 : vector<512x2048xi1>, vector<512x2048xf32>
    %reduce_min3A_232 = arith.constant dense<0x7F800000> : vector<512xf32>
    %reduce_min3A_233 = vector.multi_reduction <minimumf>, %select_n3A_231, %reduce_min3A_232 [1] : vector<512x2048xf32> to vector<512xf32>
    %broadcast_in_dim3A_234 = vector.shape_cast %reduce_min3A_233 : vector<512xf32> to vector<512x1xf32>
    %eq3A_235 = vector.broadcast %broadcast_in_dim3A_234 : vector<512x1xf32> to vector<512x2048xf32>
    %eq3A_236 = arith.cmpf oeq, %select_n3A_231, %eq3A_235 : vector<512x2048xf32>
    %jit3A_237 = arith.constant 2048 : i32
    %broadcast_in_dim3A_238 = vector.broadcast %jit3A_237 : i32 to vector<512x2048xi32>
    %select_n3A_239 = arith.select %eq3A_236, %iota3A, %broadcast_in_dim3A_238 : vector<512x2048xi1>, vector<512x2048xi32>
    %reduce_min3A_240 = arith.constant dense<2147483647> : vector<512xi32>
    %reduce_min3A_241 = vector.multi_reduction <minsi>, %select_n3A_239, %reduce_min3A_240 [1] : vector<512x2048xi32> to vector<512xi32>
    %eq3A_242 = arith.constant 7 : i32
    %eq3A_243 = vector.broadcast %eq3A_242 : i32 to vector<512x12xi32>
    %eq3A_244 = arith.cmpi eq, %iota3A_21, %eq3A_243 : vector<512x12xi32>
    %broadcast_in_dim3A_245 = vector.shape_cast %reduce_min3A_241 : vector<512xi32> to vector<512x1xi32>
    %broadcast_in_dim3A_246 = vector.shape_cast %broadcast_in_dim3A_245 : vector<512x1xi32> to vector<512x1xi32>
    %broadcast_in_dim3A_247 = vector.broadcast %broadcast_in_dim3A_246 : vector<512x1xi32> to vector<512x12xi32>
    %select_n3A_248 = arith.select %eq3A_244, %broadcast_in_dim3A_247, %select_n3A_218 : vector<512x12xi1>, vector<512x12xi32>
    %eq3A_249 = arith.constant 7 : i32
    %eq3A_250 = vector.broadcast %eq3A_249 : i32 to vector<512x12xi32>
    %eq3A_251 = arith.cmpi eq, %iota3A_21, %eq3A_250 : vector<512x12xi32>
    %broadcast_in_dim3A_252 = vector.shape_cast %reduce_min3A_233 : vector<512xf32> to vector<512x1xf32>
    %broadcast_in_dim3A_253 = vector.shape_cast %broadcast_in_dim3A_252 : vector<512x1xf32> to vector<512x1xf32>
    %broadcast_in_dim3A_254 = vector.broadcast %broadcast_in_dim3A_253 : vector<512x1xf32> to vector<512x12xf32>
    %select_n3A_255 = arith.select %eq3A_251, %broadcast_in_dim3A_254, %select_n3A_225 : vector<512x12xi1>, vector<512x12xf32>
    %broadcast_in_dim3A_256 = vector.shape_cast %reduce_min3A_241 : vector<512xi32> to vector<512x1xi32>
    %eq3A_257 = vector.broadcast %broadcast_in_dim3A_256 : vector<512x1xi32> to vector<512x2048xi32>
    %eq3A_258 = arith.cmpi eq, %iota3A, %eq3A_257 : vector<512x2048xi32>
    %jit3A_259 = arith.constant 0x7F800000 : f32
    %broadcast_in_dim3A_260 = vector.broadcast %jit3A_259 : f32 to vector<512x2048xf32>
    %select_n3A_261 = arith.select %eq3A_258, %broadcast_in_dim3A_260, %select_n3A_231 : vector<512x2048xi1>, vector<512x2048xf32>
    %reduce_min3A_262 = arith.constant dense<0x7F800000> : vector<512xf32>
    %reduce_min3A_263 = vector.multi_reduction <minimumf>, %select_n3A_261, %reduce_min3A_262 [1] : vector<512x2048xf32> to vector<512xf32>
    %broadcast_in_dim3A_264 = vector.shape_cast %reduce_min3A_263 : vector<512xf32> to vector<512x1xf32>
    %eq3A_265 = vector.broadcast %broadcast_in_dim3A_264 : vector<512x1xf32> to vector<512x2048xf32>
    %eq3A_266 = arith.cmpf oeq, %select_n3A_261, %eq3A_265 : vector<512x2048xf32>
    %jit3A_267 = arith.constant 2048 : i32
    %broadcast_in_dim3A_268 = vector.broadcast %jit3A_267 : i32 to vector<512x2048xi32>
    %select_n3A_269 = arith.select %eq3A_266, %iota3A, %broadcast_in_dim3A_268 : vector<512x2048xi1>, vector<512x2048xi32>
    %reduce_min3A_270 = arith.constant dense<2147483647> : vector<512xi32>
    %reduce_min3A_271 = vector.multi_reduction <minsi>, %select_n3A_269, %reduce_min3A_270 [1] : vector<512x2048xi32> to vector<512xi32>
    %eq3A_272 = arith.constant 8 : i32
    %eq3A_273 = vector.broadcast %eq3A_272 : i32 to vector<512x12xi32>
    %eq3A_274 = arith.cmpi eq, %iota3A_21, %eq3A_273 : vector<512x12xi32>
    %broadcast_in_dim3A_275 = vector.shape_cast %reduce_min3A_271 : vector<512xi32> to vector<512x1xi32>
    %broadcast_in_dim3A_276 = vector.shape_cast %broadcast_in_dim3A_275 : vector<512x1xi32> to vector<512x1xi32>
    %broadcast_in_dim3A_277 = vector.broadcast %broadcast_in_dim3A_276 : vector<512x1xi32> to vector<512x12xi32>
    %select_n3A_278 = arith.select %eq3A_274, %broadcast_in_dim3A_277, %select_n3A_248 : vector<512x12xi1>, vector<512x12xi32>
    %eq3A_279 = arith.constant 8 : i32
    %eq3A_280 = vector.broadcast %eq3A_279 : i32 to vector<512x12xi32>
    %eq3A_281 = arith.cmpi eq, %iota3A_21, %eq3A_280 : vector<512x12xi32>
    %broadcast_in_dim3A_282 = vector.shape_cast %reduce_min3A_263 : vector<512xf32> to vector<512x1xf32>
    %broadcast_in_dim3A_283 = vector.shape_cast %broadcast_in_dim3A_282 : vector<512x1xf32> to vector<512x1xf32>
    %broadcast_in_dim3A_284 = vector.broadcast %broadcast_in_dim3A_283 : vector<512x1xf32> to vector<512x12xf32>
    %select_n3A_285 = arith.select %eq3A_281, %broadcast_in_dim3A_284, %select_n3A_255 : vector<512x12xi1>, vector<512x12xf32>
    %broadcast_in_dim3A_286 = vector.shape_cast %reduce_min3A_271 : vector<512xi32> to vector<512x1xi32>
    %eq3A_287 = vector.broadcast %broadcast_in_dim3A_286 : vector<512x1xi32> to vector<512x2048xi32>
    %eq3A_288 = arith.cmpi eq, %iota3A, %eq3A_287 : vector<512x2048xi32>
    %jit3A_289 = arith.constant 0x7F800000 : f32
    %broadcast_in_dim3A_290 = vector.broadcast %jit3A_289 : f32 to vector<512x2048xf32>
    %select_n3A_291 = arith.select %eq3A_288, %broadcast_in_dim3A_290, %select_n3A_261 : vector<512x2048xi1>, vector<512x2048xf32>
    %reduce_min3A_292 = arith.constant dense<0x7F800000> : vector<512xf32>
    %reduce_min3A_293 = vector.multi_reduction <minimumf>, %select_n3A_291, %reduce_min3A_292 [1] : vector<512x2048xf32> to vector<512xf32>
    %broadcast_in_dim3A_294 = vector.shape_cast %reduce_min3A_293 : vector<512xf32> to vector<512x1xf32>
    %eq3A_295 = vector.broadcast %broadcast_in_dim3A_294 : vector<512x1xf32> to vector<512x2048xf32>
    %eq3A_296 = arith.cmpf oeq, %select_n3A_291, %eq3A_295 : vector<512x2048xf32>
    %jit3A_297 = arith.constant 2048 : i32
    %broadcast_in_dim3A_298 = vector.broadcast %jit3A_297 : i32 to vector<512x2048xi32>
    %select_n3A_299 = arith.select %eq3A_296, %iota3A, %broadcast_in_dim3A_298 : vector<512x2048xi1>, vector<512x2048xi32>
    %reduce_min3A_300 = arith.constant dense<2147483647> : vector<512xi32>
    %reduce_min3A_301 = vector.multi_reduction <minsi>, %select_n3A_299, %reduce_min3A_300 [1] : vector<512x2048xi32> to vector<512xi32>
    %eq3A_302 = arith.constant 9 : i32
    %eq3A_303 = vector.broadcast %eq3A_302 : i32 to vector<512x12xi32>
    %eq3A_304 = arith.cmpi eq, %iota3A_21, %eq3A_303 : vector<512x12xi32>
    %broadcast_in_dim3A_305 = vector.shape_cast %reduce_min3A_301 : vector<512xi32> to vector<512x1xi32>
    %broadcast_in_dim3A_306 = vector.shape_cast %broadcast_in_dim3A_305 : vector<512x1xi32> to vector<512x1xi32>
    %broadcast_in_dim3A_307 = vector.broadcast %broadcast_in_dim3A_306 : vector<512x1xi32> to vector<512x12xi32>
    %select_n3A_308 = arith.select %eq3A_304, %broadcast_in_dim3A_307, %select_n3A_278 : vector<512x12xi1>, vector<512x12xi32>
    %eq3A_309 = arith.constant 9 : i32
    %eq3A_310 = vector.broadcast %eq3A_309 : i32 to vector<512x12xi32>
    %eq3A_311 = arith.cmpi eq, %iota3A_21, %eq3A_310 : vector<512x12xi32>
    %broadcast_in_dim3A_312 = vector.shape_cast %reduce_min3A_293 : vector<512xf32> to vector<512x1xf32>
    %broadcast_in_dim3A_313 = vector.shape_cast %broadcast_in_dim3A_312 : vector<512x1xf32> to vector<512x1xf32>
    %broadcast_in_dim3A_314 = vector.broadcast %broadcast_in_dim3A_313 : vector<512x1xf32> to vector<512x12xf32>
    %select_n3A_315 = arith.select %eq3A_311, %broadcast_in_dim3A_314, %select_n3A_285 : vector<512x12xi1>, vector<512x12xf32>
    %broadcast_in_dim3A_316 = vector.shape_cast %reduce_min3A_301 : vector<512xi32> to vector<512x1xi32>
    %eq3A_317 = vector.broadcast %broadcast_in_dim3A_316 : vector<512x1xi32> to vector<512x2048xi32>
    %eq3A_318 = arith.cmpi eq, %iota3A, %eq3A_317 : vector<512x2048xi32>
    %jit3A_319 = arith.constant 0x7F800000 : f32
    %broadcast_in_dim3A_320 = vector.broadcast %jit3A_319 : f32 to vector<512x2048xf32>
    %select_n3A_321 = arith.select %eq3A_318, %broadcast_in_dim3A_320, %select_n3A_291 : vector<512x2048xi1>, vector<512x2048xf32>
    %reduce_min3A_322 = arith.constant dense<0x7F800000> : vector<512xf32>
    %reduce_min3A_323 = vector.multi_reduction <minimumf>, %select_n3A_321, %reduce_min3A_322 [1] : vector<512x2048xf32> to vector<512xf32>
    %broadcast_in_dim3A_324 = vector.shape_cast %reduce_min3A_323 : vector<512xf32> to vector<512x1xf32>
    %eq3A_325 = vector.broadcast %broadcast_in_dim3A_324 : vector<512x1xf32> to vector<512x2048xf32>
    %eq3A_326 = arith.cmpf oeq, %select_n3A_321, %eq3A_325 : vector<512x2048xf32>
    %jit3A_327 = arith.constant 2048 : i32
    %broadcast_in_dim3A_328 = vector.broadcast %jit3A_327 : i32 to vector<512x2048xi32>
    %select_n3A_329 = arith.select %eq3A_326, %iota3A, %broadcast_in_dim3A_328 : vector<512x2048xi1>, vector<512x2048xi32>
    %reduce_min3A_330 = arith.constant dense<2147483647> : vector<512xi32>
    %reduce_min3A_331 = vector.multi_reduction <minsi>, %select_n3A_329, %reduce_min3A_330 [1] : vector<512x2048xi32> to vector<512xi32>
    %eq3A_332 = arith.constant 10 : i32
    %eq3A_333 = vector.broadcast %eq3A_332 : i32 to vector<512x12xi32>
    %eq3A_334 = arith.cmpi eq, %iota3A_21, %eq3A_333 : vector<512x12xi32>
    %broadcast_in_dim3A_335 = vector.shape_cast %reduce_min3A_331 : vector<512xi32> to vector<512x1xi32>
    %broadcast_in_dim3A_336 = vector.shape_cast %broadcast_in_dim3A_335 : vector<512x1xi32> to vector<512x1xi32>
    %broadcast_in_dim3A_337 = vector.broadcast %broadcast_in_dim3A_336 : vector<512x1xi32> to vector<512x12xi32>
    %select_n3A_338 = arith.select %eq3A_334, %broadcast_in_dim3A_337, %select_n3A_308 : vector<512x12xi1>, vector<512x12xi32>
    %eq3A_339 = arith.constant 10 : i32
    %eq3A_340 = vector.broadcast %eq3A_339 : i32 to vector<512x12xi32>
    %eq3A_341 = arith.cmpi eq, %iota3A_21, %eq3A_340 : vector<512x12xi32>
    %broadcast_in_dim3A_342 = vector.shape_cast %reduce_min3A_323 : vector<512xf32> to vector<512x1xf32>
    %broadcast_in_dim3A_343 = vector.shape_cast %broadcast_in_dim3A_342 : vector<512x1xf32> to vector<512x1xf32>
    %broadcast_in_dim3A_344 = vector.broadcast %broadcast_in_dim3A_343 : vector<512x1xf32> to vector<512x12xf32>
    %select_n3A_345 = arith.select %eq3A_341, %broadcast_in_dim3A_344, %select_n3A_315 : vector<512x12xi1>, vector<512x12xf32>
    %broadcast_in_dim3A_346 = vector.shape_cast %reduce_min3A_331 : vector<512xi32> to vector<512x1xi32>
    %eq3A_347 = vector.broadcast %broadcast_in_dim3A_346 : vector<512x1xi32> to vector<512x2048xi32>
    %eq3A_348 = arith.cmpi eq, %iota3A, %eq3A_347 : vector<512x2048xi32>
    %jit3A_349 = arith.constant 0x7F800000 : f32
    %broadcast_in_dim3A_350 = vector.broadcast %jit3A_349 : f32 to vector<512x2048xf32>
    %select_n3A_351 = arith.select %eq3A_348, %broadcast_in_dim3A_350, %select_n3A_321 : vector<512x2048xi1>, vector<512x2048xf32>
    %reduce_min3A_352 = arith.constant dense<0x7F800000> : vector<512xf32>
    %reduce_min3A_353 = vector.multi_reduction <minimumf>, %select_n3A_351, %reduce_min3A_352 [1] : vector<512x2048xf32> to vector<512xf32>
    %broadcast_in_dim3A_354 = vector.shape_cast %reduce_min3A_353 : vector<512xf32> to vector<512x1xf32>
    %eq3A_355 = vector.broadcast %broadcast_in_dim3A_354 : vector<512x1xf32> to vector<512x2048xf32>
    %eq3A_356 = arith.cmpf oeq, %select_n3A_351, %eq3A_355 : vector<512x2048xf32>
    %jit3A_357 = arith.constant 2048 : i32
    %broadcast_in_dim3A_358 = vector.broadcast %jit3A_357 : i32 to vector<512x2048xi32>
    %select_n3A_359 = arith.select %eq3A_356, %iota3A, %broadcast_in_dim3A_358 : vector<512x2048xi1>, vector<512x2048xi32>
    %reduce_min3A_360 = arith.constant dense<2147483647> : vector<512xi32>
    %reduce_min3A_361 = vector.multi_reduction <minsi>, %select_n3A_359, %reduce_min3A_360 [1] : vector<512x2048xi32> to vector<512xi32>
    %eq3A_362 = arith.constant 11 : i32
    %eq3A_363 = vector.broadcast %eq3A_362 : i32 to vector<512x12xi32>
    %eq3A_364 = arith.cmpi eq, %iota3A_21, %eq3A_363 : vector<512x12xi32>
    %broadcast_in_dim3A_365 = vector.shape_cast %reduce_min3A_361 : vector<512xi32> to vector<512x1xi32>
    %broadcast_in_dim3A_366 = vector.shape_cast %broadcast_in_dim3A_365 : vector<512x1xi32> to vector<512x1xi32>
    %broadcast_in_dim3A_367 = vector.broadcast %broadcast_in_dim3A_366 : vector<512x1xi32> to vector<512x12xi32>
    %select_n3A_368 = arith.select %eq3A_364, %broadcast_in_dim3A_367, %select_n3A_338 : vector<512x12xi1>, vector<512x12xi32>
    %eq3A_369 = arith.constant 11 : i32
    %eq3A_370 = vector.broadcast %eq3A_369 : i32 to vector<512x12xi32>
    %eq3A_371 = arith.cmpi eq, %iota3A_21, %eq3A_370 : vector<512x12xi32>
    %broadcast_in_dim3A_372 = vector.shape_cast %reduce_min3A_353 : vector<512xf32> to vector<512x1xf32>
    %broadcast_in_dim3A_373 = vector.shape_cast %broadcast_in_dim3A_372 : vector<512x1xf32> to vector<512x1xf32>
    %broadcast_in_dim3A_374 = vector.broadcast %broadcast_in_dim3A_373 : vector<512x1xf32> to vector<512x12xf32>
    %select_n3A_375 = arith.select %eq3A_371, %broadcast_in_dim3A_374, %select_n3A_345 : vector<512x12xi1>, vector<512x12xf32>
    %swap3A = arith.constant 0 : index
    %swap3A_376 = arith.constant 0 : index
    %swap3A_377 = arith.constant 0 : index
    %swap3A_378 = vector.load %arg4[%swap3A, %swap3A_376, %swap3A_377] : memref<1x512x12xi32, #tpu.memory_space<vmem>>, vector<1x512x12xi32>
    %swap3A_379 = vector.shape_cast %swap3A_378 : vector<1x512x12xi32> to vector<512x12xi32>
    %swap3A_380 = vector.shape_cast %select_n3A_368 : vector<512x12xi32> to vector<1x512x12xi32>
    tpu.vector_store %arg4[%swap3A, %swap3A_376, %swap3A_377], %swap3A_380 {strides = array<i32>} : memref<1x512x12xi32, #tpu.memory_space<vmem>>, vector<1x512x12xi32>,
    %swap3A_381 = arith.constant 0 : index
    %swap3A_382 = arith.constant 0 : index
    %swap3A_383 = arith.constant 0 : index
    %swap3A_384 = vector.load %arg5[%swap3A_381, %swap3A_382, %swap3A_383] : memref<1x512x12xf32, #tpu.memory_space<vmem>>, vector<1x512x12xf32>
    %swap3A_385 = vector.shape_cast %swap3A_384 : vector<1x512x12xf32> to vector<512x12xf32>
    %swap3A_386 = vector.shape_cast %select_n3A_375 : vector<512x12xf32> to vector<1x512x12xf32>
    tpu.vector_store %arg5[%swap3A_381, %swap3A_382, %swap3A_383], %swap3A_386 {strides = array<i32>} : memref<1x512x12xf32, #tpu.memory_space<vmem>>, vector<1x512x12xf32>,
    return
  }
  func.func @transform_0(%arg0: i32, %arg1: i32) -> (i32, i32, i32) {
    %c0_i32 = arith.constant 0 : i32
    %c0_i32_0 = arith.constant 0 : i32
    return %arg0, %arg1, %c0_i32 : i32, i32, i32
  }
  func.func @transform_1(%arg0: i32, %arg1: i32) -> (i32, i32, i32) {
    %c0_i32 = arith.constant 0 : i32
    %c0_i32_0 = arith.constant 0 : i32
    %c0_i32_1 = arith.constant 0 : i32
    return %arg0, %c0_i32, %c0_i32_0 : i32, i32, i32
  }
  func.func @transform_2(%arg0: i32, %arg1: i32) -> (i32, i32, i32) {
    %c0_i32 = arith.constant 0 : i32
    %c0_i32_0 = arith.constant 0 : i32
    return %arg0, %arg1, %c0_i32 : i32, i32, i32
  }
  func.func @transform_3(%arg0: i32, %arg1: i32) -> (i32, i32, i32) {
    %c0_i32 = arith.constant 0 : i32
    %c0_i32_0 = arith.constant 0 : i32
    return %arg0, %arg1, %c0_i32 : i32, i32, i32
  }
}

module attributes {stable_mosaic.version = 14 : i64} {
  func.func @_knn_body(%arg0: i32, %arg1: i32, %arg2: memref<1x512x16xf32, #tpu.memory_space<vmem>>, %arg3: memref<1x16x2048xf32, #tpu.memory_space<vmem>>, %arg4: memref<1x512x16xi32, #tpu.memory_space<vmem>>, %arg5: memref<1x512x16xf32, #tpu.memory_space<vmem>>) attributes {dimension_semantics = [#tpu.dimension_semantics<arbitrary>, #tpu.dimension_semantics<arbitrary>], iteration_bounds = array<i64: 2, 4>, scalar_prefetch = 0 : i64, scratch_operands = 0 : i64, tpu.core_type = #tpu.core_type<tc>, window_params = [{transform_indices = @transform_0, window_bounds = array<i64: 1, 512, 16>}, {transform_indices = @transform_1, window_bounds = array<i64: 1, 16, 2048>}, {transform_indices = @transform_2, window_bounds = array<i64: 1, 512, 16>}, {transform_indices = @transform_3, window_bounds = array<i64: 1, 512, 16>}]} {
    %get3A = arith.constant 0 : index
    %get3A_0 = arith.constant 0 : index
    %get3A_1 = arith.constant 0 : index
    %get3A_2 = vector.load %arg2[%get3A, %get3A_0, %get3A_1] : memref<1x512x16xf32, #tpu.memory_space<vmem>>, vector<1x512x16xf32>
    %get3A_3 = vector.shape_cast %get3A_2 : vector<1x512x16xf32> to vector<512x16xf32>
    %get3A_4 = arith.constant 0 : index
    %get3A_5 = arith.constant 0 : index
    %get3A_6 = arith.constant 0 : index
    %get3A_7 = vector.load %arg3[%get3A_4, %get3A_5, %get3A_6] : memref<1x16x2048xf32, #tpu.memory_space<vmem>>, vector<1x16x2048xf32>
    %get3A_8 = vector.shape_cast %get3A_7 : vector<1x16x2048xf32> to vector<16x2048xf32>
    %dot_general3A = arith.constant dense<0.000000e+00> : vector<512x2048xf32>
    %dot_general3A_9 = tpu.matmul %get3A_3, %get3A_8, %dot_general3A {dimension_numbers = #tpu.dot_dimension_numbers<[1], [0], [0], [1], [0, 0, 1, 1], [], []>, transpose_lhs_hint = false} : vector<512x16xf32>, vector<16x2048xf32>, vector<512x2048xf32> -> vector<512x2048xf32>
    %mul3A = arith.mulf %get3A_3, %get3A_3 : vector<512x16xf32>
    %reduce_sum3A = arith.constant dense<0.000000e+00> : vector<512xf32>
    %reduce_sum3A_10 = vector.multi_reduction <add>, %mul3A, %reduce_sum3A [1] : vector<512x16xf32> to vector<512xf32>
    %broadcast_in_dim3A = vector.shape_cast %reduce_sum3A_10 : vector<512xf32> to vector<512x1xf32>
    %mul3A_11 = arith.mulf %get3A_8, %get3A_8 : vector<16x2048xf32>
    %reduce_sum3A_12 = arith.constant dense<0.000000e+00> : vector<2048xf32>
    %reduce_sum3A_13 = vector.multi_reduction <add>, %mul3A_11, %reduce_sum3A_12 [0] : vector<16x2048xf32> to vector<2048xf32>
    %broadcast_in_dim3A_14 = vector.shape_cast %reduce_sum3A_13 : vector<2048xf32> to vector<1x2048xf32>
    %mul3A_15 = arith.constant -2.000000e+00 : f32
    %mul3A_16 = vector.broadcast %mul3A_15 : f32 to vector<512x2048xf32>
    %mul3A_17 = arith.mulf %mul3A_16, %dot_general3A_9 : vector<512x2048xf32>
    %add3A = vector.broadcast %broadcast_in_dim3A : vector<512x1xf32> to vector<512x2048xf32>
    %add3A_18 = arith.addf %mul3A_17, %add3A : vector<512x2048xf32>
    %add3A_19 = vector.broadcast %broadcast_in_dim3A_14 : vector<1x2048xf32> to vector<512x2048xf32>
    %add3A_20 = arith.addf %add3A_18, %add3A_19 : vector<512x2048xf32>
    %iota3A = tpu.iota {dimensions = array<i32: 1>} : vector<512x2048xi32>
    %iota3A_21 = tpu.iota {dimensions = array<i32: 1>} : vector<512x16xi32>
    %broadcast_in_dim3A_22 = arith.constant 0 : i32
    %broadcast_in_dim3A_23 = vector.broadcast %broadcast_in_dim3A_22 : i32 to vector<512x16xi32>
    %broadcast_in_dim3A_24 = arith.constant 0.000000e+00 : f32
    %broadcast_in_dim3A_25 = vector.broadcast %broadcast_in_dim3A_24 : f32 to vector<512x16xf32>
    %reduce_min3A = arith.constant dense<0x7F800000> : vector<512xf32>
    %reduce_min3A_26 = vector.multi_reduction <minimumf>, %add3A_20, %reduce_min3A [1] : vector<512x2048xf32> to vector<512xf32>
    %broadcast_in_dim3A_27 = vector.shape_cast %reduce_min3A_26 : vector<512xf32> to vector<512x1xf32>
    %eq3A = vector.broadcast %broadcast_in_dim3A_27 : vector<512x1xf32> to vector<512x2048xf32>
    %eq3A_28 = arith.cmpf oeq, %add3A_20, %eq3A : vector<512x2048xf32>
    %jit3A = arith.constant 2048 : i32
    %broadcast_in_dim3A_29 = vector.broadcast %jit3A : i32 to vector<512x2048xi32>
    %select_n3A = arith.select %eq3A_28, %iota3A, %broadcast_in_dim3A_29 : vector<512x2048xi1>, vector<512x2048xi32>
    %reduce_min3A_30 = arith.constant dense<2147483647> : vector<512xi32>
    %reduce_min3A_31 = vector.multi_reduction <minsi>, %select_n3A, %reduce_min3A_30 [1] : vector<512x2048xi32> to vector<512xi32>
    %eq3A_32 = arith.constant 0 : i32
    %eq3A_33 = vector.broadcast %eq3A_32 : i32 to vector<512x16xi32>
    %eq3A_34 = arith.cmpi eq, %iota3A_21, %eq3A_33 : vector<512x16xi32>
    %broadcast_in_dim3A_35 = vector.shape_cast %reduce_min3A_31 : vector<512xi32> to vector<512x1xi32>
    %broadcast_in_dim3A_36 = vector.shape_cast %broadcast_in_dim3A_35 : vector<512x1xi32> to vector<512x1xi32>
    %broadcast_in_dim3A_37 = vector.broadcast %broadcast_in_dim3A_36 : vector<512x1xi32> to vector<512x16xi32>
    %select_n3A_38 = arith.select %eq3A_34, %broadcast_in_dim3A_37, %broadcast_in_dim3A_23 : vector<512x16xi1>, vector<512x16xi32>
    %eq3A_39 = arith.constant 0 : i32
    %eq3A_40 = vector.broadcast %eq3A_39 : i32 to vector<512x16xi32>
    %eq3A_41 = arith.cmpi eq, %iota3A_21, %eq3A_40 : vector<512x16xi32>
    %broadcast_in_dim3A_42 = vector.shape_cast %reduce_min3A_26 : vector<512xf32> to vector<512x1xf32>
    %broadcast_in_dim3A_43 = vector.shape_cast %broadcast_in_dim3A_42 : vector<512x1xf32> to vector<512x1xf32>
    %broadcast_in_dim3A_44 = vector.broadcast %broadcast_in_dim3A_43 : vector<512x1xf32> to vector<512x16xf32>
    %select_n3A_45 = arith.select %eq3A_41, %broadcast_in_dim3A_44, %broadcast_in_dim3A_25 : vector<512x16xi1>, vector<512x16xf32>
    %broadcast_in_dim3A_46 = vector.shape_cast %reduce_min3A_31 : vector<512xi32> to vector<512x1xi32>
    %eq3A_47 = vector.broadcast %broadcast_in_dim3A_46 : vector<512x1xi32> to vector<512x2048xi32>
    %eq3A_48 = arith.cmpi eq, %iota3A, %eq3A_47 : vector<512x2048xi32>
    %jit3A_49 = arith.constant 0x7F800000 : f32
    %broadcast_in_dim3A_50 = vector.broadcast %jit3A_49 : f32 to vector<512x2048xf32>
    %select_n3A_51 = arith.select %eq3A_48, %broadcast_in_dim3A_50, %add3A_20 : vector<512x2048xi1>, vector<512x2048xf32>
    %reduce_min3A_52 = arith.constant dense<0x7F800000> : vector<512xf32>
    %reduce_min3A_53 = vector.multi_reduction <minimumf>, %select_n3A_51, %reduce_min3A_52 [1] : vector<512x2048xf32> to vector<512xf32>
    %broadcast_in_dim3A_54 = vector.shape_cast %reduce_min3A_53 : vector<512xf32> to vector<512x1xf32>
    %eq3A_55 = vector.broadcast %broadcast_in_dim3A_54 : vector<512x1xf32> to vector<512x2048xf32>
    %eq3A_56 = arith.cmpf oeq, %select_n3A_51, %eq3A_55 : vector<512x2048xf32>
    %jit3A_57 = arith.constant 2048 : i32
    %broadcast_in_dim3A_58 = vector.broadcast %jit3A_57 : i32 to vector<512x2048xi32>
    %select_n3A_59 = arith.select %eq3A_56, %iota3A, %broadcast_in_dim3A_58 : vector<512x2048xi1>, vector<512x2048xi32>
    %reduce_min3A_60 = arith.constant dense<2147483647> : vector<512xi32>
    %reduce_min3A_61 = vector.multi_reduction <minsi>, %select_n3A_59, %reduce_min3A_60 [1] : vector<512x2048xi32> to vector<512xi32>
    %eq3A_62 = arith.constant 1 : i32
    %eq3A_63 = vector.broadcast %eq3A_62 : i32 to vector<512x16xi32>
    %eq3A_64 = arith.cmpi eq, %iota3A_21, %eq3A_63 : vector<512x16xi32>
    %broadcast_in_dim3A_65 = vector.shape_cast %reduce_min3A_61 : vector<512xi32> to vector<512x1xi32>
    %broadcast_in_dim3A_66 = vector.shape_cast %broadcast_in_dim3A_65 : vector<512x1xi32> to vector<512x1xi32>
    %broadcast_in_dim3A_67 = vector.broadcast %broadcast_in_dim3A_66 : vector<512x1xi32> to vector<512x16xi32>
    %select_n3A_68 = arith.select %eq3A_64, %broadcast_in_dim3A_67, %select_n3A_38 : vector<512x16xi1>, vector<512x16xi32>
    %eq3A_69 = arith.constant 1 : i32
    %eq3A_70 = vector.broadcast %eq3A_69 : i32 to vector<512x16xi32>
    %eq3A_71 = arith.cmpi eq, %iota3A_21, %eq3A_70 : vector<512x16xi32>
    %broadcast_in_dim3A_72 = vector.shape_cast %reduce_min3A_53 : vector<512xf32> to vector<512x1xf32>
    %broadcast_in_dim3A_73 = vector.shape_cast %broadcast_in_dim3A_72 : vector<512x1xf32> to vector<512x1xf32>
    %broadcast_in_dim3A_74 = vector.broadcast %broadcast_in_dim3A_73 : vector<512x1xf32> to vector<512x16xf32>
    %select_n3A_75 = arith.select %eq3A_71, %broadcast_in_dim3A_74, %select_n3A_45 : vector<512x16xi1>, vector<512x16xf32>
    %broadcast_in_dim3A_76 = vector.shape_cast %reduce_min3A_61 : vector<512xi32> to vector<512x1xi32>
    %eq3A_77 = vector.broadcast %broadcast_in_dim3A_76 : vector<512x1xi32> to vector<512x2048xi32>
    %eq3A_78 = arith.cmpi eq, %iota3A, %eq3A_77 : vector<512x2048xi32>
    %jit3A_79 = arith.constant 0x7F800000 : f32
    %broadcast_in_dim3A_80 = vector.broadcast %jit3A_79 : f32 to vector<512x2048xf32>
    %select_n3A_81 = arith.select %eq3A_78, %broadcast_in_dim3A_80, %select_n3A_51 : vector<512x2048xi1>, vector<512x2048xf32>
    %reduce_min3A_82 = arith.constant dense<0x7F800000> : vector<512xf32>
    %reduce_min3A_83 = vector.multi_reduction <minimumf>, %select_n3A_81, %reduce_min3A_82 [1] : vector<512x2048xf32> to vector<512xf32>
    %broadcast_in_dim3A_84 = vector.shape_cast %reduce_min3A_83 : vector<512xf32> to vector<512x1xf32>
    %eq3A_85 = vector.broadcast %broadcast_in_dim3A_84 : vector<512x1xf32> to vector<512x2048xf32>
    %eq3A_86 = arith.cmpf oeq, %select_n3A_81, %eq3A_85 : vector<512x2048xf32>
    %jit3A_87 = arith.constant 2048 : i32
    %broadcast_in_dim3A_88 = vector.broadcast %jit3A_87 : i32 to vector<512x2048xi32>
    %select_n3A_89 = arith.select %eq3A_86, %iota3A, %broadcast_in_dim3A_88 : vector<512x2048xi1>, vector<512x2048xi32>
    %reduce_min3A_90 = arith.constant dense<2147483647> : vector<512xi32>
    %reduce_min3A_91 = vector.multi_reduction <minsi>, %select_n3A_89, %reduce_min3A_90 [1] : vector<512x2048xi32> to vector<512xi32>
    %eq3A_92 = arith.constant 2 : i32
    %eq3A_93 = vector.broadcast %eq3A_92 : i32 to vector<512x16xi32>
    %eq3A_94 = arith.cmpi eq, %iota3A_21, %eq3A_93 : vector<512x16xi32>
    %broadcast_in_dim3A_95 = vector.shape_cast %reduce_min3A_91 : vector<512xi32> to vector<512x1xi32>
    %broadcast_in_dim3A_96 = vector.shape_cast %broadcast_in_dim3A_95 : vector<512x1xi32> to vector<512x1xi32>
    %broadcast_in_dim3A_97 = vector.broadcast %broadcast_in_dim3A_96 : vector<512x1xi32> to vector<512x16xi32>
    %select_n3A_98 = arith.select %eq3A_94, %broadcast_in_dim3A_97, %select_n3A_68 : vector<512x16xi1>, vector<512x16xi32>
    %eq3A_99 = arith.constant 2 : i32
    %eq3A_100 = vector.broadcast %eq3A_99 : i32 to vector<512x16xi32>
    %eq3A_101 = arith.cmpi eq, %iota3A_21, %eq3A_100 : vector<512x16xi32>
    %broadcast_in_dim3A_102 = vector.shape_cast %reduce_min3A_83 : vector<512xf32> to vector<512x1xf32>
    %broadcast_in_dim3A_103 = vector.shape_cast %broadcast_in_dim3A_102 : vector<512x1xf32> to vector<512x1xf32>
    %broadcast_in_dim3A_104 = vector.broadcast %broadcast_in_dim3A_103 : vector<512x1xf32> to vector<512x16xf32>
    %select_n3A_105 = arith.select %eq3A_101, %broadcast_in_dim3A_104, %select_n3A_75 : vector<512x16xi1>, vector<512x16xf32>
    %broadcast_in_dim3A_106 = vector.shape_cast %reduce_min3A_91 : vector<512xi32> to vector<512x1xi32>
    %eq3A_107 = vector.broadcast %broadcast_in_dim3A_106 : vector<512x1xi32> to vector<512x2048xi32>
    %eq3A_108 = arith.cmpi eq, %iota3A, %eq3A_107 : vector<512x2048xi32>
    %jit3A_109 = arith.constant 0x7F800000 : f32
    %broadcast_in_dim3A_110 = vector.broadcast %jit3A_109 : f32 to vector<512x2048xf32>
    %select_n3A_111 = arith.select %eq3A_108, %broadcast_in_dim3A_110, %select_n3A_81 : vector<512x2048xi1>, vector<512x2048xf32>
    %reduce_min3A_112 = arith.constant dense<0x7F800000> : vector<512xf32>
    %reduce_min3A_113 = vector.multi_reduction <minimumf>, %select_n3A_111, %reduce_min3A_112 [1] : vector<512x2048xf32> to vector<512xf32>
    %broadcast_in_dim3A_114 = vector.shape_cast %reduce_min3A_113 : vector<512xf32> to vector<512x1xf32>
    %eq3A_115 = vector.broadcast %broadcast_in_dim3A_114 : vector<512x1xf32> to vector<512x2048xf32>
    %eq3A_116 = arith.cmpf oeq, %select_n3A_111, %eq3A_115 : vector<512x2048xf32>
    %jit3A_117 = arith.constant 2048 : i32
    %broadcast_in_dim3A_118 = vector.broadcast %jit3A_117 : i32 to vector<512x2048xi32>
    %select_n3A_119 = arith.select %eq3A_116, %iota3A, %broadcast_in_dim3A_118 : vector<512x2048xi1>, vector<512x2048xi32>
    %reduce_min3A_120 = arith.constant dense<2147483647> : vector<512xi32>
    %reduce_min3A_121 = vector.multi_reduction <minsi>, %select_n3A_119, %reduce_min3A_120 [1] : vector<512x2048xi32> to vector<512xi32>
    %eq3A_122 = arith.constant 3 : i32
    %eq3A_123 = vector.broadcast %eq3A_122 : i32 to vector<512x16xi32>
    %eq3A_124 = arith.cmpi eq, %iota3A_21, %eq3A_123 : vector<512x16xi32>
    %broadcast_in_dim3A_125 = vector.shape_cast %reduce_min3A_121 : vector<512xi32> to vector<512x1xi32>
    %broadcast_in_dim3A_126 = vector.shape_cast %broadcast_in_dim3A_125 : vector<512x1xi32> to vector<512x1xi32>
    %broadcast_in_dim3A_127 = vector.broadcast %broadcast_in_dim3A_126 : vector<512x1xi32> to vector<512x16xi32>
    %select_n3A_128 = arith.select %eq3A_124, %broadcast_in_dim3A_127, %select_n3A_98 : vector<512x16xi1>, vector<512x16xi32>
    %eq3A_129 = arith.constant 3 : i32
    %eq3A_130 = vector.broadcast %eq3A_129 : i32 to vector<512x16xi32>
    %eq3A_131 = arith.cmpi eq, %iota3A_21, %eq3A_130 : vector<512x16xi32>
    %broadcast_in_dim3A_132 = vector.shape_cast %reduce_min3A_113 : vector<512xf32> to vector<512x1xf32>
    %broadcast_in_dim3A_133 = vector.shape_cast %broadcast_in_dim3A_132 : vector<512x1xf32> to vector<512x1xf32>
    %broadcast_in_dim3A_134 = vector.broadcast %broadcast_in_dim3A_133 : vector<512x1xf32> to vector<512x16xf32>
    %select_n3A_135 = arith.select %eq3A_131, %broadcast_in_dim3A_134, %select_n3A_105 : vector<512x16xi1>, vector<512x16xf32>
    %broadcast_in_dim3A_136 = vector.shape_cast %reduce_min3A_121 : vector<512xi32> to vector<512x1xi32>
    %eq3A_137 = vector.broadcast %broadcast_in_dim3A_136 : vector<512x1xi32> to vector<512x2048xi32>
    %eq3A_138 = arith.cmpi eq, %iota3A, %eq3A_137 : vector<512x2048xi32>
    %jit3A_139 = arith.constant 0x7F800000 : f32
    %broadcast_in_dim3A_140 = vector.broadcast %jit3A_139 : f32 to vector<512x2048xf32>
    %select_n3A_141 = arith.select %eq3A_138, %broadcast_in_dim3A_140, %select_n3A_111 : vector<512x2048xi1>, vector<512x2048xf32>
    %reduce_min3A_142 = arith.constant dense<0x7F800000> : vector<512xf32>
    %reduce_min3A_143 = vector.multi_reduction <minimumf>, %select_n3A_141, %reduce_min3A_142 [1] : vector<512x2048xf32> to vector<512xf32>
    %broadcast_in_dim3A_144 = vector.shape_cast %reduce_min3A_143 : vector<512xf32> to vector<512x1xf32>
    %eq3A_145 = vector.broadcast %broadcast_in_dim3A_144 : vector<512x1xf32> to vector<512x2048xf32>
    %eq3A_146 = arith.cmpf oeq, %select_n3A_141, %eq3A_145 : vector<512x2048xf32>
    %jit3A_147 = arith.constant 2048 : i32
    %broadcast_in_dim3A_148 = vector.broadcast %jit3A_147 : i32 to vector<512x2048xi32>
    %select_n3A_149 = arith.select %eq3A_146, %iota3A, %broadcast_in_dim3A_148 : vector<512x2048xi1>, vector<512x2048xi32>
    %reduce_min3A_150 = arith.constant dense<2147483647> : vector<512xi32>
    %reduce_min3A_151 = vector.multi_reduction <minsi>, %select_n3A_149, %reduce_min3A_150 [1] : vector<512x2048xi32> to vector<512xi32>
    %eq3A_152 = arith.constant 4 : i32
    %eq3A_153 = vector.broadcast %eq3A_152 : i32 to vector<512x16xi32>
    %eq3A_154 = arith.cmpi eq, %iota3A_21, %eq3A_153 : vector<512x16xi32>
    %broadcast_in_dim3A_155 = vector.shape_cast %reduce_min3A_151 : vector<512xi32> to vector<512x1xi32>
    %broadcast_in_dim3A_156 = vector.shape_cast %broadcast_in_dim3A_155 : vector<512x1xi32> to vector<512x1xi32>
    %broadcast_in_dim3A_157 = vector.broadcast %broadcast_in_dim3A_156 : vector<512x1xi32> to vector<512x16xi32>
    %select_n3A_158 = arith.select %eq3A_154, %broadcast_in_dim3A_157, %select_n3A_128 : vector<512x16xi1>, vector<512x16xi32>
    %eq3A_159 = arith.constant 4 : i32
    %eq3A_160 = vector.broadcast %eq3A_159 : i32 to vector<512x16xi32>
    %eq3A_161 = arith.cmpi eq, %iota3A_21, %eq3A_160 : vector<512x16xi32>
    %broadcast_in_dim3A_162 = vector.shape_cast %reduce_min3A_143 : vector<512xf32> to vector<512x1xf32>
    %broadcast_in_dim3A_163 = vector.shape_cast %broadcast_in_dim3A_162 : vector<512x1xf32> to vector<512x1xf32>
    %broadcast_in_dim3A_164 = vector.broadcast %broadcast_in_dim3A_163 : vector<512x1xf32> to vector<512x16xf32>
    %select_n3A_165 = arith.select %eq3A_161, %broadcast_in_dim3A_164, %select_n3A_135 : vector<512x16xi1>, vector<512x16xf32>
    %broadcast_in_dim3A_166 = vector.shape_cast %reduce_min3A_151 : vector<512xi32> to vector<512x1xi32>
    %eq3A_167 = vector.broadcast %broadcast_in_dim3A_166 : vector<512x1xi32> to vector<512x2048xi32>
    %eq3A_168 = arith.cmpi eq, %iota3A, %eq3A_167 : vector<512x2048xi32>
    %jit3A_169 = arith.constant 0x7F800000 : f32
    %broadcast_in_dim3A_170 = vector.broadcast %jit3A_169 : f32 to vector<512x2048xf32>
    %select_n3A_171 = arith.select %eq3A_168, %broadcast_in_dim3A_170, %select_n3A_141 : vector<512x2048xi1>, vector<512x2048xf32>
    %reduce_min3A_172 = arith.constant dense<0x7F800000> : vector<512xf32>
    %reduce_min3A_173 = vector.multi_reduction <minimumf>, %select_n3A_171, %reduce_min3A_172 [1] : vector<512x2048xf32> to vector<512xf32>
    %broadcast_in_dim3A_174 = vector.shape_cast %reduce_min3A_173 : vector<512xf32> to vector<512x1xf32>
    %eq3A_175 = vector.broadcast %broadcast_in_dim3A_174 : vector<512x1xf32> to vector<512x2048xf32>
    %eq3A_176 = arith.cmpf oeq, %select_n3A_171, %eq3A_175 : vector<512x2048xf32>
    %jit3A_177 = arith.constant 2048 : i32
    %broadcast_in_dim3A_178 = vector.broadcast %jit3A_177 : i32 to vector<512x2048xi32>
    %select_n3A_179 = arith.select %eq3A_176, %iota3A, %broadcast_in_dim3A_178 : vector<512x2048xi1>, vector<512x2048xi32>
    %reduce_min3A_180 = arith.constant dense<2147483647> : vector<512xi32>
    %reduce_min3A_181 = vector.multi_reduction <minsi>, %select_n3A_179, %reduce_min3A_180 [1] : vector<512x2048xi32> to vector<512xi32>
    %eq3A_182 = arith.constant 5 : i32
    %eq3A_183 = vector.broadcast %eq3A_182 : i32 to vector<512x16xi32>
    %eq3A_184 = arith.cmpi eq, %iota3A_21, %eq3A_183 : vector<512x16xi32>
    %broadcast_in_dim3A_185 = vector.shape_cast %reduce_min3A_181 : vector<512xi32> to vector<512x1xi32>
    %broadcast_in_dim3A_186 = vector.shape_cast %broadcast_in_dim3A_185 : vector<512x1xi32> to vector<512x1xi32>
    %broadcast_in_dim3A_187 = vector.broadcast %broadcast_in_dim3A_186 : vector<512x1xi32> to vector<512x16xi32>
    %select_n3A_188 = arith.select %eq3A_184, %broadcast_in_dim3A_187, %select_n3A_158 : vector<512x16xi1>, vector<512x16xi32>
    %eq3A_189 = arith.constant 5 : i32
    %eq3A_190 = vector.broadcast %eq3A_189 : i32 to vector<512x16xi32>
    %eq3A_191 = arith.cmpi eq, %iota3A_21, %eq3A_190 : vector<512x16xi32>
    %broadcast_in_dim3A_192 = vector.shape_cast %reduce_min3A_173 : vector<512xf32> to vector<512x1xf32>
    %broadcast_in_dim3A_193 = vector.shape_cast %broadcast_in_dim3A_192 : vector<512x1xf32> to vector<512x1xf32>
    %broadcast_in_dim3A_194 = vector.broadcast %broadcast_in_dim3A_193 : vector<512x1xf32> to vector<512x16xf32>
    %select_n3A_195 = arith.select %eq3A_191, %broadcast_in_dim3A_194, %select_n3A_165 : vector<512x16xi1>, vector<512x16xf32>
    %broadcast_in_dim3A_196 = vector.shape_cast %reduce_min3A_181 : vector<512xi32> to vector<512x1xi32>
    %eq3A_197 = vector.broadcast %broadcast_in_dim3A_196 : vector<512x1xi32> to vector<512x2048xi32>
    %eq3A_198 = arith.cmpi eq, %iota3A, %eq3A_197 : vector<512x2048xi32>
    %jit3A_199 = arith.constant 0x7F800000 : f32
    %broadcast_in_dim3A_200 = vector.broadcast %jit3A_199 : f32 to vector<512x2048xf32>
    %select_n3A_201 = arith.select %eq3A_198, %broadcast_in_dim3A_200, %select_n3A_171 : vector<512x2048xi1>, vector<512x2048xf32>
    %reduce_min3A_202 = arith.constant dense<0x7F800000> : vector<512xf32>
    %reduce_min3A_203 = vector.multi_reduction <minimumf>, %select_n3A_201, %reduce_min3A_202 [1] : vector<512x2048xf32> to vector<512xf32>
    %broadcast_in_dim3A_204 = vector.shape_cast %reduce_min3A_203 : vector<512xf32> to vector<512x1xf32>
    %eq3A_205 = vector.broadcast %broadcast_in_dim3A_204 : vector<512x1xf32> to vector<512x2048xf32>
    %eq3A_206 = arith.cmpf oeq, %select_n3A_201, %eq3A_205 : vector<512x2048xf32>
    %jit3A_207 = arith.constant 2048 : i32
    %broadcast_in_dim3A_208 = vector.broadcast %jit3A_207 : i32 to vector<512x2048xi32>
    %select_n3A_209 = arith.select %eq3A_206, %iota3A, %broadcast_in_dim3A_208 : vector<512x2048xi1>, vector<512x2048xi32>
    %reduce_min3A_210 = arith.constant dense<2147483647> : vector<512xi32>
    %reduce_min3A_211 = vector.multi_reduction <minsi>, %select_n3A_209, %reduce_min3A_210 [1] : vector<512x2048xi32> to vector<512xi32>
    %eq3A_212 = arith.constant 6 : i32
    %eq3A_213 = vector.broadcast %eq3A_212 : i32 to vector<512x16xi32>
    %eq3A_214 = arith.cmpi eq, %iota3A_21, %eq3A_213 : vector<512x16xi32>
    %broadcast_in_dim3A_215 = vector.shape_cast %reduce_min3A_211 : vector<512xi32> to vector<512x1xi32>
    %broadcast_in_dim3A_216 = vector.shape_cast %broadcast_in_dim3A_215 : vector<512x1xi32> to vector<512x1xi32>
    %broadcast_in_dim3A_217 = vector.broadcast %broadcast_in_dim3A_216 : vector<512x1xi32> to vector<512x16xi32>
    %select_n3A_218 = arith.select %eq3A_214, %broadcast_in_dim3A_217, %select_n3A_188 : vector<512x16xi1>, vector<512x16xi32>
    %eq3A_219 = arith.constant 6 : i32
    %eq3A_220 = vector.broadcast %eq3A_219 : i32 to vector<512x16xi32>
    %eq3A_221 = arith.cmpi eq, %iota3A_21, %eq3A_220 : vector<512x16xi32>
    %broadcast_in_dim3A_222 = vector.shape_cast %reduce_min3A_203 : vector<512xf32> to vector<512x1xf32>
    %broadcast_in_dim3A_223 = vector.shape_cast %broadcast_in_dim3A_222 : vector<512x1xf32> to vector<512x1xf32>
    %broadcast_in_dim3A_224 = vector.broadcast %broadcast_in_dim3A_223 : vector<512x1xf32> to vector<512x16xf32>
    %select_n3A_225 = arith.select %eq3A_221, %broadcast_in_dim3A_224, %select_n3A_195 : vector<512x16xi1>, vector<512x16xf32>
    %broadcast_in_dim3A_226 = vector.shape_cast %reduce_min3A_211 : vector<512xi32> to vector<512x1xi32>
    %eq3A_227 = vector.broadcast %broadcast_in_dim3A_226 : vector<512x1xi32> to vector<512x2048xi32>
    %eq3A_228 = arith.cmpi eq, %iota3A, %eq3A_227 : vector<512x2048xi32>
    %jit3A_229 = arith.constant 0x7F800000 : f32
    %broadcast_in_dim3A_230 = vector.broadcast %jit3A_229 : f32 to vector<512x2048xf32>
    %select_n3A_231 = arith.select %eq3A_228, %broadcast_in_dim3A_230, %select_n3A_201 : vector<512x2048xi1>, vector<512x2048xf32>
    %reduce_min3A_232 = arith.constant dense<0x7F800000> : vector<512xf32>
    %reduce_min3A_233 = vector.multi_reduction <minimumf>, %select_n3A_231, %reduce_min3A_232 [1] : vector<512x2048xf32> to vector<512xf32>
    %broadcast_in_dim3A_234 = vector.shape_cast %reduce_min3A_233 : vector<512xf32> to vector<512x1xf32>
    %eq3A_235 = vector.broadcast %broadcast_in_dim3A_234 : vector<512x1xf32> to vector<512x2048xf32>
    %eq3A_236 = arith.cmpf oeq, %select_n3A_231, %eq3A_235 : vector<512x2048xf32>
    %jit3A_237 = arith.constant 2048 : i32
    %broadcast_in_dim3A_238 = vector.broadcast %jit3A_237 : i32 to vector<512x2048xi32>
    %select_n3A_239 = arith.select %eq3A_236, %iota3A, %broadcast_in_dim3A_238 : vector<512x2048xi1>, vector<512x2048xi32>
    %reduce_min3A_240 = arith.constant dense<2147483647> : vector<512xi32>
    %reduce_min3A_241 = vector.multi_reduction <minsi>, %select_n3A_239, %reduce_min3A_240 [1] : vector<512x2048xi32> to vector<512xi32>
    %eq3A_242 = arith.constant 7 : i32
    %eq3A_243 = vector.broadcast %eq3A_242 : i32 to vector<512x16xi32>
    %eq3A_244 = arith.cmpi eq, %iota3A_21, %eq3A_243 : vector<512x16xi32>
    %broadcast_in_dim3A_245 = vector.shape_cast %reduce_min3A_241 : vector<512xi32> to vector<512x1xi32>
    %broadcast_in_dim3A_246 = vector.shape_cast %broadcast_in_dim3A_245 : vector<512x1xi32> to vector<512x1xi32>
    %broadcast_in_dim3A_247 = vector.broadcast %broadcast_in_dim3A_246 : vector<512x1xi32> to vector<512x16xi32>
    %select_n3A_248 = arith.select %eq3A_244, %broadcast_in_dim3A_247, %select_n3A_218 : vector<512x16xi1>, vector<512x16xi32>
    %eq3A_249 = arith.constant 7 : i32
    %eq3A_250 = vector.broadcast %eq3A_249 : i32 to vector<512x16xi32>
    %eq3A_251 = arith.cmpi eq, %iota3A_21, %eq3A_250 : vector<512x16xi32>
    %broadcast_in_dim3A_252 = vector.shape_cast %reduce_min3A_233 : vector<512xf32> to vector<512x1xf32>
    %broadcast_in_dim3A_253 = vector.shape_cast %broadcast_in_dim3A_252 : vector<512x1xf32> to vector<512x1xf32>
    %broadcast_in_dim3A_254 = vector.broadcast %broadcast_in_dim3A_253 : vector<512x1xf32> to vector<512x16xf32>
    %select_n3A_255 = arith.select %eq3A_251, %broadcast_in_dim3A_254, %select_n3A_225 : vector<512x16xi1>, vector<512x16xf32>
    %broadcast_in_dim3A_256 = vector.shape_cast %reduce_min3A_241 : vector<512xi32> to vector<512x1xi32>
    %eq3A_257 = vector.broadcast %broadcast_in_dim3A_256 : vector<512x1xi32> to vector<512x2048xi32>
    %eq3A_258 = arith.cmpi eq, %iota3A, %eq3A_257 : vector<512x2048xi32>
    %jit3A_259 = arith.constant 0x7F800000 : f32
    %broadcast_in_dim3A_260 = vector.broadcast %jit3A_259 : f32 to vector<512x2048xf32>
    %select_n3A_261 = arith.select %eq3A_258, %broadcast_in_dim3A_260, %select_n3A_231 : vector<512x2048xi1>, vector<512x2048xf32>
    %reduce_min3A_262 = arith.constant dense<0x7F800000> : vector<512xf32>
    %reduce_min3A_263 = vector.multi_reduction <minimumf>, %select_n3A_261, %reduce_min3A_262 [1] : vector<512x2048xf32> to vector<512xf32>
    %broadcast_in_dim3A_264 = vector.shape_cast %reduce_min3A_263 : vector<512xf32> to vector<512x1xf32>
    %eq3A_265 = vector.broadcast %broadcast_in_dim3A_264 : vector<512x1xf32> to vector<512x2048xf32>
    %eq3A_266 = arith.cmpf oeq, %select_n3A_261, %eq3A_265 : vector<512x2048xf32>
    %jit3A_267 = arith.constant 2048 : i32
    %broadcast_in_dim3A_268 = vector.broadcast %jit3A_267 : i32 to vector<512x2048xi32>
    %select_n3A_269 = arith.select %eq3A_266, %iota3A, %broadcast_in_dim3A_268 : vector<512x2048xi1>, vector<512x2048xi32>
    %reduce_min3A_270 = arith.constant dense<2147483647> : vector<512xi32>
    %reduce_min3A_271 = vector.multi_reduction <minsi>, %select_n3A_269, %reduce_min3A_270 [1] : vector<512x2048xi32> to vector<512xi32>
    %eq3A_272 = arith.constant 8 : i32
    %eq3A_273 = vector.broadcast %eq3A_272 : i32 to vector<512x16xi32>
    %eq3A_274 = arith.cmpi eq, %iota3A_21, %eq3A_273 : vector<512x16xi32>
    %broadcast_in_dim3A_275 = vector.shape_cast %reduce_min3A_271 : vector<512xi32> to vector<512x1xi32>
    %broadcast_in_dim3A_276 = vector.shape_cast %broadcast_in_dim3A_275 : vector<512x1xi32> to vector<512x1xi32>
    %broadcast_in_dim3A_277 = vector.broadcast %broadcast_in_dim3A_276 : vector<512x1xi32> to vector<512x16xi32>
    %select_n3A_278 = arith.select %eq3A_274, %broadcast_in_dim3A_277, %select_n3A_248 : vector<512x16xi1>, vector<512x16xi32>
    %eq3A_279 = arith.constant 8 : i32
    %eq3A_280 = vector.broadcast %eq3A_279 : i32 to vector<512x16xi32>
    %eq3A_281 = arith.cmpi eq, %iota3A_21, %eq3A_280 : vector<512x16xi32>
    %broadcast_in_dim3A_282 = vector.shape_cast %reduce_min3A_263 : vector<512xf32> to vector<512x1xf32>
    %broadcast_in_dim3A_283 = vector.shape_cast %broadcast_in_dim3A_282 : vector<512x1xf32> to vector<512x1xf32>
    %broadcast_in_dim3A_284 = vector.broadcast %broadcast_in_dim3A_283 : vector<512x1xf32> to vector<512x16xf32>
    %select_n3A_285 = arith.select %eq3A_281, %broadcast_in_dim3A_284, %select_n3A_255 : vector<512x16xi1>, vector<512x16xf32>
    %broadcast_in_dim3A_286 = vector.shape_cast %reduce_min3A_271 : vector<512xi32> to vector<512x1xi32>
    %eq3A_287 = vector.broadcast %broadcast_in_dim3A_286 : vector<512x1xi32> to vector<512x2048xi32>
    %eq3A_288 = arith.cmpi eq, %iota3A, %eq3A_287 : vector<512x2048xi32>
    %jit3A_289 = arith.constant 0x7F800000 : f32
    %broadcast_in_dim3A_290 = vector.broadcast %jit3A_289 : f32 to vector<512x2048xf32>
    %select_n3A_291 = arith.select %eq3A_288, %broadcast_in_dim3A_290, %select_n3A_261 : vector<512x2048xi1>, vector<512x2048xf32>
    %reduce_min3A_292 = arith.constant dense<0x7F800000> : vector<512xf32>
    %reduce_min3A_293 = vector.multi_reduction <minimumf>, %select_n3A_291, %reduce_min3A_292 [1] : vector<512x2048xf32> to vector<512xf32>
    %broadcast_in_dim3A_294 = vector.shape_cast %reduce_min3A_293 : vector<512xf32> to vector<512x1xf32>
    %eq3A_295 = vector.broadcast %broadcast_in_dim3A_294 : vector<512x1xf32> to vector<512x2048xf32>
    %eq3A_296 = arith.cmpf oeq, %select_n3A_291, %eq3A_295 : vector<512x2048xf32>
    %jit3A_297 = arith.constant 2048 : i32
    %broadcast_in_dim3A_298 = vector.broadcast %jit3A_297 : i32 to vector<512x2048xi32>
    %select_n3A_299 = arith.select %eq3A_296, %iota3A, %broadcast_in_dim3A_298 : vector<512x2048xi1>, vector<512x2048xi32>
    %reduce_min3A_300 = arith.constant dense<2147483647> : vector<512xi32>
    %reduce_min3A_301 = vector.multi_reduction <minsi>, %select_n3A_299, %reduce_min3A_300 [1] : vector<512x2048xi32> to vector<512xi32>
    %eq3A_302 = arith.constant 9 : i32
    %eq3A_303 = vector.broadcast %eq3A_302 : i32 to vector<512x16xi32>
    %eq3A_304 = arith.cmpi eq, %iota3A_21, %eq3A_303 : vector<512x16xi32>
    %broadcast_in_dim3A_305 = vector.shape_cast %reduce_min3A_301 : vector<512xi32> to vector<512x1xi32>
    %broadcast_in_dim3A_306 = vector.shape_cast %broadcast_in_dim3A_305 : vector<512x1xi32> to vector<512x1xi32>
    %broadcast_in_dim3A_307 = vector.broadcast %broadcast_in_dim3A_306 : vector<512x1xi32> to vector<512x16xi32>
    %select_n3A_308 = arith.select %eq3A_304, %broadcast_in_dim3A_307, %select_n3A_278 : vector<512x16xi1>, vector<512x16xi32>
    %eq3A_309 = arith.constant 9 : i32
    %eq3A_310 = vector.broadcast %eq3A_309 : i32 to vector<512x16xi32>
    %eq3A_311 = arith.cmpi eq, %iota3A_21, %eq3A_310 : vector<512x16xi32>
    %broadcast_in_dim3A_312 = vector.shape_cast %reduce_min3A_293 : vector<512xf32> to vector<512x1xf32>
    %broadcast_in_dim3A_313 = vector.shape_cast %broadcast_in_dim3A_312 : vector<512x1xf32> to vector<512x1xf32>
    %broadcast_in_dim3A_314 = vector.broadcast %broadcast_in_dim3A_313 : vector<512x1xf32> to vector<512x16xf32>
    %select_n3A_315 = arith.select %eq3A_311, %broadcast_in_dim3A_314, %select_n3A_285 : vector<512x16xi1>, vector<512x16xf32>
    %broadcast_in_dim3A_316 = vector.shape_cast %reduce_min3A_301 : vector<512xi32> to vector<512x1xi32>
    %eq3A_317 = vector.broadcast %broadcast_in_dim3A_316 : vector<512x1xi32> to vector<512x2048xi32>
    %eq3A_318 = arith.cmpi eq, %iota3A, %eq3A_317 : vector<512x2048xi32>
    %jit3A_319 = arith.constant 0x7F800000 : f32
    %broadcast_in_dim3A_320 = vector.broadcast %jit3A_319 : f32 to vector<512x2048xf32>
    %select_n3A_321 = arith.select %eq3A_318, %broadcast_in_dim3A_320, %select_n3A_291 : vector<512x2048xi1>, vector<512x2048xf32>
    %reduce_min3A_322 = arith.constant dense<0x7F800000> : vector<512xf32>
    %reduce_min3A_323 = vector.multi_reduction <minimumf>, %select_n3A_321, %reduce_min3A_322 [1] : vector<512x2048xf32> to vector<512xf32>
    %broadcast_in_dim3A_324 = vector.shape_cast %reduce_min3A_323 : vector<512xf32> to vector<512x1xf32>
    %eq3A_325 = vector.broadcast %broadcast_in_dim3A_324 : vector<512x1xf32> to vector<512x2048xf32>
    %eq3A_326 = arith.cmpf oeq, %select_n3A_321, %eq3A_325 : vector<512x2048xf32>
    %jit3A_327 = arith.constant 2048 : i32
    %broadcast_in_dim3A_328 = vector.broadcast %jit3A_327 : i32 to vector<512x2048xi32>
    %select_n3A_329 = arith.select %eq3A_326, %iota3A, %broadcast_in_dim3A_328 : vector<512x2048xi1>, vector<512x2048xi32>
    %reduce_min3A_330 = arith.constant dense<2147483647> : vector<512xi32>
    %reduce_min3A_331 = vector.multi_reduction <minsi>, %select_n3A_329, %reduce_min3A_330 [1] : vector<512x2048xi32> to vector<512xi32>
    %eq3A_332 = arith.constant 10 : i32
    %eq3A_333 = vector.broadcast %eq3A_332 : i32 to vector<512x16xi32>
    %eq3A_334 = arith.cmpi eq, %iota3A_21, %eq3A_333 : vector<512x16xi32>
    %broadcast_in_dim3A_335 = vector.shape_cast %reduce_min3A_331 : vector<512xi32> to vector<512x1xi32>
    %broadcast_in_dim3A_336 = vector.shape_cast %broadcast_in_dim3A_335 : vector<512x1xi32> to vector<512x1xi32>
    %broadcast_in_dim3A_337 = vector.broadcast %broadcast_in_dim3A_336 : vector<512x1xi32> to vector<512x16xi32>
    %select_n3A_338 = arith.select %eq3A_334, %broadcast_in_dim3A_337, %select_n3A_308 : vector<512x16xi1>, vector<512x16xi32>
    %eq3A_339 = arith.constant 10 : i32
    %eq3A_340 = vector.broadcast %eq3A_339 : i32 to vector<512x16xi32>
    %eq3A_341 = arith.cmpi eq, %iota3A_21, %eq3A_340 : vector<512x16xi32>
    %broadcast_in_dim3A_342 = vector.shape_cast %reduce_min3A_323 : vector<512xf32> to vector<512x1xf32>
    %broadcast_in_dim3A_343 = vector.shape_cast %broadcast_in_dim3A_342 : vector<512x1xf32> to vector<512x1xf32>
    %broadcast_in_dim3A_344 = vector.broadcast %broadcast_in_dim3A_343 : vector<512x1xf32> to vector<512x16xf32>
    %select_n3A_345 = arith.select %eq3A_341, %broadcast_in_dim3A_344, %select_n3A_315 : vector<512x16xi1>, vector<512x16xf32>
    %broadcast_in_dim3A_346 = vector.shape_cast %reduce_min3A_331 : vector<512xi32> to vector<512x1xi32>
    %eq3A_347 = vector.broadcast %broadcast_in_dim3A_346 : vector<512x1xi32> to vector<512x2048xi32>
    %eq3A_348 = arith.cmpi eq, %iota3A, %eq3A_347 : vector<512x2048xi32>
    %jit3A_349 = arith.constant 0x7F800000 : f32
    %broadcast_in_dim3A_350 = vector.broadcast %jit3A_349 : f32 to vector<512x2048xf32>
    %select_n3A_351 = arith.select %eq3A_348, %broadcast_in_dim3A_350, %select_n3A_321 : vector<512x2048xi1>, vector<512x2048xf32>
    %reduce_min3A_352 = arith.constant dense<0x7F800000> : vector<512xf32>
    %reduce_min3A_353 = vector.multi_reduction <minimumf>, %select_n3A_351, %reduce_min3A_352 [1] : vector<512x2048xf32> to vector<512xf32>
    %broadcast_in_dim3A_354 = vector.shape_cast %reduce_min3A_353 : vector<512xf32> to vector<512x1xf32>
    %eq3A_355 = vector.broadcast %broadcast_in_dim3A_354 : vector<512x1xf32> to vector<512x2048xf32>
    %eq3A_356 = arith.cmpf oeq, %select_n3A_351, %eq3A_355 : vector<512x2048xf32>
    %jit3A_357 = arith.constant 2048 : i32
    %broadcast_in_dim3A_358 = vector.broadcast %jit3A_357 : i32 to vector<512x2048xi32>
    %select_n3A_359 = arith.select %eq3A_356, %iota3A, %broadcast_in_dim3A_358 : vector<512x2048xi1>, vector<512x2048xi32>
    %reduce_min3A_360 = arith.constant dense<2147483647> : vector<512xi32>
    %reduce_min3A_361 = vector.multi_reduction <minsi>, %select_n3A_359, %reduce_min3A_360 [1] : vector<512x2048xi32> to vector<512xi32>
    %eq3A_362 = arith.constant 11 : i32
    %eq3A_363 = vector.broadcast %eq3A_362 : i32 to vector<512x16xi32>
    %eq3A_364 = arith.cmpi eq, %iota3A_21, %eq3A_363 : vector<512x16xi32>
    %broadcast_in_dim3A_365 = vector.shape_cast %reduce_min3A_361 : vector<512xi32> to vector<512x1xi32>
    %broadcast_in_dim3A_366 = vector.shape_cast %broadcast_in_dim3A_365 : vector<512x1xi32> to vector<512x1xi32>
    %broadcast_in_dim3A_367 = vector.broadcast %broadcast_in_dim3A_366 : vector<512x1xi32> to vector<512x16xi32>
    %select_n3A_368 = arith.select %eq3A_364, %broadcast_in_dim3A_367, %select_n3A_338 : vector<512x16xi1>, vector<512x16xi32>
    %eq3A_369 = arith.constant 11 : i32
    %eq3A_370 = vector.broadcast %eq3A_369 : i32 to vector<512x16xi32>
    %eq3A_371 = arith.cmpi eq, %iota3A_21, %eq3A_370 : vector<512x16xi32>
    %broadcast_in_dim3A_372 = vector.shape_cast %reduce_min3A_353 : vector<512xf32> to vector<512x1xf32>
    %broadcast_in_dim3A_373 = vector.shape_cast %broadcast_in_dim3A_372 : vector<512x1xf32> to vector<512x1xf32>
    %broadcast_in_dim3A_374 = vector.broadcast %broadcast_in_dim3A_373 : vector<512x1xf32> to vector<512x16xf32>
    %select_n3A_375 = arith.select %eq3A_371, %broadcast_in_dim3A_374, %select_n3A_345 : vector<512x16xi1>, vector<512x16xf32>
    %broadcast_in_dim3A_376 = vector.shape_cast %reduce_min3A_361 : vector<512xi32> to vector<512x1xi32>
    %eq3A_377 = vector.broadcast %broadcast_in_dim3A_376 : vector<512x1xi32> to vector<512x2048xi32>
    %eq3A_378 = arith.cmpi eq, %iota3A, %eq3A_377 : vector<512x2048xi32>
    %jit3A_379 = arith.constant 0x7F800000 : f32
    %broadcast_in_dim3A_380 = vector.broadcast %jit3A_379 : f32 to vector<512x2048xf32>
    %select_n3A_381 = arith.select %eq3A_378, %broadcast_in_dim3A_380, %select_n3A_351 : vector<512x2048xi1>, vector<512x2048xf32>
    %reduce_min3A_382 = arith.constant dense<0x7F800000> : vector<512xf32>
    %reduce_min3A_383 = vector.multi_reduction <minimumf>, %select_n3A_381, %reduce_min3A_382 [1] : vector<512x2048xf32> to vector<512xf32>
    %broadcast_in_dim3A_384 = vector.shape_cast %reduce_min3A_383 : vector<512xf32> to vector<512x1xf32>
    %eq3A_385 = vector.broadcast %broadcast_in_dim3A_384 : vector<512x1xf32> to vector<512x2048xf32>
    %eq3A_386 = arith.cmpf oeq, %select_n3A_381, %eq3A_385 : vector<512x2048xf32>
    %jit3A_387 = arith.constant 2048 : i32
    %broadcast_in_dim3A_388 = vector.broadcast %jit3A_387 : i32 to vector<512x2048xi32>
    %select_n3A_389 = arith.select %eq3A_386, %iota3A, %broadcast_in_dim3A_388 : vector<512x2048xi1>, vector<512x2048xi32>
    %reduce_min3A_390 = arith.constant dense<2147483647> : vector<512xi32>
    %reduce_min3A_391 = vector.multi_reduction <minsi>, %select_n3A_389, %reduce_min3A_390 [1] : vector<512x2048xi32> to vector<512xi32>
    %eq3A_392 = arith.constant 12 : i32
    %eq3A_393 = vector.broadcast %eq3A_392 : i32 to vector<512x16xi32>
    %eq3A_394 = arith.cmpi eq, %iota3A_21, %eq3A_393 : vector<512x16xi32>
    %broadcast_in_dim3A_395 = vector.shape_cast %reduce_min3A_391 : vector<512xi32> to vector<512x1xi32>
    %broadcast_in_dim3A_396 = vector.shape_cast %broadcast_in_dim3A_395 : vector<512x1xi32> to vector<512x1xi32>
    %broadcast_in_dim3A_397 = vector.broadcast %broadcast_in_dim3A_396 : vector<512x1xi32> to vector<512x16xi32>
    %select_n3A_398 = arith.select %eq3A_394, %broadcast_in_dim3A_397, %select_n3A_368 : vector<512x16xi1>, vector<512x16xi32>
    %eq3A_399 = arith.constant 12 : i32
    %eq3A_400 = vector.broadcast %eq3A_399 : i32 to vector<512x16xi32>
    %eq3A_401 = arith.cmpi eq, %iota3A_21, %eq3A_400 : vector<512x16xi32>
    %broadcast_in_dim3A_402 = vector.shape_cast %reduce_min3A_383 : vector<512xf32> to vector<512x1xf32>
    %broadcast_in_dim3A_403 = vector.shape_cast %broadcast_in_dim3A_402 : vector<512x1xf32> to vector<512x1xf32>
    %broadcast_in_dim3A_404 = vector.broadcast %broadcast_in_dim3A_403 : vector<512x1xf32> to vector<512x16xf32>
    %select_n3A_405 = arith.select %eq3A_401, %broadcast_in_dim3A_404, %select_n3A_375 : vector<512x16xi1>, vector<512x16xf32>
    %broadcast_in_dim3A_406 = vector.shape_cast %reduce_min3A_391 : vector<512xi32> to vector<512x1xi32>
    %eq3A_407 = vector.broadcast %broadcast_in_dim3A_406 : vector<512x1xi32> to vector<512x2048xi32>
    %eq3A_408 = arith.cmpi eq, %iota3A, %eq3A_407 : vector<512x2048xi32>
    %jit3A_409 = arith.constant 0x7F800000 : f32
    %broadcast_in_dim3A_410 = vector.broadcast %jit3A_409 : f32 to vector<512x2048xf32>
    %select_n3A_411 = arith.select %eq3A_408, %broadcast_in_dim3A_410, %select_n3A_381 : vector<512x2048xi1>, vector<512x2048xf32>
    %reduce_min3A_412 = arith.constant dense<0x7F800000> : vector<512xf32>
    %reduce_min3A_413 = vector.multi_reduction <minimumf>, %select_n3A_411, %reduce_min3A_412 [1] : vector<512x2048xf32> to vector<512xf32>
    %broadcast_in_dim3A_414 = vector.shape_cast %reduce_min3A_413 : vector<512xf32> to vector<512x1xf32>
    %eq3A_415 = vector.broadcast %broadcast_in_dim3A_414 : vector<512x1xf32> to vector<512x2048xf32>
    %eq3A_416 = arith.cmpf oeq, %select_n3A_411, %eq3A_415 : vector<512x2048xf32>
    %jit3A_417 = arith.constant 2048 : i32
    %broadcast_in_dim3A_418 = vector.broadcast %jit3A_417 : i32 to vector<512x2048xi32>
    %select_n3A_419 = arith.select %eq3A_416, %iota3A, %broadcast_in_dim3A_418 : vector<512x2048xi1>, vector<512x2048xi32>
    %reduce_min3A_420 = arith.constant dense<2147483647> : vector<512xi32>
    %reduce_min3A_421 = vector.multi_reduction <minsi>, %select_n3A_419, %reduce_min3A_420 [1] : vector<512x2048xi32> to vector<512xi32>
    %eq3A_422 = arith.constant 13 : i32
    %eq3A_423 = vector.broadcast %eq3A_422 : i32 to vector<512x16xi32>
    %eq3A_424 = arith.cmpi eq, %iota3A_21, %eq3A_423 : vector<512x16xi32>
    %broadcast_in_dim3A_425 = vector.shape_cast %reduce_min3A_421 : vector<512xi32> to vector<512x1xi32>
    %broadcast_in_dim3A_426 = vector.shape_cast %broadcast_in_dim3A_425 : vector<512x1xi32> to vector<512x1xi32>
    %broadcast_in_dim3A_427 = vector.broadcast %broadcast_in_dim3A_426 : vector<512x1xi32> to vector<512x16xi32>
    %select_n3A_428 = arith.select %eq3A_424, %broadcast_in_dim3A_427, %select_n3A_398 : vector<512x16xi1>, vector<512x16xi32>
    %eq3A_429 = arith.constant 13 : i32
    %eq3A_430 = vector.broadcast %eq3A_429 : i32 to vector<512x16xi32>
    %eq3A_431 = arith.cmpi eq, %iota3A_21, %eq3A_430 : vector<512x16xi32>
    %broadcast_in_dim3A_432 = vector.shape_cast %reduce_min3A_413 : vector<512xf32> to vector<512x1xf32>
    %broadcast_in_dim3A_433 = vector.shape_cast %broadcast_in_dim3A_432 : vector<512x1xf32> to vector<512x1xf32>
    %broadcast_in_dim3A_434 = vector.broadcast %broadcast_in_dim3A_433 : vector<512x1xf32> to vector<512x16xf32>
    %select_n3A_435 = arith.select %eq3A_431, %broadcast_in_dim3A_434, %select_n3A_405 : vector<512x16xi1>, vector<512x16xf32>
    %broadcast_in_dim3A_436 = vector.shape_cast %reduce_min3A_421 : vector<512xi32> to vector<512x1xi32>
    %eq3A_437 = vector.broadcast %broadcast_in_dim3A_436 : vector<512x1xi32> to vector<512x2048xi32>
    %eq3A_438 = arith.cmpi eq, %iota3A, %eq3A_437 : vector<512x2048xi32>
    %jit3A_439 = arith.constant 0x7F800000 : f32
    %broadcast_in_dim3A_440 = vector.broadcast %jit3A_439 : f32 to vector<512x2048xf32>
    %select_n3A_441 = arith.select %eq3A_438, %broadcast_in_dim3A_440, %select_n3A_411 : vector<512x2048xi1>, vector<512x2048xf32>
    %reduce_min3A_442 = arith.constant dense<0x7F800000> : vector<512xf32>
    %reduce_min3A_443 = vector.multi_reduction <minimumf>, %select_n3A_441, %reduce_min3A_442 [1] : vector<512x2048xf32> to vector<512xf32>
    %broadcast_in_dim3A_444 = vector.shape_cast %reduce_min3A_443 : vector<512xf32> to vector<512x1xf32>
    %eq3A_445 = vector.broadcast %broadcast_in_dim3A_444 : vector<512x1xf32> to vector<512x2048xf32>
    %eq3A_446 = arith.cmpf oeq, %select_n3A_441, %eq3A_445 : vector<512x2048xf32>
    %jit3A_447 = arith.constant 2048 : i32
    %broadcast_in_dim3A_448 = vector.broadcast %jit3A_447 : i32 to vector<512x2048xi32>
    %select_n3A_449 = arith.select %eq3A_446, %iota3A, %broadcast_in_dim3A_448 : vector<512x2048xi1>, vector<512x2048xi32>
    %reduce_min3A_450 = arith.constant dense<2147483647> : vector<512xi32>
    %reduce_min3A_451 = vector.multi_reduction <minsi>, %select_n3A_449, %reduce_min3A_450 [1] : vector<512x2048xi32> to vector<512xi32>
    %eq3A_452 = arith.constant 14 : i32
    %eq3A_453 = vector.broadcast %eq3A_452 : i32 to vector<512x16xi32>
    %eq3A_454 = arith.cmpi eq, %iota3A_21, %eq3A_453 : vector<512x16xi32>
    %broadcast_in_dim3A_455 = vector.shape_cast %reduce_min3A_451 : vector<512xi32> to vector<512x1xi32>
    %broadcast_in_dim3A_456 = vector.shape_cast %broadcast_in_dim3A_455 : vector<512x1xi32> to vector<512x1xi32>
    %broadcast_in_dim3A_457 = vector.broadcast %broadcast_in_dim3A_456 : vector<512x1xi32> to vector<512x16xi32>
    %select_n3A_458 = arith.select %eq3A_454, %broadcast_in_dim3A_457, %select_n3A_428 : vector<512x16xi1>, vector<512x16xi32>
    %eq3A_459 = arith.constant 14 : i32
    %eq3A_460 = vector.broadcast %eq3A_459 : i32 to vector<512x16xi32>
    %eq3A_461 = arith.cmpi eq, %iota3A_21, %eq3A_460 : vector<512x16xi32>
    %broadcast_in_dim3A_462 = vector.shape_cast %reduce_min3A_443 : vector<512xf32> to vector<512x1xf32>
    %broadcast_in_dim3A_463 = vector.shape_cast %broadcast_in_dim3A_462 : vector<512x1xf32> to vector<512x1xf32>
    %broadcast_in_dim3A_464 = vector.broadcast %broadcast_in_dim3A_463 : vector<512x1xf32> to vector<512x16xf32>
    %select_n3A_465 = arith.select %eq3A_461, %broadcast_in_dim3A_464, %select_n3A_435 : vector<512x16xi1>, vector<512x16xf32>
    %broadcast_in_dim3A_466 = vector.shape_cast %reduce_min3A_451 : vector<512xi32> to vector<512x1xi32>
    %eq3A_467 = vector.broadcast %broadcast_in_dim3A_466 : vector<512x1xi32> to vector<512x2048xi32>
    %eq3A_468 = arith.cmpi eq, %iota3A, %eq3A_467 : vector<512x2048xi32>
    %jit3A_469 = arith.constant 0x7F800000 : f32
    %broadcast_in_dim3A_470 = vector.broadcast %jit3A_469 : f32 to vector<512x2048xf32>
    %select_n3A_471 = arith.select %eq3A_468, %broadcast_in_dim3A_470, %select_n3A_441 : vector<512x2048xi1>, vector<512x2048xf32>
    %reduce_min3A_472 = arith.constant dense<0x7F800000> : vector<512xf32>
    %reduce_min3A_473 = vector.multi_reduction <minimumf>, %select_n3A_471, %reduce_min3A_472 [1] : vector<512x2048xf32> to vector<512xf32>
    %broadcast_in_dim3A_474 = vector.shape_cast %reduce_min3A_473 : vector<512xf32> to vector<512x1xf32>
    %eq3A_475 = vector.broadcast %broadcast_in_dim3A_474 : vector<512x1xf32> to vector<512x2048xf32>
    %eq3A_476 = arith.cmpf oeq, %select_n3A_471, %eq3A_475 : vector<512x2048xf32>
    %jit3A_477 = arith.constant 2048 : i32
    %broadcast_in_dim3A_478 = vector.broadcast %jit3A_477 : i32 to vector<512x2048xi32>
    %select_n3A_479 = arith.select %eq3A_476, %iota3A, %broadcast_in_dim3A_478 : vector<512x2048xi1>, vector<512x2048xi32>
    %reduce_min3A_480 = arith.constant dense<2147483647> : vector<512xi32>
    %reduce_min3A_481 = vector.multi_reduction <minsi>, %select_n3A_479, %reduce_min3A_480 [1] : vector<512x2048xi32> to vector<512xi32>
    %eq3A_482 = arith.constant 15 : i32
    %eq3A_483 = vector.broadcast %eq3A_482 : i32 to vector<512x16xi32>
    %eq3A_484 = arith.cmpi eq, %iota3A_21, %eq3A_483 : vector<512x16xi32>
    %broadcast_in_dim3A_485 = vector.shape_cast %reduce_min3A_481 : vector<512xi32> to vector<512x1xi32>
    %broadcast_in_dim3A_486 = vector.shape_cast %broadcast_in_dim3A_485 : vector<512x1xi32> to vector<512x1xi32>
    %broadcast_in_dim3A_487 = vector.broadcast %broadcast_in_dim3A_486 : vector<512x1xi32> to vector<512x16xi32>
    %select_n3A_488 = arith.select %eq3A_484, %broadcast_in_dim3A_487, %select_n3A_458 : vector<512x16xi1>, vector<512x16xi32>
    %eq3A_489 = arith.constant 15 : i32
    %eq3A_490 = vector.broadcast %eq3A_489 : i32 to vector<512x16xi32>
    %eq3A_491 = arith.cmpi eq, %iota3A_21, %eq3A_490 : vector<512x16xi32>
    %broadcast_in_dim3A_492 = vector.shape_cast %reduce_min3A_473 : vector<512xf32> to vector<512x1xf32>
    %broadcast_in_dim3A_493 = vector.shape_cast %broadcast_in_dim3A_492 : vector<512x1xf32> to vector<512x1xf32>
    %broadcast_in_dim3A_494 = vector.broadcast %broadcast_in_dim3A_493 : vector<512x1xf32> to vector<512x16xf32>
    %select_n3A_495 = arith.select %eq3A_491, %broadcast_in_dim3A_494, %select_n3A_465 : vector<512x16xi1>, vector<512x16xf32>
    %swap3A = arith.constant 0 : index
    %swap3A_496 = arith.constant 0 : index
    %swap3A_497 = arith.constant 0 : index
    %swap3A_498 = vector.load %arg4[%swap3A, %swap3A_496, %swap3A_497] : memref<1x512x16xi32, #tpu.memory_space<vmem>>, vector<1x512x16xi32>
    %swap3A_499 = vector.shape_cast %swap3A_498 : vector<1x512x16xi32> to vector<512x16xi32>
    %swap3A_500 = vector.shape_cast %select_n3A_488 : vector<512x16xi32> to vector<1x512x16xi32>
    tpu.vector_store %arg4[%swap3A, %swap3A_496, %swap3A_497], %swap3A_500 {strides = array<i32>} : memref<1x512x16xi32, #tpu.memory_space<vmem>>, vector<1x512x16xi32>,
    %swap3A_501 = arith.constant 0 : index
    %swap3A_502 = arith.constant 0 : index
    %swap3A_503 = arith.constant 0 : index
    %swap3A_504 = vector.load %arg5[%swap3A_501, %swap3A_502, %swap3A_503] : memref<1x512x16xf32, #tpu.memory_space<vmem>>, vector<1x512x16xf32>
    %swap3A_505 = vector.shape_cast %swap3A_504 : vector<1x512x16xf32> to vector<512x16xf32>
    %swap3A_506 = vector.shape_cast %select_n3A_495 : vector<512x16xf32> to vector<1x512x16xf32>
    tpu.vector_store %arg5[%swap3A_501, %swap3A_502, %swap3A_503], %swap3A_506 {strides = array<i32>} : memref<1x512x16xf32, #tpu.memory_space<vmem>>, vector<1x512x16xf32>,
    return
  }
  func.func @transform_0(%arg0: i32, %arg1: i32) -> (i32, i32, i32) {
    %c0_i32 = arith.constant 0 : i32
    %c0_i32_0 = arith.constant 0 : i32
    return %arg0, %arg1, %c0_i32 : i32, i32, i32
  }
  func.func @transform_1(%arg0: i32, %arg1: i32) -> (i32, i32, i32) {
    %c0_i32 = arith.constant 0 : i32
    %c0_i32_0 = arith.constant 0 : i32
    %c0_i32_1 = arith.constant 0 : i32
    return %arg0, %c0_i32, %c0_i32_0 : i32, i32, i32
  }
  func.func @transform_2(%arg0: i32, %arg1: i32) -> (i32, i32, i32) {
    %c0_i32 = arith.constant 0 : i32
    %c0_i32_0 = arith.constant 0 : i32
    return %arg0, %arg1, %c0_i32 : i32, i32, i32
  }
  func.func @transform_3(%arg0: i32, %arg1: i32) -> (i32, i32, i32) {
    %c0_i32 = arith.constant 0 : i32
    %c0_i32_0 = arith.constant 0 : i32
    return %arg0, %arg1, %c0_i32 : i32, i32, i32
  }
}

module attributes {stable_mosaic.version = 14 : i64} {
  func.func @_knn_body(%arg0: i32, %arg1: i32, %arg2: memref<1x512x16xf32, #tpu.memory_space<vmem>>, %arg3: memref<1x16x256xf32, #tpu.memory_space<vmem>>, %arg4: memref<1x512x8xi32, #tpu.memory_space<vmem>>, %arg5: memref<1x512x8xf32, #tpu.memory_space<vmem>>) attributes {dimension_semantics = [#tpu.dimension_semantics<arbitrary>, #tpu.dimension_semantics<arbitrary>], iteration_bounds = array<i64: 2, 1>, scalar_prefetch = 0 : i64, scratch_operands = 0 : i64, tpu.core_type = #tpu.core_type<tc>, window_params = [{transform_indices = @transform_0, window_bounds = array<i64: 1, 512, 16>}, {transform_indices = @transform_1, window_bounds = array<i64: 1, 16, 256>}, {transform_indices = @transform_2, window_bounds = array<i64: 1, 512, 8>}, {transform_indices = @transform_3, window_bounds = array<i64: 1, 512, 8>}]} {
    %get3A = arith.constant 0 : index
    %get3A_0 = arith.constant 0 : index
    %get3A_1 = arith.constant 0 : index
    %get3A_2 = vector.load %arg2[%get3A, %get3A_0, %get3A_1] : memref<1x512x16xf32, #tpu.memory_space<vmem>>, vector<1x512x16xf32>
    %get3A_3 = vector.shape_cast %get3A_2 : vector<1x512x16xf32> to vector<512x16xf32>
    %get3A_4 = arith.constant 0 : index
    %get3A_5 = arith.constant 0 : index
    %get3A_6 = arith.constant 0 : index
    %get3A_7 = vector.load %arg3[%get3A_4, %get3A_5, %get3A_6] : memref<1x16x256xf32, #tpu.memory_space<vmem>>, vector<1x16x256xf32>
    %get3A_8 = vector.shape_cast %get3A_7 : vector<1x16x256xf32> to vector<16x256xf32>
    %dot_general3A = arith.constant dense<0.000000e+00> : vector<512x256xf32>
    %dot_general3A_9 = tpu.matmul %get3A_3, %get3A_8, %dot_general3A {dimension_numbers = #tpu.dot_dimension_numbers<[1], [0], [0], [1], [0, 0, 1, 1], [], []>, transpose_lhs_hint = false} : vector<512x16xf32>, vector<16x256xf32>, vector<512x256xf32> -> vector<512x256xf32>
    %mul3A = arith.mulf %get3A_3, %get3A_3 : vector<512x16xf32>
    %reduce_sum3A = arith.constant dense<0.000000e+00> : vector<512xf32>
    %reduce_sum3A_10 = vector.multi_reduction <add>, %mul3A, %reduce_sum3A [1] : vector<512x16xf32> to vector<512xf32>
    %broadcast_in_dim3A = vector.shape_cast %reduce_sum3A_10 : vector<512xf32> to vector<512x1xf32>
    %mul3A_11 = arith.mulf %get3A_8, %get3A_8 : vector<16x256xf32>
    %reduce_sum3A_12 = arith.constant dense<0.000000e+00> : vector<256xf32>
    %reduce_sum3A_13 = vector.multi_reduction <add>, %mul3A_11, %reduce_sum3A_12 [0] : vector<16x256xf32> to vector<256xf32>
    %broadcast_in_dim3A_14 = vector.shape_cast %reduce_sum3A_13 : vector<256xf32> to vector<1x256xf32>
    %mul3A_15 = arith.constant -2.000000e+00 : f32
    %mul3A_16 = vector.broadcast %mul3A_15 : f32 to vector<512x256xf32>
    %mul3A_17 = arith.mulf %mul3A_16, %dot_general3A_9 : vector<512x256xf32>
    %add3A = vector.broadcast %broadcast_in_dim3A : vector<512x1xf32> to vector<512x256xf32>
    %add3A_18 = arith.addf %mul3A_17, %add3A : vector<512x256xf32>
    %add3A_19 = vector.broadcast %broadcast_in_dim3A_14 : vector<1x256xf32> to vector<512x256xf32>
    %add3A_20 = arith.addf %add3A_18, %add3A_19 : vector<512x256xf32>
    %iota3A = tpu.iota {dimensions = array<i32: 1>} : vector<512x256xi32>
    %iota3A_21 = tpu.iota {dimensions = array<i32: 1>} : vector<512x8xi32>
    %broadcast_in_dim3A_22 = arith.constant 0 : i32
    %broadcast_in_dim3A_23 = vector.broadcast %broadcast_in_dim3A_22 : i32 to vector<512x8xi32>
    %broadcast_in_dim3A_24 = arith.constant 0.000000e+00 : f32
    %broadcast_in_dim3A_25 = vector.broadcast %broadcast_in_dim3A_24 : f32 to vector<512x8xf32>
    %reduce_min3A = arith.constant dense<0x7F800000> : vector<512xf32>
    %reduce_min3A_26 = vector.multi_reduction <minimumf>, %add3A_20, %reduce_min3A [1] : vector<512x256xf32> to vector<512xf32>
    %broadcast_in_dim3A_27 = vector.shape_cast %reduce_min3A_26 : vector<512xf32> to vector<512x1xf32>
    %eq3A = vector.broadcast %broadcast_in_dim3A_27 : vector<512x1xf32> to vector<512x256xf32>
    %eq3A_28 = arith.cmpf oeq, %add3A_20, %eq3A : vector<512x256xf32>
    %jit3A = arith.constant 256 : i32
    %broadcast_in_dim3A_29 = vector.broadcast %jit3A : i32 to vector<512x256xi32>
    %select_n3A = arith.select %eq3A_28, %iota3A, %broadcast_in_dim3A_29 : vector<512x256xi1>, vector<512x256xi32>
    %reduce_min3A_30 = arith.constant dense<2147483647> : vector<512xi32>
    %reduce_min3A_31 = vector.multi_reduction <minsi>, %select_n3A, %reduce_min3A_30 [1] : vector<512x256xi32> to vector<512xi32>
    %eq3A_32 = arith.constant 0 : i32
    %eq3A_33 = vector.broadcast %eq3A_32 : i32 to vector<512x8xi32>
    %eq3A_34 = arith.cmpi eq, %iota3A_21, %eq3A_33 : vector<512x8xi32>
    %broadcast_in_dim3A_35 = vector.shape_cast %reduce_min3A_31 : vector<512xi32> to vector<512x1xi32>
    %broadcast_in_dim3A_36 = vector.shape_cast %broadcast_in_dim3A_35 : vector<512x1xi32> to vector<512x1xi32>
    %broadcast_in_dim3A_37 = vector.broadcast %broadcast_in_dim3A_36 : vector<512x1xi32> to vector<512x8xi32>
    %select_n3A_38 = arith.select %eq3A_34, %broadcast_in_dim3A_37, %broadcast_in_dim3A_23 : vector<512x8xi1>, vector<512x8xi32>
    %eq3A_39 = arith.constant 0 : i32
    %eq3A_40 = vector.broadcast %eq3A_39 : i32 to vector<512x8xi32>
    %eq3A_41 = arith.cmpi eq, %iota3A_21, %eq3A_40 : vector<512x8xi32>
    %broadcast_in_dim3A_42 = vector.shape_cast %reduce_min3A_26 : vector<512xf32> to vector<512x1xf32>
    %broadcast_in_dim3A_43 = vector.shape_cast %broadcast_in_dim3A_42 : vector<512x1xf32> to vector<512x1xf32>
    %broadcast_in_dim3A_44 = vector.broadcast %broadcast_in_dim3A_43 : vector<512x1xf32> to vector<512x8xf32>
    %select_n3A_45 = arith.select %eq3A_41, %broadcast_in_dim3A_44, %broadcast_in_dim3A_25 : vector<512x8xi1>, vector<512x8xf32>
    %broadcast_in_dim3A_46 = vector.shape_cast %reduce_min3A_31 : vector<512xi32> to vector<512x1xi32>
    %eq3A_47 = vector.broadcast %broadcast_in_dim3A_46 : vector<512x1xi32> to vector<512x256xi32>
    %eq3A_48 = arith.cmpi eq, %iota3A, %eq3A_47 : vector<512x256xi32>
    %jit3A_49 = arith.constant 0x7F800000 : f32
    %broadcast_in_dim3A_50 = vector.broadcast %jit3A_49 : f32 to vector<512x256xf32>
    %select_n3A_51 = arith.select %eq3A_48, %broadcast_in_dim3A_50, %add3A_20 : vector<512x256xi1>, vector<512x256xf32>
    %reduce_min3A_52 = arith.constant dense<0x7F800000> : vector<512xf32>
    %reduce_min3A_53 = vector.multi_reduction <minimumf>, %select_n3A_51, %reduce_min3A_52 [1] : vector<512x256xf32> to vector<512xf32>
    %broadcast_in_dim3A_54 = vector.shape_cast %reduce_min3A_53 : vector<512xf32> to vector<512x1xf32>
    %eq3A_55 = vector.broadcast %broadcast_in_dim3A_54 : vector<512x1xf32> to vector<512x256xf32>
    %eq3A_56 = arith.cmpf oeq, %select_n3A_51, %eq3A_55 : vector<512x256xf32>
    %jit3A_57 = arith.constant 256 : i32
    %broadcast_in_dim3A_58 = vector.broadcast %jit3A_57 : i32 to vector<512x256xi32>
    %select_n3A_59 = arith.select %eq3A_56, %iota3A, %broadcast_in_dim3A_58 : vector<512x256xi1>, vector<512x256xi32>
    %reduce_min3A_60 = arith.constant dense<2147483647> : vector<512xi32>
    %reduce_min3A_61 = vector.multi_reduction <minsi>, %select_n3A_59, %reduce_min3A_60 [1] : vector<512x256xi32> to vector<512xi32>
    %eq3A_62 = arith.constant 1 : i32
    %eq3A_63 = vector.broadcast %eq3A_62 : i32 to vector<512x8xi32>
    %eq3A_64 = arith.cmpi eq, %iota3A_21, %eq3A_63 : vector<512x8xi32>
    %broadcast_in_dim3A_65 = vector.shape_cast %reduce_min3A_61 : vector<512xi32> to vector<512x1xi32>
    %broadcast_in_dim3A_66 = vector.shape_cast %broadcast_in_dim3A_65 : vector<512x1xi32> to vector<512x1xi32>
    %broadcast_in_dim3A_67 = vector.broadcast %broadcast_in_dim3A_66 : vector<512x1xi32> to vector<512x8xi32>
    %select_n3A_68 = arith.select %eq3A_64, %broadcast_in_dim3A_67, %select_n3A_38 : vector<512x8xi1>, vector<512x8xi32>
    %eq3A_69 = arith.constant 1 : i32
    %eq3A_70 = vector.broadcast %eq3A_69 : i32 to vector<512x8xi32>
    %eq3A_71 = arith.cmpi eq, %iota3A_21, %eq3A_70 : vector<512x8xi32>
    %broadcast_in_dim3A_72 = vector.shape_cast %reduce_min3A_53 : vector<512xf32> to vector<512x1xf32>
    %broadcast_in_dim3A_73 = vector.shape_cast %broadcast_in_dim3A_72 : vector<512x1xf32> to vector<512x1xf32>
    %broadcast_in_dim3A_74 = vector.broadcast %broadcast_in_dim3A_73 : vector<512x1xf32> to vector<512x8xf32>
    %select_n3A_75 = arith.select %eq3A_71, %broadcast_in_dim3A_74, %select_n3A_45 : vector<512x8xi1>, vector<512x8xf32>
    %broadcast_in_dim3A_76 = vector.shape_cast %reduce_min3A_61 : vector<512xi32> to vector<512x1xi32>
    %eq3A_77 = vector.broadcast %broadcast_in_dim3A_76 : vector<512x1xi32> to vector<512x256xi32>
    %eq3A_78 = arith.cmpi eq, %iota3A, %eq3A_77 : vector<512x256xi32>
    %jit3A_79 = arith.constant 0x7F800000 : f32
    %broadcast_in_dim3A_80 = vector.broadcast %jit3A_79 : f32 to vector<512x256xf32>
    %select_n3A_81 = arith.select %eq3A_78, %broadcast_in_dim3A_80, %select_n3A_51 : vector<512x256xi1>, vector<512x256xf32>
    %reduce_min3A_82 = arith.constant dense<0x7F800000> : vector<512xf32>
    %reduce_min3A_83 = vector.multi_reduction <minimumf>, %select_n3A_81, %reduce_min3A_82 [1] : vector<512x256xf32> to vector<512xf32>
    %broadcast_in_dim3A_84 = vector.shape_cast %reduce_min3A_83 : vector<512xf32> to vector<512x1xf32>
    %eq3A_85 = vector.broadcast %broadcast_in_dim3A_84 : vector<512x1xf32> to vector<512x256xf32>
    %eq3A_86 = arith.cmpf oeq, %select_n3A_81, %eq3A_85 : vector<512x256xf32>
    %jit3A_87 = arith.constant 256 : i32
    %broadcast_in_dim3A_88 = vector.broadcast %jit3A_87 : i32 to vector<512x256xi32>
    %select_n3A_89 = arith.select %eq3A_86, %iota3A, %broadcast_in_dim3A_88 : vector<512x256xi1>, vector<512x256xi32>
    %reduce_min3A_90 = arith.constant dense<2147483647> : vector<512xi32>
    %reduce_min3A_91 = vector.multi_reduction <minsi>, %select_n3A_89, %reduce_min3A_90 [1] : vector<512x256xi32> to vector<512xi32>
    %eq3A_92 = arith.constant 2 : i32
    %eq3A_93 = vector.broadcast %eq3A_92 : i32 to vector<512x8xi32>
    %eq3A_94 = arith.cmpi eq, %iota3A_21, %eq3A_93 : vector<512x8xi32>
    %broadcast_in_dim3A_95 = vector.shape_cast %reduce_min3A_91 : vector<512xi32> to vector<512x1xi32>
    %broadcast_in_dim3A_96 = vector.shape_cast %broadcast_in_dim3A_95 : vector<512x1xi32> to vector<512x1xi32>
    %broadcast_in_dim3A_97 = vector.broadcast %broadcast_in_dim3A_96 : vector<512x1xi32> to vector<512x8xi32>
    %select_n3A_98 = arith.select %eq3A_94, %broadcast_in_dim3A_97, %select_n3A_68 : vector<512x8xi1>, vector<512x8xi32>
    %eq3A_99 = arith.constant 2 : i32
    %eq3A_100 = vector.broadcast %eq3A_99 : i32 to vector<512x8xi32>
    %eq3A_101 = arith.cmpi eq, %iota3A_21, %eq3A_100 : vector<512x8xi32>
    %broadcast_in_dim3A_102 = vector.shape_cast %reduce_min3A_83 : vector<512xf32> to vector<512x1xf32>
    %broadcast_in_dim3A_103 = vector.shape_cast %broadcast_in_dim3A_102 : vector<512x1xf32> to vector<512x1xf32>
    %broadcast_in_dim3A_104 = vector.broadcast %broadcast_in_dim3A_103 : vector<512x1xf32> to vector<512x8xf32>
    %select_n3A_105 = arith.select %eq3A_101, %broadcast_in_dim3A_104, %select_n3A_75 : vector<512x8xi1>, vector<512x8xf32>
    %swap3A = arith.constant 0 : index
    %swap3A_106 = arith.constant 0 : index
    %swap3A_107 = arith.constant 0 : index
    %swap3A_108 = vector.load %arg4[%swap3A, %swap3A_106, %swap3A_107] : memref<1x512x8xi32, #tpu.memory_space<vmem>>, vector<1x512x8xi32>
    %swap3A_109 = vector.shape_cast %swap3A_108 : vector<1x512x8xi32> to vector<512x8xi32>
    %swap3A_110 = vector.shape_cast %select_n3A_98 : vector<512x8xi32> to vector<1x512x8xi32>
    tpu.vector_store %arg4[%swap3A, %swap3A_106, %swap3A_107], %swap3A_110 {strides = array<i32>} : memref<1x512x8xi32, #tpu.memory_space<vmem>>, vector<1x512x8xi32>,
    %swap3A_111 = arith.constant 0 : index
    %swap3A_112 = arith.constant 0 : index
    %swap3A_113 = arith.constant 0 : index
    %swap3A_114 = vector.load %arg5[%swap3A_111, %swap3A_112, %swap3A_113] : memref<1x512x8xf32, #tpu.memory_space<vmem>>, vector<1x512x8xf32>
    %swap3A_115 = vector.shape_cast %swap3A_114 : vector<1x512x8xf32> to vector<512x8xf32>
    %swap3A_116 = vector.shape_cast %select_n3A_105 : vector<512x8xf32> to vector<1x512x8xf32>
    tpu.vector_store %arg5[%swap3A_111, %swap3A_112, %swap3A_113], %swap3A_116 {strides = array<i32>} : memref<1x512x8xf32, #tpu.memory_space<vmem>>, vector<1x512x8xf32>,
    return
  }
  func.func @transform_0(%arg0: i32, %arg1: i32) -> (i32, i32, i32) {
    %c0_i32 = arith.constant 0 : i32
    %c0_i32_0 = arith.constant 0 : i32
    return %arg0, %arg1, %c0_i32 : i32, i32, i32
  }
  func.func @transform_1(%arg0: i32, %arg1: i32) -> (i32, i32, i32) {
    %c0_i32 = arith.constant 0 : i32
    %c0_i32_0 = arith.constant 0 : i32
    %c0_i32_1 = arith.constant 0 : i32
    return %arg0, %c0_i32, %c0_i32_0 : i32, i32, i32
  }
  func.func @transform_2(%arg0: i32, %arg1: i32) -> (i32, i32, i32) {
    %c0_i32 = arith.constant 0 : i32
    %c0_i32_0 = arith.constant 0 : i32
    return %arg0, %arg1, %c0_i32 : i32, i32, i32
  }
  func.func @transform_3(%arg0: i32, %arg1: i32) -> (i32, i32, i32) {
    %c0_i32 = arith.constant 0 : i32
    %c0_i32_0 = arith.constant 0 : i32
    return %arg0, %arg1, %c0_i32 : i32, i32, i32
  }
}

module attributes {stable_mosaic.version = 14 : i64} {
  func.func @_knn_body(%arg0: i32, %arg1: i32, %arg2: memref<1x512x16xf32, #tpu.memory_space<vmem>>, %arg3: memref<1x16x512xf32, #tpu.memory_space<vmem>>, %arg4: memref<1x512x8xi32, #tpu.memory_space<vmem>>, %arg5: memref<1x512x8xf32, #tpu.memory_space<vmem>>) attributes {dimension_semantics = [#tpu.dimension_semantics<arbitrary>, #tpu.dimension_semantics<arbitrary>], iteration_bounds = array<i64: 2, 4>, scalar_prefetch = 0 : i64, scratch_operands = 0 : i64, tpu.core_type = #tpu.core_type<tc>, window_params = [{transform_indices = @transform_0, window_bounds = array<i64: 1, 512, 16>}, {transform_indices = @transform_1, window_bounds = array<i64: 1, 16, 512>}, {transform_indices = @transform_2, window_bounds = array<i64: 1, 512, 8>}, {transform_indices = @transform_3, window_bounds = array<i64: 1, 512, 8>}]} {
    %get3A = arith.constant 0 : index
    %get3A_0 = arith.constant 0 : index
    %get3A_1 = arith.constant 0 : index
    %get3A_2 = vector.load %arg2[%get3A, %get3A_0, %get3A_1] : memref<1x512x16xf32, #tpu.memory_space<vmem>>, vector<1x512x16xf32>
    %get3A_3 = vector.shape_cast %get3A_2 : vector<1x512x16xf32> to vector<512x16xf32>
    %get3A_4 = arith.constant 0 : index
    %get3A_5 = arith.constant 0 : index
    %get3A_6 = arith.constant 0 : index
    %get3A_7 = vector.load %arg3[%get3A_4, %get3A_5, %get3A_6] : memref<1x16x512xf32, #tpu.memory_space<vmem>>, vector<1x16x512xf32>
    %get3A_8 = vector.shape_cast %get3A_7 : vector<1x16x512xf32> to vector<16x512xf32>
    %dot_general3A = arith.constant dense<0.000000e+00> : vector<512x512xf32>
    %dot_general3A_9 = tpu.matmul %get3A_3, %get3A_8, %dot_general3A {dimension_numbers = #tpu.dot_dimension_numbers<[1], [0], [0], [1], [0, 0, 1, 1], [], []>, transpose_lhs_hint = false} : vector<512x16xf32>, vector<16x512xf32>, vector<512x512xf32> -> vector<512x512xf32>
    %mul3A = arith.mulf %get3A_3, %get3A_3 : vector<512x16xf32>
    %reduce_sum3A = arith.constant dense<0.000000e+00> : vector<512xf32>
    %reduce_sum3A_10 = vector.multi_reduction <add>, %mul3A, %reduce_sum3A [1] : vector<512x16xf32> to vector<512xf32>
    %broadcast_in_dim3A = vector.shape_cast %reduce_sum3A_10 : vector<512xf32> to vector<512x1xf32>
    %mul3A_11 = arith.mulf %get3A_8, %get3A_8 : vector<16x512xf32>
    %reduce_sum3A_12 = arith.constant dense<0.000000e+00> : vector<512xf32>
    %reduce_sum3A_13 = vector.multi_reduction <add>, %mul3A_11, %reduce_sum3A_12 [0] : vector<16x512xf32> to vector<512xf32>
    %broadcast_in_dim3A_14 = vector.shape_cast %reduce_sum3A_13 : vector<512xf32> to vector<1x512xf32>
    %mul3A_15 = arith.constant -2.000000e+00 : f32
    %mul3A_16 = vector.broadcast %mul3A_15 : f32 to vector<512x512xf32>
    %mul3A_17 = arith.mulf %mul3A_16, %dot_general3A_9 : vector<512x512xf32>
    %add3A = vector.broadcast %broadcast_in_dim3A : vector<512x1xf32> to vector<512x512xf32>
    %add3A_18 = arith.addf %mul3A_17, %add3A : vector<512x512xf32>
    %add3A_19 = vector.broadcast %broadcast_in_dim3A_14 : vector<1x512xf32> to vector<512x512xf32>
    %add3A_20 = arith.addf %add3A_18, %add3A_19 : vector<512x512xf32>
    %iota3A = tpu.iota {dimensions = array<i32: 1>} : vector<512x512xi32>
    %iota3A_21 = tpu.iota {dimensions = array<i32: 1>} : vector<512x8xi32>
    %broadcast_in_dim3A_22 = arith.constant 0 : i32
    %broadcast_in_dim3A_23 = vector.broadcast %broadcast_in_dim3A_22 : i32 to vector<512x8xi32>
    %broadcast_in_dim3A_24 = arith.constant 0.000000e+00 : f32
    %broadcast_in_dim3A_25 = vector.broadcast %broadcast_in_dim3A_24 : f32 to vector<512x8xf32>
    %reduce_min3A = arith.constant dense<0x7F800000> : vector<512xf32>
    %reduce_min3A_26 = vector.multi_reduction <minimumf>, %add3A_20, %reduce_min3A [1] : vector<512x512xf32> to vector<512xf32>
    %broadcast_in_dim3A_27 = vector.shape_cast %reduce_min3A_26 : vector<512xf32> to vector<512x1xf32>
    %eq3A = vector.broadcast %broadcast_in_dim3A_27 : vector<512x1xf32> to vector<512x512xf32>
    %eq3A_28 = arith.cmpf oeq, %add3A_20, %eq3A : vector<512x512xf32>
    %jit3A = arith.constant 512 : i32
    %broadcast_in_dim3A_29 = vector.broadcast %jit3A : i32 to vector<512x512xi32>
    %select_n3A = arith.select %eq3A_28, %iota3A, %broadcast_in_dim3A_29 : vector<512x512xi1>, vector<512x512xi32>
    %reduce_min3A_30 = arith.constant dense<2147483647> : vector<512xi32>
    %reduce_min3A_31 = vector.multi_reduction <minsi>, %select_n3A, %reduce_min3A_30 [1] : vector<512x512xi32> to vector<512xi32>
    %eq3A_32 = arith.constant 0 : i32
    %eq3A_33 = vector.broadcast %eq3A_32 : i32 to vector<512x8xi32>
    %eq3A_34 = arith.cmpi eq, %iota3A_21, %eq3A_33 : vector<512x8xi32>
    %broadcast_in_dim3A_35 = vector.shape_cast %reduce_min3A_31 : vector<512xi32> to vector<512x1xi32>
    %broadcast_in_dim3A_36 = vector.shape_cast %broadcast_in_dim3A_35 : vector<512x1xi32> to vector<512x1xi32>
    %broadcast_in_dim3A_37 = vector.broadcast %broadcast_in_dim3A_36 : vector<512x1xi32> to vector<512x8xi32>
    %select_n3A_38 = arith.select %eq3A_34, %broadcast_in_dim3A_37, %broadcast_in_dim3A_23 : vector<512x8xi1>, vector<512x8xi32>
    %eq3A_39 = arith.constant 0 : i32
    %eq3A_40 = vector.broadcast %eq3A_39 : i32 to vector<512x8xi32>
    %eq3A_41 = arith.cmpi eq, %iota3A_21, %eq3A_40 : vector<512x8xi32>
    %broadcast_in_dim3A_42 = vector.shape_cast %reduce_min3A_26 : vector<512xf32> to vector<512x1xf32>
    %broadcast_in_dim3A_43 = vector.shape_cast %broadcast_in_dim3A_42 : vector<512x1xf32> to vector<512x1xf32>
    %broadcast_in_dim3A_44 = vector.broadcast %broadcast_in_dim3A_43 : vector<512x1xf32> to vector<512x8xf32>
    %select_n3A_45 = arith.select %eq3A_41, %broadcast_in_dim3A_44, %broadcast_in_dim3A_25 : vector<512x8xi1>, vector<512x8xf32>
    %broadcast_in_dim3A_46 = vector.shape_cast %reduce_min3A_31 : vector<512xi32> to vector<512x1xi32>
    %eq3A_47 = vector.broadcast %broadcast_in_dim3A_46 : vector<512x1xi32> to vector<512x512xi32>
    %eq3A_48 = arith.cmpi eq, %iota3A, %eq3A_47 : vector<512x512xi32>
    %jit3A_49 = arith.constant 0x7F800000 : f32
    %broadcast_in_dim3A_50 = vector.broadcast %jit3A_49 : f32 to vector<512x512xf32>
    %select_n3A_51 = arith.select %eq3A_48, %broadcast_in_dim3A_50, %add3A_20 : vector<512x512xi1>, vector<512x512xf32>
    %reduce_min3A_52 = arith.constant dense<0x7F800000> : vector<512xf32>
    %reduce_min3A_53 = vector.multi_reduction <minimumf>, %select_n3A_51, %reduce_min3A_52 [1] : vector<512x512xf32> to vector<512xf32>
    %broadcast_in_dim3A_54 = vector.shape_cast %reduce_min3A_53 : vector<512xf32> to vector<512x1xf32>
    %eq3A_55 = vector.broadcast %broadcast_in_dim3A_54 : vector<512x1xf32> to vector<512x512xf32>
    %eq3A_56 = arith.cmpf oeq, %select_n3A_51, %eq3A_55 : vector<512x512xf32>
    %jit3A_57 = arith.constant 512 : i32
    %broadcast_in_dim3A_58 = vector.broadcast %jit3A_57 : i32 to vector<512x512xi32>
    %select_n3A_59 = arith.select %eq3A_56, %iota3A, %broadcast_in_dim3A_58 : vector<512x512xi1>, vector<512x512xi32>
    %reduce_min3A_60 = arith.constant dense<2147483647> : vector<512xi32>
    %reduce_min3A_61 = vector.multi_reduction <minsi>, %select_n3A_59, %reduce_min3A_60 [1] : vector<512x512xi32> to vector<512xi32>
    %eq3A_62 = arith.constant 1 : i32
    %eq3A_63 = vector.broadcast %eq3A_62 : i32 to vector<512x8xi32>
    %eq3A_64 = arith.cmpi eq, %iota3A_21, %eq3A_63 : vector<512x8xi32>
    %broadcast_in_dim3A_65 = vector.shape_cast %reduce_min3A_61 : vector<512xi32> to vector<512x1xi32>
    %broadcast_in_dim3A_66 = vector.shape_cast %broadcast_in_dim3A_65 : vector<512x1xi32> to vector<512x1xi32>
    %broadcast_in_dim3A_67 = vector.broadcast %broadcast_in_dim3A_66 : vector<512x1xi32> to vector<512x8xi32>
    %select_n3A_68 = arith.select %eq3A_64, %broadcast_in_dim3A_67, %select_n3A_38 : vector<512x8xi1>, vector<512x8xi32>
    %eq3A_69 = arith.constant 1 : i32
    %eq3A_70 = vector.broadcast %eq3A_69 : i32 to vector<512x8xi32>
    %eq3A_71 = arith.cmpi eq, %iota3A_21, %eq3A_70 : vector<512x8xi32>
    %broadcast_in_dim3A_72 = vector.shape_cast %reduce_min3A_53 : vector<512xf32> to vector<512x1xf32>
    %broadcast_in_dim3A_73 = vector.shape_cast %broadcast_in_dim3A_72 : vector<512x1xf32> to vector<512x1xf32>
    %broadcast_in_dim3A_74 = vector.broadcast %broadcast_in_dim3A_73 : vector<512x1xf32> to vector<512x8xf32>
    %select_n3A_75 = arith.select %eq3A_71, %broadcast_in_dim3A_74, %select_n3A_45 : vector<512x8xi1>, vector<512x8xf32>
    %broadcast_in_dim3A_76 = vector.shape_cast %reduce_min3A_61 : vector<512xi32> to vector<512x1xi32>
    %eq3A_77 = vector.broadcast %broadcast_in_dim3A_76 : vector<512x1xi32> to vector<512x512xi32>
    %eq3A_78 = arith.cmpi eq, %iota3A, %eq3A_77 : vector<512x512xi32>
    %jit3A_79 = arith.constant 0x7F800000 : f32
    %broadcast_in_dim3A_80 = vector.broadcast %jit3A_79 : f32 to vector<512x512xf32>
    %select_n3A_81 = arith.select %eq3A_78, %broadcast_in_dim3A_80, %select_n3A_51 : vector<512x512xi1>, vector<512x512xf32>
    %reduce_min3A_82 = arith.constant dense<0x7F800000> : vector<512xf32>
    %reduce_min3A_83 = vector.multi_reduction <minimumf>, %select_n3A_81, %reduce_min3A_82 [1] : vector<512x512xf32> to vector<512xf32>
    %broadcast_in_dim3A_84 = vector.shape_cast %reduce_min3A_83 : vector<512xf32> to vector<512x1xf32>
    %eq3A_85 = vector.broadcast %broadcast_in_dim3A_84 : vector<512x1xf32> to vector<512x512xf32>
    %eq3A_86 = arith.cmpf oeq, %select_n3A_81, %eq3A_85 : vector<512x512xf32>
    %jit3A_87 = arith.constant 512 : i32
    %broadcast_in_dim3A_88 = vector.broadcast %jit3A_87 : i32 to vector<512x512xi32>
    %select_n3A_89 = arith.select %eq3A_86, %iota3A, %broadcast_in_dim3A_88 : vector<512x512xi1>, vector<512x512xi32>
    %reduce_min3A_90 = arith.constant dense<2147483647> : vector<512xi32>
    %reduce_min3A_91 = vector.multi_reduction <minsi>, %select_n3A_89, %reduce_min3A_90 [1] : vector<512x512xi32> to vector<512xi32>
    %eq3A_92 = arith.constant 2 : i32
    %eq3A_93 = vector.broadcast %eq3A_92 : i32 to vector<512x8xi32>
    %eq3A_94 = arith.cmpi eq, %iota3A_21, %eq3A_93 : vector<512x8xi32>
    %broadcast_in_dim3A_95 = vector.shape_cast %reduce_min3A_91 : vector<512xi32> to vector<512x1xi32>
    %broadcast_in_dim3A_96 = vector.shape_cast %broadcast_in_dim3A_95 : vector<512x1xi32> to vector<512x1xi32>
    %broadcast_in_dim3A_97 = vector.broadcast %broadcast_in_dim3A_96 : vector<512x1xi32> to vector<512x8xi32>
    %select_n3A_98 = arith.select %eq3A_94, %broadcast_in_dim3A_97, %select_n3A_68 : vector<512x8xi1>, vector<512x8xi32>
    %eq3A_99 = arith.constant 2 : i32
    %eq3A_100 = vector.broadcast %eq3A_99 : i32 to vector<512x8xi32>
    %eq3A_101 = arith.cmpi eq, %iota3A_21, %eq3A_100 : vector<512x8xi32>
    %broadcast_in_dim3A_102 = vector.shape_cast %reduce_min3A_83 : vector<512xf32> to vector<512x1xf32>
    %broadcast_in_dim3A_103 = vector.shape_cast %broadcast_in_dim3A_102 : vector<512x1xf32> to vector<512x1xf32>
    %broadcast_in_dim3A_104 = vector.broadcast %broadcast_in_dim3A_103 : vector<512x1xf32> to vector<512x8xf32>
    %select_n3A_105 = arith.select %eq3A_101, %broadcast_in_dim3A_104, %select_n3A_75 : vector<512x8xi1>, vector<512x8xf32>
    %swap3A = arith.constant 0 : index
    %swap3A_106 = arith.constant 0 : index
    %swap3A_107 = arith.constant 0 : index
    %swap3A_108 = vector.load %arg4[%swap3A, %swap3A_106, %swap3A_107] : memref<1x512x8xi32, #tpu.memory_space<vmem>>, vector<1x512x8xi32>
    %swap3A_109 = vector.shape_cast %swap3A_108 : vector<1x512x8xi32> to vector<512x8xi32>
    %swap3A_110 = vector.shape_cast %select_n3A_98 : vector<512x8xi32> to vector<1x512x8xi32>
    tpu.vector_store %arg4[%swap3A, %swap3A_106, %swap3A_107], %swap3A_110 {strides = array<i32>} : memref<1x512x8xi32, #tpu.memory_space<vmem>>, vector<1x512x8xi32>,
    %swap3A_111 = arith.constant 0 : index
    %swap3A_112 = arith.constant 0 : index
    %swap3A_113 = arith.constant 0 : index
    %swap3A_114 = vector.load %arg5[%swap3A_111, %swap3A_112, %swap3A_113] : memref<1x512x8xf32, #tpu.memory_space<vmem>>, vector<1x512x8xf32>
    %swap3A_115 = vector.shape_cast %swap3A_114 : vector<1x512x8xf32> to vector<512x8xf32>
    %swap3A_116 = vector.shape_cast %select_n3A_105 : vector<512x8xf32> to vector<1x512x8xf32>
    tpu.vector_store %arg5[%swap3A_111, %swap3A_112, %swap3A_113], %swap3A_116 {strides = array<i32>} : memref<1x512x8xf32, #tpu.memory_space<vmem>>, vector<1x512x8xf32>,
    return
  }
  func.func @transform_0(%arg0: i32, %arg1: i32) -> (i32, i32, i32) {
    %c0_i32 = arith.constant 0 : i32
    %c0_i32_0 = arith.constant 0 : i32
    return %arg0, %arg1, %c0_i32 : i32, i32, i32
  }
  func.func @transform_1(%arg0: i32, %arg1: i32) -> (i32, i32, i32) {
    %c0_i32 = arith.constant 0 : i32
    %c0_i32_0 = arith.constant 0 : i32
    %c0_i32_1 = arith.constant 0 : i32
    return %arg0, %c0_i32, %c0_i32_0 : i32, i32, i32
  }
  func.func @transform_2(%arg0: i32, %arg1: i32) -> (i32, i32, i32) {
    %c0_i32 = arith.constant 0 : i32
    %c0_i32_0 = arith.constant 0 : i32
    return %arg0, %arg1, %c0_i32 : i32, i32, i32
  }
  func.func @transform_3(%arg0: i32, %arg1: i32) -> (i32, i32, i32) {
    %c0_i32 = arith.constant 0 : i32
    %c0_i32_0 = arith.constant 0 : i32
    return %arg0, %arg1, %c0_i32 : i32, i32, i32
  }
}

module attributes {stable_mosaic.version = 14 : i64} {
  func.func @_dga_body(%arg0: i32, %arg1: i32, %arg2: i32, %arg3: memref<1x256x128xf32, #tpu.memory_space<vmem>>, %arg4: memref<1x256x16xf32, #tpu.memory_space<vmem>>, %arg5: memref<1x2048x128xf32, #tpu.memory_space<vmem>>, %arg6: memref<128x64xf32, #tpu.memory_space<vmem>>, %arg7: memref<1x64xf32, #tpu.memory_space<vmem>>, %arg8: memref<16x64xf32, #tpu.memory_space<vmem>>, %arg9: memref<1x64xf32, #tpu.memory_space<vmem>>, %arg10: memref<64x64xf32, #tpu.memory_space<vmem>>, %arg11: memref<1x64xf32, #tpu.memory_space<vmem>>, %arg12: memref<64x256xf32, #tpu.memory_space<vmem>>, %arg13: memref<1x256xf32, #tpu.memory_space<vmem>>, %arg14: memref<256x64xf32, #tpu.memory_space<vmem>>, %arg15: memref<1x64xf32, #tpu.memory_space<vmem>>, %arg16: memref<64x128xf32, #tpu.memory_space<vmem>>, %arg17: memref<1x128xf32, #tpu.memory_space<vmem>>, %arg18: memref<1x256x128xf32, #tpu.memory_space<vmem>>, %arg19: memref<8x64xf32, #tpu.memory_space<vmem>>, %arg20: memref<8x256xf32, #tpu.memory_space<vmem>>, %arg21: memref<72x64xf32, #tpu.memory_space<vmem>>) attributes {dimension_semantics = [#tpu.dimension_semantics<arbitrary>, #tpu.dimension_semantics<arbitrary>, #tpu.dimension_semantics<arbitrary>], iteration_bounds = array<i64: 3, 2, 1>, scalar_prefetch = 0 : i64, scratch_operands = 3 : i64, tpu.core_type = #tpu.core_type<tc>, window_params = [{transform_indices = @transform_0, window_bounds = array<i64: 1, 256, 128>}, {transform_indices = @transform_1, window_bounds = array<i64: 1, 256, 16>}, {transform_indices = @transform_2, window_bounds = array<i64: 1, 2048, 128>}, {pipeline_mode = #tpu.pipeline_mode<synchronous>, transform_indices = @transform_3, window_bounds = array<i64: 128, 64>}, {pipeline_mode = #tpu.pipeline_mode<synchronous>, transform_indices = @transform_4, window_bounds = array<i64: 1, 64>}, {pipeline_mode = #tpu.pipeline_mode<synchronous>, transform_indices = @transform_5, window_bounds = array<i64: 16, 64>}, {pipeline_mode = #tpu.pipeline_mode<synchronous>, transform_indices = @transform_6, window_bounds = array<i64: 1, 64>}, {pipeline_mode = #tpu.pipeline_mode<synchronous>, transform_indices = @transform_7, window_bounds = array<i64: 64, 64>}, {pipeline_mode = #tpu.pipeline_mode<synchronous>, transform_indices = @transform_8, window_bounds = array<i64: 1, 64>}, {pipeline_mode = #tpu.pipeline_mode<synchronous>, transform_indices = @transform_9, window_bounds = array<i64: 64, 256>}, {pipeline_mode = #tpu.pipeline_mode<synchronous>, transform_indices = @transform_10, window_bounds = array<i64: 1, 256>}, {pipeline_mode = #tpu.pipeline_mode<synchronous>, transform_indices = @transform_11, window_bounds = array<i64: 256, 64>}, {pipeline_mode = #tpu.pipeline_mode<synchronous>, transform_indices = @transform_12, window_bounds = array<i64: 1, 64>}, {pipeline_mode = #tpu.pipeline_mode<synchronous>, transform_indices = @transform_13, window_bounds = array<i64: 64, 128>}, {pipeline_mode = #tpu.pipeline_mode<synchronous>, transform_indices = @transform_14, window_bounds = array<i64: 1, 128>}, {transform_indices = @transform_15, window_bounds = array<i64: 1, 256, 128>}]} {
    %eq3A = arith.constant 0 : i32
    %eq3A_0 = arith.cmpi eq, %arg1, %eq3A : i32
    %eq3A_1 = arith.constant 0 : i32
    %eq3A_2 = arith.cmpi eq, %arg2, %eq3A_1 : i32
    %and3A = arith.andi %eq3A_0, %eq3A_2 : i1
    %eq3A_3 = arith.constant 0 : i32
    %eq3A_4 = arith.cmpi eq, %arg0, %eq3A_3 : i32
    %and3A_5 = arith.andi %eq3A_4, %and3A : i1
    %convert_element_type3A = arith.extui %and3A_5 : i1 to i32
    %cond3A = arith.constant 0 : i32
    %cond3A_6 = arith.cmpi ne, %convert_element_type3A, %cond3A : i32
    scf.if %cond3A_6 {
      %broadcast_in_dim3A_59 = arith.constant 0.000000e+00 : f32
      %broadcast_in_dim3A_60 = vector.broadcast %broadcast_in_dim3A_59 : f32 to vector<8x64xf32>
      %swap3A = arith.constant 0 : index
      %swap3A_61 = arith.constant 0 : index
      %swap3A_62 = vector.load %arg19[%swap3A, %swap3A_61] : memref<8x64xf32, #tpu.memory_space<vmem>>, vector<8x64xf32>
      tpu.vector_store %arg19[%swap3A, %swap3A_61], %broadcast_in_dim3A_60 {strides = array<i32>} : memref<8x64xf32, #tpu.memory_space<vmem>>, vector<8x64xf32>,
      %broadcast_in_dim3A_63 = arith.constant 0.000000e+00 : f32
      %broadcast_in_dim3A_64 = vector.broadcast %broadcast_in_dim3A_63 : f32 to vector<8x256xf32>
      %swap3A_65 = arith.constant 0 : index
      %swap3A_66 = arith.constant 0 : index
      %swap3A_67 = vector.load %arg20[%swap3A_65, %swap3A_66] : memref<8x256xf32, #tpu.memory_space<vmem>>, vector<8x256xf32>
      tpu.vector_store %arg20[%swap3A_65, %swap3A_66], %broadcast_in_dim3A_64 {strides = array<i32>} : memref<8x256xf32, #tpu.memory_space<vmem>>, vector<8x256xf32>,
      %broadcast_in_dim3A_68 = arith.constant 0.000000e+00 : f32
      %broadcast_in_dim3A_69 = vector.broadcast %broadcast_in_dim3A_68 : f32 to vector<72x64xf32>
      %swap3A_70 = arith.constant 0 : index
      %swap3A_71 = arith.constant 0 : index
      %swap3A_72 = vector.load %arg21[%swap3A_70, %swap3A_71] : memref<72x64xf32, #tpu.memory_space<vmem>>, vector<72x64xf32>
      tpu.vector_store %arg21[%swap3A_70, %swap3A_71], %broadcast_in_dim3A_69 {strides = array<i32>} : memref<72x64xf32, #tpu.memory_space<vmem>>, vector<72x64xf32>,
    } else {
    }
    %eq3A_7 = arith.constant 1 : i32
    %eq3A_8 = arith.cmpi eq, %arg0, %eq3A_7 : i32
    %and3A_9 = arith.andi %eq3A_8, %and3A : i1
    %convert_element_type3A_10 = arith.extui %and3A_9 : i1 to i32
    %cond3A_11 = arith.constant 0 : i32
    %cond3A_12 = arith.cmpi ne, %convert_element_type3A_10, %cond3A_11 : i32
    scf.if %cond3A_12 {
      %get3A_59 = arith.constant 0 : index
      %get3A_60 = arith.constant 0 : index
      %get3A_61 = vector.load %arg19[%get3A_59, %get3A_60] : memref<8x64xf32, #tpu.memory_space<vmem>>, vector<1x64xf32>
      %mul3A = arith.constant 2.44140625E-4 : f32
      %mul3A_62 = vector.broadcast %mul3A : f32 to vector<1x64xf32>
      %mul3A_63 = arith.mulf %get3A_61, %mul3A_62 : vector<1x64xf32>
      %get3A_64 = arith.constant 1 : index
      %get3A_65 = arith.constant 0 : index
      %get3A_66 = vector.load %arg19[%get3A_64, %get3A_65] : memref<8x64xf32, #tpu.memory_space<vmem>>, vector<1x64xf32>
      %mul3A_67 = arith.constant 2.44140625E-4 : f32
      %mul3A_68 = vector.broadcast %mul3A_67 : f32 to vector<1x64xf32>
      %mul3A_69 = arith.mulf %get3A_66, %mul3A_68 : vector<1x64xf32>
      %mul3A_70 = arith.mulf %mul3A_63, %mul3A_63 : vector<1x64xf32>
      %sub3A_71 = arith.subf %mul3A_69, %mul3A_70 : vector<1x64xf32>
      %max3A = arith.constant 0.000000e+00 : f32
      %max3A_72 = vector.broadcast %max3A : f32 to vector<1x64xf32>
      %max3A_73 = arith.maximumf %sub3A_71, %max3A_72 : vector<1x64xf32>
      %add3A_74 = arith.constant 9.99999974E-6 : f32
      %add3A_75 = vector.broadcast %add3A_74 : f32 to vector<1x64xf32>
      %add3A_76 = arith.addf %max3A_73, %add3A_75 : vector<1x64xf32>
      %rsqrt3A = math.rsqrt %add3A_76 : vector<1x64xf32>
      %swap3A = arith.constant 0 : index
      %swap3A_77 = arith.constant 0 : index
      %swap3A_78 = vector.load %arg19[%swap3A, %swap3A_77] : memref<8x64xf32, #tpu.memory_space<vmem>>, vector<1x64xf32>
      tpu.vector_store %arg19[%swap3A, %swap3A_77], %mul3A_63 {strides = array<i32>} : memref<8x64xf32, #tpu.memory_space<vmem>>, vector<1x64xf32>,
      %swap3A_79 = arith.constant 1 : index
      %swap3A_80 = arith.constant 0 : index
      %swap3A_81 = vector.load %arg19[%swap3A_79, %swap3A_80] : memref<8x64xf32, #tpu.memory_space<vmem>>, vector<1x64xf32>
      tpu.vector_store %arg19[%swap3A_79, %swap3A_80], %rsqrt3A {strides = array<i32>} : memref<8x64xf32, #tpu.memory_space<vmem>>, vector<1x64xf32>,
    } else {
    }
    %eq3A_13 = arith.constant 2 : i32
    %eq3A_14 = arith.cmpi eq, %arg0, %eq3A_13 : i32
    %and3A_15 = arith.andi %eq3A_14, %and3A : i1
    %convert_element_type3A_16 = arith.extui %and3A_15 : i1 to i32
    %cond3A_17 = arith.constant 0 : i32
    %cond3A_18 = arith.cmpi ne, %convert_element_type3A_16, %cond3A_17 : i32
    scf.if %cond3A_18 {
      %get3A_59 = arith.constant 0 : index
      %get3A_60 = arith.constant 0 : index
      %get3A_61 = vector.load %arg12[%get3A_59, %get3A_60] : memref<64x256xf32, #tpu.memory_space<vmem>>, vector<64x256xf32>
      %get3A_62 = arith.constant 0 : index
      %get3A_63 = arith.constant 0 : index
      %get3A_64 = vector.load %arg13[%get3A_62, %get3A_63] : memref<1x256xf32, #tpu.memory_space<vmem>>, vector<1x256xf32>
      %get3A_65 = arith.constant 64 : index
      %get3A_66 = arith.constant 0 : index
      %get3A_67 = vector.load %arg21[%get3A_65, %get3A_66] : memref<72x64xf32, #tpu.memory_space<vmem>>, vector<1x64xf32>
      %mul3A = arith.constant 2.44140625E-4 : f32
      %mul3A_68 = vector.broadcast %mul3A : f32 to vector<1x64xf32>
      %mul3A_69 = arith.mulf %get3A_67, %mul3A_68 : vector<1x64xf32>
      %dot_general3A_70 = arith.constant dense<0.000000e+00> : vector<1x256xf32>
      %dot_general3A_71 = tpu.matmul %mul3A_69, %get3A_61, %dot_general3A_70 {dimension_numbers = #tpu.dot_dimension_numbers<[1], [0], [0], [1], [0, 0, 1, 1], [], []>, transpose_lhs_hint = false} : vector<1x64xf32>, vector<64x256xf32>, vector<1x256xf32> -> vector<1x256xf32>
      %add3A_72 = arith.addf %dot_general3A_71, %get3A_64 : vector<1x256xf32>
      %get3A_73 = arith.constant 0 : index
      %get3A_74 = arith.constant 0 : index
      %get3A_75 = vector.load %arg21[%get3A_73, %get3A_74] : memref<72x64xf32, #tpu.memory_space<vmem>>, vector<64x64xf32>
      %mul3A_76 = arith.constant 2.44140625E-4 : f32
      %mul3A_77 = vector.broadcast %mul3A_76 : f32 to vector<64x64xf32>
      %mul3A_78 = arith.mulf %get3A_75, %mul3A_77 : vector<64x64xf32>
      %dot_general3A_79 = arith.constant dense<0.000000e+00> : vector<64x256xf32>
      %dot_general3A_80 = tpu.matmul %mul3A_78, %get3A_61, %dot_general3A_79 {dimension_numbers = #tpu.dot_dimension_numbers<[1], [0], [0], [1], [0, 0, 1, 1], [], []>, transpose_lhs_hint = false} : vector<64x64xf32>, vector<64x256xf32>, vector<64x256xf32> -> vector<64x256xf32>
      %mul3A_81 = arith.mulf %get3A_61, %dot_general3A_80 : vector<64x256xf32>
      %reduce_sum3A = arith.constant dense<0.000000e+00> : vector<256xf32>
      %reduce_sum3A_82 = vector.multi_reduction <add>, %mul3A_81, %reduce_sum3A [0] : vector<64x256xf32> to vector<256xf32>
      %broadcast_in_dim3A_83 = vector.shape_cast %reduce_sum3A_82 : vector<256xf32> to vector<1x256xf32>
      %mul3A_84 = arith.constant 2.000000e+00 : f32
      %mul3A_85 = vector.broadcast %mul3A_84 : f32 to vector<1x256xf32>
      %mul3A_86 = arith.mulf %mul3A_85, %get3A_64 : vector<1x256xf32>
      %sub3A_87 = arith.subf %add3A_72, %get3A_64 : vector<1x256xf32>
      %mul3A_88 = arith.mulf %mul3A_86, %sub3A_87 : vector<1x256xf32>
      %add3A_89 = arith.addf %broadcast_in_dim3A_83, %mul3A_88 : vector<1x256xf32>
      %mul3A_90 = arith.mulf %get3A_64, %get3A_64 : vector<1x256xf32>
      %add3A_91 = arith.addf %add3A_89, %mul3A_90 : vector<1x256xf32>
      %mul3A_92 = arith.mulf %add3A_72, %add3A_72 : vector<1x256xf32>
      %sub3A_93 = arith.subf %add3A_91, %mul3A_92 : vector<1x256xf32>
      %max3A = arith.constant 0.000000e+00 : f32
      %max3A_94 = vector.broadcast %max3A : f32 to vector<1x256xf32>
      %max3A_95 = arith.maximumf %sub3A_93, %max3A_94 : vector<1x256xf32>
      %add3A_96 = arith.constant 9.99999974E-6 : f32
      %add3A_97 = vector.broadcast %add3A_96 : f32 to vector<1x256xf32>
      %add3A_98 = arith.addf %max3A_95, %add3A_97 : vector<1x256xf32>
      %rsqrt3A = math.rsqrt %add3A_98 : vector<1x256xf32>
      %swap3A = arith.constant 0 : index
      %swap3A_99 = arith.constant 0 : index
      %swap3A_100 = vector.load %arg20[%swap3A, %swap3A_99] : memref<8x256xf32, #tpu.memory_space<vmem>>, vector<1x256xf32>
      tpu.vector_store %arg20[%swap3A, %swap3A_99], %add3A_72 {strides = array<i32>} : memref<8x256xf32, #tpu.memory_space<vmem>>, vector<1x256xf32>,
      %swap3A_101 = arith.constant 1 : index
      %swap3A_102 = arith.constant 0 : index
      %swap3A_103 = vector.load %arg20[%swap3A_101, %swap3A_102] : memref<8x256xf32, #tpu.memory_space<vmem>>, vector<1x256xf32>
      tpu.vector_store %arg20[%swap3A_101, %swap3A_102], %rsqrt3A {strides = array<i32>} : memref<8x256xf32, #tpu.memory_space<vmem>>, vector<1x256xf32>,
    } else {
    }
    %get3A = arith.constant 0 : index
    %get3A_19 = arith.constant 0 : index
    %get3A_20 = arith.constant 0 : index
    %get3A_21 = vector.load %arg4[%get3A, %get3A_19, %get3A_20] : memref<1x256x16xf32, #tpu.memory_space<vmem>>, vector<1x256x16xf32>
    %get3A_22 = vector.shape_cast %get3A_21 : vector<1x256x16xf32> to vector<256x16xf32>
    %get3A_23 = arith.constant 0 : index
    %get3A_24 = arith.constant 0 : index
    %get3A_25 = arith.constant 64 : index
    %get3A_26 = vector.load %arg5[%get3A_23, %get3A_24, %get3A_25] : memref<1x2048x128xf32, #tpu.memory_space<vmem>>, vector<1x2048x16xf32>
    %get3A_27 = vector.shape_cast %get3A_26 : vector<1x2048x16xf32> to vector<2048x16xf32>
    %get3A_28 = arith.constant 0 : index
    %get3A_29 = arith.constant 0 : index
    %get3A_30 = arith.constant 0 : index
    %get3A_31 = vector.load %arg5[%get3A_28, %get3A_29, %get3A_30] : memref<1x2048x128xf32, #tpu.memory_space<vmem>>, vector<1x2048x64xf32>
    %get3A_32 = vector.shape_cast %get3A_31 : vector<1x2048x64xf32> to vector<2048x64xf32>
    %bitcast_convert_type3A = tpu.bitcast %get3A_32 : vector<2048x64xf32> -> vector<2048x64xi32>
    %shift_left3A = arith.constant 16 : i32
    %shift_left3A_33 = vector.broadcast %shift_left3A : i32 to vector<2048x64xi32>
    %shift_left3A_34 = arith.shli %bitcast_convert_type3A, %shift_left3A_33 : vector<2048x64xi32>
    %bitcast_convert_type3A_35 = tpu.bitcast %shift_left3A_34 : vector<2048x64xi32> -> vector<2048x64xf32>
    %and3A_36 = arith.constant -65536 : i32
    %and3A_37 = vector.broadcast %and3A_36 : i32 to vector<2048x64xi32>
    %and3A_38 = arith.andi %bitcast_convert_type3A, %and3A_37 : vector<2048x64xi32>
    %bitcast_convert_type3A_39 = tpu.bitcast %and3A_38 : vector<2048x64xi32> -> vector<2048x64xf32>
    %broadcast_in_dim3A = vector.shape_cast %get3A_22 : vector<256x16xf32> to vector<256x1x16xf32>
    %broadcast_in_dim3A_40 = vector.shape_cast %broadcast_in_dim3A : vector<256x1x16xf32> to vector<256x1x16xf32>
    %broadcast_in_dim3A_41 = vector.broadcast %broadcast_in_dim3A_40 : vector<256x1x16xf32> to vector<256x8x16xf32>
    %reshape3A = vector.shape_cast %broadcast_in_dim3A_41 : vector<256x8x16xf32> to vector<2048x16xf32>
    %sub3A = arith.subf %reshape3A, %get3A_27 : vector<2048x16xf32>
    %get3A_42 = arith.constant 0 : index
    %get3A_43 = arith.constant 0 : index
    %get3A_44 = vector.load %arg8[%get3A_42, %get3A_43] : memref<16x64xf32, #tpu.memory_space<vmem>>, vector<16x64xf32>
    %dot_general3A = arith.constant dense<0.000000e+00> : vector<2048x64xf32>
    %dot_general3A_45 = tpu.matmul %sub3A, %get3A_44, %dot_general3A {dimension_numbers = #tpu.dot_dimension_numbers<[1], [0], [0], [1], [0, 0, 1, 1], [], []>, transpose_lhs_hint = false} : vector<2048x16xf32>, vector<16x64xf32>, vector<2048x64xf32> -> vector<2048x64xf32>
    %get3A_46 = arith.constant 0 : index
    %get3A_47 = arith.constant 0 : index
    %get3A_48 = vector.load %arg9[%get3A_46, %get3A_47] : memref<1x64xf32, #tpu.memory_space<vmem>>, vector<1x64xf32>
    %add3A = vector.broadcast %get3A_48 : vector<1x64xf32> to vector<2048x64xf32>
    %add3A_49 = arith.addf %dot_general3A_45, %add3A : vector<2048x64xf32>
    %eq3A_50 = arith.constant 0 : i32
    %eq3A_51 = arith.cmpi eq, %arg0, %eq3A_50 : i32
    %convert_element_type3A_52 = arith.extui %eq3A_51 : i1 to i32
    %cond3A_53 = arith.constant 0 : i32
    %cond3A_54 = arith.cmpi ne, %convert_element_type3A_52, %cond3A_53 : i32
    scf.if %cond3A_54 {
      %get3A_59 = arith.constant 0 : index
      %get3A_60 = arith.constant 0 : index
      %get3A_61 = vector.load %arg19[%get3A_59, %get3A_60] : memref<8x64xf32, #tpu.memory_space<vmem>>, vector<1x64xf32>
      %reduce_sum3A = arith.constant dense<0.000000e+00> : vector<64xf32>
      %reduce_sum3A_62 = vector.multi_reduction <add>, %add3A_49, %reduce_sum3A [0] : vector<2048x64xf32> to vector<64xf32>
      %broadcast_in_dim3A_63 = vector.shape_cast %reduce_sum3A_62 : vector<64xf32> to vector<1x64xf32>
      %add3A_64 = arith.addf %get3A_61, %broadcast_in_dim3A_63 : vector<1x64xf32>
      %swap3A = arith.constant 0 : index
      %swap3A_65 = arith.constant 0 : index
      %swap3A_66 = vector.load %arg19[%swap3A, %swap3A_65] : memref<8x64xf32, #tpu.memory_space<vmem>>, vector<1x64xf32>
      tpu.vector_store %arg19[%swap3A, %swap3A_65], %add3A_64 {strides = array<i32>} : memref<8x64xf32, #tpu.memory_space<vmem>>, vector<1x64xf32>,
      %get3A_67 = arith.constant 1 : index
      %get3A_68 = arith.constant 0 : index
      %get3A_69 = vector.load %arg19[%get3A_67, %get3A_68] : memref<8x64xf32, #tpu.memory_space<vmem>>, vector<1x64xf32>
      %mul3A = arith.mulf %add3A_49, %add3A_49 : vector<2048x64xf32>
      %reduce_sum3A_70 = arith.constant dense<0.000000e+00> : vector<64xf32>
      %reduce_sum3A_71 = vector.multi_reduction <add>, %mul3A, %reduce_sum3A_70 [0] : vector<2048x64xf32> to vector<64xf32>
      %broadcast_in_dim3A_72 = vector.shape_cast %reduce_sum3A_71 : vector<64xf32> to vector<1x64xf32>
      %add3A_73 = arith.addf %get3A_69, %broadcast_in_dim3A_72 : vector<1x64xf32>
      %swap3A_74 = arith.constant 1 : index
      %swap3A_75 = arith.constant 0 : index
      %swap3A_76 = vector.load %arg19[%swap3A_74, %swap3A_75] : memref<8x64xf32, #tpu.memory_space<vmem>>, vector<1x64xf32>
      tpu.vector_store %arg19[%swap3A_74, %swap3A_75], %add3A_73 {strides = array<i32>} : memref<8x64xf32, #tpu.memory_space<vmem>>, vector<1x64xf32>,
    } else {
    }
    %gt3A = arith.constant 0 : i32
    %gt3A_55 = arith.cmpi sgt, %arg0, %gt3A : i32
    %convert_element_type3A_56 = arith.extui %gt3A_55 : i1 to i32
    %cond3A_57 = arith.constant 0 : i32
    %cond3A_58 = arith.cmpi ne, %convert_element_type3A_56, %cond3A_57 : i32
    scf.if %cond3A_58 {
      %get3A_59 = arith.constant 0 : index
      %get3A_60 = arith.constant 0 : index
      %get3A_61 = vector.load %arg19[%get3A_59, %get3A_60] : memref<8x64xf32, #tpu.memory_space<vmem>>, vector<1x64xf32>
      %sub3A_62 = vector.broadcast %get3A_61 : vector<1x64xf32> to vector<2048x64xf32>
      %sub3A_63 = arith.subf %add3A_49, %sub3A_62 : vector<2048x64xf32>
      %get3A_64 = arith.constant 1 : index
      %get3A_65 = arith.constant 0 : index
      %get3A_66 = vector.load %arg19[%get3A_64, %get3A_65] : memref<8x64xf32, #tpu.memory_space<vmem>>, vector<1x64xf32>
      %mul3A = vector.broadcast %get3A_66 : vector<1x64xf32> to vector<2048x64xf32>
      %mul3A_67 = arith.mulf %sub3A_63, %mul3A : vector<2048x64xf32>
      %max3A = arith.constant 0.000000e+00 : f32
      %max3A_68 = vector.broadcast %max3A : f32 to vector<2048x64xf32>
      %max3A_69 = arith.maximumf %mul3A_67, %max3A_68 : vector<2048x64xf32>
      %get3A_70 = arith.constant 0 : index
      %get3A_71 = arith.constant 0 : index
      %get3A_72 = vector.load %arg10[%get3A_70, %get3A_71] : memref<64x64xf32, #tpu.memory_space<vmem>>, vector<64x64xf32>
      %dot_general3A_73 = arith.constant dense<0.000000e+00> : vector<2048x64xf32>
      %dot_general3A_74 = tpu.matmul %max3A_69, %get3A_72, %dot_general3A_73 {dimension_numbers = #tpu.dot_dimension_numbers<[1], [0], [0], [1], [0, 0, 1, 1], [], []>, transpose_lhs_hint = false} : vector<2048x64xf32>, vector<64x64xf32>, vector<2048x64xf32> -> vector<2048x64xf32>
      %get3A_75 = arith.constant 0 : index
      %get3A_76 = arith.constant 0 : index
      %get3A_77 = vector.load %arg11[%get3A_75, %get3A_76] : memref<1x64xf32, #tpu.memory_space<vmem>>, vector<1x64xf32>
      %add3A_78 = vector.broadcast %get3A_77 : vector<1x64xf32> to vector<2048x64xf32>
      %add3A_79 = arith.addf %dot_general3A_74, %add3A_78 : vector<2048x64xf32>
      %get3A_80 = arith.constant 0 : index
      %get3A_81 = arith.constant 0 : index
      %get3A_82 = arith.constant 0 : index
      %get3A_83 = vector.load %arg3[%get3A_80, %get3A_81, %get3A_82] : memref<1x256x128xf32, #tpu.memory_space<vmem>>, vector<1x256x128xf32>
      %get3A_84 = vector.shape_cast %get3A_83 : vector<1x256x128xf32> to vector<256x128xf32>
      %get3A_85 = arith.constant 0 : index
      %get3A_86 = arith.constant 0 : index
      %get3A_87 = vector.load %arg6[%get3A_85, %get3A_86] : memref<128x64xf32, #tpu.memory_space<vmem>>, vector<128x64xf32>
      %dot_general3A_88 = arith.constant dense<0.000000e+00> : vector<256x64xf32>
      %dot_general3A_89 = tpu.matmul %get3A_84, %get3A_87, %dot_general3A_88 {dimension_numbers = #tpu.dot_dimension_numbers<[1], [0], [0], [1], [0, 0, 1, 1], [], []>, transpose_lhs_hint = false} : vector<256x128xf32>, vector<128x64xf32>, vector<256x64xf32> -> vector<256x64xf32>
      %get3A_90 = arith.constant 0 : index
      %get3A_91 = arith.constant 0 : index
      %get3A_92 = vector.load %arg7[%get3A_90, %get3A_91] : memref<1x64xf32, #tpu.memory_space<vmem>>, vector<1x64xf32>
      %add3A_93 = vector.broadcast %get3A_92 : vector<1x64xf32> to vector<256x64xf32>
      %add3A_94 = arith.addf %dot_general3A_89, %add3A_93 : vector<256x64xf32>
      %broadcast_in_dim3A_95 = vector.shape_cast %add3A_94 : vector<256x64xf32> to vector<256x1x64xf32>
      %broadcast_in_dim3A_96 = vector.shape_cast %broadcast_in_dim3A_95 : vector<256x1x64xf32> to vector<256x1x64xf32>
      %broadcast_in_dim3A_97 = vector.broadcast %broadcast_in_dim3A_96 : vector<256x1x64xf32> to vector<256x8x64xf32>
      %reshape3A_98 = vector.shape_cast %broadcast_in_dim3A_97 : vector<256x8x64xf32> to vector<2048x64xf32>
      %sub3A_99 = arith.subf %reshape3A_98, %bitcast_convert_type3A_35 : vector<2048x64xf32>
      %add3A_100 = arith.addf %sub3A_99, %add3A_79 : vector<2048x64xf32>
      %eq3A_101 = arith.constant 1 : i32
      %eq3A_102 = arith.cmpi eq, %arg0, %eq3A_101 : i32
      %convert_element_type3A_103 = arith.extui %eq3A_102 : i1 to i32
      %cond3A_104 = arith.constant 0 : i32
      %cond3A_105 = arith.cmpi ne, %convert_element_type3A_103, %cond3A_104 : i32
      scf.if %cond3A_105 {
        %get3A_111 = arith.constant 0 : index
        %get3A_112 = arith.constant 0 : index
        %get3A_113 = vector.load %arg21[%get3A_111, %get3A_112] : memref<72x64xf32, #tpu.memory_space<vmem>>, vector<64x64xf32>
        %dot_general3A_114 = arith.constant dense<0.000000e+00> : vector<64x64xf32>
        %dot_general3A_115 = tpu.matmul %add3A_100, %add3A_100, %dot_general3A_114 {dimension_numbers = #tpu.dot_dimension_numbers<[0], [0], [1], [1], [0, 1, 1, 1], [], []>, transpose_lhs_hint = false} : vector<2048x64xf32>, vector<2048x64xf32>, vector<64x64xf32> -> vector<64x64xf32>
        %add3A_116 = arith.addf %get3A_113, %dot_general3A_115 : vector<64x64xf32>
        %swap3A = arith.constant 0 : index
        %swap3A_117 = arith.constant 0 : index
        %swap3A_118 = vector.load %arg21[%swap3A, %swap3A_117] : memref<72x64xf32, #tpu.memory_space<vmem>>, vector<64x64xf32>
        tpu.vector_store %arg21[%swap3A, %swap3A_117], %add3A_116 {strides = array<i32>} : memref<72x64xf32, #tpu.memory_space<vmem>>, vector<64x64xf32>,
        %get3A_119 = arith.constant 64 : index
        %get3A_120 = arith.constant 0 : index
        %get3A_121 = vector.load %arg21[%get3A_119, %get3A_120] : memref<72x64xf32, #tpu.memory_space<vmem>>, vector<1x64xf32>
        %reduce_sum3A = arith.constant dense<0.000000e+00> : vector<64xf32>
        %reduce_sum3A_122 = vector.multi_reduction <add>, %add3A_100, %reduce_sum3A [0] : vector<2048x64xf32> to vector<64xf32>
        %broadcast_in_dim3A_123 = vector.shape_cast %reduce_sum3A_122 : vector<64xf32> to vector<1x64xf32>
        %add3A_124 = arith.addf %get3A_121, %broadcast_in_dim3A_123 : vector<1x64xf32>
        %swap3A_125 = arith.constant 64 : index
        %swap3A_126 = arith.constant 0 : index
        %swap3A_127 = vector.load %arg21[%swap3A_125, %swap3A_126] : memref<72x64xf32, #tpu.memory_space<vmem>>, vector<1x64xf32>
        tpu.vector_store %arg21[%swap3A_125, %swap3A_126], %add3A_124 {strides = array<i32>} : memref<72x64xf32, #tpu.memory_space<vmem>>, vector<1x64xf32>,
      } else {
      }
      %eq3A_106 = arith.constant 2 : i32
      %eq3A_107 = arith.cmpi eq, %arg0, %eq3A_106 : i32
      %convert_element_type3A_108 = arith.extui %eq3A_107 : i1 to i32
      %cond3A_109 = arith.constant 0 : i32
      %cond3A_110 = arith.cmpi ne, %convert_element_type3A_108, %cond3A_109 : i32
      scf.if %cond3A_110 {
        %get3A_111 = arith.constant 0 : index
        %get3A_112 = arith.constant 0 : index
        %get3A_113 = vector.load %arg12[%get3A_111, %get3A_112] : memref<64x256xf32, #tpu.memory_space<vmem>>, vector<64x256xf32>
        %dot_general3A_114 = arith.constant dense<0.000000e+00> : vector<2048x256xf32>
        %dot_general3A_115 = tpu.matmul %add3A_100, %get3A_113, %dot_general3A_114 {dimension_numbers = #tpu.dot_dimension_numbers<[1], [0], [0], [1], [0, 0, 1, 1], [], []>, transpose_lhs_hint = false} : vector<2048x64xf32>, vector<64x256xf32>, vector<2048x256xf32> -> vector<2048x256xf32>
        %get3A_116 = arith.constant 0 : index
        %get3A_117 = arith.constant 0 : index
        %get3A_118 = vector.load %arg13[%get3A_116, %get3A_117] : memref<1x256xf32, #tpu.memory_space<vmem>>, vector<1x256xf32>
        %add3A_119 = vector.broadcast %get3A_118 : vector<1x256xf32> to vector<2048x256xf32>
        %add3A_120 = arith.addf %dot_general3A_115, %add3A_119 : vector<2048x256xf32>
        %get3A_121 = arith.constant 0 : index
        %get3A_122 = arith.constant 0 : index
        %get3A_123 = vector.load %arg20[%get3A_121, %get3A_122] : memref<8x256xf32, #tpu.memory_space<vmem>>, vector<1x256xf32>
        %sub3A_124 = vector.broadcast %get3A_123 : vector<1x256xf32> to vector<2048x256xf32>
        %sub3A_125 = arith.subf %add3A_120, %sub3A_124 : vector<2048x256xf32>
        %get3A_126 = arith.constant 1 : index
        %get3A_127 = arith.constant 0 : index
        %get3A_128 = vector.load %arg20[%get3A_126, %get3A_127] : memref<8x256xf32, #tpu.memory_space<vmem>>, vector<1x256xf32>
        %mul3A_129 = vector.broadcast %get3A_128 : vector<1x256xf32> to vector<2048x256xf32>
        %mul3A_130 = arith.mulf %sub3A_125, %mul3A_129 : vector<2048x256xf32>
        %max3A_131 = arith.constant 0.000000e+00 : f32
        %max3A_132 = vector.broadcast %max3A_131 : f32 to vector<2048x256xf32>
        %max3A_133 = arith.maximumf %mul3A_130, %max3A_132 : vector<2048x256xf32>
        %get3A_134 = arith.constant 0 : index
        %get3A_135 = arith.constant 0 : index
        %get3A_136 = vector.load %arg14[%get3A_134, %get3A_135] : memref<256x64xf32, #tpu.memory_space<vmem>>, vector<256x64xf32>
        %dot_general3A_137 = arith.constant dense<0.000000e+00> : vector<2048x64xf32>
        %dot_general3A_138 = tpu.matmul %max3A_133, %get3A_136, %dot_general3A_137 {dimension_numbers = #tpu.dot_dimension_numbers<[1], [0], [0], [1], [0, 0, 1, 1], [], []>, transpose_lhs_hint = false} : vector<2048x256xf32>, vector<256x64xf32>, vector<2048x64xf32> -> vector<2048x64xf32>
        %get3A_139 = arith.constant 0 : index
        %get3A_140 = arith.constant 0 : index
        %get3A_141 = vector.load %arg15[%get3A_139, %get3A_140] : memref<1x64xf32, #tpu.memory_space<vmem>>, vector<1x64xf32>
        %add3A_142 = vector.broadcast %get3A_141 : vector<1x64xf32> to vector<2048x64xf32>
        %add3A_143 = arith.addf %dot_general3A_138, %add3A_142 : vector<2048x64xf32>
        %exp3A = math.exp %add3A_143 : vector<2048x64xf32>
        %reshape3A_144 = vector.shape_cast %exp3A : vector<2048x64xf32> to vector<256x8x64xf32>
        %reduce_sum3A = arith.constant dense<0.000000e+00> : vector<256x64xf32>
        %reduce_sum3A_145 = vector.multi_reduction <add>, %reshape3A_144, %reduce_sum3A [1] : vector<256x8x64xf32> to vector<256x64xf32>
        %broadcast_in_dim3A_146 = vector.shape_cast %reduce_sum3A_145 : vector<256x64xf32> to vector<256x1x64xf32>
        %broadcast_in_dim3A_147 = vector.shape_cast %broadcast_in_dim3A_146 : vector<256x1x64xf32> to vector<256x1x64xf32>
        %broadcast_in_dim3A_148 = vector.broadcast %broadcast_in_dim3A_147 : vector<256x1x64xf32> to vector<256x8x64xf32>
        %reshape3A_149 = vector.shape_cast %broadcast_in_dim3A_148 : vector<256x8x64xf32> to vector<2048x64xf32>
        %div3A = arith.divf %exp3A, %reshape3A_149 : vector<2048x64xf32>
        %add3A_150 = arith.addf %bitcast_convert_type3A_39, %add3A_79 : vector<2048x64xf32>
        %mul3A_151 = arith.mulf %div3A, %add3A_150 : vector<2048x64xf32>
        %reshape3A_152 = vector.shape_cast %mul3A_151 : vector<2048x64xf32> to vector<256x8x64xf32>
        %reduce_sum3A_153 = arith.constant dense<0.000000e+00> : vector<256x64xf32>
        %reduce_sum3A_154 = vector.multi_reduction <add>, %reshape3A_152, %reduce_sum3A_153 [1] : vector<256x8x64xf32> to vector<256x64xf32>
        %get3A_155 = arith.constant 0 : index
        %get3A_156 = arith.constant 0 : index
        %get3A_157 = vector.load %arg16[%get3A_155, %get3A_156] : memref<64x128xf32, #tpu.memory_space<vmem>>, vector<64x128xf32>
        %dot_general3A_158 = arith.constant dense<0.000000e+00> : vector<256x128xf32>
        %dot_general3A_159 = tpu.matmul %reduce_sum3A_154, %get3A_157, %dot_general3A_158 {dimension_numbers = #tpu.dot_dimension_numbers<[1], [0], [0], [1], [0, 0, 1, 1], [], []>, transpose_lhs_hint = false} : vector<256x64xf32>, vector<64x128xf32>, vector<256x128xf32> -> vector<256x128xf32>
        %get3A_160 = arith.constant 0 : index
        %get3A_161 = arith.constant 0 : index
        %get3A_162 = vector.load %arg17[%get3A_160, %get3A_161] : memref<1x128xf32, #tpu.memory_space<vmem>>, vector<1x128xf32>
        %add3A_163 = vector.broadcast %get3A_162 : vector<1x128xf32> to vector<256x128xf32>
        %add3A_164 = arith.addf %dot_general3A_159, %add3A_163 : vector<256x128xf32>
        %add3A_165 = arith.addf %add3A_164, %get3A_84 : vector<256x128xf32>
        %swap3A = arith.constant 0 : index
        %swap3A_166 = arith.constant 0 : index
        %swap3A_167 = arith.constant 0 : index
        %swap3A_168 = vector.load %arg18[%swap3A, %swap3A_166, %swap3A_167] : memref<1x256x128xf32, #tpu.memory_space<vmem>>, vector<1x256x128xf32>
        %swap3A_169 = vector.shape_cast %swap3A_168 : vector<1x256x128xf32> to vector<256x128xf32>
        %swap3A_170 = vector.shape_cast %add3A_165 : vector<256x128xf32> to vector<1x256x128xf32>
        tpu.vector_store %arg18[%swap3A, %swap3A_166, %swap3A_167], %swap3A_170 {strides = array<i32>} : memref<1x256x128xf32, #tpu.memory_space<vmem>>, vector<1x256x128xf32>,
      } else {
      }
    } else {
    }
    return
  }
  func.func @transform_0(%arg0: i32, %arg1: i32, %arg2: i32) -> (i32, i32, i32) {
    %c0_i32 = arith.constant 0 : i32
    %c0_i32_0 = arith.constant 0 : i32
    return %arg1, %arg2, %c0_i32 : i32, i32, i32
  }
  func.func @transform_1(%arg0: i32, %arg1: i32, %arg2: i32) -> (i32, i32, i32) {
    %c0_i32 = arith.constant 0 : i32
    %c0_i32_0 = arith.constant 0 : i32
    return %arg1, %arg2, %c0_i32 : i32, i32, i32
  }
  func.func @transform_2(%arg0: i32, %arg1: i32, %arg2: i32) -> (i32, i32, i32) {
    %mul3A = arith.constant 1 : i32
    %mul3A_0 = arith.muli %arg1, %mul3A : i32
    %add3A = arith.addi %mul3A_0, %arg2 : i32
    %c0_i32 = arith.constant 0 : i32
    %c0_i32_1 = arith.constant 0 : i32
    %c0_i32_2 = arith.constant 0 : i32
    return %add3A, %c0_i32, %c0_i32_1 : i32, i32, i32
  }
  func.func @transform_3(%arg0: i32, %arg1: i32, %arg2: i32) -> (i32, i32) {
    %c0_i32 = arith.constant 0 : i32
    %c0_i32_0 = arith.constant 0 : i32
    %c0_i32_1 = arith.constant 0 : i32
    return %c0_i32, %c0_i32_0 : i32, i32
  }
  func.func @transform_4(%arg0: i32, %arg1: i32, %arg2: i32) -> (i32, i32) {
    %c0_i32 = arith.constant 0 : i32
    %c0_i32_0 = arith.constant 0 : i32
    %c0_i32_1 = arith.constant 0 : i32
    return %c0_i32, %c0_i32_0 : i32, i32
  }
  func.func @transform_5(%arg0: i32, %arg1: i32, %arg2: i32) -> (i32, i32) {
    %c0_i32 = arith.constant 0 : i32
    %c0_i32_0 = arith.constant 0 : i32
    %c0_i32_1 = arith.constant 0 : i32
    return %c0_i32, %c0_i32_0 : i32, i32
  }
  func.func @transform_6(%arg0: i32, %arg1: i32, %arg2: i32) -> (i32, i32) {
    %c0_i32 = arith.constant 0 : i32
    %c0_i32_0 = arith.constant 0 : i32
    %c0_i32_1 = arith.constant 0 : i32
    return %c0_i32, %c0_i32_0 : i32, i32
  }
  func.func @transform_7(%arg0: i32, %arg1: i32, %arg2: i32) -> (i32, i32) {
    %c0_i32 = arith.constant 0 : i32
    %c0_i32_0 = arith.constant 0 : i32
    %c0_i32_1 = arith.constant 0 : i32
    return %c0_i32, %c0_i32_0 : i32, i32
  }
  func.func @transform_8(%arg0: i32, %arg1: i32, %arg2: i32) -> (i32, i32) {
    %c0_i32 = arith.constant 0 : i32
    %c0_i32_0 = arith.constant 0 : i32
    %c0_i32_1 = arith.constant 0 : i32
    return %c0_i32, %c0_i32_0 : i32, i32
  }
  func.func @transform_9(%arg0: i32, %arg1: i32, %arg2: i32) -> (i32, i32) {
    %c0_i32 = arith.constant 0 : i32
    %c0_i32_0 = arith.constant 0 : i32
    %c0_i32_1 = arith.constant 0 : i32
    return %c0_i32, %c0_i32_0 : i32, i32
  }
  func.func @transform_10(%arg0: i32, %arg1: i32, %arg2: i32) -> (i32, i32) {
    %c0_i32 = arith.constant 0 : i32
    %c0_i32_0 = arith.constant 0 : i32
    %c0_i32_1 = arith.constant 0 : i32
    return %c0_i32, %c0_i32_0 : i32, i32
  }
  func.func @transform_11(%arg0: i32, %arg1: i32, %arg2: i32) -> (i32, i32) {
    %c0_i32 = arith.constant 0 : i32
    %c0_i32_0 = arith.constant 0 : i32
    %c0_i32_1 = arith.constant 0 : i32
    return %c0_i32, %c0_i32_0 : i32, i32
  }
  func.func @transform_12(%arg0: i32, %arg1: i32, %arg2: i32) -> (i32, i32) {
    %c0_i32 = arith.constant 0 : i32
    %c0_i32_0 = arith.constant 0 : i32
    %c0_i32_1 = arith.constant 0 : i32
    return %c0_i32, %c0_i32_0 : i32, i32
  }
  func.func @transform_13(%arg0: i32, %arg1: i32, %arg2: i32) -> (i32, i32) {
    %c0_i32 = arith.constant 0 : i32
    %c0_i32_0 = arith.constant 0 : i32
    %c0_i32_1 = arith.constant 0 : i32
    return %c0_i32, %c0_i32_0 : i32, i32
  }
  func.func @transform_14(%arg0: i32, %arg1: i32, %arg2: i32) -> (i32, i32) {
    %c0_i32 = arith.constant 0 : i32
    %c0_i32_0 = arith.constant 0 : i32
    %c0_i32_1 = arith.constant 0 : i32
    return %c0_i32, %c0_i32_0 : i32, i32
  }
  func.func @transform_15(%arg0: i32, %arg1: i32, %arg2: i32) -> (i32, i32, i32) {
    %c0_i32 = arith.constant 0 : i32
    %c0_i32_0 = arith.constant 0 : i32
    return %arg1, %arg2, %c0_i32 : i32, i32, i32
  }
}

module attributes {stable_mosaic.version = 14 : i64} {
  func.func @_prep_body(%arg0: i32, %arg1: i32, %arg2: memref<1x512x128xf32, #tpu.memory_space<vmem>>, %arg3: memref<1x256x128xf32, #tpu.memory_space<vmem>>, %arg4: memref<1x512x8xi32, #tpu.memory_space<vmem>>, %arg5: memref<1x512x8xf32, #tpu.memory_space<vmem>>, %arg6: memref<256x128xf32, #tpu.memory_space<vmem>>, %arg7: memref<1x128xf32, #tpu.memory_space<vmem>>, %arg8: memref<128x128xf32, #tpu.memory_space<vmem>>, %arg9: memref<1x128xf32, #tpu.memory_space<vmem>>, %arg10: memref<256x128xf32, #tpu.memory_space<vmem>>, %arg11: memref<1x128xf32, #tpu.memory_space<vmem>>, %arg12: memref<1x512x128xf32, #tpu.memory_space<vmem>>) attributes {dimension_semantics = [#tpu.dimension_semantics<arbitrary>, #tpu.dimension_semantics<arbitrary>], iteration_bounds = array<i64: 2, 1>, scalar_prefetch = 0 : i64, scratch_operands = 0 : i64, tpu.core_type = #tpu.core_type<tc>, window_params = [{transform_indices = @transform_0, window_bounds = array<i64: 1, 512, 128>}, {transform_indices = @transform_1, window_bounds = array<i64: 1, 256, 128>}, {transform_indices = @transform_2, window_bounds = array<i64: 1, 512, 8>}, {transform_indices = @transform_3, window_bounds = array<i64: 1, 512, 8>}, {pipeline_mode = #tpu.pipeline_mode<synchronous>, transform_indices = @transform_4, window_bounds = array<i64: 256, 128>}, {pipeline_mode = #tpu.pipeline_mode<synchronous>, transform_indices = @transform_5, window_bounds = array<i64: 1, 128>}, {pipeline_mode = #tpu.pipeline_mode<synchronous>, transform_indices = @transform_6, window_bounds = array<i64: 128, 128>}, {pipeline_mode = #tpu.pipeline_mode<synchronous>, transform_indices = @transform_7, window_bounds = array<i64: 1, 128>}, {pipeline_mode = #tpu.pipeline_mode<synchronous>, transform_indices = @transform_8, window_bounds = array<i64: 256, 128>}, {pipeline_mode = #tpu.pipeline_mode<synchronous>, transform_indices = @transform_9, window_bounds = array<i64: 1, 128>}, {transform_indices = @transform_10, window_bounds = array<i64: 1, 512, 128>}]} {
    %get3A = arith.constant 0 : index
    %get3A_0 = arith.constant 0 : index
    %get3A_1 = arith.constant 0 : index
    %get3A_2 = vector.load %arg2[%get3A, %get3A_0, %get3A_1] : memref<1x512x128xf32, #tpu.memory_space<vmem>>, vector<1x512x128xf32>
    %get3A_3 = vector.shape_cast %get3A_2 : vector<1x512x128xf32> to vector<512x128xf32>
    %get3A_4 = arith.constant 0 : index
    %get3A_5 = arith.constant 0 : index
    %get3A_6 = arith.constant 0 : index
    %get3A_7 = vector.load %arg3[%get3A_4, %get3A_5, %get3A_6] : memref<1x256x128xf32, #tpu.memory_space<vmem>>, vector<1x256x128xf32>
    %get3A_8 = vector.shape_cast %get3A_7 : vector<1x256x128xf32> to vector<256x128xf32>
    %get3A_9 = arith.constant 0 : index
    %get3A_10 = arith.constant 0 : index
    %get3A_11 = arith.constant 0 : index
    %get3A_12 = vector.load %arg4[%get3A_9, %get3A_10, %get3A_11] : memref<1x512x8xi32, #tpu.memory_space<vmem>>, vector<1x512x8xi32>
    %get3A_13 = vector.shape_cast %get3A_12 : vector<1x512x8xi32> to vector<512x8xi32>
    %get3A_14 = arith.constant 0 : index
    %get3A_15 = arith.constant 0 : index
    %get3A_16 = arith.constant 0 : index
    %get3A_17 = vector.load %arg5[%get3A_14, %get3A_15, %get3A_16] : memref<1x512x8xf32, #tpu.memory_space<vmem>>, vector<1x512x8xf32>
    %get3A_18 = vector.shape_cast %get3A_17 : vector<1x512x8xf32> to vector<512x8xf32>
    %max3A = arith.constant 1.000000e-10 : f32
    %max3A_19 = vector.broadcast %max3A : f32 to vector<512x8xf32>
    %max3A_20 = arith.maximumf %get3A_18, %max3A_19 : vector<512x8xf32>
    %div3A = arith.constant 1.000000e+00 : f32
    %div3A_21 = vector.broadcast %div3A : f32 to vector<512x8xf32>
    %div3A_22 = arith.divf %div3A_21, %max3A_20 : vector<512x8xf32>
    %iota3A = tpu.iota {dimensions = array<i32: 1>} : vector<512x8xi32>
    %lt3A = arith.constant 3 : i32
    %lt3A_23 = vector.broadcast %lt3A : i32 to vector<512x8xi32>
    %lt3A_24 = arith.cmpi slt, %iota3A, %lt3A_23 : vector<512x8xi32>
    %jit3A = arith.constant 0.000000e+00 : f32
    %broadcast_in_dim3A = vector.broadcast %jit3A : f32 to vector<512x8xf32>
    %select_n3A = arith.select %lt3A_24, %div3A_22, %broadcast_in_dim3A : vector<512x8xi1>, vector<512x8xf32>
    %reduce_sum3A = arith.constant dense<0.000000e+00> : vector<512xf32>
    %reduce_sum3A_25 = vector.multi_reduction <add>, %select_n3A, %reduce_sum3A [1] : vector<512x8xf32> to vector<512xf32>
    %broadcast_in_dim3A_26 = vector.shape_cast %reduce_sum3A_25 : vector<512xf32> to vector<512x1xf32>
    %div3A_27 = vector.broadcast %broadcast_in_dim3A_26 : vector<512x1xf32> to vector<512x8xf32>
    %div3A_28 = arith.divf %select_n3A, %div3A_27 : vector<512x8xf32>
    %iota3A_29 = tpu.iota {dimensions = array<i32: 1>} : vector<512x256xi32>
    %broadcast_in_dim3A_30 = arith.constant 0.000000e+00 : f32
    %broadcast_in_dim3A_31 = vector.broadcast %broadcast_in_dim3A_30 : f32 to vector<512x256xf32>
    %slice3A = vector.extract_strided_slice %get3A_13 {offsets = [0, 0], sizes = [512, 1], strides = [1, 1]} : vector<512x8xi32> to vector<512x1xi32>
    %eq3A = vector.broadcast %slice3A : vector<512x1xi32> to vector<512x256xi32>
    %eq3A_32 = arith.cmpi eq, %iota3A_29, %eq3A : vector<512x256xi32>
    %slice3A_33 = vector.extract_strided_slice %div3A_28 {offsets = [0, 0], sizes = [512, 1], strides = [1, 1]} : vector<512x8xf32> to vector<512x1xf32>
    %jit3A_34 = arith.constant 0.000000e+00 : f32
    %broadcast_in_dim3A_35 = vector.shape_cast %slice3A_33 : vector<512x1xf32> to vector<512x1xf32>
    %broadcast_in_dim3A_36 = vector.broadcast %broadcast_in_dim3A_35 : vector<512x1xf32> to vector<512x256xf32>
    %broadcast_in_dim3A_37 = vector.broadcast %jit3A_34 : f32 to vector<512x256xf32>
    %select_n3A_38 = arith.select %eq3A_32, %broadcast_in_dim3A_36, %broadcast_in_dim3A_37 : vector<512x256xi1>, vector<512x256xf32>
    %add3A = arith.addf %broadcast_in_dim3A_31, %select_n3A_38 : vector<512x256xf32>
    %slice3A_39 = vector.extract_strided_slice %get3A_13 {offsets = [0, 1], sizes = [512, 1], strides = [1, 1]} : vector<512x8xi32> to vector<512x1xi32>
    %eq3A_40 = vector.broadcast %slice3A_39 : vector<512x1xi32> to vector<512x256xi32>
    %eq3A_41 = arith.cmpi eq, %iota3A_29, %eq3A_40 : vector<512x256xi32>
    %slice3A_42 = vector.extract_strided_slice %div3A_28 {offsets = [0, 1], sizes = [512, 1], strides = [1, 1]} : vector<512x8xf32> to vector<512x1xf32>
    %jit3A_43 = arith.constant 0.000000e+00 : f32
    %broadcast_in_dim3A_44 = vector.shape_cast %slice3A_42 : vector<512x1xf32> to vector<512x1xf32>
    %broadcast_in_dim3A_45 = vector.broadcast %broadcast_in_dim3A_44 : vector<512x1xf32> to vector<512x256xf32>
    %broadcast_in_dim3A_46 = vector.broadcast %jit3A_43 : f32 to vector<512x256xf32>
    %select_n3A_47 = arith.select %eq3A_41, %broadcast_in_dim3A_45, %broadcast_in_dim3A_46 : vector<512x256xi1>, vector<512x256xf32>
    %add3A_48 = arith.addf %add3A, %select_n3A_47 : vector<512x256xf32>
    %slice3A_49 = vector.extract_strided_slice %get3A_13 {offsets = [0, 2], sizes = [512, 1], strides = [1, 1]} : vector<512x8xi32> to vector<512x1xi32>
    %eq3A_50 = vector.broadcast %slice3A_49 : vector<512x1xi32> to vector<512x256xi32>
    %eq3A_51 = arith.cmpi eq, %iota3A_29, %eq3A_50 : vector<512x256xi32>
    %slice3A_52 = vector.extract_strided_slice %div3A_28 {offsets = [0, 2], sizes = [512, 1], strides = [1, 1]} : vector<512x8xf32> to vector<512x1xf32>
    %jit3A_53 = arith.constant 0.000000e+00 : f32
    %broadcast_in_dim3A_54 = vector.shape_cast %slice3A_52 : vector<512x1xf32> to vector<512x1xf32>
    %broadcast_in_dim3A_55 = vector.broadcast %broadcast_in_dim3A_54 : vector<512x1xf32> to vector<512x256xf32>
    %broadcast_in_dim3A_56 = vector.broadcast %jit3A_53 : f32 to vector<512x256xf32>
    %select_n3A_57 = arith.select %eq3A_51, %broadcast_in_dim3A_55, %broadcast_in_dim3A_56 : vector<512x256xi1>, vector<512x256xf32>
    %add3A_58 = arith.addf %add3A_48, %select_n3A_57 : vector<512x256xf32>
    %dot_general3A = arith.constant dense<0.000000e+00> : vector<512x128xf32>
    %dot_general3A_59 = tpu.matmul %add3A_58, %get3A_8, %dot_general3A {dimension_numbers = #tpu.dot_dimension_numbers<[1], [0], [0], [1], [0, 0, 1, 1], [], []>, transpose_lhs_hint = false} : vector<512x256xf32>, vector<256x128xf32>, vector<512x128xf32> -> vector<512x128xf32>
    %concatenate3A = tpu.concatenate %get3A_3, %dot_general3A_59 in 1 : vector<512x128xf32>, vector<512x128xf32> -> vector<512x256xf32>
    %get3A_60 = arith.constant 0 : index
    %get3A_61 = arith.constant 0 : index
    %get3A_62 = vector.load %arg6[%get3A_60, %get3A_61] : memref<256x128xf32, #tpu.memory_space<vmem>>, vector<256x128xf32>
    %dot_general3A_63 = arith.constant dense<0.000000e+00> : vector<512x128xf32>
    %dot_general3A_64 = tpu.matmul %concatenate3A, %get3A_62, %dot_general3A_63 {dimension_numbers = #tpu.dot_dimension_numbers<[1], [0], [0], [1], [0, 0, 1, 1], [], []>, transpose_lhs_hint = false} : vector<512x256xf32>, vector<256x128xf32>, vector<512x128xf32> -> vector<512x128xf32>
    %get3A_65 = arith.constant 0 : index
    %get3A_66 = arith.constant 0 : index
    %get3A_67 = vector.load %arg7[%get3A_65, %get3A_66] : memref<1x128xf32, #tpu.memory_space<vmem>>, vector<1x128xf32>
    %add3A_68 = vector.broadcast %get3A_67 : vector<1x128xf32> to vector<512x128xf32>
    %add3A_69 = arith.addf %dot_general3A_64, %add3A_68 : vector<512x128xf32>
    %max3A_70 = arith.constant 0.000000e+00 : f32
    %max3A_71 = vector.broadcast %max3A_70 : f32 to vector<512x128xf32>
    %max3A_72 = arith.maximumf %add3A_69, %max3A_71 : vector<512x128xf32>
    %get3A_73 = arith.constant 0 : index
    %get3A_74 = arith.constant 0 : index
    %get3A_75 = vector.load %arg8[%get3A_73, %get3A_74] : memref<128x128xf32, #tpu.memory_space<vmem>>, vector<128x128xf32>
    %dot_general3A_76 = arith.constant dense<0.000000e+00> : vector<512x128xf32>
    %dot_general3A_77 = tpu.matmul %max3A_72, %get3A_75, %dot_general3A_76 {dimension_numbers = #tpu.dot_dimension_numbers<[1], [0], [0], [1], [0, 0, 1, 1], [], []>, transpose_lhs_hint = false} : vector<512x128xf32>, vector<128x128xf32>, vector<512x128xf32> -> vector<512x128xf32>
    %get3A_78 = arith.constant 0 : index
    %get3A_79 = arith.constant 0 : index
    %get3A_80 = vector.load %arg9[%get3A_78, %get3A_79] : memref<1x128xf32, #tpu.memory_space<vmem>>, vector<1x128xf32>
    %add3A_81 = vector.broadcast %get3A_80 : vector<1x128xf32> to vector<512x128xf32>
    %add3A_82 = arith.addf %dot_general3A_77, %add3A_81 : vector<512x128xf32>
    %get3A_83 = arith.constant 0 : index
    %get3A_84 = arith.constant 0 : index
    %get3A_85 = vector.load %arg10[%get3A_83, %get3A_84] : memref<256x128xf32, #tpu.memory_space<vmem>>, vector<256x128xf32>
    %dot_general3A_86 = arith.constant dense<0.000000e+00> : vector<512x128xf32>
    %dot_general3A_87 = tpu.matmul %concatenate3A, %get3A_85, %dot_general3A_86 {dimension_numbers = #tpu.dot_dimension_numbers<[1], [0], [0], [1], [0, 0, 1, 1], [], []>, transpose_lhs_hint = false} : vector<512x256xf32>, vector<256x128xf32>, vector<512x128xf32> -> vector<512x128xf32>
    %add3A_88 = arith.addf %add3A_82, %dot_general3A_87 : vector<512x128xf32>
    %get3A_89 = arith.constant 0 : index
    %get3A_90 = arith.constant 0 : index
    %get3A_91 = vector.load %arg11[%get3A_89, %get3A_90] : memref<1x128xf32, #tpu.memory_space<vmem>>, vector<1x128xf32>
    %add3A_92 = vector.broadcast %get3A_91 : vector<1x128xf32> to vector<512x128xf32>
    %add3A_93 = arith.addf %add3A_88, %add3A_92 : vector<512x128xf32>
    %swap3A = arith.constant 0 : index
    %swap3A_94 = arith.constant 0 : index
    %swap3A_95 = arith.constant 0 : index
    %swap3A_96 = vector.load %arg12[%swap3A, %swap3A_94, %swap3A_95] : memref<1x512x128xf32, #tpu.memory_space<vmem>>, vector<1x512x128xf32>
    %swap3A_97 = vector.shape_cast %swap3A_96 : vector<1x512x128xf32> to vector<512x128xf32>
    %swap3A_98 = vector.shape_cast %add3A_93 : vector<512x128xf32> to vector<1x512x128xf32>
    tpu.vector_store %arg12[%swap3A, %swap3A_94, %swap3A_95], %swap3A_98 {strides = array<i32>} : memref<1x512x128xf32, #tpu.memory_space<vmem>>, vector<1x512x128xf32>,
    return
  }
  func.func @transform_0(%arg0: i32, %arg1: i32) -> (i32, i32, i32) {
    %c0_i32 = arith.constant 0 : i32
    %c0_i32_0 = arith.constant 0 : i32
    return %arg0, %arg1, %c0_i32 : i32, i32, i32
  }
  func.func @transform_1(%arg0: i32, %arg1: i32) -> (i32, i32, i32) {
    %c0_i32 = arith.constant 0 : i32
    %c0_i32_0 = arith.constant 0 : i32
    %c0_i32_1 = arith.constant 0 : i32
    return %arg0, %c0_i32, %c0_i32_0 : i32, i32, i32
  }
  func.func @transform_2(%arg0: i32, %arg1: i32) -> (i32, i32, i32) {
    %c0_i32 = arith.constant 0 : i32
    %c0_i32_0 = arith.constant 0 : i32
    return %arg0, %arg1, %c0_i32 : i32, i32, i32
  }
  func.func @transform_3(%arg0: i32, %arg1: i32) -> (i32, i32, i32) {
    %c0_i32 = arith.constant 0 : i32
    %c0_i32_0 = arith.constant 0 : i32
    return %arg0, %arg1, %c0_i32 : i32, i32, i32
  }
  func.func @transform_4(%arg0: i32, %arg1: i32) -> (i32, i32) {
    %c0_i32 = arith.constant 0 : i32
    %c0_i32_0 = arith.constant 0 : i32
    %c0_i32_1 = arith.constant 0 : i32
    return %c0_i32, %c0_i32_0 : i32, i32
  }
  func.func @transform_5(%arg0: i32, %arg1: i32) -> (i32, i32) {
    %c0_i32 = arith.constant 0 : i32
    %c0_i32_0 = arith.constant 0 : i32
    %c0_i32_1 = arith.constant 0 : i32
    return %c0_i32, %c0_i32_0 : i32, i32
  }
  func.func @transform_6(%arg0: i32, %arg1: i32) -> (i32, i32) {
    %c0_i32 = arith.constant 0 : i32
    %c0_i32_0 = arith.constant 0 : i32
    %c0_i32_1 = arith.constant 0 : i32
    return %c0_i32, %c0_i32_0 : i32, i32
  }
  func.func @transform_7(%arg0: i32, %arg1: i32) -> (i32, i32) {
    %c0_i32 = arith.constant 0 : i32
    %c0_i32_0 = arith.constant 0 : i32
    %c0_i32_1 = arith.constant 0 : i32
    return %c0_i32, %c0_i32_0 : i32, i32
  }
  func.func @transform_8(%arg0: i32, %arg1: i32) -> (i32, i32) {
    %c0_i32 = arith.constant 0 : i32
    %c0_i32_0 = arith.constant 0 : i32
    %c0_i32_1 = arith.constant 0 : i32
    return %c0_i32, %c0_i32_0 : i32, i32
  }
  func.func @transform_9(%arg0: i32, %arg1: i32) -> (i32, i32) {
    %c0_i32 = arith.constant 0 : i32
    %c0_i32_0 = arith.constant 0 : i32
    %c0_i32_1 = arith.constant 0 : i32
    return %c0_i32, %c0_i32_0 : i32, i32
  }
  func.func @transform_10(%arg0: i32, %arg1: i32) -> (i32, i32, i32) {
    %c0_i32 = arith.constant 0 : i32
    %c0_i32_0 = arith.constant 0 : i32
    return %arg0, %arg1, %c0_i32 : i32, i32, i32
  }
}

module attributes {stable_mosaic.version = 14 : i64} {
  func.func @_dga_body(%arg0: i32, %arg1: i32, %arg2: i32, %arg3: memref<1x512x128xf32, #tpu.memory_space<vmem>>, %arg4: memref<1x512x16xf32, #tpu.memory_space<vmem>>, %arg5: memref<1x6144x128xf32, #tpu.memory_space<vmem>>, %arg6: memref<128x64xf32, #tpu.memory_space<vmem>>, %arg7: memref<1x64xf32, #tpu.memory_space<vmem>>, %arg8: memref<16x64xf32, #tpu.memory_space<vmem>>, %arg9: memref<1x64xf32, #tpu.memory_space<vmem>>, %arg10: memref<64x64xf32, #tpu.memory_space<vmem>>, %arg11: memref<1x64xf32, #tpu.memory_space<vmem>>, %arg12: memref<64x256xf32, #tpu.memory_space<vmem>>, %arg13: memref<1x256xf32, #tpu.memory_space<vmem>>, %arg14: memref<256x64xf32, #tpu.memory_space<vmem>>, %arg15: memref<1x64xf32, #tpu.memory_space<vmem>>, %arg16: memref<64x128xf32, #tpu.memory_space<vmem>>, %arg17: memref<1x128xf32, #tpu.memory_space<vmem>>, %arg18: memref<1x512x128xf32, #tpu.memory_space<vmem>>, %arg19: memref<8x64xf32, #tpu.memory_space<vmem>>, %arg20: memref<8x256xf32, #tpu.memory_space<vmem>>, %arg21: memref<72x64xf32, #tpu.memory_space<vmem>>) attributes {dimension_semantics = [#tpu.dimension_semantics<arbitrary>, #tpu.dimension_semantics<arbitrary>, #tpu.dimension_semantics<arbitrary>], iteration_bounds = array<i64: 3, 2, 1>, scalar_prefetch = 0 : i64, scratch_operands = 3 : i64, tpu.core_type = #tpu.core_type<tc>, window_params = [{transform_indices = @transform_0, window_bounds = array<i64: 1, 512, 128>}, {transform_indices = @transform_1, window_bounds = array<i64: 1, 512, 16>}, {transform_indices = @transform_2, window_bounds = array<i64: 1, 6144, 128>}, {pipeline_mode = #tpu.pipeline_mode<synchronous>, transform_indices = @transform_3, window_bounds = array<i64: 128, 64>}, {pipeline_mode = #tpu.pipeline_mode<synchronous>, transform_indices = @transform_4, window_bounds = array<i64: 1, 64>}, {pipeline_mode = #tpu.pipeline_mode<synchronous>, transform_indices = @transform_5, window_bounds = array<i64: 16, 64>}, {pipeline_mode = #tpu.pipeline_mode<synchronous>, transform_indices = @transform_6, window_bounds = array<i64: 1, 64>}, {pipeline_mode = #tpu.pipeline_mode<synchronous>, transform_indices = @transform_7, window_bounds = array<i64: 64, 64>}, {pipeline_mode = #tpu.pipeline_mode<synchronous>, transform_indices = @transform_8, window_bounds = array<i64: 1, 64>}, {pipeline_mode = #tpu.pipeline_mode<synchronous>, transform_indices = @transform_9, window_bounds = array<i64: 64, 256>}, {pipeline_mode = #tpu.pipeline_mode<synchronous>, transform_indices = @transform_10, window_bounds = array<i64: 1, 256>}, {pipeline_mode = #tpu.pipeline_mode<synchronous>, transform_indices = @transform_11, window_bounds = array<i64: 256, 64>}, {pipeline_mode = #tpu.pipeline_mode<synchronous>, transform_indices = @transform_12, window_bounds = array<i64: 1, 64>}, {pipeline_mode = #tpu.pipeline_mode<synchronous>, transform_indices = @transform_13, window_bounds = array<i64: 64, 128>}, {pipeline_mode = #tpu.pipeline_mode<synchronous>, transform_indices = @transform_14, window_bounds = array<i64: 1, 128>}, {transform_indices = @transform_15, window_bounds = array<i64: 1, 512, 128>}]} {
    %eq3A = arith.constant 0 : i32
    %eq3A_0 = arith.cmpi eq, %arg1, %eq3A : i32
    %eq3A_1 = arith.constant 0 : i32
    %eq3A_2 = arith.cmpi eq, %arg2, %eq3A_1 : i32
    %and3A = arith.andi %eq3A_0, %eq3A_2 : i1
    %eq3A_3 = arith.constant 0 : i32
    %eq3A_4 = arith.cmpi eq, %arg0, %eq3A_3 : i32
    %and3A_5 = arith.andi %eq3A_4, %and3A : i1
    %convert_element_type3A = arith.extui %and3A_5 : i1 to i32
    %cond3A = arith.constant 0 : i32
    %cond3A_6 = arith.cmpi ne, %convert_element_type3A, %cond3A : i32
    scf.if %cond3A_6 {
      %broadcast_in_dim3A_59 = arith.constant 0.000000e+00 : f32
      %broadcast_in_dim3A_60 = vector.broadcast %broadcast_in_dim3A_59 : f32 to vector<8x64xf32>
      %swap3A = arith.constant 0 : index
      %swap3A_61 = arith.constant 0 : index
      %swap3A_62 = vector.load %arg19[%swap3A, %swap3A_61] : memref<8x64xf32, #tpu.memory_space<vmem>>, vector<8x64xf32>
      tpu.vector_store %arg19[%swap3A, %swap3A_61], %broadcast_in_dim3A_60 {strides = array<i32>} : memref<8x64xf32, #tpu.memory_space<vmem>>, vector<8x64xf32>,
      %broadcast_in_dim3A_63 = arith.constant 0.000000e+00 : f32
      %broadcast_in_dim3A_64 = vector.broadcast %broadcast_in_dim3A_63 : f32 to vector<8x256xf32>
      %swap3A_65 = arith.constant 0 : index
      %swap3A_66 = arith.constant 0 : index
      %swap3A_67 = vector.load %arg20[%swap3A_65, %swap3A_66] : memref<8x256xf32, #tpu.memory_space<vmem>>, vector<8x256xf32>
      tpu.vector_store %arg20[%swap3A_65, %swap3A_66], %broadcast_in_dim3A_64 {strides = array<i32>} : memref<8x256xf32, #tpu.memory_space<vmem>>, vector<8x256xf32>,
      %broadcast_in_dim3A_68 = arith.constant 0.000000e+00 : f32
      %broadcast_in_dim3A_69 = vector.broadcast %broadcast_in_dim3A_68 : f32 to vector<72x64xf32>
      %swap3A_70 = arith.constant 0 : index
      %swap3A_71 = arith.constant 0 : index
      %swap3A_72 = vector.load %arg21[%swap3A_70, %swap3A_71] : memref<72x64xf32, #tpu.memory_space<vmem>>, vector<72x64xf32>
      tpu.vector_store %arg21[%swap3A_70, %swap3A_71], %broadcast_in_dim3A_69 {strides = array<i32>} : memref<72x64xf32, #tpu.memory_space<vmem>>, vector<72x64xf32>,
    } else {
    }
    %eq3A_7 = arith.constant 1 : i32
    %eq3A_8 = arith.cmpi eq, %arg0, %eq3A_7 : i32
    %and3A_9 = arith.andi %eq3A_8, %and3A : i1
    %convert_element_type3A_10 = arith.extui %and3A_9 : i1 to i32
    %cond3A_11 = arith.constant 0 : i32
    %cond3A_12 = arith.cmpi ne, %convert_element_type3A_10, %cond3A_11 : i32
    scf.if %cond3A_12 {
      %get3A_59 = arith.constant 0 : index
      %get3A_60 = arith.constant 0 : index
      %get3A_61 = vector.load %arg19[%get3A_59, %get3A_60] : memref<8x64xf32, #tpu.memory_space<vmem>>, vector<1x64xf32>
      %mul3A = arith.constant 8.13802107E-5 : f32
      %mul3A_62 = vector.broadcast %mul3A : f32 to vector<1x64xf32>
      %mul3A_63 = arith.mulf %get3A_61, %mul3A_62 : vector<1x64xf32>
      %get3A_64 = arith.constant 1 : index
      %get3A_65 = arith.constant 0 : index
      %get3A_66 = vector.load %arg19[%get3A_64, %get3A_65] : memref<8x64xf32, #tpu.memory_space<vmem>>, vector<1x64xf32>
      %mul3A_67 = arith.constant 8.13802107E-5 : f32
      %mul3A_68 = vector.broadcast %mul3A_67 : f32 to vector<1x64xf32>
      %mul3A_69 = arith.mulf %get3A_66, %mul3A_68 : vector<1x64xf32>
      %mul3A_70 = arith.mulf %mul3A_63, %mul3A_63 : vector<1x64xf32>
      %sub3A_71 = arith.subf %mul3A_69, %mul3A_70 : vector<1x64xf32>
      %max3A = arith.constant 0.000000e+00 : f32
      %max3A_72 = vector.broadcast %max3A : f32 to vector<1x64xf32>
      %max3A_73 = arith.maximumf %sub3A_71, %max3A_72 : vector<1x64xf32>
      %add3A_74 = arith.constant 9.99999974E-6 : f32
      %add3A_75 = vector.broadcast %add3A_74 : f32 to vector<1x64xf32>
      %add3A_76 = arith.addf %max3A_73, %add3A_75 : vector<1x64xf32>
      %rsqrt3A = math.rsqrt %add3A_76 : vector<1x64xf32>
      %swap3A = arith.constant 0 : index
      %swap3A_77 = arith.constant 0 : index
      %swap3A_78 = vector.load %arg19[%swap3A, %swap3A_77] : memref<8x64xf32, #tpu.memory_space<vmem>>, vector<1x64xf32>
      tpu.vector_store %arg19[%swap3A, %swap3A_77], %mul3A_63 {strides = array<i32>} : memref<8x64xf32, #tpu.memory_space<vmem>>, vector<1x64xf32>,
      %swap3A_79 = arith.constant 1 : index
      %swap3A_80 = arith.constant 0 : index
      %swap3A_81 = vector.load %arg19[%swap3A_79, %swap3A_80] : memref<8x64xf32, #tpu.memory_space<vmem>>, vector<1x64xf32>
      tpu.vector_store %arg19[%swap3A_79, %swap3A_80], %rsqrt3A {strides = array<i32>} : memref<8x64xf32, #tpu.memory_space<vmem>>, vector<1x64xf32>,
    } else {
    }
    %eq3A_13 = arith.constant 2 : i32
    %eq3A_14 = arith.cmpi eq, %arg0, %eq3A_13 : i32
    %and3A_15 = arith.andi %eq3A_14, %and3A : i1
    %convert_element_type3A_16 = arith.extui %and3A_15 : i1 to i32
    %cond3A_17 = arith.constant 0 : i32
    %cond3A_18 = arith.cmpi ne, %convert_element_type3A_16, %cond3A_17 : i32
    scf.if %cond3A_18 {
      %get3A_59 = arith.constant 0 : index
      %get3A_60 = arith.constant 0 : index
      %get3A_61 = vector.load %arg12[%get3A_59, %get3A_60] : memref<64x256xf32, #tpu.memory_space<vmem>>, vector<64x256xf32>
      %get3A_62 = arith.constant 0 : index
      %get3A_63 = arith.constant 0 : index
      %get3A_64 = vector.load %arg13[%get3A_62, %get3A_63] : memref<1x256xf32, #tpu.memory_space<vmem>>, vector<1x256xf32>
      %get3A_65 = arith.constant 64 : index
      %get3A_66 = arith.constant 0 : index
      %get3A_67 = vector.load %arg21[%get3A_65, %get3A_66] : memref<72x64xf32, #tpu.memory_space<vmem>>, vector<1x64xf32>
      %mul3A = arith.constant 8.13802107E-5 : f32
      %mul3A_68 = vector.broadcast %mul3A : f32 to vector<1x64xf32>
      %mul3A_69 = arith.mulf %get3A_67, %mul3A_68 : vector<1x64xf32>
      %dot_general3A_70 = arith.constant dense<0.000000e+00> : vector<1x256xf32>
      %dot_general3A_71 = tpu.matmul %mul3A_69, %get3A_61, %dot_general3A_70 {dimension_numbers = #tpu.dot_dimension_numbers<[1], [0], [0], [1], [0, 0, 1, 1], [], []>, transpose_lhs_hint = false} : vector<1x64xf32>, vector<64x256xf32>, vector<1x256xf32> -> vector<1x256xf32>
      %add3A_72 = arith.addf %dot_general3A_71, %get3A_64 : vector<1x256xf32>
      %get3A_73 = arith.constant 0 : index
      %get3A_74 = arith.constant 0 : index
      %get3A_75 = vector.load %arg21[%get3A_73, %get3A_74] : memref<72x64xf32, #tpu.memory_space<vmem>>, vector<64x64xf32>
      %mul3A_76 = arith.constant 8.13802107E-5 : f32
      %mul3A_77 = vector.broadcast %mul3A_76 : f32 to vector<64x64xf32>
      %mul3A_78 = arith.mulf %get3A_75, %mul3A_77 : vector<64x64xf32>
      %dot_general3A_79 = arith.constant dense<0.000000e+00> : vector<64x256xf32>
      %dot_general3A_80 = tpu.matmul %mul3A_78, %get3A_61, %dot_general3A_79 {dimension_numbers = #tpu.dot_dimension_numbers<[1], [0], [0], [1], [0, 0, 1, 1], [], []>, transpose_lhs_hint = false} : vector<64x64xf32>, vector<64x256xf32>, vector<64x256xf32> -> vector<64x256xf32>
      %mul3A_81 = arith.mulf %get3A_61, %dot_general3A_80 : vector<64x256xf32>
      %reduce_sum3A = arith.constant dense<0.000000e+00> : vector<256xf32>
      %reduce_sum3A_82 = vector.multi_reduction <add>, %mul3A_81, %reduce_sum3A [0] : vector<64x256xf32> to vector<256xf32>
      %broadcast_in_dim3A_83 = vector.shape_cast %reduce_sum3A_82 : vector<256xf32> to vector<1x256xf32>
      %mul3A_84 = arith.constant 2.000000e+00 : f32
      %mul3A_85 = vector.broadcast %mul3A_84 : f32 to vector<1x256xf32>
      %mul3A_86 = arith.mulf %mul3A_85, %get3A_64 : vector<1x256xf32>
      %sub3A_87 = arith.subf %add3A_72, %get3A_64 : vector<1x256xf32>
      %mul3A_88 = arith.mulf %mul3A_86, %sub3A_87 : vector<1x256xf32>
      %add3A_89 = arith.addf %broadcast_in_dim3A_83, %mul3A_88 : vector<1x256xf32>
      %mul3A_90 = arith.mulf %get3A_64, %get3A_64 : vector<1x256xf32>
      %add3A_91 = arith.addf %add3A_89, %mul3A_90 : vector<1x256xf32>
      %mul3A_92 = arith.mulf %add3A_72, %add3A_72 : vector<1x256xf32>
      %sub3A_93 = arith.subf %add3A_91, %mul3A_92 : vector<1x256xf32>
      %max3A = arith.constant 0.000000e+00 : f32
      %max3A_94 = vector.broadcast %max3A : f32 to vector<1x256xf32>
      %max3A_95 = arith.maximumf %sub3A_93, %max3A_94 : vector<1x256xf32>
      %add3A_96 = arith.constant 9.99999974E-6 : f32
      %add3A_97 = vector.broadcast %add3A_96 : f32 to vector<1x256xf32>
      %add3A_98 = arith.addf %max3A_95, %add3A_97 : vector<1x256xf32>
      %rsqrt3A = math.rsqrt %add3A_98 : vector<1x256xf32>
      %swap3A = arith.constant 0 : index
      %swap3A_99 = arith.constant 0 : index
      %swap3A_100 = vector.load %arg20[%swap3A, %swap3A_99] : memref<8x256xf32, #tpu.memory_space<vmem>>, vector<1x256xf32>
      tpu.vector_store %arg20[%swap3A, %swap3A_99], %add3A_72 {strides = array<i32>} : memref<8x256xf32, #tpu.memory_space<vmem>>, vector<1x256xf32>,
      %swap3A_101 = arith.constant 1 : index
      %swap3A_102 = arith.constant 0 : index
      %swap3A_103 = vector.load %arg20[%swap3A_101, %swap3A_102] : memref<8x256xf32, #tpu.memory_space<vmem>>, vector<1x256xf32>
      tpu.vector_store %arg20[%swap3A_101, %swap3A_102], %rsqrt3A {strides = array<i32>} : memref<8x256xf32, #tpu.memory_space<vmem>>, vector<1x256xf32>,
    } else {
    }
    %get3A = arith.constant 0 : index
    %get3A_19 = arith.constant 0 : index
    %get3A_20 = arith.constant 0 : index
    %get3A_21 = vector.load %arg4[%get3A, %get3A_19, %get3A_20] : memref<1x512x16xf32, #tpu.memory_space<vmem>>, vector<1x512x16xf32>
    %get3A_22 = vector.shape_cast %get3A_21 : vector<1x512x16xf32> to vector<512x16xf32>
    %get3A_23 = arith.constant 0 : index
    %get3A_24 = arith.constant 0 : index
    %get3A_25 = arith.constant 64 : index
    %get3A_26 = vector.load %arg5[%get3A_23, %get3A_24, %get3A_25] : memref<1x6144x128xf32, #tpu.memory_space<vmem>>, vector<1x6144x16xf32>
    %get3A_27 = vector.shape_cast %get3A_26 : vector<1x6144x16xf32> to vector<6144x16xf32>
    %get3A_28 = arith.constant 0 : index
    %get3A_29 = arith.constant 0 : index
    %get3A_30 = arith.constant 0 : index
    %get3A_31 = vector.load %arg5[%get3A_28, %get3A_29, %get3A_30] : memref<1x6144x128xf32, #tpu.memory_space<vmem>>, vector<1x6144x64xf32>
    %get3A_32 = vector.shape_cast %get3A_31 : vector<1x6144x64xf32> to vector<6144x64xf32>
    %bitcast_convert_type3A = tpu.bitcast %get3A_32 : vector<6144x64xf32> -> vector<6144x64xi32>
    %shift_left3A = arith.constant 16 : i32
    %shift_left3A_33 = vector.broadcast %shift_left3A : i32 to vector<6144x64xi32>
    %shift_left3A_34 = arith.shli %bitcast_convert_type3A, %shift_left3A_33 : vector<6144x64xi32>
    %bitcast_convert_type3A_35 = tpu.bitcast %shift_left3A_34 : vector<6144x64xi32> -> vector<6144x64xf32>
    %and3A_36 = arith.constant -65536 : i32
    %and3A_37 = vector.broadcast %and3A_36 : i32 to vector<6144x64xi32>
    %and3A_38 = arith.andi %bitcast_convert_type3A, %and3A_37 : vector<6144x64xi32>
    %bitcast_convert_type3A_39 = tpu.bitcast %and3A_38 : vector<6144x64xi32> -> vector<6144x64xf32>
    %broadcast_in_dim3A = vector.shape_cast %get3A_22 : vector<512x16xf32> to vector<512x1x16xf32>
    %broadcast_in_dim3A_40 = vector.shape_cast %broadcast_in_dim3A : vector<512x1x16xf32> to vector<512x1x16xf32>
    %broadcast_in_dim3A_41 = vector.broadcast %broadcast_in_dim3A_40 : vector<512x1x16xf32> to vector<512x12x16xf32>
    %reshape3A = vector.shape_cast %broadcast_in_dim3A_41 : vector<512x12x16xf32> to vector<6144x16xf32>
    %sub3A = arith.subf %reshape3A, %get3A_27 : vector<6144x16xf32>
    %get3A_42 = arith.constant 0 : index
    %get3A_43 = arith.constant 0 : index
    %get3A_44 = vector.load %arg8[%get3A_42, %get3A_43] : memref<16x64xf32, #tpu.memory_space<vmem>>, vector<16x64xf32>
    %dot_general3A = arith.constant dense<0.000000e+00> : vector<6144x64xf32>
    %dot_general3A_45 = tpu.matmul %sub3A, %get3A_44, %dot_general3A {dimension_numbers = #tpu.dot_dimension_numbers<[1], [0], [0], [1], [0, 0, 1, 1], [], []>, transpose_lhs_hint = false} : vector<6144x16xf32>, vector<16x64xf32>, vector<6144x64xf32> -> vector<6144x64xf32>
    %get3A_46 = arith.constant 0 : index
    %get3A_47 = arith.constant 0 : index
    %get3A_48 = vector.load %arg9[%get3A_46, %get3A_47] : memref<1x64xf32, #tpu.memory_space<vmem>>, vector<1x64xf32>
    %add3A = vector.broadcast %get3A_48 : vector<1x64xf32> to vector<6144x64xf32>
    %add3A_49 = arith.addf %dot_general3A_45, %add3A : vector<6144x64xf32>
    %eq3A_50 = arith.constant 0 : i32
    %eq3A_51 = arith.cmpi eq, %arg0, %eq3A_50 : i32
    %convert_element_type3A_52 = arith.extui %eq3A_51 : i1 to i32
    %cond3A_53 = arith.constant 0 : i32
    %cond3A_54 = arith.cmpi ne, %convert_element_type3A_52, %cond3A_53 : i32
    scf.if %cond3A_54 {
      %get3A_59 = arith.constant 0 : index
      %get3A_60 = arith.constant 0 : index
      %get3A_61 = vector.load %arg19[%get3A_59, %get3A_60] : memref<8x64xf32, #tpu.memory_space<vmem>>, vector<1x64xf32>
      %reduce_sum3A = arith.constant dense<0.000000e+00> : vector<64xf32>
      %reduce_sum3A_62 = vector.multi_reduction <add>, %add3A_49, %reduce_sum3A [0] : vector<6144x64xf32> to vector<64xf32>
      %broadcast_in_dim3A_63 = vector.shape_cast %reduce_sum3A_62 : vector<64xf32> to vector<1x64xf32>
      %add3A_64 = arith.addf %get3A_61, %broadcast_in_dim3A_63 : vector<1x64xf32>
      %swap3A = arith.constant 0 : index
      %swap3A_65 = arith.constant 0 : index
      %swap3A_66 = vector.load %arg19[%swap3A, %swap3A_65] : memref<8x64xf32, #tpu.memory_space<vmem>>, vector<1x64xf32>
      tpu.vector_store %arg19[%swap3A, %swap3A_65], %add3A_64 {strides = array<i32>} : memref<8x64xf32, #tpu.memory_space<vmem>>, vector<1x64xf32>,
      %get3A_67 = arith.constant 1 : index
      %get3A_68 = arith.constant 0 : index
      %get3A_69 = vector.load %arg19[%get3A_67, %get3A_68] : memref<8x64xf32, #tpu.memory_space<vmem>>, vector<1x64xf32>
      %mul3A = arith.mulf %add3A_49, %add3A_49 : vector<6144x64xf32>
      %reduce_sum3A_70 = arith.constant dense<0.000000e+00> : vector<64xf32>
      %reduce_sum3A_71 = vector.multi_reduction <add>, %mul3A, %reduce_sum3A_70 [0] : vector<6144x64xf32> to vector<64xf32>
      %broadcast_in_dim3A_72 = vector.shape_cast %reduce_sum3A_71 : vector<64xf32> to vector<1x64xf32>
      %add3A_73 = arith.addf %get3A_69, %broadcast_in_dim3A_72 : vector<1x64xf32>
      %swap3A_74 = arith.constant 1 : index
      %swap3A_75 = arith.constant 0 : index
      %swap3A_76 = vector.load %arg19[%swap3A_74, %swap3A_75] : memref<8x64xf32, #tpu.memory_space<vmem>>, vector<1x64xf32>
      tpu.vector_store %arg19[%swap3A_74, %swap3A_75], %add3A_73 {strides = array<i32>} : memref<8x64xf32, #tpu.memory_space<vmem>>, vector<1x64xf32>,
    } else {
    }
    %gt3A = arith.constant 0 : i32
    %gt3A_55 = arith.cmpi sgt, %arg0, %gt3A : i32
    %convert_element_type3A_56 = arith.extui %gt3A_55 : i1 to i32
    %cond3A_57 = arith.constant 0 : i32
    %cond3A_58 = arith.cmpi ne, %convert_element_type3A_56, %cond3A_57 : i32
    scf.if %cond3A_58 {
      %get3A_59 = arith.constant 0 : index
      %get3A_60 = arith.constant 0 : index
      %get3A_61 = vector.load %arg19[%get3A_59, %get3A_60] : memref<8x64xf32, #tpu.memory_space<vmem>>, vector<1x64xf32>
      %sub3A_62 = vector.broadcast %get3A_61 : vector<1x64xf32> to vector<6144x64xf32>
      %sub3A_63 = arith.subf %add3A_49, %sub3A_62 : vector<6144x64xf32>
      %get3A_64 = arith.constant 1 : index
      %get3A_65 = arith.constant 0 : index
      %get3A_66 = vector.load %arg19[%get3A_64, %get3A_65] : memref<8x64xf32, #tpu.memory_space<vmem>>, vector<1x64xf32>
      %mul3A = vector.broadcast %get3A_66 : vector<1x64xf32> to vector<6144x64xf32>
      %mul3A_67 = arith.mulf %sub3A_63, %mul3A : vector<6144x64xf32>
      %max3A = arith.constant 0.000000e+00 : f32
      %max3A_68 = vector.broadcast %max3A : f32 to vector<6144x64xf32>
      %max3A_69 = arith.maximumf %mul3A_67, %max3A_68 : vector<6144x64xf32>
      %get3A_70 = arith.constant 0 : index
      %get3A_71 = arith.constant 0 : index
      %get3A_72 = vector.load %arg10[%get3A_70, %get3A_71] : memref<64x64xf32, #tpu.memory_space<vmem>>, vector<64x64xf32>
      %dot_general3A_73 = arith.constant dense<0.000000e+00> : vector<6144x64xf32>
      %dot_general3A_74 = tpu.matmul %max3A_69, %get3A_72, %dot_general3A_73 {dimension_numbers = #tpu.dot_dimension_numbers<[1], [0], [0], [1], [0, 0, 1, 1], [], []>, transpose_lhs_hint = false} : vector<6144x64xf32>, vector<64x64xf32>, vector<6144x64xf32> -> vector<6144x64xf32>
      %get3A_75 = arith.constant 0 : index
      %get3A_76 = arith.constant 0 : index
      %get3A_77 = vector.load %arg11[%get3A_75, %get3A_76] : memref<1x64xf32, #tpu.memory_space<vmem>>, vector<1x64xf32>
      %add3A_78 = vector.broadcast %get3A_77 : vector<1x64xf32> to vector<6144x64xf32>
      %add3A_79 = arith.addf %dot_general3A_74, %add3A_78 : vector<6144x64xf32>
      %get3A_80 = arith.constant 0 : index
      %get3A_81 = arith.constant 0 : index
      %get3A_82 = arith.constant 0 : index
      %get3A_83 = vector.load %arg3[%get3A_80, %get3A_81, %get3A_82] : memref<1x512x128xf32, #tpu.memory_space<vmem>>, vector<1x512x128xf32>
      %get3A_84 = vector.shape_cast %get3A_83 : vector<1x512x128xf32> to vector<512x128xf32>
      %get3A_85 = arith.constant 0 : index
      %get3A_86 = arith.constant 0 : index
      %get3A_87 = vector.load %arg6[%get3A_85, %get3A_86] : memref<128x64xf32, #tpu.memory_space<vmem>>, vector<128x64xf32>
      %dot_general3A_88 = arith.constant dense<0.000000e+00> : vector<512x64xf32>
      %dot_general3A_89 = tpu.matmul %get3A_84, %get3A_87, %dot_general3A_88 {dimension_numbers = #tpu.dot_dimension_numbers<[1], [0], [0], [1], [0, 0, 1, 1], [], []>, transpose_lhs_hint = false} : vector<512x128xf32>, vector<128x64xf32>, vector<512x64xf32> -> vector<512x64xf32>
      %get3A_90 = arith.constant 0 : index
      %get3A_91 = arith.constant 0 : index
      %get3A_92 = vector.load %arg7[%get3A_90, %get3A_91] : memref<1x64xf32, #tpu.memory_space<vmem>>, vector<1x64xf32>
      %add3A_93 = vector.broadcast %get3A_92 : vector<1x64xf32> to vector<512x64xf32>
      %add3A_94 = arith.addf %dot_general3A_89, %add3A_93 : vector<512x64xf32>
      %broadcast_in_dim3A_95 = vector.shape_cast %add3A_94 : vector<512x64xf32> to vector<512x1x64xf32>
      %broadcast_in_dim3A_96 = vector.shape_cast %broadcast_in_dim3A_95 : vector<512x1x64xf32> to vector<512x1x64xf32>
      %broadcast_in_dim3A_97 = vector.broadcast %broadcast_in_dim3A_96 : vector<512x1x64xf32> to vector<512x12x64xf32>
      %reshape3A_98 = vector.shape_cast %broadcast_in_dim3A_97 : vector<512x12x64xf32> to vector<6144x64xf32>
      %sub3A_99 = arith.subf %reshape3A_98, %bitcast_convert_type3A_35 : vector<6144x64xf32>
      %add3A_100 = arith.addf %sub3A_99, %add3A_79 : vector<6144x64xf32>
      %eq3A_101 = arith.constant 1 : i32
      %eq3A_102 = arith.cmpi eq, %arg0, %eq3A_101 : i32
      %convert_element_type3A_103 = arith.extui %eq3A_102 : i1 to i32
      %cond3A_104 = arith.constant 0 : i32
      %cond3A_105 = arith.cmpi ne, %convert_element_type3A_103, %cond3A_104 : i32
      scf.if %cond3A_105 {
        %get3A_111 = arith.constant 0 : index
        %get3A_112 = arith.constant 0 : index
        %get3A_113 = vector.load %arg21[%get3A_111, %get3A_112] : memref<72x64xf32, #tpu.memory_space<vmem>>, vector<64x64xf32>
        %dot_general3A_114 = arith.constant dense<0.000000e+00> : vector<64x64xf32>
        %dot_general3A_115 = tpu.matmul %add3A_100, %add3A_100, %dot_general3A_114 {dimension_numbers = #tpu.dot_dimension_numbers<[0], [0], [1], [1], [0, 1, 1, 1], [], []>, transpose_lhs_hint = false} : vector<6144x64xf32>, vector<6144x64xf32>, vector<64x64xf32> -> vector<64x64xf32>
        %add3A_116 = arith.addf %get3A_113, %dot_general3A_115 : vector<64x64xf32>
        %swap3A = arith.constant 0 : index
        %swap3A_117 = arith.constant 0 : index
        %swap3A_118 = vector.load %arg21[%swap3A, %swap3A_117] : memref<72x64xf32, #tpu.memory_space<vmem>>, vector<64x64xf32>
        tpu.vector_store %arg21[%swap3A, %swap3A_117], %add3A_116 {strides = array<i32>} : memref<72x64xf32, #tpu.memory_space<vmem>>, vector<64x64xf32>,
        %get3A_119 = arith.constant 64 : index
        %get3A_120 = arith.constant 0 : index
        %get3A_121 = vector.load %arg21[%get3A_119, %get3A_120] : memref<72x64xf32, #tpu.memory_space<vmem>>, vector<1x64xf32>
        %reduce_sum3A = arith.constant dense<0.000000e+00> : vector<64xf32>
        %reduce_sum3A_122 = vector.multi_reduction <add>, %add3A_100, %reduce_sum3A [0] : vector<6144x64xf32> to vector<64xf32>
        %broadcast_in_dim3A_123 = vector.shape_cast %reduce_sum3A_122 : vector<64xf32> to vector<1x64xf32>
        %add3A_124 = arith.addf %get3A_121, %broadcast_in_dim3A_123 : vector<1x64xf32>
        %swap3A_125 = arith.constant 64 : index
        %swap3A_126 = arith.constant 0 : index
        %swap3A_127 = vector.load %arg21[%swap3A_125, %swap3A_126] : memref<72x64xf32, #tpu.memory_space<vmem>>, vector<1x64xf32>
        tpu.vector_store %arg21[%swap3A_125, %swap3A_126], %add3A_124 {strides = array<i32>} : memref<72x64xf32, #tpu.memory_space<vmem>>, vector<1x64xf32>,
      } else {
      }
      %eq3A_106 = arith.constant 2 : i32
      %eq3A_107 = arith.cmpi eq, %arg0, %eq3A_106 : i32
      %convert_element_type3A_108 = arith.extui %eq3A_107 : i1 to i32
      %cond3A_109 = arith.constant 0 : i32
      %cond3A_110 = arith.cmpi ne, %convert_element_type3A_108, %cond3A_109 : i32
      scf.if %cond3A_110 {
        %get3A_111 = arith.constant 0 : index
        %get3A_112 = arith.constant 0 : index
        %get3A_113 = vector.load %arg12[%get3A_111, %get3A_112] : memref<64x256xf32, #tpu.memory_space<vmem>>, vector<64x256xf32>
        %dot_general3A_114 = arith.constant dense<0.000000e+00> : vector<6144x256xf32>
        %dot_general3A_115 = tpu.matmul %add3A_100, %get3A_113, %dot_general3A_114 {dimension_numbers = #tpu.dot_dimension_numbers<[1], [0], [0], [1], [0, 0, 1, 1], [], []>, transpose_lhs_hint = false} : vector<6144x64xf32>, vector<64x256xf32>, vector<6144x256xf32> -> vector<6144x256xf32>
        %get3A_116 = arith.constant 0 : index
        %get3A_117 = arith.constant 0 : index
        %get3A_118 = vector.load %arg13[%get3A_116, %get3A_117] : memref<1x256xf32, #tpu.memory_space<vmem>>, vector<1x256xf32>
        %add3A_119 = vector.broadcast %get3A_118 : vector<1x256xf32> to vector<6144x256xf32>
        %add3A_120 = arith.addf %dot_general3A_115, %add3A_119 : vector<6144x256xf32>
        %get3A_121 = arith.constant 0 : index
        %get3A_122 = arith.constant 0 : index
        %get3A_123 = vector.load %arg20[%get3A_121, %get3A_122] : memref<8x256xf32, #tpu.memory_space<vmem>>, vector<1x256xf32>
        %sub3A_124 = vector.broadcast %get3A_123 : vector<1x256xf32> to vector<6144x256xf32>
        %sub3A_125 = arith.subf %add3A_120, %sub3A_124 : vector<6144x256xf32>
        %get3A_126 = arith.constant 1 : index
        %get3A_127 = arith.constant 0 : index
        %get3A_128 = vector.load %arg20[%get3A_126, %get3A_127] : memref<8x256xf32, #tpu.memory_space<vmem>>, vector<1x256xf32>
        %mul3A_129 = vector.broadcast %get3A_128 : vector<1x256xf32> to vector<6144x256xf32>
        %mul3A_130 = arith.mulf %sub3A_125, %mul3A_129 : vector<6144x256xf32>
        %max3A_131 = arith.constant 0.000000e+00 : f32
        %max3A_132 = vector.broadcast %max3A_131 : f32 to vector<6144x256xf32>
        %max3A_133 = arith.maximumf %mul3A_130, %max3A_132 : vector<6144x256xf32>
        %get3A_134 = arith.constant 0 : index
        %get3A_135 = arith.constant 0 : index
        %get3A_136 = vector.load %arg14[%get3A_134, %get3A_135] : memref<256x64xf32, #tpu.memory_space<vmem>>, vector<256x64xf32>
        %dot_general3A_137 = arith.constant dense<0.000000e+00> : vector<6144x64xf32>
        %dot_general3A_138 = tpu.matmul %max3A_133, %get3A_136, %dot_general3A_137 {dimension_numbers = #tpu.dot_dimension_numbers<[1], [0], [0], [1], [0, 0, 1, 1], [], []>, transpose_lhs_hint = false} : vector<6144x256xf32>, vector<256x64xf32>, vector<6144x64xf32> -> vector<6144x64xf32>
        %get3A_139 = arith.constant 0 : index
        %get3A_140 = arith.constant 0 : index
        %get3A_141 = vector.load %arg15[%get3A_139, %get3A_140] : memref<1x64xf32, #tpu.memory_space<vmem>>, vector<1x64xf32>
        %add3A_142 = vector.broadcast %get3A_141 : vector<1x64xf32> to vector<6144x64xf32>
        %add3A_143 = arith.addf %dot_general3A_138, %add3A_142 : vector<6144x64xf32>
        %exp3A = math.exp %add3A_143 : vector<6144x64xf32>
        %reshape3A_144 = vector.shape_cast %exp3A : vector<6144x64xf32> to vector<512x12x64xf32>
        %reduce_sum3A = arith.constant dense<0.000000e+00> : vector<512x64xf32>
        %reduce_sum3A_145 = vector.multi_reduction <add>, %reshape3A_144, %reduce_sum3A [1] : vector<512x12x64xf32> to vector<512x64xf32>
        %broadcast_in_dim3A_146 = vector.shape_cast %reduce_sum3A_145 : vector<512x64xf32> to vector<512x1x64xf32>
        %broadcast_in_dim3A_147 = vector.shape_cast %broadcast_in_dim3A_146 : vector<512x1x64xf32> to vector<512x1x64xf32>
        %broadcast_in_dim3A_148 = vector.broadcast %broadcast_in_dim3A_147 : vector<512x1x64xf32> to vector<512x12x64xf32>
        %reshape3A_149 = vector.shape_cast %broadcast_in_dim3A_148 : vector<512x12x64xf32> to vector<6144x64xf32>
        %div3A = arith.divf %exp3A, %reshape3A_149 : vector<6144x64xf32>
        %add3A_150 = arith.addf %bitcast_convert_type3A_39, %add3A_79 : vector<6144x64xf32>
        %mul3A_151 = arith.mulf %div3A, %add3A_150 : vector<6144x64xf32>
        %reshape3A_152 = vector.shape_cast %mul3A_151 : vector<6144x64xf32> to vector<512x12x64xf32>
        %reduce_sum3A_153 = arith.constant dense<0.000000e+00> : vector<512x64xf32>
        %reduce_sum3A_154 = vector.multi_reduction <add>, %reshape3A_152, %reduce_sum3A_153 [1] : vector<512x12x64xf32> to vector<512x64xf32>
        %get3A_155 = arith.constant 0 : index
        %get3A_156 = arith.constant 0 : index
        %get3A_157 = vector.load %arg16[%get3A_155, %get3A_156] : memref<64x128xf32, #tpu.memory_space<vmem>>, vector<64x128xf32>
        %dot_general3A_158 = arith.constant dense<0.000000e+00> : vector<512x128xf32>
        %dot_general3A_159 = tpu.matmul %reduce_sum3A_154, %get3A_157, %dot_general3A_158 {dimension_numbers = #tpu.dot_dimension_numbers<[1], [0], [0], [1], [0, 0, 1, 1], [], []>, transpose_lhs_hint = false} : vector<512x64xf32>, vector<64x128xf32>, vector<512x128xf32> -> vector<512x128xf32>
        %get3A_160 = arith.constant 0 : index
        %get3A_161 = arith.constant 0 : index
        %get3A_162 = vector.load %arg17[%get3A_160, %get3A_161] : memref<1x128xf32, #tpu.memory_space<vmem>>, vector<1x128xf32>
        %add3A_163 = vector.broadcast %get3A_162 : vector<1x128xf32> to vector<512x128xf32>
        %add3A_164 = arith.addf %dot_general3A_159, %add3A_163 : vector<512x128xf32>
        %add3A_165 = arith.addf %add3A_164, %get3A_84 : vector<512x128xf32>
        %swap3A = arith.constant 0 : index
        %swap3A_166 = arith.constant 0 : index
        %swap3A_167 = arith.constant 0 : index
        %swap3A_168 = vector.load %arg18[%swap3A, %swap3A_166, %swap3A_167] : memref<1x512x128xf32, #tpu.memory_space<vmem>>, vector<1x512x128xf32>
        %swap3A_169 = vector.shape_cast %swap3A_168 : vector<1x512x128xf32> to vector<512x128xf32>
        %swap3A_170 = vector.shape_cast %add3A_165 : vector<512x128xf32> to vector<1x512x128xf32>
        tpu.vector_store %arg18[%swap3A, %swap3A_166, %swap3A_167], %swap3A_170 {strides = array<i32>} : memref<1x512x128xf32, #tpu.memory_space<vmem>>, vector<1x512x128xf32>,
      } else {
      }
    } else {
    }
    return
  }
  func.func @transform_0(%arg0: i32, %arg1: i32, %arg2: i32) -> (i32, i32, i32) {
    %c0_i32 = arith.constant 0 : i32
    %c0_i32_0 = arith.constant 0 : i32
    return %arg1, %arg2, %c0_i32 : i32, i32, i32
  }
  func.func @transform_1(%arg0: i32, %arg1: i32, %arg2: i32) -> (i32, i32, i32) {
    %c0_i32 = arith.constant 0 : i32
    %c0_i32_0 = arith.constant 0 : i32
    return %arg1, %arg2, %c0_i32 : i32, i32, i32
  }
  func.func @transform_2(%arg0: i32, %arg1: i32, %arg2: i32) -> (i32, i32, i32) {
    %mul3A = arith.constant 1 : i32
    %mul3A_0 = arith.muli %arg1, %mul3A : i32
    %add3A = arith.addi %mul3A_0, %arg2 : i32
    %c0_i32 = arith.constant 0 : i32
    %c0_i32_1 = arith.constant 0 : i32
    %c0_i32_2 = arith.constant 0 : i32
    return %add3A, %c0_i32, %c0_i32_1 : i32, i32, i32
  }
  func.func @transform_3(%arg0: i32, %arg1: i32, %arg2: i32) -> (i32, i32) {
    %c0_i32 = arith.constant 0 : i32
    %c0_i32_0 = arith.constant 0 : i32
    %c0_i32_1 = arith.constant 0 : i32
    return %c0_i32, %c0_i32_0 : i32, i32
  }
  func.func @transform_4(%arg0: i32, %arg1: i32, %arg2: i32) -> (i32, i32) {
    %c0_i32 = arith.constant 0 : i32
    %c0_i32_0 = arith.constant 0 : i32
    %c0_i32_1 = arith.constant 0 : i32
    return %c0_i32, %c0_i32_0 : i32, i32
  }
  func.func @transform_5(%arg0: i32, %arg1: i32, %arg2: i32) -> (i32, i32) {
    %c0_i32 = arith.constant 0 : i32
    %c0_i32_0 = arith.constant 0 : i32
    %c0_i32_1 = arith.constant 0 : i32
    return %c0_i32, %c0_i32_0 : i32, i32
  }
  func.func @transform_6(%arg0: i32, %arg1: i32, %arg2: i32) -> (i32, i32) {
    %c0_i32 = arith.constant 0 : i32
    %c0_i32_0 = arith.constant 0 : i32
    %c0_i32_1 = arith.constant 0 : i32
    return %c0_i32, %c0_i32_0 : i32, i32
  }
  func.func @transform_7(%arg0: i32, %arg1: i32, %arg2: i32) -> (i32, i32) {
    %c0_i32 = arith.constant 0 : i32
    %c0_i32_0 = arith.constant 0 : i32
    %c0_i32_1 = arith.constant 0 : i32
    return %c0_i32, %c0_i32_0 : i32, i32
  }
  func.func @transform_8(%arg0: i32, %arg1: i32, %arg2: i32) -> (i32, i32) {
    %c0_i32 = arith.constant 0 : i32
    %c0_i32_0 = arith.constant 0 : i32
    %c0_i32_1 = arith.constant 0 : i32
    return %c0_i32, %c0_i32_0 : i32, i32
  }
  func.func @transform_9(%arg0: i32, %arg1: i32, %arg2: i32) -> (i32, i32) {
    %c0_i32 = arith.constant 0 : i32
    %c0_i32_0 = arith.constant 0 : i32
    %c0_i32_1 = arith.constant 0 : i32
    return %c0_i32, %c0_i32_0 : i32, i32
  }
  func.func @transform_10(%arg0: i32, %arg1: i32, %arg2: i32) -> (i32, i32) {
    %c0_i32 = arith.constant 0 : i32
    %c0_i32_0 = arith.constant 0 : i32
    %c0_i32_1 = arith.constant 0 : i32
    return %c0_i32, %c0_i32_0 : i32, i32
  }
  func.func @transform_11(%arg0: i32, %arg1: i32, %arg2: i32) -> (i32, i32) {
    %c0_i32 = arith.constant 0 : i32
    %c0_i32_0 = arith.constant 0 : i32
    %c0_i32_1 = arith.constant 0 : i32
    return %c0_i32, %c0_i32_0 : i32, i32
  }
  func.func @transform_12(%arg0: i32, %arg1: i32, %arg2: i32) -> (i32, i32) {
    %c0_i32 = arith.constant 0 : i32
    %c0_i32_0 = arith.constant 0 : i32
    %c0_i32_1 = arith.constant 0 : i32
    return %c0_i32, %c0_i32_0 : i32, i32
  }
  func.func @transform_13(%arg0: i32, %arg1: i32, %arg2: i32) -> (i32, i32) {
    %c0_i32 = arith.constant 0 : i32
    %c0_i32_0 = arith.constant 0 : i32
    %c0_i32_1 = arith.constant 0 : i32
    return %c0_i32, %c0_i32_0 : i32, i32
  }
  func.func @transform_14(%arg0: i32, %arg1: i32, %arg2: i32) -> (i32, i32) {
    %c0_i32 = arith.constant 0 : i32
    %c0_i32_0 = arith.constant 0 : i32
    %c0_i32_1 = arith.constant 0 : i32
    return %c0_i32, %c0_i32_0 : i32, i32
  }
  func.func @transform_15(%arg0: i32, %arg1: i32, %arg2: i32) -> (i32, i32, i32) {
    %c0_i32 = arith.constant 0 : i32
    %c0_i32_0 = arith.constant 0 : i32
    return %arg1, %arg2, %c0_i32 : i32, i32, i32
  }
}

module attributes {stable_mosaic.version = 14 : i64} {
  func.func @_prep_body(%arg0: i32, %arg1: i32, %arg2: memref<1x512x128xf32, #tpu.memory_space<vmem>>, %arg3: memref<1x512x128xf32, #tpu.memory_space<vmem>>, %arg4: memref<1x512x8xi32, #tpu.memory_space<vmem>>, %arg5: memref<1x512x8xf32, #tpu.memory_space<vmem>>, %arg6: memref<256x128xf32, #tpu.memory_space<vmem>>, %arg7: memref<1x128xf32, #tpu.memory_space<vmem>>, %arg8: memref<128x128xf32, #tpu.memory_space<vmem>>, %arg9: memref<1x128xf32, #tpu.memory_space<vmem>>, %arg10: memref<256x128xf32, #tpu.memory_space<vmem>>, %arg11: memref<1x128xf32, #tpu.memory_space<vmem>>, %arg12: memref<1x512x128xf32, #tpu.memory_space<vmem>>) attributes {dimension_semantics = [#tpu.dimension_semantics<arbitrary>, #tpu.dimension_semantics<arbitrary>], iteration_bounds = array<i64: 2, 4>, scalar_prefetch = 0 : i64, scratch_operands = 0 : i64, tpu.core_type = #tpu.core_type<tc>, window_params = [{transform_indices = @transform_0, window_bounds = array<i64: 1, 512, 128>}, {transform_indices = @transform_1, window_bounds = array<i64: 1, 512, 128>}, {transform_indices = @transform_2, window_bounds = array<i64: 1, 512, 8>}, {transform_indices = @transform_3, window_bounds = array<i64: 1, 512, 8>}, {pipeline_mode = #tpu.pipeline_mode<synchronous>, transform_indices = @transform_4, window_bounds = array<i64: 256, 128>}, {pipeline_mode = #tpu.pipeline_mode<synchronous>, transform_indices = @transform_5, window_bounds = array<i64: 1, 128>}, {pipeline_mode = #tpu.pipeline_mode<synchronous>, transform_indices = @transform_6, window_bounds = array<i64: 128, 128>}, {pipeline_mode = #tpu.pipeline_mode<synchronous>, transform_indices = @transform_7, window_bounds = array<i64: 1, 128>}, {pipeline_mode = #tpu.pipeline_mode<synchronous>, transform_indices = @transform_8, window_bounds = array<i64: 256, 128>}, {pipeline_mode = #tpu.pipeline_mode<synchronous>, transform_indices = @transform_9, window_bounds = array<i64: 1, 128>}, {transform_indices = @transform_10, window_bounds = array<i64: 1, 512, 128>}]} {
    %get3A = arith.constant 0 : index
    %get3A_0 = arith.constant 0 : index
    %get3A_1 = arith.constant 0 : index
    %get3A_2 = vector.load %arg2[%get3A, %get3A_0, %get3A_1] : memref<1x512x128xf32, #tpu.memory_space<vmem>>, vector<1x512x128xf32>
    %get3A_3 = vector.shape_cast %get3A_2 : vector<1x512x128xf32> to vector<512x128xf32>
    %get3A_4 = arith.constant 0 : index
    %get3A_5 = arith.constant 0 : index
    %get3A_6 = arith.constant 0 : index
    %get3A_7 = vector.load %arg3[%get3A_4, %get3A_5, %get3A_6] : memref<1x512x128xf32, #tpu.memory_space<vmem>>, vector<1x512x128xf32>
    %get3A_8 = vector.shape_cast %get3A_7 : vector<1x512x128xf32> to vector<512x128xf32>
    %get3A_9 = arith.constant 0 : index
    %get3A_10 = arith.constant 0 : index
    %get3A_11 = arith.constant 0 : index
    %get3A_12 = vector.load %arg4[%get3A_9, %get3A_10, %get3A_11] : memref<1x512x8xi32, #tpu.memory_space<vmem>>, vector<1x512x8xi32>
    %get3A_13 = vector.shape_cast %get3A_12 : vector<1x512x8xi32> to vector<512x8xi32>
    %get3A_14 = arith.constant 0 : index
    %get3A_15 = arith.constant 0 : index
    %get3A_16 = arith.constant 0 : index
    %get3A_17 = vector.load %arg5[%get3A_14, %get3A_15, %get3A_16] : memref<1x512x8xf32, #tpu.memory_space<vmem>>, vector<1x512x8xf32>
    %get3A_18 = vector.shape_cast %get3A_17 : vector<1x512x8xf32> to vector<512x8xf32>
    %max3A = arith.constant 1.000000e-10 : f32
    %max3A_19 = vector.broadcast %max3A : f32 to vector<512x8xf32>
    %max3A_20 = arith.maximumf %get3A_18, %max3A_19 : vector<512x8xf32>
    %div3A = arith.constant 1.000000e+00 : f32
    %div3A_21 = vector.broadcast %div3A : f32 to vector<512x8xf32>
    %div3A_22 = arith.divf %div3A_21, %max3A_20 : vector<512x8xf32>
    %iota3A = tpu.iota {dimensions = array<i32: 1>} : vector<512x8xi32>
    %lt3A = arith.constant 3 : i32
    %lt3A_23 = vector.broadcast %lt3A : i32 to vector<512x8xi32>
    %lt3A_24 = arith.cmpi slt, %iota3A, %lt3A_23 : vector<512x8xi32>
    %jit3A = arith.constant 0.000000e+00 : f32
    %broadcast_in_dim3A = vector.broadcast %jit3A : f32 to vector<512x8xf32>
    %select_n3A = arith.select %lt3A_24, %div3A_22, %broadcast_in_dim3A : vector<512x8xi1>, vector<512x8xf32>
    %reduce_sum3A = arith.constant dense<0.000000e+00> : vector<512xf32>
    %reduce_sum3A_25 = vector.multi_reduction <add>, %select_n3A, %reduce_sum3A [1] : vector<512x8xf32> to vector<512xf32>
    %broadcast_in_dim3A_26 = vector.shape_cast %reduce_sum3A_25 : vector<512xf32> to vector<512x1xf32>
    %div3A_27 = vector.broadcast %broadcast_in_dim3A_26 : vector<512x1xf32> to vector<512x8xf32>
    %div3A_28 = arith.divf %select_n3A, %div3A_27 : vector<512x8xf32>
    %iota3A_29 = tpu.iota {dimensions = array<i32: 1>} : vector<512x512xi32>
    %broadcast_in_dim3A_30 = arith.constant 0.000000e+00 : f32
    %broadcast_in_dim3A_31 = vector.broadcast %broadcast_in_dim3A_30 : f32 to vector<512x512xf32>
    %slice3A = vector.extract_strided_slice %get3A_13 {offsets = [0, 0], sizes = [512, 1], strides = [1, 1]} : vector<512x8xi32> to vector<512x1xi32>
    %eq3A = vector.broadcast %slice3A : vector<512x1xi32> to vector<512x512xi32>
    %eq3A_32 = arith.cmpi eq, %iota3A_29, %eq3A : vector<512x512xi32>
    %slice3A_33 = vector.extract_strided_slice %div3A_28 {offsets = [0, 0], sizes = [512, 1], strides = [1, 1]} : vector<512x8xf32> to vector<512x1xf32>
    %jit3A_34 = arith.constant 0.000000e+00 : f32
    %broadcast_in_dim3A_35 = vector.shape_cast %slice3A_33 : vector<512x1xf32> to vector<512x1xf32>
    %broadcast_in_dim3A_36 = vector.broadcast %broadcast_in_dim3A_35 : vector<512x1xf32> to vector<512x512xf32>
    %broadcast_in_dim3A_37 = vector.broadcast %jit3A_34 : f32 to vector<512x512xf32>
    %select_n3A_38 = arith.select %eq3A_32, %broadcast_in_dim3A_36, %broadcast_in_dim3A_37 : vector<512x512xi1>, vector<512x512xf32>
    %add3A = arith.addf %broadcast_in_dim3A_31, %select_n3A_38 : vector<512x512xf32>
    %slice3A_39 = vector.extract_strided_slice %get3A_13 {offsets = [0, 1], sizes = [512, 1], strides = [1, 1]} : vector<512x8xi32> to vector<512x1xi32>
    %eq3A_40 = vector.broadcast %slice3A_39 : vector<512x1xi32> to vector<512x512xi32>
    %eq3A_41 = arith.cmpi eq, %iota3A_29, %eq3A_40 : vector<512x512xi32>
    %slice3A_42 = vector.extract_strided_slice %div3A_28 {offsets = [0, 1], sizes = [512, 1], strides = [1, 1]} : vector<512x8xf32> to vector<512x1xf32>
    %jit3A_43 = arith.constant 0.000000e+00 : f32
    %broadcast_in_dim3A_44 = vector.shape_cast %slice3A_42 : vector<512x1xf32> to vector<512x1xf32>
    %broadcast_in_dim3A_45 = vector.broadcast %broadcast_in_dim3A_44 : vector<512x1xf32> to vector<512x512xf32>
    %broadcast_in_dim3A_46 = vector.broadcast %jit3A_43 : f32 to vector<512x512xf32>
    %select_n3A_47 = arith.select %eq3A_41, %broadcast_in_dim3A_45, %broadcast_in_dim3A_46 : vector<512x512xi1>, vector<512x512xf32>
    %add3A_48 = arith.addf %add3A, %select_n3A_47 : vector<512x512xf32>
    %slice3A_49 = vector.extract_strided_slice %get3A_13 {offsets = [0, 2], sizes = [512, 1], strides = [1, 1]} : vector<512x8xi32> to vector<512x1xi32>
    %eq3A_50 = vector.broadcast %slice3A_49 : vector<512x1xi32> to vector<512x512xi32>
    %eq3A_51 = arith.cmpi eq, %iota3A_29, %eq3A_50 : vector<512x512xi32>
    %slice3A_52 = vector.extract_strided_slice %div3A_28 {offsets = [0, 2], sizes = [512, 1], strides = [1, 1]} : vector<512x8xf32> to vector<512x1xf32>
    %jit3A_53 = arith.constant 0.000000e+00 : f32
    %broadcast_in_dim3A_54 = vector.shape_cast %slice3A_52 : vector<512x1xf32> to vector<512x1xf32>
    %broadcast_in_dim3A_55 = vector.broadcast %broadcast_in_dim3A_54 : vector<512x1xf32> to vector<512x512xf32>
    %broadcast_in_dim3A_56 = vector.broadcast %jit3A_53 : f32 to vector<512x512xf32>
    %select_n3A_57 = arith.select %eq3A_51, %broadcast_in_dim3A_55, %broadcast_in_dim3A_56 : vector<512x512xi1>, vector<512x512xf32>
    %add3A_58 = arith.addf %add3A_48, %select_n3A_57 : vector<512x512xf32>
    %dot_general3A = arith.constant dense<0.000000e+00> : vector<512x128xf32>
    %dot_general3A_59 = tpu.matmul %add3A_58, %get3A_8, %dot_general3A {dimension_numbers = #tpu.dot_dimension_numbers<[1], [0], [0], [1], [0, 0, 1, 1], [], []>, transpose_lhs_hint = false} : vector<512x512xf32>, vector<512x128xf32>, vector<512x128xf32> -> vector<512x128xf32>
    %concatenate3A = tpu.concatenate %get3A_3, %dot_general3A_59 in 1 : vector<512x128xf32>, vector<512x128xf32> -> vector<512x256xf32>
    %get3A_60 = arith.constant 0 : index
    %get3A_61 = arith.constant 0 : index
    %get3A_62 = vector.load %arg6[%get3A_60, %get3A_61] : memref<256x128xf32, #tpu.memory_space<vmem>>, vector<256x128xf32>
    %dot_general3A_63 = arith.constant dense<0.000000e+00> : vector<512x128xf32>
    %dot_general3A_64 = tpu.matmul %concatenate3A, %get3A_62, %dot_general3A_63 {dimension_numbers = #tpu.dot_dimension_numbers<[1], [0], [0], [1], [0, 0, 1, 1], [], []>, transpose_lhs_hint = false} : vector<512x256xf32>, vector<256x128xf32>, vector<512x128xf32> -> vector<512x128xf32>
    %get3A_65 = arith.constant 0 : index
    %get3A_66 = arith.constant 0 : index
    %get3A_67 = vector.load %arg7[%get3A_65, %get3A_66] : memref<1x128xf32, #tpu.memory_space<vmem>>, vector<1x128xf32>
    %add3A_68 = vector.broadcast %get3A_67 : vector<1x128xf32> to vector<512x128xf32>
    %add3A_69 = arith.addf %dot_general3A_64, %add3A_68 : vector<512x128xf32>
    %max3A_70 = arith.constant 0.000000e+00 : f32
    %max3A_71 = vector.broadcast %max3A_70 : f32 to vector<512x128xf32>
    %max3A_72 = arith.maximumf %add3A_69, %max3A_71 : vector<512x128xf32>
    %get3A_73 = arith.constant 0 : index
    %get3A_74 = arith.constant 0 : index
    %get3A_75 = vector.load %arg8[%get3A_73, %get3A_74] : memref<128x128xf32, #tpu.memory_space<vmem>>, vector<128x128xf32>
    %dot_general3A_76 = arith.constant dense<0.000000e+00> : vector<512x128xf32>
    %dot_general3A_77 = tpu.matmul %max3A_72, %get3A_75, %dot_general3A_76 {dimension_numbers = #tpu.dot_dimension_numbers<[1], [0], [0], [1], [0, 0, 1, 1], [], []>, transpose_lhs_hint = false} : vector<512x128xf32>, vector<128x128xf32>, vector<512x128xf32> -> vector<512x128xf32>
    %get3A_78 = arith.constant 0 : index
    %get3A_79 = arith.constant 0 : index
    %get3A_80 = vector.load %arg9[%get3A_78, %get3A_79] : memref<1x128xf32, #tpu.memory_space<vmem>>, vector<1x128xf32>
    %add3A_81 = vector.broadcast %get3A_80 : vector<1x128xf32> to vector<512x128xf32>
    %add3A_82 = arith.addf %dot_general3A_77, %add3A_81 : vector<512x128xf32>
    %get3A_83 = arith.constant 0 : index
    %get3A_84 = arith.constant 0 : index
    %get3A_85 = vector.load %arg10[%get3A_83, %get3A_84] : memref<256x128xf32, #tpu.memory_space<vmem>>, vector<256x128xf32>
    %dot_general3A_86 = arith.constant dense<0.000000e+00> : vector<512x128xf32>
    %dot_general3A_87 = tpu.matmul %concatenate3A, %get3A_85, %dot_general3A_86 {dimension_numbers = #tpu.dot_dimension_numbers<[1], [0], [0], [1], [0, 0, 1, 1], [], []>, transpose_lhs_hint = false} : vector<512x256xf32>, vector<256x128xf32>, vector<512x128xf32> -> vector<512x128xf32>
    %add3A_88 = arith.addf %add3A_82, %dot_general3A_87 : vector<512x128xf32>
    %get3A_89 = arith.constant 0 : index
    %get3A_90 = arith.constant 0 : index
    %get3A_91 = vector.load %arg11[%get3A_89, %get3A_90] : memref<1x128xf32, #tpu.memory_space<vmem>>, vector<1x128xf32>
    %add3A_92 = vector.broadcast %get3A_91 : vector<1x128xf32> to vector<512x128xf32>
    %add3A_93 = arith.addf %add3A_88, %add3A_92 : vector<512x128xf32>
    %swap3A = arith.constant 0 : index
    %swap3A_94 = arith.constant 0 : index
    %swap3A_95 = arith.constant 0 : index
    %swap3A_96 = vector.load %arg12[%swap3A, %swap3A_94, %swap3A_95] : memref<1x512x128xf32, #tpu.memory_space<vmem>>, vector<1x512x128xf32>
    %swap3A_97 = vector.shape_cast %swap3A_96 : vector<1x512x128xf32> to vector<512x128xf32>
    %swap3A_98 = vector.shape_cast %add3A_93 : vector<512x128xf32> to vector<1x512x128xf32>
    tpu.vector_store %arg12[%swap3A, %swap3A_94, %swap3A_95], %swap3A_98 {strides = array<i32>} : memref<1x512x128xf32, #tpu.memory_space<vmem>>, vector<1x512x128xf32>,
    return
  }
  func.func @transform_0(%arg0: i32, %arg1: i32) -> (i32, i32, i32) {
    %c0_i32 = arith.constant 0 : i32
    %c0_i32_0 = arith.constant 0 : i32
    return %arg0, %arg1, %c0_i32 : i32, i32, i32
  }
  func.func @transform_1(%arg0: i32, %arg1: i32) -> (i32, i32, i32) {
    %c0_i32 = arith.constant 0 : i32
    %c0_i32_0 = arith.constant 0 : i32
    %c0_i32_1 = arith.constant 0 : i32
    return %arg0, %c0_i32, %c0_i32_0 : i32, i32, i32
  }
  func.func @transform_2(%arg0: i32, %arg1: i32) -> (i32, i32, i32) {
    %c0_i32 = arith.constant 0 : i32
    %c0_i32_0 = arith.constant 0 : i32
    return %arg0, %arg1, %c0_i32 : i32, i32, i32
  }
  func.func @transform_3(%arg0: i32, %arg1: i32) -> (i32, i32, i32) {
    %c0_i32 = arith.constant 0 : i32
    %c0_i32_0 = arith.constant 0 : i32
    return %arg0, %arg1, %c0_i32 : i32, i32, i32
  }
  func.func @transform_4(%arg0: i32, %arg1: i32) -> (i32, i32) {
    %c0_i32 = arith.constant 0 : i32
    %c0_i32_0 = arith.constant 0 : i32
    %c0_i32_1 = arith.constant 0 : i32
    return %c0_i32, %c0_i32_0 : i32, i32
  }
  func.func @transform_5(%arg0: i32, %arg1: i32) -> (i32, i32) {
    %c0_i32 = arith.constant 0 : i32
    %c0_i32_0 = arith.constant 0 : i32
    %c0_i32_1 = arith.constant 0 : i32
    return %c0_i32, %c0_i32_0 : i32, i32
  }
  func.func @transform_6(%arg0: i32, %arg1: i32) -> (i32, i32) {
    %c0_i32 = arith.constant 0 : i32
    %c0_i32_0 = arith.constant 0 : i32
    %c0_i32_1 = arith.constant 0 : i32
    return %c0_i32, %c0_i32_0 : i32, i32
  }
  func.func @transform_7(%arg0: i32, %arg1: i32) -> (i32, i32) {
    %c0_i32 = arith.constant 0 : i32
    %c0_i32_0 = arith.constant 0 : i32
    %c0_i32_1 = arith.constant 0 : i32
    return %c0_i32, %c0_i32_0 : i32, i32
  }
  func.func @transform_8(%arg0: i32, %arg1: i32) -> (i32, i32) {
    %c0_i32 = arith.constant 0 : i32
    %c0_i32_0 = arith.constant 0 : i32
    %c0_i32_1 = arith.constant 0 : i32
    return %c0_i32, %c0_i32_0 : i32, i32
  }
  func.func @transform_9(%arg0: i32, %arg1: i32) -> (i32, i32) {
    %c0_i32 = arith.constant 0 : i32
    %c0_i32_0 = arith.constant 0 : i32
    %c0_i32_1 = arith.constant 0 : i32
    return %c0_i32, %c0_i32_0 : i32, i32
  }
  func.func @transform_10(%arg0: i32, %arg1: i32) -> (i32, i32, i32) {
    %c0_i32 = arith.constant 0 : i32
    %c0_i32_0 = arith.constant 0 : i32
    return %arg0, %arg1, %c0_i32 : i32, i32, i32
  }
}

module attributes {stable_mosaic.version = 14 : i64} {
  func.func @_dga_body(%arg0: i32, %arg1: i32, %arg2: i32, %arg3: memref<1x512x128xf32, #tpu.memory_space<vmem>>, %arg4: memref<1x512x16xf32, #tpu.memory_space<vmem>>, %arg5: memref<1x8192x128xf32, #tpu.memory_space<vmem>>, %arg6: memref<128x64xf32, #tpu.memory_space<vmem>>, %arg7: memref<1x64xf32, #tpu.memory_space<vmem>>, %arg8: memref<16x64xf32, #tpu.memory_space<vmem>>, %arg9: memref<1x64xf32, #tpu.memory_space<vmem>>, %arg10: memref<64x64xf32, #tpu.memory_space<vmem>>, %arg11: memref<1x64xf32, #tpu.memory_space<vmem>>, %arg12: memref<64x256xf32, #tpu.memory_space<vmem>>, %arg13: memref<1x256xf32, #tpu.memory_space<vmem>>, %arg14: memref<256x64xf32, #tpu.memory_space<vmem>>, %arg15: memref<1x64xf32, #tpu.memory_space<vmem>>, %arg16: memref<64x128xf32, #tpu.memory_space<vmem>>, %arg17: memref<1x128xf32, #tpu.memory_space<vmem>>, %arg18: memref<1x512x128xf32, #tpu.memory_space<vmem>>, %arg19: memref<8x64xf32, #tpu.memory_space<vmem>>, %arg20: memref<8x256xf32, #tpu.memory_space<vmem>>, %arg21: memref<72x64xf32, #tpu.memory_space<vmem>>) attributes {dimension_semantics = [#tpu.dimension_semantics<arbitrary>, #tpu.dimension_semantics<arbitrary>, #tpu.dimension_semantics<arbitrary>], iteration_bounds = array<i64: 3, 2, 4>, scalar_prefetch = 0 : i64, scratch_operands = 3 : i64, tpu.core_type = #tpu.core_type<tc>, window_params = [{transform_indices = @transform_0, window_bounds = array<i64: 1, 512, 128>}, {transform_indices = @transform_1, window_bounds = array<i64: 1, 512, 16>}, {transform_indices = @transform_2, window_bounds = array<i64: 1, 8192, 128>}, {pipeline_mode = #tpu.pipeline_mode<synchronous>, transform_indices = @transform_3, window_bounds = array<i64: 128, 64>}, {pipeline_mode = #tpu.pipeline_mode<synchronous>, transform_indices = @transform_4, window_bounds = array<i64: 1, 64>}, {pipeline_mode = #tpu.pipeline_mode<synchronous>, transform_indices = @transform_5, window_bounds = array<i64: 16, 64>}, {pipeline_mode = #tpu.pipeline_mode<synchronous>, transform_indices = @transform_6, window_bounds = array<i64: 1, 64>}, {pipeline_mode = #tpu.pipeline_mode<synchronous>, transform_indices = @transform_7, window_bounds = array<i64: 64, 64>}, {pipeline_mode = #tpu.pipeline_mode<synchronous>, transform_indices = @transform_8, window_bounds = array<i64: 1, 64>}, {pipeline_mode = #tpu.pipeline_mode<synchronous>, transform_indices = @transform_9, window_bounds = array<i64: 64, 256>}, {pipeline_mode = #tpu.pipeline_mode<synchronous>, transform_indices = @transform_10, window_bounds = array<i64: 1, 256>}, {pipeline_mode = #tpu.pipeline_mode<synchronous>, transform_indices = @transform_11, window_bounds = array<i64: 256, 64>}, {pipeline_mode = #tpu.pipeline_mode<synchronous>, transform_indices = @transform_12, window_bounds = array<i64: 1, 64>}, {pipeline_mode = #tpu.pipeline_mode<synchronous>, transform_indices = @transform_13, window_bounds = array<i64: 64, 128>}, {pipeline_mode = #tpu.pipeline_mode<synchronous>, transform_indices = @transform_14, window_bounds = array<i64: 1, 128>}, {transform_indices = @transform_15, window_bounds = array<i64: 1, 512, 128>}]} {
    %eq3A = arith.constant 0 : i32
    %eq3A_0 = arith.cmpi eq, %arg1, %eq3A : i32
    %eq3A_1 = arith.constant 0 : i32
    %eq3A_2 = arith.cmpi eq, %arg2, %eq3A_1 : i32
    %and3A = arith.andi %eq3A_0, %eq3A_2 : i1
    %eq3A_3 = arith.constant 0 : i32
    %eq3A_4 = arith.cmpi eq, %arg0, %eq3A_3 : i32
    %and3A_5 = arith.andi %eq3A_4, %and3A : i1
    %convert_element_type3A = arith.extui %and3A_5 : i1 to i32
    %cond3A = arith.constant 0 : i32
    %cond3A_6 = arith.cmpi ne, %convert_element_type3A, %cond3A : i32
    scf.if %cond3A_6 {
      %broadcast_in_dim3A_59 = arith.constant 0.000000e+00 : f32
      %broadcast_in_dim3A_60 = vector.broadcast %broadcast_in_dim3A_59 : f32 to vector<8x64xf32>
      %swap3A = arith.constant 0 : index
      %swap3A_61 = arith.constant 0 : index
      %swap3A_62 = vector.load %arg19[%swap3A, %swap3A_61] : memref<8x64xf32, #tpu.memory_space<vmem>>, vector<8x64xf32>
      tpu.vector_store %arg19[%swap3A, %swap3A_61], %broadcast_in_dim3A_60 {strides = array<i32>} : memref<8x64xf32, #tpu.memory_space<vmem>>, vector<8x64xf32>,
      %broadcast_in_dim3A_63 = arith.constant 0.000000e+00 : f32
      %broadcast_in_dim3A_64 = vector.broadcast %broadcast_in_dim3A_63 : f32 to vector<8x256xf32>
      %swap3A_65 = arith.constant 0 : index
      %swap3A_66 = arith.constant 0 : index
      %swap3A_67 = vector.load %arg20[%swap3A_65, %swap3A_66] : memref<8x256xf32, #tpu.memory_space<vmem>>, vector<8x256xf32>
      tpu.vector_store %arg20[%swap3A_65, %swap3A_66], %broadcast_in_dim3A_64 {strides = array<i32>} : memref<8x256xf32, #tpu.memory_space<vmem>>, vector<8x256xf32>,
      %broadcast_in_dim3A_68 = arith.constant 0.000000e+00 : f32
      %broadcast_in_dim3A_69 = vector.broadcast %broadcast_in_dim3A_68 : f32 to vector<72x64xf32>
      %swap3A_70 = arith.constant 0 : index
      %swap3A_71 = arith.constant 0 : index
      %swap3A_72 = vector.load %arg21[%swap3A_70, %swap3A_71] : memref<72x64xf32, #tpu.memory_space<vmem>>, vector<72x64xf32>
      tpu.vector_store %arg21[%swap3A_70, %swap3A_71], %broadcast_in_dim3A_69 {strides = array<i32>} : memref<72x64xf32, #tpu.memory_space<vmem>>, vector<72x64xf32>,
    } else {
    }
    %eq3A_7 = arith.constant 1 : i32
    %eq3A_8 = arith.cmpi eq, %arg0, %eq3A_7 : i32
    %and3A_9 = arith.andi %eq3A_8, %and3A : i1
    %convert_element_type3A_10 = arith.extui %and3A_9 : i1 to i32
    %cond3A_11 = arith.constant 0 : i32
    %cond3A_12 = arith.cmpi ne, %convert_element_type3A_10, %cond3A_11 : i32
    scf.if %cond3A_12 {
      %get3A_59 = arith.constant 0 : index
      %get3A_60 = arith.constant 0 : index
      %get3A_61 = vector.load %arg19[%get3A_59, %get3A_60] : memref<8x64xf32, #tpu.memory_space<vmem>>, vector<1x64xf32>
      %mul3A = arith.constant 1.52587891E-5 : f32
      %mul3A_62 = vector.broadcast %mul3A : f32 to vector<1x64xf32>
      %mul3A_63 = arith.mulf %get3A_61, %mul3A_62 : vector<1x64xf32>
      %get3A_64 = arith.constant 1 : index
      %get3A_65 = arith.constant 0 : index
      %get3A_66 = vector.load %arg19[%get3A_64, %get3A_65] : memref<8x64xf32, #tpu.memory_space<vmem>>, vector<1x64xf32>
      %mul3A_67 = arith.constant 1.52587891E-5 : f32
      %mul3A_68 = vector.broadcast %mul3A_67 : f32 to vector<1x64xf32>
      %mul3A_69 = arith.mulf %get3A_66, %mul3A_68 : vector<1x64xf32>
      %mul3A_70 = arith.mulf %mul3A_63, %mul3A_63 : vector<1x64xf32>
      %sub3A_71 = arith.subf %mul3A_69, %mul3A_70 : vector<1x64xf32>
      %max3A = arith.constant 0.000000e+00 : f32
      %max3A_72 = vector.broadcast %max3A : f32 to vector<1x64xf32>
      %max3A_73 = arith.maximumf %sub3A_71, %max3A_72 : vector<1x64xf32>
      %add3A_74 = arith.constant 9.99999974E-6 : f32
      %add3A_75 = vector.broadcast %add3A_74 : f32 to vector<1x64xf32>
      %add3A_76 = arith.addf %max3A_73, %add3A_75 : vector<1x64xf32>
      %rsqrt3A = math.rsqrt %add3A_76 : vector<1x64xf32>
      %swap3A = arith.constant 0 : index
      %swap3A_77 = arith.constant 0 : index
      %swap3A_78 = vector.load %arg19[%swap3A, %swap3A_77] : memref<8x64xf32, #tpu.memory_space<vmem>>, vector<1x64xf32>
      tpu.vector_store %arg19[%swap3A, %swap3A_77], %mul3A_63 {strides = array<i32>} : memref<8x64xf32, #tpu.memory_space<vmem>>, vector<1x64xf32>,
      %swap3A_79 = arith.constant 1 : index
      %swap3A_80 = arith.constant 0 : index
      %swap3A_81 = vector.load %arg19[%swap3A_79, %swap3A_80] : memref<8x64xf32, #tpu.memory_space<vmem>>, vector<1x64xf32>
      tpu.vector_store %arg19[%swap3A_79, %swap3A_80], %rsqrt3A {strides = array<i32>} : memref<8x64xf32, #tpu.memory_space<vmem>>, vector<1x64xf32>,
    } else {
    }
    %eq3A_13 = arith.constant 2 : i32
    %eq3A_14 = arith.cmpi eq, %arg0, %eq3A_13 : i32
    %and3A_15 = arith.andi %eq3A_14, %and3A : i1
    %convert_element_type3A_16 = arith.extui %and3A_15 : i1 to i32
    %cond3A_17 = arith.constant 0 : i32
    %cond3A_18 = arith.cmpi ne, %convert_element_type3A_16, %cond3A_17 : i32
    scf.if %cond3A_18 {
      %get3A_59 = arith.constant 0 : index
      %get3A_60 = arith.constant 0 : index
      %get3A_61 = vector.load %arg12[%get3A_59, %get3A_60] : memref<64x256xf32, #tpu.memory_space<vmem>>, vector<64x256xf32>
      %get3A_62 = arith.constant 0 : index
      %get3A_63 = arith.constant 0 : index
      %get3A_64 = vector.load %arg13[%get3A_62, %get3A_63] : memref<1x256xf32, #tpu.memory_space<vmem>>, vector<1x256xf32>
      %get3A_65 = arith.constant 64 : index
      %get3A_66 = arith.constant 0 : index
      %get3A_67 = vector.load %arg21[%get3A_65, %get3A_66] : memref<72x64xf32, #tpu.memory_space<vmem>>, vector<1x64xf32>
      %mul3A = arith.constant 1.52587891E-5 : f32
      %mul3A_68 = vector.broadcast %mul3A : f32 to vector<1x64xf32>
      %mul3A_69 = arith.mulf %get3A_67, %mul3A_68 : vector<1x64xf32>
      %dot_general3A_70 = arith.constant dense<0.000000e+00> : vector<1x256xf32>
      %dot_general3A_71 = tpu.matmul %mul3A_69, %get3A_61, %dot_general3A_70 {dimension_numbers = #tpu.dot_dimension_numbers<[1], [0], [0], [1], [0, 0, 1, 1], [], []>, transpose_lhs_hint = false} : vector<1x64xf32>, vector<64x256xf32>, vector<1x256xf32> -> vector<1x256xf32>
      %add3A_72 = arith.addf %dot_general3A_71, %get3A_64 : vector<1x256xf32>
      %get3A_73 = arith.constant 0 : index
      %get3A_74 = arith.constant 0 : index
      %get3A_75 = vector.load %arg21[%get3A_73, %get3A_74] : memref<72x64xf32, #tpu.memory_space<vmem>>, vector<64x64xf32>
      %mul3A_76 = arith.constant 1.52587891E-5 : f32
      %mul3A_77 = vector.broadcast %mul3A_76 : f32 to vector<64x64xf32>
      %mul3A_78 = arith.mulf %get3A_75, %mul3A_77 : vector<64x64xf32>
      %dot_general3A_79 = arith.constant dense<0.000000e+00> : vector<64x256xf32>
      %dot_general3A_80 = tpu.matmul %mul3A_78, %get3A_61, %dot_general3A_79 {dimension_numbers = #tpu.dot_dimension_numbers<[1], [0], [0], [1], [0, 0, 1, 1], [], []>, transpose_lhs_hint = false} : vector<64x64xf32>, vector<64x256xf32>, vector<64x256xf32> -> vector<64x256xf32>
      %mul3A_81 = arith.mulf %get3A_61, %dot_general3A_80 : vector<64x256xf32>
      %reduce_sum3A = arith.constant dense<0.000000e+00> : vector<256xf32>
      %reduce_sum3A_82 = vector.multi_reduction <add>, %mul3A_81, %reduce_sum3A [0] : vector<64x256xf32> to vector<256xf32>
      %broadcast_in_dim3A_83 = vector.shape_cast %reduce_sum3A_82 : vector<256xf32> to vector<1x256xf32>
      %mul3A_84 = arith.constant 2.000000e+00 : f32
      %mul3A_85 = vector.broadcast %mul3A_84 : f32 to vector<1x256xf32>
      %mul3A_86 = arith.mulf %mul3A_85, %get3A_64 : vector<1x256xf32>
      %sub3A_87 = arith.subf %add3A_72, %get3A_64 : vector<1x256xf32>
      %mul3A_88 = arith.mulf %mul3A_86, %sub3A_87 : vector<1x256xf32>
      %add3A_89 = arith.addf %broadcast_in_dim3A_83, %mul3A_88 : vector<1x256xf32>
      %mul3A_90 = arith.mulf %get3A_64, %get3A_64 : vector<1x256xf32>
      %add3A_91 = arith.addf %add3A_89, %mul3A_90 : vector<1x256xf32>
      %mul3A_92 = arith.mulf %add3A_72, %add3A_72 : vector<1x256xf32>
      %sub3A_93 = arith.subf %add3A_91, %mul3A_92 : vector<1x256xf32>
      %max3A = arith.constant 0.000000e+00 : f32
      %max3A_94 = vector.broadcast %max3A : f32 to vector<1x256xf32>
      %max3A_95 = arith.maximumf %sub3A_93, %max3A_94 : vector<1x256xf32>
      %add3A_96 = arith.constant 9.99999974E-6 : f32
      %add3A_97 = vector.broadcast %add3A_96 : f32 to vector<1x256xf32>
      %add3A_98 = arith.addf %max3A_95, %add3A_97 : vector<1x256xf32>
      %rsqrt3A = math.rsqrt %add3A_98 : vector<1x256xf32>
      %swap3A = arith.constant 0 : index
      %swap3A_99 = arith.constant 0 : index
      %swap3A_100 = vector.load %arg20[%swap3A, %swap3A_99] : memref<8x256xf32, #tpu.memory_space<vmem>>, vector<1x256xf32>
      tpu.vector_store %arg20[%swap3A, %swap3A_99], %add3A_72 {strides = array<i32>} : memref<8x256xf32, #tpu.memory_space<vmem>>, vector<1x256xf32>,
      %swap3A_101 = arith.constant 1 : index
      %swap3A_102 = arith.constant 0 : index
      %swap3A_103 = vector.load %arg20[%swap3A_101, %swap3A_102] : memref<8x256xf32, #tpu.memory_space<vmem>>, vector<1x256xf32>
      tpu.vector_store %arg20[%swap3A_101, %swap3A_102], %rsqrt3A {strides = array<i32>} : memref<8x256xf32, #tpu.memory_space<vmem>>, vector<1x256xf32>,
    } else {
    }
    %get3A = arith.constant 0 : index
    %get3A_19 = arith.constant 0 : index
    %get3A_20 = arith.constant 0 : index
    %get3A_21 = vector.load %arg4[%get3A, %get3A_19, %get3A_20] : memref<1x512x16xf32, #tpu.memory_space<vmem>>, vector<1x512x16xf32>
    %get3A_22 = vector.shape_cast %get3A_21 : vector<1x512x16xf32> to vector<512x16xf32>
    %get3A_23 = arith.constant 0 : index
    %get3A_24 = arith.constant 0 : index
    %get3A_25 = arith.constant 64 : index
    %get3A_26 = vector.load %arg5[%get3A_23, %get3A_24, %get3A_25] : memref<1x8192x128xf32, #tpu.memory_space<vmem>>, vector<1x8192x16xf32>
    %get3A_27 = vector.shape_cast %get3A_26 : vector<1x8192x16xf32> to vector<8192x16xf32>
    %get3A_28 = arith.constant 0 : index
    %get3A_29 = arith.constant 0 : index
    %get3A_30 = arith.constant 0 : index
    %get3A_31 = vector.load %arg5[%get3A_28, %get3A_29, %get3A_30] : memref<1x8192x128xf32, #tpu.memory_space<vmem>>, vector<1x8192x64xf32>
    %get3A_32 = vector.shape_cast %get3A_31 : vector<1x8192x64xf32> to vector<8192x64xf32>
    %bitcast_convert_type3A = tpu.bitcast %get3A_32 : vector<8192x64xf32> -> vector<8192x64xi32>
    %shift_left3A = arith.constant 16 : i32
    %shift_left3A_33 = vector.broadcast %shift_left3A : i32 to vector<8192x64xi32>
    %shift_left3A_34 = arith.shli %bitcast_convert_type3A, %shift_left3A_33 : vector<8192x64xi32>
    %bitcast_convert_type3A_35 = tpu.bitcast %shift_left3A_34 : vector<8192x64xi32> -> vector<8192x64xf32>
    %and3A_36 = arith.constant -65536 : i32
    %and3A_37 = vector.broadcast %and3A_36 : i32 to vector<8192x64xi32>
    %and3A_38 = arith.andi %bitcast_convert_type3A, %and3A_37 : vector<8192x64xi32>
    %bitcast_convert_type3A_39 = tpu.bitcast %and3A_38 : vector<8192x64xi32> -> vector<8192x64xf32>
    %broadcast_in_dim3A = vector.shape_cast %get3A_22 : vector<512x16xf32> to vector<512x1x16xf32>
    %broadcast_in_dim3A_40 = vector.shape_cast %broadcast_in_dim3A : vector<512x1x16xf32> to vector<512x1x16xf32>
    %broadcast_in_dim3A_41 = vector.broadcast %broadcast_in_dim3A_40 : vector<512x1x16xf32> to vector<512x16x16xf32>
    %reshape3A = vector.shape_cast %broadcast_in_dim3A_41 : vector<512x16x16xf32> to vector<8192x16xf32>
    %sub3A = arith.subf %reshape3A, %get3A_27 : vector<8192x16xf32>
    %get3A_42 = arith.constant 0 : index
    %get3A_43 = arith.constant 0 : index
    %get3A_44 = vector.load %arg8[%get3A_42, %get3A_43] : memref<16x64xf32, #tpu.memory_space<vmem>>, vector<16x64xf32>
    %dot_general3A = arith.constant dense<0.000000e+00> : vector<8192x64xf32>
    %dot_general3A_45 = tpu.matmul %sub3A, %get3A_44, %dot_general3A {dimension_numbers = #tpu.dot_dimension_numbers<[1], [0], [0], [1], [0, 0, 1, 1], [], []>, transpose_lhs_hint = false} : vector<8192x16xf32>, vector<16x64xf32>, vector<8192x64xf32> -> vector<8192x64xf32>
    %get3A_46 = arith.constant 0 : index
    %get3A_47 = arith.constant 0 : index
    %get3A_48 = vector.load %arg9[%get3A_46, %get3A_47] : memref<1x64xf32, #tpu.memory_space<vmem>>, vector<1x64xf32>
    %add3A = vector.broadcast %get3A_48 : vector<1x64xf32> to vector<8192x64xf32>
    %add3A_49 = arith.addf %dot_general3A_45, %add3A : vector<8192x64xf32>
    %eq3A_50 = arith.constant 0 : i32
    %eq3A_51 = arith.cmpi eq, %arg0, %eq3A_50 : i32
    %convert_element_type3A_52 = arith.extui %eq3A_51 : i1 to i32
    %cond3A_53 = arith.constant 0 : i32
    %cond3A_54 = arith.cmpi ne, %convert_element_type3A_52, %cond3A_53 : i32
    scf.if %cond3A_54 {
      %get3A_59 = arith.constant 0 : index
      %get3A_60 = arith.constant 0 : index
      %get3A_61 = vector.load %arg19[%get3A_59, %get3A_60] : memref<8x64xf32, #tpu.memory_space<vmem>>, vector<1x64xf32>
      %reduce_sum3A = arith.constant dense<0.000000e+00> : vector<64xf32>
      %reduce_sum3A_62 = vector.multi_reduction <add>, %add3A_49, %reduce_sum3A [0] : vector<8192x64xf32> to vector<64xf32>
      %broadcast_in_dim3A_63 = vector.shape_cast %reduce_sum3A_62 : vector<64xf32> to vector<1x64xf32>
      %add3A_64 = arith.addf %get3A_61, %broadcast_in_dim3A_63 : vector<1x64xf32>
      %swap3A = arith.constant 0 : index
      %swap3A_65 = arith.constant 0 : index
      %swap3A_66 = vector.load %arg19[%swap3A, %swap3A_65] : memref<8x64xf32, #tpu.memory_space<vmem>>, vector<1x64xf32>
      tpu.vector_store %arg19[%swap3A, %swap3A_65], %add3A_64 {strides = array<i32>} : memref<8x64xf32, #tpu.memory_space<vmem>>, vector<1x64xf32>,
      %get3A_67 = arith.constant 1 : index
      %get3A_68 = arith.constant 0 : index
      %get3A_69 = vector.load %arg19[%get3A_67, %get3A_68] : memref<8x64xf32, #tpu.memory_space<vmem>>, vector<1x64xf32>
      %mul3A = arith.mulf %add3A_49, %add3A_49 : vector<8192x64xf32>
      %reduce_sum3A_70 = arith.constant dense<0.000000e+00> : vector<64xf32>
      %reduce_sum3A_71 = vector.multi_reduction <add>, %mul3A, %reduce_sum3A_70 [0] : vector<8192x64xf32> to vector<64xf32>
      %broadcast_in_dim3A_72 = vector.shape_cast %reduce_sum3A_71 : vector<64xf32> to vector<1x64xf32>
      %add3A_73 = arith.addf %get3A_69, %broadcast_in_dim3A_72 : vector<1x64xf32>
      %swap3A_74 = arith.constant 1 : index
      %swap3A_75 = arith.constant 0 : index
      %swap3A_76 = vector.load %arg19[%swap3A_74, %swap3A_75] : memref<8x64xf32, #tpu.memory_space<vmem>>, vector<1x64xf32>
      tpu.vector_store %arg19[%swap3A_74, %swap3A_75], %add3A_73 {strides = array<i32>} : memref<8x64xf32, #tpu.memory_space<vmem>>, vector<1x64xf32>,
    } else {
    }
    %gt3A = arith.constant 0 : i32
    %gt3A_55 = arith.cmpi sgt, %arg0, %gt3A : i32
    %convert_element_type3A_56 = arith.extui %gt3A_55 : i1 to i32
    %cond3A_57 = arith.constant 0 : i32
    %cond3A_58 = arith.cmpi ne, %convert_element_type3A_56, %cond3A_57 : i32
    scf.if %cond3A_58 {
      %get3A_59 = arith.constant 0 : index
      %get3A_60 = arith.constant 0 : index
      %get3A_61 = vector.load %arg19[%get3A_59, %get3A_60] : memref<8x64xf32, #tpu.memory_space<vmem>>, vector<1x64xf32>
      %sub3A_62 = vector.broadcast %get3A_61 : vector<1x64xf32> to vector<8192x64xf32>
      %sub3A_63 = arith.subf %add3A_49, %sub3A_62 : vector<8192x64xf32>
      %get3A_64 = arith.constant 1 : index
      %get3A_65 = arith.constant 0 : index
      %get3A_66 = vector.load %arg19[%get3A_64, %get3A_65] : memref<8x64xf32, #tpu.memory_space<vmem>>, vector<1x64xf32>
      %mul3A = vector.broadcast %get3A_66 : vector<1x64xf32> to vector<8192x64xf32>
      %mul3A_67 = arith.mulf %sub3A_63, %mul3A : vector<8192x64xf32>
      %max3A = arith.constant 0.000000e+00 : f32
      %max3A_68 = vector.broadcast %max3A : f32 to vector<8192x64xf32>
      %max3A_69 = arith.maximumf %mul3A_67, %max3A_68 : vector<8192x64xf32>
      %get3A_70 = arith.constant 0 : index
      %get3A_71 = arith.constant 0 : index
      %get3A_72 = vector.load %arg10[%get3A_70, %get3A_71] : memref<64x64xf32, #tpu.memory_space<vmem>>, vector<64x64xf32>
      %dot_general3A_73 = arith.constant dense<0.000000e+00> : vector<8192x64xf32>
      %dot_general3A_74 = tpu.matmul %max3A_69, %get3A_72, %dot_general3A_73 {dimension_numbers = #tpu.dot_dimension_numbers<[1], [0], [0], [1], [0, 0, 1, 1], [], []>, transpose_lhs_hint = false} : vector<8192x64xf32>, vector<64x64xf32>, vector<8192x64xf32> -> vector<8192x64xf32>
      %get3A_75 = arith.constant 0 : index
      %get3A_76 = arith.constant 0 : index
      %get3A_77 = vector.load %arg11[%get3A_75, %get3A_76] : memref<1x64xf32, #tpu.memory_space<vmem>>, vector<1x64xf32>
      %add3A_78 = vector.broadcast %get3A_77 : vector<1x64xf32> to vector<8192x64xf32>
      %add3A_79 = arith.addf %dot_general3A_74, %add3A_78 : vector<8192x64xf32>
      %get3A_80 = arith.constant 0 : index
      %get3A_81 = arith.constant 0 : index
      %get3A_82 = arith.constant 0 : index
      %get3A_83 = vector.load %arg3[%get3A_80, %get3A_81, %get3A_82] : memref<1x512x128xf32, #tpu.memory_space<vmem>>, vector<1x512x128xf32>
      %get3A_84 = vector.shape_cast %get3A_83 : vector<1x512x128xf32> to vector<512x128xf32>
      %get3A_85 = arith.constant 0 : index
      %get3A_86 = arith.constant 0 : index
      %get3A_87 = vector.load %arg6[%get3A_85, %get3A_86] : memref<128x64xf32, #tpu.memory_space<vmem>>, vector<128x64xf32>
      %dot_general3A_88 = arith.constant dense<0.000000e+00> : vector<512x64xf32>
      %dot_general3A_89 = tpu.matmul %get3A_84, %get3A_87, %dot_general3A_88 {dimension_numbers = #tpu.dot_dimension_numbers<[1], [0], [0], [1], [0, 0, 1, 1], [], []>, transpose_lhs_hint = false} : vector<512x128xf32>, vector<128x64xf32>, vector<512x64xf32> -> vector<512x64xf32>
      %get3A_90 = arith.constant 0 : index
      %get3A_91 = arith.constant 0 : index
      %get3A_92 = vector.load %arg7[%get3A_90, %get3A_91] : memref<1x64xf32, #tpu.memory_space<vmem>>, vector<1x64xf32>
      %add3A_93 = vector.broadcast %get3A_92 : vector<1x64xf32> to vector<512x64xf32>
      %add3A_94 = arith.addf %dot_general3A_89, %add3A_93 : vector<512x64xf32>
      %broadcast_in_dim3A_95 = vector.shape_cast %add3A_94 : vector<512x64xf32> to vector<512x1x64xf32>
      %broadcast_in_dim3A_96 = vector.shape_cast %broadcast_in_dim3A_95 : vector<512x1x64xf32> to vector<512x1x64xf32>
      %broadcast_in_dim3A_97 = vector.broadcast %broadcast_in_dim3A_96 : vector<512x1x64xf32> to vector<512x16x64xf32>
      %reshape3A_98 = vector.shape_cast %broadcast_in_dim3A_97 : vector<512x16x64xf32> to vector<8192x64xf32>
      %sub3A_99 = arith.subf %reshape3A_98, %bitcast_convert_type3A_35 : vector<8192x64xf32>
      %add3A_100 = arith.addf %sub3A_99, %add3A_79 : vector<8192x64xf32>
      %eq3A_101 = arith.constant 1 : i32
      %eq3A_102 = arith.cmpi eq, %arg0, %eq3A_101 : i32
      %convert_element_type3A_103 = arith.extui %eq3A_102 : i1 to i32
      %cond3A_104 = arith.constant 0 : i32
      %cond3A_105 = arith.cmpi ne, %convert_element_type3A_103, %cond3A_104 : i32
      scf.if %cond3A_105 {
        %get3A_111 = arith.constant 0 : index
        %get3A_112 = arith.constant 0 : index
        %get3A_113 = vector.load %arg21[%get3A_111, %get3A_112] : memref<72x64xf32, #tpu.memory_space<vmem>>, vector<64x64xf32>
        %dot_general3A_114 = arith.constant dense<0.000000e+00> : vector<64x64xf32>
        %dot_general3A_115 = tpu.matmul %add3A_100, %add3A_100, %dot_general3A_114 {dimension_numbers = #tpu.dot_dimension_numbers<[0], [0], [1], [1], [0, 1, 1, 1], [], []>, transpose_lhs_hint = false} : vector<8192x64xf32>, vector<8192x64xf32>, vector<64x64xf32> -> vector<64x64xf32>
        %add3A_116 = arith.addf %get3A_113, %dot_general3A_115 : vector<64x64xf32>
        %swap3A = arith.constant 0 : index
        %swap3A_117 = arith.constant 0 : index
        %swap3A_118 = vector.load %arg21[%swap3A, %swap3A_117] : memref<72x64xf32, #tpu.memory_space<vmem>>, vector<64x64xf32>
        tpu.vector_store %arg21[%swap3A, %swap3A_117], %add3A_116 {strides = array<i32>} : memref<72x64xf32, #tpu.memory_space<vmem>>, vector<64x64xf32>,
        %get3A_119 = arith.constant 64 : index
        %get3A_120 = arith.constant 0 : index
        %get3A_121 = vector.load %arg21[%get3A_119, %get3A_120] : memref<72x64xf32, #tpu.memory_space<vmem>>, vector<1x64xf32>
        %reduce_sum3A = arith.constant dense<0.000000e+00> : vector<64xf32>
        %reduce_sum3A_122 = vector.multi_reduction <add>, %add3A_100, %reduce_sum3A [0] : vector<8192x64xf32> to vector<64xf32>
        %broadcast_in_dim3A_123 = vector.shape_cast %reduce_sum3A_122 : vector<64xf32> to vector<1x64xf32>
        %add3A_124 = arith.addf %get3A_121, %broadcast_in_dim3A_123 : vector<1x64xf32>
        %swap3A_125 = arith.constant 64 : index
        %swap3A_126 = arith.constant 0 : index
        %swap3A_127 = vector.load %arg21[%swap3A_125, %swap3A_126] : memref<72x64xf32, #tpu.memory_space<vmem>>, vector<1x64xf32>
        tpu.vector_store %arg21[%swap3A_125, %swap3A_126], %add3A_124 {strides = array<i32>} : memref<72x64xf32, #tpu.memory_space<vmem>>, vector<1x64xf32>,
      } else {
      }
      %eq3A_106 = arith.constant 2 : i32
      %eq3A_107 = arith.cmpi eq, %arg0, %eq3A_106 : i32
      %convert_element_type3A_108 = arith.extui %eq3A_107 : i1 to i32
      %cond3A_109 = arith.constant 0 : i32
      %cond3A_110 = arith.cmpi ne, %convert_element_type3A_108, %cond3A_109 : i32
      scf.if %cond3A_110 {
        %get3A_111 = arith.constant 0 : index
        %get3A_112 = arith.constant 0 : index
        %get3A_113 = vector.load %arg12[%get3A_111, %get3A_112] : memref<64x256xf32, #tpu.memory_space<vmem>>, vector<64x256xf32>
        %dot_general3A_114 = arith.constant dense<0.000000e+00> : vector<8192x256xf32>
        %dot_general3A_115 = tpu.matmul %add3A_100, %get3A_113, %dot_general3A_114 {dimension_numbers = #tpu.dot_dimension_numbers<[1], [0], [0], [1], [0, 0, 1, 1], [], []>, transpose_lhs_hint = false} : vector<8192x64xf32>, vector<64x256xf32>, vector<8192x256xf32> -> vector<8192x256xf32>
        %get3A_116 = arith.constant 0 : index
        %get3A_117 = arith.constant 0 : index
        %get3A_118 = vector.load %arg13[%get3A_116, %get3A_117] : memref<1x256xf32, #tpu.memory_space<vmem>>, vector<1x256xf32>
        %add3A_119 = vector.broadcast %get3A_118 : vector<1x256xf32> to vector<8192x256xf32>
        %add3A_120 = arith.addf %dot_general3A_115, %add3A_119 : vector<8192x256xf32>
        %get3A_121 = arith.constant 0 : index
        %get3A_122 = arith.constant 0 : index
        %get3A_123 = vector.load %arg20[%get3A_121, %get3A_122] : memref<8x256xf32, #tpu.memory_space<vmem>>, vector<1x256xf32>
        %sub3A_124 = vector.broadcast %get3A_123 : vector<1x256xf32> to vector<8192x256xf32>
        %sub3A_125 = arith.subf %add3A_120, %sub3A_124 : vector<8192x256xf32>
        %get3A_126 = arith.constant 1 : index
        %get3A_127 = arith.constant 0 : index
        %get3A_128 = vector.load %arg20[%get3A_126, %get3A_127] : memref<8x256xf32, #tpu.memory_space<vmem>>, vector<1x256xf32>
        %mul3A_129 = vector.broadcast %get3A_128 : vector<1x256xf32> to vector<8192x256xf32>
        %mul3A_130 = arith.mulf %sub3A_125, %mul3A_129 : vector<8192x256xf32>
        %max3A_131 = arith.constant 0.000000e+00 : f32
        %max3A_132 = vector.broadcast %max3A_131 : f32 to vector<8192x256xf32>
        %max3A_133 = arith.maximumf %mul3A_130, %max3A_132 : vector<8192x256xf32>
        %get3A_134 = arith.constant 0 : index
        %get3A_135 = arith.constant 0 : index
        %get3A_136 = vector.load %arg14[%get3A_134, %get3A_135] : memref<256x64xf32, #tpu.memory_space<vmem>>, vector<256x64xf32>
        %dot_general3A_137 = arith.constant dense<0.000000e+00> : vector<8192x64xf32>
        %dot_general3A_138 = tpu.matmul %max3A_133, %get3A_136, %dot_general3A_137 {dimension_numbers = #tpu.dot_dimension_numbers<[1], [0], [0], [1], [0, 0, 1, 1], [], []>, transpose_lhs_hint = false} : vector<8192x256xf32>, vector<256x64xf32>, vector<8192x64xf32> -> vector<8192x64xf32>
        %get3A_139 = arith.constant 0 : index
        %get3A_140 = arith.constant 0 : index
        %get3A_141 = vector.load %arg15[%get3A_139, %get3A_140] : memref<1x64xf32, #tpu.memory_space<vmem>>, vector<1x64xf32>
        %add3A_142 = vector.broadcast %get3A_141 : vector<1x64xf32> to vector<8192x64xf32>
        %add3A_143 = arith.addf %dot_general3A_138, %add3A_142 : vector<8192x64xf32>
        %exp3A = math.exp %add3A_143 : vector<8192x64xf32>
        %reshape3A_144 = vector.shape_cast %exp3A : vector<8192x64xf32> to vector<512x16x64xf32>
        %reduce_sum3A = arith.constant dense<0.000000e+00> : vector<512x64xf32>
        %reduce_sum3A_145 = vector.multi_reduction <add>, %reshape3A_144, %reduce_sum3A [1] : vector<512x16x64xf32> to vector<512x64xf32>
        %broadcast_in_dim3A_146 = vector.shape_cast %reduce_sum3A_145 : vector<512x64xf32> to vector<512x1x64xf32>
        %broadcast_in_dim3A_147 = vector.shape_cast %broadcast_in_dim3A_146 : vector<512x1x64xf32> to vector<512x1x64xf32>
        %broadcast_in_dim3A_148 = vector.broadcast %broadcast_in_dim3A_147 : vector<512x1x64xf32> to vector<512x16x64xf32>
        %reshape3A_149 = vector.shape_cast %broadcast_in_dim3A_148 : vector<512x16x64xf32> to vector<8192x64xf32>
        %div3A = arith.divf %exp3A, %reshape3A_149 : vector<8192x64xf32>
        %add3A_150 = arith.addf %bitcast_convert_type3A_39, %add3A_79 : vector<8192x64xf32>
        %mul3A_151 = arith.mulf %div3A, %add3A_150 : vector<8192x64xf32>
        %reshape3A_152 = vector.shape_cast %mul3A_151 : vector<8192x64xf32> to vector<512x16x64xf32>
        %reduce_sum3A_153 = arith.constant dense<0.000000e+00> : vector<512x64xf32>
        %reduce_sum3A_154 = vector.multi_reduction <add>, %reshape3A_152, %reduce_sum3A_153 [1] : vector<512x16x64xf32> to vector<512x64xf32>
        %get3A_155 = arith.constant 0 : index
        %get3A_156 = arith.constant 0 : index
        %get3A_157 = vector.load %arg16[%get3A_155, %get3A_156] : memref<64x128xf32, #tpu.memory_space<vmem>>, vector<64x128xf32>
        %dot_general3A_158 = arith.constant dense<0.000000e+00> : vector<512x128xf32>
        %dot_general3A_159 = tpu.matmul %reduce_sum3A_154, %get3A_157, %dot_general3A_158 {dimension_numbers = #tpu.dot_dimension_numbers<[1], [0], [0], [1], [0, 0, 1, 1], [], []>, transpose_lhs_hint = false} : vector<512x64xf32>, vector<64x128xf32>, vector<512x128xf32> -> vector<512x128xf32>
        %get3A_160 = arith.constant 0 : index
        %get3A_161 = arith.constant 0 : index
        %get3A_162 = vector.load %arg17[%get3A_160, %get3A_161] : memref<1x128xf32, #tpu.memory_space<vmem>>, vector<1x128xf32>
        %add3A_163 = vector.broadcast %get3A_162 : vector<1x128xf32> to vector<512x128xf32>
        %add3A_164 = arith.addf %dot_general3A_159, %add3A_163 : vector<512x128xf32>
        %add3A_165 = arith.addf %add3A_164, %get3A_84 : vector<512x128xf32>
        %swap3A = arith.constant 0 : index
        %swap3A_166 = arith.constant 0 : index
        %swap3A_167 = arith.constant 0 : index
        %swap3A_168 = vector.load %arg18[%swap3A, %swap3A_166, %swap3A_167] : memref<1x512x128xf32, #tpu.memory_space<vmem>>, vector<1x512x128xf32>
        %swap3A_169 = vector.shape_cast %swap3A_168 : vector<1x512x128xf32> to vector<512x128xf32>
        %swap3A_170 = vector.shape_cast %add3A_165 : vector<512x128xf32> to vector<1x512x128xf32>
        tpu.vector_store %arg18[%swap3A, %swap3A_166, %swap3A_167], %swap3A_170 {strides = array<i32>} : memref<1x512x128xf32, #tpu.memory_space<vmem>>, vector<1x512x128xf32>,
      } else {
      }
    } else {
    }
    return
  }
  func.func @transform_0(%arg0: i32, %arg1: i32, %arg2: i32) -> (i32, i32, i32) {
    %c0_i32 = arith.constant 0 : i32
    %c0_i32_0 = arith.constant 0 : i32
    return %arg1, %arg2, %c0_i32 : i32, i32, i32
  }
  func.func @transform_1(%arg0: i32, %arg1: i32, %arg2: i32) -> (i32, i32, i32) {
    %c0_i32 = arith.constant 0 : i32
    %c0_i32_0 = arith.constant 0 : i32
    return %arg1, %arg2, %c0_i32 : i32, i32, i32
  }
  func.func @transform_2(%arg0: i32, %arg1: i32, %arg2: i32) -> (i32, i32, i32) {
    %mul3A = arith.constant 4 : i32
    %mul3A_0 = arith.muli %arg1, %mul3A : i32
    %add3A = arith.addi %mul3A_0, %arg2 : i32
    %c0_i32 = arith.constant 0 : i32
    %c0_i32_1 = arith.constant 0 : i32
    %c0_i32_2 = arith.constant 0 : i32
    return %add3A, %c0_i32, %c0_i32_1 : i32, i32, i32
  }
  func.func @transform_3(%arg0: i32, %arg1: i32, %arg2: i32) -> (i32, i32) {
    %c0_i32 = arith.constant 0 : i32
    %c0_i32_0 = arith.constant 0 : i32
    %c0_i32_1 = arith.constant 0 : i32
    return %c0_i32, %c0_i32_0 : i32, i32
  }
  func.func @transform_4(%arg0: i32, %arg1: i32, %arg2: i32) -> (i32, i32) {
    %c0_i32 = arith.constant 0 : i32
    %c0_i32_0 = arith.constant 0 : i32
    %c0_i32_1 = arith.constant 0 : i32
    return %c0_i32, %c0_i32_0 : i32, i32
  }
  func.func @transform_5(%arg0: i32, %arg1: i32, %arg2: i32) -> (i32, i32) {
    %c0_i32 = arith.constant 0 : i32
    %c0_i32_0 = arith.constant 0 : i32
    %c0_i32_1 = arith.constant 0 : i32
    return %c0_i32, %c0_i32_0 : i32, i32
  }
  func.func @transform_6(%arg0: i32, %arg1: i32, %arg2: i32) -> (i32, i32) {
    %c0_i32 = arith.constant 0 : i32
    %c0_i32_0 = arith.constant 0 : i32
    %c0_i32_1 = arith.constant 0 : i32
    return %c0_i32, %c0_i32_0 : i32, i32
  }
  func.func @transform_7(%arg0: i32, %arg1: i32, %arg2: i32) -> (i32, i32) {
    %c0_i32 = arith.constant 0 : i32
    %c0_i32_0 = arith.constant 0 : i32
    %c0_i32_1 = arith.constant 0 : i32
    return %c0_i32, %c0_i32_0 : i32, i32
  }
  func.func @transform_8(%arg0: i32, %arg1: i32, %arg2: i32) -> (i32, i32) {
    %c0_i32 = arith.constant 0 : i32
    %c0_i32_0 = arith.constant 0 : i32
    %c0_i32_1 = arith.constant 0 : i32
    return %c0_i32, %c0_i32_0 : i32, i32
  }
  func.func @transform_9(%arg0: i32, %arg1: i32, %arg2: i32) -> (i32, i32) {
    %c0_i32 = arith.constant 0 : i32
    %c0_i32_0 = arith.constant 0 : i32
    %c0_i32_1 = arith.constant 0 : i32
    return %c0_i32, %c0_i32_0 : i32, i32
  }
  func.func @transform_10(%arg0: i32, %arg1: i32, %arg2: i32) -> (i32, i32) {
    %c0_i32 = arith.constant 0 : i32
    %c0_i32_0 = arith.constant 0 : i32
    %c0_i32_1 = arith.constant 0 : i32
    return %c0_i32, %c0_i32_0 : i32, i32
  }
  func.func @transform_11(%arg0: i32, %arg1: i32, %arg2: i32) -> (i32, i32) {
    %c0_i32 = arith.constant 0 : i32
    %c0_i32_0 = arith.constant 0 : i32
    %c0_i32_1 = arith.constant 0 : i32
    return %c0_i32, %c0_i32_0 : i32, i32
  }
  func.func @transform_12(%arg0: i32, %arg1: i32, %arg2: i32) -> (i32, i32) {
    %c0_i32 = arith.constant 0 : i32
    %c0_i32_0 = arith.constant 0 : i32
    %c0_i32_1 = arith.constant 0 : i32
    return %c0_i32, %c0_i32_0 : i32, i32
  }
  func.func @transform_13(%arg0: i32, %arg1: i32, %arg2: i32) -> (i32, i32) {
    %c0_i32 = arith.constant 0 : i32
    %c0_i32_0 = arith.constant 0 : i32
    %c0_i32_1 = arith.constant 0 : i32
    return %c0_i32, %c0_i32_0 : i32, i32
  }
  func.func @transform_14(%arg0: i32, %arg1: i32, %arg2: i32) -> (i32, i32) {
    %c0_i32 = arith.constant 0 : i32
    %c0_i32_0 = arith.constant 0 : i32
    %c0_i32_1 = arith.constant 0 : i32
    return %c0_i32, %c0_i32_0 : i32, i32
  }
  func.func @transform_15(%arg0: i32, %arg1: i32, %arg2: i32) -> (i32, i32, i32) {
    %c0_i32 = arith.constant 0 : i32
    %c0_i32_0 = arith.constant 0 : i32
    return %arg1, %arg2, %c0_i32 : i32, i32, i32
  }
}

</mosaic_0001>

<sc_bundles>
// kernel: kernel.20.cloned.1.call-start
scs
__scs_entry_jumppad:
0x0: {  	(pc) =	sbr.rel $0x88, $3  }
0x1: {  	(tag) =	ssettag $0x0;
	lr =	simm.s32 $0x1  }
0x2: {  	[smem:$0x3F61] =	sst lr;
	_ =	strace $0xD0000000  }
0x3: {  	_ = 	snop  }
0x4: {  	_ = 	snop  }
0x5: {  	_ = 	snop  }
0x6: {  	_ = 	snop  }
0x7: {  	_ = 	snop  }
__scs_overlays_trampoline_lowered:
0x8: {  	[smem:$0x3F70] =	sst s0  }
0x9: {  	[smem:$0x3F71] =	sst s1  }
0xa: {  	[smem:$0x3F72] =	sst s2  }
0xb: {  	[smem:$0x3F73] =	sst s3  }
0xc: {  	[smem:$0x3F74] =	sst s4  }
0xd: {  	[smem:$0x3F75] =	sst s5  }
0xe: {  	[smem:$0x3F76] =	sst s6  }
0xf: {  	[smem:$0x3F77] =	sst s7  }
0x10: {  	[smem:$0x3F78] =	sst s8  }
0x11: {  	[smem:$0x3F79] =	sst s9;
	s0 =	simm.s32 @!p0 $0x0  }
0x12: {  	s1 =	sld [smem:$0x3F5F];
	s0 =	simm.s32 @p0 $0x1  }
0x13: {  	[smem:$0x3F7A] =	sst s0;
	s0 =	simm.s32 @!p1 $0x0  }
0x14: {  	s2 =	sld [smem:$0x3F5E];
	s0 =	simm.s32 @p1 $0x1  }
0x15: {  	[smem:$0x3F7B] =	sst s0;
	s0 =	simm.s32 @!p2 $0x0  }
0x16: {  	s3 =	sld [smem:$0x3FDB];
	s0 =	simm.s32 @p2 $0x1  }
0x17: {  	s4 =	simm.s32 $0x1BF5;
	[smem:$0x3F7D] =	sst s0  }
0x18: {  	s0 =	sld [smem:$0x3F60];
	_ =	swait.ge [sflag:s4], $0x0  }
0x19: {  	s7 =	sld [smem:$0x3F61]  }
0x1a: {  	s8 =	sadd.s32 $0xFFFFE003, lr  }
0x1b: {  	s9 =	sadd.s32 $0xFFFFFEF7, lr;
	s5 =	simm.s32 $0xFFFFFFFF;
	p2 =	slt.u32 s8, $0xFFFFF086  }
0x1c: {  	p1 =	slt.u32 s9, $0xF7A;
	s5 =	simm.s32 @!p2 $0x0  }
0x1d: {  	s5 =	simm.s32 @p1 $0x1;
	p0 =	seq.s32 s7, s2  }
0x1e: {  	s7 =	smul.u32 @!p0 $0xF7A, s2;
	p2 =	seq.s32 @!p0 s5, $0x0  }
0x1f: {  	s9 =	smul.u32 $0xF7A, s1;
	s8 =	simm.s32 @!p0 $0x1BF5;
	p2 =	por !p2, p0  }
0x20: {  	[sflag:s8] =	ssyncset.s32 @!p0 $0xFFFFF086;
	s6 =	sadd.s32 @!p0 s3, s7;
	s7 =	simm.s32 @!p0 $0x108  }
0x21: {  	s3 =	sadd.s32 s3, s9;
	s6 =	sadd.s32 @!p0 $0x88, s6;
	s7 =	simm.s32 @p2 $0x1082  }
0x22: {  	[simem:s7], [sflag:s8] =	dma.local @!p0 [hbm:s6], $0xF7A  }
0x23: {  	s9 =	sor.u32 $0xD0000000, s2;
	s6 =	simm.s32 $0x108;
	_ =	swait.ge @!p0 [sflag:s8], $0x0  }
0x24: {  	s3 =	sadd.s32 $0x88, s3;
	s6 =	simm.s32 @!p1 $0x1082;
	[sflag:s4] =	ssyncset.s32 $0xFFFFF086  }
0x25: {  	[simem:s6], [sflag:s4] =	dma.local [hbm:s3], $0xF7A  }
0x26: {  	[smem:$0x3F61] =	sst s1;
	(tag) =	ssettag s2;
	_ =	strace s9  }
0x27: {  	s1 =	sld [smem:$0x3F71]  }
0x28: {  	s2 =	sld [smem:$0x3F72]  }
0x29: {  	s4 =	sld [smem:$0x3F74]  }
0x2a: {  	p0 =	seq.s32 s5, $0x0;
	s5 =	sld [smem:$0x3F75]  }
0x2b: {  	s6 =	sld [smem:$0x3F76]  }
0x2c: {  	s7 =	sld [smem:$0x3F77]  }
0x2d: {  	s3 =	simm.s32 $0x108;
	s8 =	sld [smem:$0x3F78]  }
0x2e: {  	s3 =	simm.s32 @!p0 $0x1082;
	s9 =	sld [smem:$0x3F79]  }
0x2f: {  	lr =	sadd.s32 s0, s3;
	s0 =	sld [smem:$0x3F70]  }
0x30: {  	s3 =	sld [smem:$0x3F73]  }
0x31: {  	[smem:$0x3F7C] =	sst s10  }
0x32: {  	s10 =	sld [smem:$0x3F7A];
	_ =	sdelay $0x3  }
0x33: {  	p0 =	seq.s32 s10, $0x1;
	s10 =	sld [smem:$0x3F7C];
	_ =	sdelay $0x3  }
0x34: {  	[smem:$0x3F7C] =	sst s10  }
0x35: {  	s10 =	sld [smem:$0x3F7B];
	_ =	sdelay $0x3  }
0x36: {  	p1 =	seq.s32 s10, $0x1;
	s10 =	sld [smem:$0x3F7C];
	_ =	sdelay $0x3  }
0x37: {  	[smem:$0x3F7C] =	sst s10  }
0x38: {  	s10 =	sld [smem:$0x3F7D]  }
0x39: {  	_ = 	snop;
	(pc) =	sbr.ind lr, $3  }
0x3a: {  	_ = 	snop  }
0x3b: {  	_ = 	snop  }
0x3c: {  	p2 =	seq.s32 s10, $0x1;
	s10 =	sld [smem:$0x3F7C]  }
0x3d: {  	_ =	shalt  }
0x3e: {  	_ =	shalt  }
0x3f: {  	_ =	shalt  }
0x40: {  	_ =	shalt  }
0x41: {  	_ =	shalt  }
0x42: {  	_ =	shalt  }
0x43: {  	_ =	shalt  }
0x44: {  	_ =	shalt  }
0x45: {  	_ =	shalt  }
0x46: {  	_ =	shalt  }
0x47: {  	_ =	shalt  }
0x48: {  	_ =	shalt  }
0x49: {  	_ =	shalt  }
0x4a: {  	_ =	shalt  }
0x4b: {  	_ =	shalt  }
0x4c: {  	_ =	shalt  }
0x4d: {  	_ =	shalt  }
0x4e: {  	_ =	shalt  }
0x4f: {  	_ =	shalt  }
0x50: {  	_ =	shalt  }
0x51: {  	_ =	shalt  }
0x52: {  	_ =	shalt  }
0x53: {  	_ =	shalt  }
0x54: {  	_ =	shalt  }
0x55: {  	_ =	shalt  }
0x56: {  	_ =	shalt  }
0x57: {  	_ =	shalt  }
0x58: {  	_ =	shalt  }
0x59: {  	_ =	shalt  }
0x5a: {  	_ =	shalt  }
0x5b: {  	_ =	shalt  }
0x5c: {  	_ =	shalt  }
0x5d: {  	_ =	shalt  }
0x5e: {  	_ =	shalt  }
0x5f: {  	_ =	shalt  }
0x60: {  	_ =	shalt  }
0x61: {  	_ =	shalt  }
0x62: {  	_ =	shalt  }
0x63: {  	_ =	shalt  }
0x64: {  	_ =	shalt  }
0x65: {  	_ =	shalt  }
0x66: {  	_ =	shalt  }
0x67: {  	_ =	shalt  }
0x68: {  	_ =	shalt  }
0x69: {  	_ =	shalt  }
0x6a: {  	_ =	shalt  }
0x6b: {  	_ =	shalt  }
0x6c: {  	_ =	shalt  }
0x6d: {  	_ =	shalt  }
0x6e: {  	_ =	shalt  }
0x6f: {  	_ =	shalt  }
0x70: {  	_ =	shalt  }
0x71: {  	_ =	shalt  }
0x72: {  	_ =	shalt  }
0x73: {  	_ =	shalt  }
0x74: {  	_ =	shalt  }
0x75: {  	_ =	shalt  }
0x76: {  	_ =	shalt  }
0x77: {  	_ =	shalt  }
0x78: {  	_ =	shalt  }
0x79: {  	_ =	shalt  }
0x7a: {  	_ =	shalt  }
0x7b: {  	_ =	shalt  }
0x7c: {  	_ =	shalt  }
0x7d: {  	_ =	shalt  }
0x7e: {  	_ =	shalt  }
0x7f: {  	_ =	shalt  }
0x80: {  	_ =	shalt  }
0x81: {  	_ =	shalt  }
0x82: {  	_ =	shalt  }
0x83: {  	_ =	shalt  }
0x84: {  	_ =	shalt  }
0x85: {  	_ =	shalt  }
0x86: {  	_ =	shalt  }
0x87: {  	_ =	shalt  }
.Lfunc_end0:
.L_simem_size_0:
called_computation_lowered:
.L_overlay_start_0:
0x88: {  	s2 =	sld [smem:$0x3FD9]  }
0x89: {  	s3 =	sld [smem:$0x3FFE];
	_ =	sdelay $0x1  }
0x8a: {  	s1 =	srdreg.scid  }
0x8b: {  	s0 =	sand.u32 $0x1, s1  }
0x8c: {  	s16 =	sshll.u32 s0, $0xA;
	s2 =	sadd.s32 s3, s2  }
0x8d: {  	s2 =	sadd.s32 s2, s16  }
0x8e: {  	[smem:$0x3F88] =	sst s2  }
0x8f: {  	_ = 	snop  }
0x90: {  	(tm) =	ssettm $0x1  }
0x91: {  	s17 =	sld [smem:$0x3FFB];
	_ =	sdelay $0x3  }
0x92: {  	_ =	strace s17  }
0x93: {  	s2 =	sld [smem:$0x3FFC];
	_ =	sdelay $0x3  }
0x94: {  	_ =	strace s2  }
0x95: {  	s2 =	sld [smem:$0x3FFD];
	_ =	sdelay $0x3  }
0x96: {  	_ =	strace s2  }
0x97: {  	_ =	strace $0x8FFFFFFF  }
0x98: {  	s18 =	sld [smem:$0x3FDB];
	_ =	sdelay $0x1  }
0x99: {  	s19 =	simm.s32 $_scs_section_size  }
0x9a: {  	s4 =	simm.s32 $_size__tile_overlayer_lowered;
	s5 =	simm.s32 $_tile_overlayer_lowered  }
0x9b: {  	s22 =	simm.s32 $0x1BFF;
	s21 =	sshll.u32 s5, $0x1;
	s2 =	sadd.s32 s19, s18  }
0x9c: {  	s6 =	simm.s32 $0x0;
	s20 =	sshll.u32 s4, $0x1;
	s4 =	sadd.s32 s21, s2  }
0x9d: {  	[timem:s6], [sflag:s22] =	dma.local [hbm:s4], s20  }
0x9e: {  	_ =	swait.ge [sflag:s22], s20  }
0x9f: {  	s3 =	ssub.s32 $0x0, s20;
	[sflag:s22] =	ssyncset.done $0x0  }
0xa0: {  	[sflag:s22] =	ssyncadd.s32 s3;
	_ =	sdelay $0x1  }
0xa1: {  	s23 =	simm.s32 $0x1B8B  }
0xa2: {  	_ =	swait.ge [sflag:s23], $0x1  }
0xa3: {  	[sflag:s23] =	ssyncset.done $0x0  }
0xa4: {  	s25 =	simm.s32 $0x1B8E;
	s24 =	sld [smem:$0x3FFE];
	[sflag:s23] =	ssyncadd.s32 $0xFFFFFFFF  }
0xa5: {  	s26 =	simm.s32 $execute0_lowered;
	[smem:$0x3FD2] =	sst s25  }
0xa6: {  	s4 =	sshll.u32 s26, $0x1;
	_ =	strace $0x80000046;
	[dreg:$0x1] =	wrdreg $0xFFFFFFFF  }
0xa7: {  	s28 =	simm.s32 $_size_execute0_lowered;
	s2 =	sadd.s32 s2, s4;
	[dreg:$0x0] =	wrdreg $0x0  }
0xa8: {  	s4 =	sshll.u32 s28, $0x1;
	[dreg:$0x2] =	wrdreg s2  }
0xa9: {  	[dreg:$0x3] =	wrdreg s4  }
0xaa: {  	[dreg:$0x4] =	wrdreg $0xC0  }
0xab: {  	_ =	task [dreg:s6], $0x5FFFF  }
0xac: {  	[dreg:$0x1] =	wrdreg $0xFFFFFFFF  }
0xad: {  	[dreg:$0x0] =	wrdreg $0x60  }
0xae: {  	[dreg:$0x2] =	wrdreg s24  }
0xaf: {  	[dreg:$0x3] =	wrdreg $0x9  }
0xb0: {  	_ =	task.clear_ibuf [dreg:s6], $0x4FFFF;
	_ =	strace $0x90000046  }
0xb1: {  	s29 =	simm.s32 $0x9;
	_ =	strace $0x80000048  }
0xb2: {  	_ =	swait.ge [sflag:s29], $0x1  }
0xb3: {  	[sflag:s29] =	ssyncadd.s32 $0xFFFFFFFF  }
0xb4: {  	_ =	strace $0x90000048  }
0xb5: {  	_ =	sfence  }
0xb6: {  	s30 =	sld [smem:$0x0];
	_ =	sdelay $0x2  }
0xb7: {  	s31 =	sshll.u32 s1, $0xD;
	s1 =	sshrl.u32 s1, $0x2  }
0xb8: {  	s3 =	sand.u32 $0x4000, s31;
	s1 =	sadd.s32 s1, s30  }
0xb9: {  	s0 =	sor.u32 s3, s0;
	s1 =	sshll.u32 s1, $0x11  }
0xba: {  	s0 =	sor.u32 s1, s0  }
0xbb: {  	s0 =	sadd.s32 $0x8F2B, s0  }
0xbc: {  	[sflag:s0] =	ssyncadd.remote.s32 $0x1  }
0xbd: {  	_ =	sfence.sel $0xFFFF  }
0xbe: {  	[dreg:$0x0] =	wrdreg $0xFFFFFFFF;
	(pc) =	sbr.abs _section_cstart, $3  }
0xbf: {  	[dreg:$0x1] =	wrdreg $0xFFFFFFFF  }
0xc0: {  	_ =	task.clear_ibuf [dreg:s6], $0x2FFFF;
	_ =	strace $0x9FFFFFFF  }
0xc1: {  	(tm) =	ssettm $0x7FFFFFFF  }
tec
execute0_lowered:
.L_overlay_start_1:
0x0: {  	(tag) =	ssettag $0x1  }
0x1: {  	s1 =	srdreg.scid;
	s0 =	stileid.u32  }
0x2: {  	s5 =	rddreg [dreg:$0x0];
	s2 =	simm.s32 $0x0;
	s8 =	simm.s32 $0x80  }
0x3: {  	s9 =	simm.s32 $0x880;
	s10 =	simm.s32 $0x1080;
	s11 =	simm.s32 $0x1880  }
0x4: {  	s12 =	simm.s32 $0x2080;
	s4 =	sand.u32 $0x1, s1;
	s30 =	sshll.u32 s0, $0x1  }
0x5: {  	s13 =	simm.s32 $0x2880;
	s1 =	rddreg [dreg:$0x1];
	s3 =	sor.u32 s4, s30  }
0x6: {  	s14 =	simm.s32 $0x1;
	[smem:$0x7FF] =	sst s2;
	s6 =	smul.u32 $0x6, s3  }
0x7: {  	_ =	strace $0x80000047;
	s4 =	ssub.s32 $0x2, s4;
	s7 =	smul.u32 $0x600, s3  }
0x8: {  	v2 =	vlaneseq.u32;
	s3 =	sadd.s32 $0xA600, s5;
	s31 =	sshrl.u32 s4, $0x1;
	s6 =	sadd.s32 s6, s5  }
0x9: {  	vm0 =	vmmov $0xffff;
	v1 =	vshrl.u32 v2, $0x3;
	s5 =	sadd.s32 s7, s5;
	s7 =	ssub.s32 s4, s31;
	s4 =	sadd.s32 $0xA400, s6  }
0xa: {  	v0 =	vand.u32 $0x7, v2;
	v2 =	vor.u32 $0x8, v2;
	v1 =	vmul.u32 $0x8, v1;
	s5 =	sadd.s32 $0x2A600, s5;
	s6 =	smax.u32 s7, $0x1;
	s7 =	simm.s32 $0x2  }
.LBB2_1:
0xb: {  	[tilespmem:s2], [sflag:$0x2] =	stream.linear.gather [hbm4b:s4+s2], $0x30, $0x38;
	[tilespmem:$0x3080] =	vst v63  }
0xc: {  	_ =	swait.ge [sflag:s7], $0x30  }
0xd: {  	[sflag:s7] =	ssyncset.done $0x0  }
0xe: {  	[sflag:s7] =	ssyncadd.s32 $0xFFFFFFD0  }
0xf: {  	v3 =	vld [tilespmem:$0x0];
	_ =	sdelay $0x4  }
0x10: {  	v4 =	vshll.u32 v3, $0x1  }
0x11: {  	v3 =	vand.u32 $0x7, v3;
	v4 =	vand.u32 $0xFFFFFFF0, v4  }
0x12: {  	v3 =	vor.u32 v3, v4  }
0x13: {  	v4 =	vperm.xlane v3, v0;
	_ =	sdelay $0x1  }
0x14: {  	v3 =	vperm.xlane v3, v2;
	v4 =	vadd.s32 v1, v4;
	_ =	sdelay $0x1  }
0x15: {  	v3 =	vadd.s32 v1, v3;
	_ =	sdelay $0x2  }
0x16: {  	[tilespmem:s8], [sflag:$0x1] =	stream.indirect_vreg.gather [hbm4b:s3+s2], $0x80, v4, vm0, $0xb8;
	[tilespmem:$0x3080] =	vst v63  }
0x17: {  	_ = 	snop  }
0x18: {  	[tilespmem:s9], [sflag:$0x1] =	stream.indirect_vreg.gather [hbm4b:s3+s2], $0x80, v3, vm0, $0xb8;
	[tilespmem:$0x3080] =	vst v63  }
0x19: {  	v3 =	vld [tilespmem:$0x10];
	_ =	sdelay $0x4  }
0x1a: {  	v62 =	vshll.u32 v3, $0x1  }
0x1b: {  	v3 =	vand.u32 $0x7, v3;
	v4 =	vand.u32 $0xFFFFFFF0, v62  }
0x1c: {  	v3 =	vor.u32 v3, v4  }
0x1d: {  	v4 =	vperm.xlane v3, v0;
	_ =	sdelay $0x1  }
0x1e: {  	v3 =	vperm.xlane v3, v2;
	v4 =	vadd.s32 v1, v4;
	_ =	sdelay $0x1  }
0x1f: {  	v3 =	vadd.s32 v1, v3;
	_ =	sdelay $0x2  }
0x20: {  	[tilespmem:s10], [sflag:$0x1] =	stream.indirect_vreg.gather [hbm4b:s3+s2], $0x80, v4, vm0, $0xb8;
	[tilespmem:$0x3080] =	vst v63  }
0x21: {  	_ = 	snop  }
0x22: {  	[tilespmem:s11], [sflag:$0x1] =	stream.indirect_vreg.gather [hbm4b:s3+s2], $0x80, v3, vm0, $0xb8;
	[tilespmem:$0x3080] =	vst v63  }
0x23: {  	v3 =	vld [tilespmem:$0x20];
	_ =	sdelay $0x4  }
0x24: {  	v63 =	vshll.u32 v3, $0x1  }
0x25: {  	v3 =	vand.u32 $0x7, v3;
	v4 =	vand.u32 $0xFFFFFFF0, v63  }
0x26: {  	v3 =	vor.u32 v3, v4  }
0x27: {  	v4 =	vperm.xlane v3, v0;
	_ =	sdelay $0x1  }
0x28: {  	v3 =	vperm.xlane v3, v2;
	v4 =	vadd.s32 v1, v4;
	_ =	sdelay $0x1  }
0x29: {  	v3 =	vadd.s32 v1, v3;
	_ =	sdelay $0x2  }
0x2a: {  	[tilespmem:s12], [sflag:$0x1] =	stream.indirect_vreg.gather [hbm4b:s3+s2], $0x80, v4, vm0, $0xb8;
	[tilespmem:$0x3080] =	vst v63  }
0x2b: {  	_ = 	snop  }
0x2c: {  	[tilespmem:s13], [sflag:$0x1] =	stream.indirect_vreg.gather [hbm4b:s3+s2], $0x80, v3, vm0, $0xb8;
	[tilespmem:$0x3080] =	vst v63  }
0x2d: {  	_ =	swait.ge [sflag:s14], $0x3000  }
0x2e: {  	p0 =	sne.s32 s6, $0x1;
	[sflag:s14] =	ssyncset.done $0x0  }
.Ltmp0:
0x2f: {  	[sflag:s14] =	ssyncadd.s32 $0xFFFFD000;
	(pc) =	sbr.rel @p0 .LBB2_1-.Ltmp0, $4  }
0x30: {  	[hbm4b:s5+s2] =	stream.linear.scatter [tilespmem:s8], [sflag:$0x2], $0x3000, $0x38;
	[tilespmem:$0x3080] =	vst v63  }
0x31: {  	_ =	swait.ge [sflag:s7], $0x3000  }
0x32: {  	[sflag:s7] =	ssyncset.done $0x0  }
0x33: {  	s6 =	sadd.s32 $0xFFFFFFFF, s6;
	[sflag:s7] =	ssyncadd.s32 $0xFFFFD000  }
0x34: {  	_ =	sfence.sel $0x180000  }
0x35: {  	[bflag:$0x0] =	sbarrier.arrive $0xFFFF  }
0x36: {  	p0 =	sne.s32 s0, $0x0;
	_ =	strace $0x90000047  }
0x37: {  	s0 =	sadd.s32 @!p0 $0x100000, s1;
	[bflag:$0x2] =	sbarrier.arrive $0xFFFF  }
0x38: {  	[sflag:s0] =	ssyncadd.tile.s32 @!p0 $0x1;
	_ =	shalt  }
.Lfunc_end2:
_tile_overlayer_lowered:
.L_overlay_start_2:
0x39: {  	(tag) =	ssettag $0x2  }
0x3a: {  	s0 =	rddreg [dreg:$0x0];
	s2 =	stileid.u32  }
0x3b: {  	s1 =	rddreg [dreg:$0x1];
	p0 =	sne.s32 s2, $0x0  }
0x3c: {  	s3 =	rddreg [dreg:$0x2];
	[bflag:$0x3] =	sbarrier.arrive $0xFFFF;
	s2 =	simm.s32 @!p0 $0x1C02  }
0x3d: {  	[timem:s3], [sflag:s2] =	dma.local @!p0 [hbm:s0], s1  }
0x3e: {  	s0 =	simm.s32 @!p0 $0x2  }
0x3f: {  	_ =	swait.ge @!p0 [sflag:s0], s1  }
0x40: {  	s1 =	ssub.s32 @!p0 $0x0, s1;
	[sflag:s0] =	ssyncset.done @!p0 $0x0  }
0x41: {  	[sflag:s0] =	ssyncadd.s32 @!p0 s1  }
0x42: {  	[bflag:$0x3] =	sbarrier.arrive $0xFFFF  }
0x43: {  	_ =	shalt  }

// kernel: kernel.23.cloned.1.call-start
scs
__scs_entry_jumppad:
0x0: {  	(pc) =	sbr.rel $0x88, $3  }
0x1: {  	(tag) =	ssettag $0x0;
	lr =	simm.s32 $0x1  }
0x2: {  	[smem:$0x3F61] =	sst lr;
	_ =	strace $0xD0000000  }
0x3: {  	_ = 	snop  }
0x4: {  	_ = 	snop  }
0x5: {  	_ = 	snop  }
0x6: {  	_ = 	snop  }
0x7: {  	_ = 	snop  }
__scs_overlays_trampoline_lowered:
0x8: {  	[smem:$0x3F70] =	sst s0  }
0x9: {  	[smem:$0x3F71] =	sst s1  }
0xa: {  	[smem:$0x3F72] =	sst s2  }
0xb: {  	[smem:$0x3F73] =	sst s3  }
0xc: {  	[smem:$0x3F74] =	sst s4  }
0xd: {  	[smem:$0x3F75] =	sst s5  }
0xe: {  	[smem:$0x3F76] =	sst s6  }
0xf: {  	[smem:$0x3F77] =	sst s7  }
0x10: {  	[smem:$0x3F78] =	sst s8  }
0x11: {  	[smem:$0x3F79] =	sst s9;
	s0 =	simm.s32 @!p0 $0x0  }
0x12: {  	s1 =	sld [smem:$0x3F5F];
	s0 =	simm.s32 @p0 $0x1  }
0x13: {  	[smem:$0x3F7A] =	sst s0;
	s0 =	simm.s32 @!p1 $0x0  }
0x14: {  	s2 =	sld [smem:$0x3F5E];
	s0 =	simm.s32 @p1 $0x1  }
0x15: {  	[smem:$0x3F7B] =	sst s0;
	s0 =	simm.s32 @!p2 $0x0  }
0x16: {  	s3 =	sld [smem:$0x3FDB];
	s0 =	simm.s32 @p2 $0x1  }
0x17: {  	s4 =	simm.s32 $0x1BF5;
	[smem:$0x3F7D] =	sst s0  }
0x18: {  	s0 =	sld [smem:$0x3F60];
	_ =	swait.ge [sflag:s4], $0x0  }
0x19: {  	s7 =	sld [smem:$0x3F61]  }
0x1a: {  	s8 =	sadd.s32 $0xFFFFE003, lr  }
0x1b: {  	s9 =	sadd.s32 $0xFFFFFEF7, lr;
	s5 =	simm.s32 $0xFFFFFFFF;
	p2 =	slt.u32 s8, $0xFFFFF086  }
0x1c: {  	p1 =	slt.u32 s9, $0xF7A;
	s5 =	simm.s32 @!p2 $0x0  }
0x1d: {  	s5 =	simm.s32 @p1 $0x1;
	p0 =	seq.s32 s7, s2  }
0x1e: {  	s7 =	smul.u32 @!p0 $0xF7A, s2;
	p2 =	seq.s32 @!p0 s5, $0x0  }
0x1f: {  	s9 =	smul.u32 $0xF7A, s1;
	s8 =	simm.s32 @!p0 $0x1BF5;
	p2 =	por !p2, p0  }
0x20: {  	[sflag:s8] =	ssyncset.s32 @!p0 $0xFFFFF086;
	s6 =	sadd.s32 @!p0 s3, s7;
	s7 =	simm.s32 @!p0 $0x108  }
0x21: {  	s3 =	sadd.s32 s3, s9;
	s6 =	sadd.s32 @!p0 $0x88, s6;
	s7 =	simm.s32 @p2 $0x1082  }
0x22: {  	[simem:s7], [sflag:s8] =	dma.local @!p0 [hbm:s6], $0xF7A  }
0x23: {  	s9 =	sor.u32 $0xD0000000, s2;
	s6 =	simm.s32 $0x108;
	_ =	swait.ge @!p0 [sflag:s8], $0x0  }
0x24: {  	s3 =	sadd.s32 $0x88, s3;
	s6 =	simm.s32 @!p1 $0x1082;
	[sflag:s4] =	ssyncset.s32 $0xFFFFF086  }
0x25: {  	[simem:s6], [sflag:s4] =	dma.local [hbm:s3], $0xF7A  }
0x26: {  	[smem:$0x3F61] =	sst s1;
	(tag) =	ssettag s2;
	_ =	strace s9  }
0x27: {  	s1 =	sld [smem:$0x3F71]  }
0x28: {  	s2 =	sld [smem:$0x3F72]  }
0x29: {  	s4 =	sld [smem:$0x3F74]  }
0x2a: {  	p0 =	seq.s32 s5, $0x0;
	s5 =	sld [smem:$0x3F75]  }
0x2b: {  	s6 =	sld [smem:$0x3F76]  }
0x2c: {  	s7 =	sld [smem:$0x3F77]  }
0x2d: {  	s3 =	simm.s32 $0x108;
	s8 =	sld [smem:$0x3F78]  }
0x2e: {  	s3 =	simm.s32 @!p0 $0x1082;
	s9 =	sld [smem:$0x3F79]  }
0x2f: {  	lr =	sadd.s32 s0, s3;
	s0 =	sld [smem:$0x3F70]  }
0x30: {  	s3 =	sld [smem:$0x3F73]  }
0x31: {  	[smem:$0x3F7C] =	sst s10  }
0x32: {  	s10 =	sld [smem:$0x3F7A];
	_ =	sdelay $0x3  }
0x33: {  	p0 =	seq.s32 s10, $0x1;
	s10 =	sld [smem:$0x3F7C];
	_ =	sdelay $0x3  }
0x34: {  	[smem:$0x3F7C] =	sst s10  }
0x35: {  	s10 =	sld [smem:$0x3F7B];
	_ =	sdelay $0x3  }
0x36: {  	p1 =	seq.s32 s10, $0x1;
	s10 =	sld [smem:$0x3F7C];
	_ =	sdelay $0x3  }
0x37: {  	[smem:$0x3F7C] =	sst s10  }
0x38: {  	s10 =	sld [smem:$0x3F7D]  }
0x39: {  	_ = 	snop;
	(pc) =	sbr.ind lr, $3  }
0x3a: {  	_ = 	snop  }
0x3b: {  	_ = 	snop  }
0x3c: {  	p2 =	seq.s32 s10, $0x1;
	s10 =	sld [smem:$0x3F7C]  }
0x3d: {  	_ =	shalt  }
0x3e: {  	_ =	shalt  }
0x3f: {  	_ =	shalt  }
0x40: {  	_ =	shalt  }
0x41: {  	_ =	shalt  }
0x42: {  	_ =	shalt  }
0x43: {  	_ =	shalt  }
0x44: {  	_ =	shalt  }
0x45: {  	_ =	shalt  }
0x46: {  	_ =	shalt  }
0x47: {  	_ =	shalt  }
0x48: {  	_ =	shalt  }
0x49: {  	_ =	shalt  }
0x4a: {  	_ =	shalt  }
0x4b: {  	_ =	shalt  }
0x4c: {  	_ =	shalt  }
0x4d: {  	_ =	shalt  }
0x4e: {  	_ =	shalt  }
0x4f: {  	_ =	shalt  }
0x50: {  	_ =	shalt  }
0x51: {  	_ =	shalt  }
0x52: {  	_ =	shalt  }
0x53: {  	_ =	shalt  }
0x54: {  	_ =	shalt  }
0x55: {  	_ =	shalt  }
0x56: {  	_ =	shalt  }
0x57: {  	_ =	shalt  }
0x58: {  	_ =	shalt  }
0x59: {  	_ =	shalt  }
0x5a: {  	_ =	shalt  }
0x5b: {  	_ =	shalt  }
0x5c: {  	_ =	shalt  }
0x5d: {  	_ =	shalt  }
0x5e: {  	_ =	shalt  }
0x5f: {  	_ =	shalt  }
0x60: {  	_ =	shalt  }
0x61: {  	_ =	shalt  }
0x62: {  	_ =	shalt  }
0x63: {  	_ =	shalt  }
0x64: {  	_ =	shalt  }
0x65: {  	_ =	shalt  }
0x66: {  	_ =	shalt  }
0x67: {  	_ =	shalt  }
0x68: {  	_ =	shalt  }
0x69: {  	_ =	shalt  }
0x6a: {  	_ =	shalt  }
0x6b: {  	_ =	shalt  }
0x6c: {  	_ =	shalt  }
0x6d: {  	_ =	shalt  }
0x6e: {  	_ =	shalt  }
0x6f: {  	_ =	shalt  }
0x70: {  	_ =	shalt  }
0x71: {  	_ =	shalt  }
0x72: {  	_ =	shalt  }
0x73: {  	_ =	shalt  }
0x74: {  	_ =	shalt  }
0x75: {  	_ =	shalt  }
0x76: {  	_ =	shalt  }
0x77: {  	_ =	shalt  }
0x78: {  	_ =	shalt  }
0x79: {  	_ =	shalt  }
0x7a: {  	_ =	shalt  }
0x7b: {  	_ =	shalt  }
0x7c: {  	_ =	shalt  }
0x7d: {  	_ =	shalt  }
0x7e: {  	_ =	shalt  }
0x7f: {  	_ =	shalt  }
0x80: {  	_ =	shalt  }
0x81: {  	_ =	shalt  }
0x82: {  	_ =	shalt  }
0x83: {  	_ =	shalt  }
0x84: {  	_ =	shalt  }
0x85: {  	_ =	shalt  }
0x86: {  	_ =	shalt  }
0x87: {  	_ =	shalt  }
.Lfunc_end0:
.L_simem_size_0:
called_computation.1_lowered:
.L_overlay_start_0:
0x88: {  	s2 =	sld [smem:$0x3FD9]  }
0x89: {  	s3 =	sld [smem:$0x3FFE];
	_ =	sdelay $0x1  }
0x8a: {  	s1 =	srdreg.scid  }
0x8b: {  	s0 =	sand.u32 $0x1, s1  }
0x8c: {  	s17 =	sshll.u32 s0, $0xA;
	s2 =	sadd.s32 s3, s2  }
0x8d: {  	s2 =	sadd.s32 s2, s17  }
0x8e: {  	[smem:$0x3F88] =	sst s2  }
0x8f: {  	_ = 	snop  }
0x90: {  	s2 =	sld [smem:$0x3FD0];
	(tm) =	ssettm $0x1  }
0x91: {  	s18 =	sld [smem:$0x3FFB];
	_ =	sdelay $0x3  }
0x92: {  	_ =	strace s18  }
0x93: {  	s3 =	sld [smem:$0x3FFC];
	_ =	sdelay $0x3  }
0x94: {  	_ =	strace s3  }
0x95: {  	s3 =	sld [smem:$0x3FFD];
	_ =	sdelay $0x3  }
0x96: {  	_ =	strace s3  }
0x97: {  	_ =	strace $0x8FFFFFFF  }
0x98: {  	s19 =	sld [smem:$0x3FDB];
	_ =	sdelay $0x1  }
0x99: {  	s4 =	simm.s32 $_scs_section_size  }
0x9a: {  	s5 =	simm.s32 $_size__tile_overlayer_lowered;
	s6 =	simm.s32 $_tile_overlayer_lowered  }
0x9b: {  	s22 =	simm.s32 $0x1BFF;
	s21 =	sshll.u32 s6, $0x1;
	s3 =	sadd.s32 s4, s19  }
0x9c: {  	s7 =	simm.s32 $0x0;
	s20 =	sshll.u32 s5, $0x1;
	s5 =	sadd.s32 s21, s3  }
0x9d: {  	[timem:s7], [sflag:s22] =	dma.local [hbm:s5], s20  }
0x9e: {  	_ =	swait.ge [sflag:s22], s20  }
0x9f: {  	s4 =	ssub.s32 $0x0, s20;
	[sflag:s22] =	ssyncset.done $0x0  }
0xa0: {  	[sflag:s22] =	ssyncadd.s32 s4;
	_ =	sdelay $0x1  }
0xa1: {  	s23 =	simm.s32 $0x1B8B  }
0xa2: {  	_ =	swait.ge [sflag:s23], $0x1  }
0xa3: {  	[sflag:s23] =	ssyncset.done $0x0  }
0xa4: {  	s25 =	simm.s32 $0x1B8E;
	s24 =	sld [smem:$0x3FFE];
	[sflag:s23] =	ssyncadd.s32 $0xFFFFFFFF  }
0xa5: {  	s26 =	simm.s32 $execute0_lowered;
	[smem:$0x3FD2] =	sst s25  }
0xa6: {  	s5 =	sshll.u32 s26, $0x1;
	_ =	strace $0x80000049;
	[dreg:$0x1] =	wrdreg $0xFFFFFFFF  }
0xa7: {  	s28 =	simm.s32 $_size_execute0_lowered;
	s3 =	sadd.s32 s3, s5;
	[dreg:$0x0] =	wrdreg $0x0  }
0xa8: {  	s5 =	sshll.u32 s28, $0x1;
	[dreg:$0x2] =	wrdreg s3  }
0xa9: {  	[dreg:$0x3] =	wrdreg s5  }
0xaa: {  	[dreg:$0x4] =	wrdreg $0xC0  }
0xab: {  	_ =	task [dreg:s7], $0x5FFFF  }
0xac: {  	[dreg:$0x1] =	wrdreg $0xFFFFFFFF  }
0xad: {  	[dreg:$0x0] =	wrdreg $0x60  }
0xae: {  	[dreg:$0x2] =	wrdreg s2  }
0xaf: {  	[dreg:$0x3] =	wrdreg s24  }
0xb0: {  	[dreg:$0x4] =	wrdreg $0x9  }
0xb1: {  	_ =	task.clear_ibuf [dreg:s7], $0x5FFFF;
	_ =	strace $0x90000049  }
0xb2: {  	s29 =	simm.s32 $0x9;
	_ =	strace $0x8000004B  }
0xb3: {  	_ =	swait.ge [sflag:s29], $0x1  }
0xb4: {  	[sflag:s29] =	ssyncadd.s32 $0xFFFFFFFF  }
0xb5: {  	_ =	strace $0x9000004B  }
0xb6: {  	_ =	sfence  }
0xb7: {  	s30 =	sld [smem:$0x0];
	_ =	sdelay $0x2  }
0xb8: {  	s31 =	sshll.u32 s1, $0xD;
	s1 =	sshrl.u32 s1, $0x2  }
0xb9: {  	s3 =	sand.u32 $0x4000, s31;
	s1 =	sadd.s32 s1, s30  }
0xba: {  	s0 =	sor.u32 s3, s0;
	s1 =	sshll.u32 s1, $0x11  }
0xbb: {  	s0 =	sor.u32 s1, s0  }
0xbc: {  	s0 =	sadd.s32 $0x8F2B, s0  }
0xbd: {  	[sflag:s0] =	ssyncadd.remote.s32 $0x1  }
0xbe: {  	_ =	sfence.sel $0xFFFF  }
0xbf: {  	[dreg:$0x0] =	wrdreg $0xFFFFFFFF;
	(pc) =	sbr.abs _section_cstart, $3  }
0xc0: {  	[dreg:$0x1] =	wrdreg $0xFFFFFFFF  }
0xc1: {  	_ =	task.clear_ibuf [dreg:s7], $0x2FFFF;
	_ =	strace $0x9FFFFFFF  }
0xc2: {  	(tm) =	ssettm $0x7FFFFFFF  }
0xc3: {  	_ =	shalt  }
tec
execute0_lowered:
.L_overlay_start_1:
0x0: {  	(tag) =	ssettag $0x1  }
0x1: {  	s1 =	srdreg.scid  }
0x2: {  	s0 =	stileid.u32;
	s6 =	sand.u32 $0x1, s1  }
0x3: {  	s2 =	rddreg [dreg:$0x0];
	s30 =	sshll.u32 s0, $0x8;
	s3 =	sshll.u32 s6, $0x7  }
0x4: {  	s8 =	rddreg [dreg:$0x1];
	s7 =	simm.s32 $0x1;
	s9 =	sor.u32 s3, s30  }
0x5: {  	s1 =	rddreg [dreg:$0x2];
	s3 =	simm.s32 $0x0;
	s4 =	sshrl.u32 s9, $0x3  }
0x6: {  	s10 =	ssub.s32 $0x2, s6;
	[smem:$0x7FF] =	sst s3;
	s4 =	sadd.s32 s4, s8  }
0x7: {  	_ =	strace $0x8000004A;
	s5 =	sadd.s32 $0xA400, s4;
	s4 =	simm.s32 $0x2  }
0x8: {  	[tilespmem:s3], [sflag:$0x2] =	stream.linear.gather [hbm4b:s5+s3], $0x80, $0x38;
	[tilespmem:$0x4080] =	vst v63  }
0x9: {  	s6 =	simm.s32 $0x80;
	s11 =	sshrl.u32 s10, $0x1;
	_ =	swait.ge [sflag:s4], $0x80  }
0xa: {  	s9 =	sshll.u32 s9, $0x4;
	s31 =	ssub.s32 s10, s11;
	[sflag:s4] =	ssyncset.done $0x0  }
0xb: {  	s8 =	sadd.s32 s9, s8;
	s9 =	smax.u32 s31, $0x1;
	[sflag:s4] =	ssyncadd.s32 $0xFFFFFF80  }
0xc: {  	[tilespmem:s6], [sflag:$0x1] =	stream.indirect.gather [hbm4b:s2+s6], $0x80, s3, s6, $0xb8;
	[tilespmem:$0x4080] =	vst v63  }
0xd: {  	p0 =	sne.s32 s9, $0x1;
	_ =	swait.ge [sflag:s7], $0x4000  }
.Ltmp0:
0xe: {  	[sflag:s7] =	ssyncset.done $0x0;
	(pc) =	sbr.rel @!p0 .LBB2_2-.Ltmp0, $4  }
0xf: {  	s8 =	sadd.s32 $0xA600, s8;
	[sflag:s7] =	ssyncadd.s32 $0xFFFFC000  }
0x10: {  	[hbm4b:s8+s3] =	stream.linear.scatter [tilespmem:s6], [sflag:$0x2], $0x4000, $0x38;
	[tilespmem:$0x4080] =	vst v63  }
0x11: {  	_ =	swait.ge [sflag:s4], $0x4000  }
0x12: {  	s9 =	sadd.s32 $0xFFFFFFFF, s9;
	[sflag:s4] =	ssyncset.done $0x0  }
.LBB2_1:
0x13: {  	p0 =	sne.s32 s9, $0x1;
	s9 =	sadd.s32 $0xFFFFFFFF, s9;
	[sflag:s4] =	ssyncadd.s32 $0xFFFFC000  }
0x14: {  	[tilespmem:s3], [sflag:$0x2] =	stream.linear.gather [hbm4b:s5+s3], $0x80, $0x38;
	[tilespmem:$0x4080] =	vst v63  }
0x15: {  	_ =	swait.ge [sflag:s4], $0x80  }
0x16: {  	[sflag:s4] =	ssyncset.done $0x0  }
0x17: {  	[sflag:s4] =	ssyncadd.s32 $0xFFFFFF80  }
0x18: {  	[tilespmem:s6], [sflag:$0x1] =	stream.indirect.gather [hbm4b:s2+s6], $0x80, s3, s6, $0xb8;
	[tilespmem:$0x4080] =	vst v63  }
0x19: {  	_ =	swait.ge [sflag:s7], $0x4000  }
.Ltmp1:
0x1a: {  	[sflag:s7] =	ssyncset.done $0x0;
	(pc) =	sbr.rel @p0 .LBB2_1-.Ltmp1, $4  }
0x1b: {  	[sflag:s7] =	ssyncadd.s32 $0xFFFFC000  }
0x1c: {  	[hbm4b:s8+s3] =	stream.linear.scatter [tilespmem:s6], [sflag:$0x2], $0x4000, $0x38;
	[tilespmem:$0x4080] =	vst v63  }
0x1d: {  	_ =	swait.ge [sflag:s4], $0x4000  }
0x1e: {  	[sflag:s4] =	ssyncset.done $0x0  }
.LBB2_2:
0x1f: {  	[sflag:s4] =	ssyncadd.s32 $0xFFFFC000  }
0x20: {  	_ =	sfence.sel $0x180000  }
0x21: {  	[bflag:$0x0] =	sbarrier.arrive $0xFFFF  }
0x22: {  	p0 =	sne.s32 s0, $0x0;
	_ =	strace $0x9000004A  }
0x23: {  	s0 =	sadd.s32 @!p0 $0x100000, s1;
	[bflag:$0x2] =	sbarrier.arrive $0xFFFF  }
0x24: {  	[sflag:s0] =	ssyncadd.tile.s32 @!p0 $0x1;
	_ =	shalt  }
.Lfunc_end2:
_tile_overlayer_lowered:
.L_overlay_start_2:
0x25: {  	(tag) =	ssettag $0x2  }
0x26: {  	s0 =	rddreg [dreg:$0x0];
	s2 =	stileid.u32  }
0x27: {  	s1 =	rddreg [dreg:$0x1];
	p0 =	sne.s32 s2, $0x0  }
0x28: {  	s3 =	rddreg [dreg:$0x2];
	[bflag:$0x3] =	sbarrier.arrive $0xFFFF;
	s2 =	simm.s32 @!p0 $0x1C02  }
0x29: {  	[timem:s3], [sflag:s2] =	dma.local @!p0 [hbm:s0], s1  }
0x2a: {  	s0 =	simm.s32 @!p0 $0x2  }
0x2b: {  	_ =	swait.ge @!p0 [sflag:s0], s1  }
0x2c: {  	s1 =	ssub.s32 @!p0 $0x0, s1;
	[sflag:s0] =	ssyncset.done @!p0 $0x0  }
0x2d: {  	[sflag:s0] =	ssyncadd.s32 @!p0 s1  }
0x2e: {  	[bflag:$0x3] =	sbarrier.arrive $0xFFFF  }
0x2f: {  	_ =	shalt  }

// kernel: kernel.26.cloned.1.call-start
scs
__scs_entry_jumppad:
0x0: {  	(pc) =	sbr.rel $0x88, $3  }
0x1: {  	(tag) =	ssettag $0x0;
	lr =	simm.s32 $0x1  }
0x2: {  	[smem:$0x3F61] =	sst lr;
	_ =	strace $0xD0000000  }
0x3: {  	_ = 	snop  }
0x4: {  	_ = 	snop  }
0x5: {  	_ = 	snop  }
0x6: {  	_ = 	snop  }
0x7: {  	_ = 	snop  }
__scs_overlays_trampoline_lowered:
0x8: {  	[smem:$0x3F70] =	sst s0  }
0x9: {  	[smem:$0x3F71] =	sst s1  }
0xa: {  	[smem:$0x3F72] =	sst s2  }
0xb: {  	[smem:$0x3F73] =	sst s3  }
0xc: {  	[smem:$0x3F74] =	sst s4  }
0xd: {  	[smem:$0x3F75] =	sst s5  }
0xe: {  	[smem:$0x3F76] =	sst s6  }
0xf: {  	[smem:$0x3F77] =	sst s7  }
0x10: {  	[smem:$0x3F78] =	sst s8  }
0x11: {  	[smem:$0x3F79] =	sst s9;
	s0 =	simm.s32 @!p0 $0x0  }
0x12: {  	s1 =	sld [smem:$0x3F5F];
	s0 =	simm.s32 @p0 $0x1  }
0x13: {  	[smem:$0x3F7A] =	sst s0;
	s0 =	simm.s32 @!p1 $0x0  }
0x14: {  	s2 =	sld [smem:$0x3F5E];
	s0 =	simm.s32 @p1 $0x1  }
0x15: {  	[smem:$0x3F7B] =	sst s0;
	s0 =	simm.s32 @!p2 $0x0  }
0x16: {  	s3 =	sld [smem:$0x3FDB];
	s0 =	simm.s32 @p2 $0x1  }
0x17: {  	s4 =	simm.s32 $0x1BF5;
	[smem:$0x3F7D] =	sst s0  }
0x18: {  	s0 =	sld [smem:$0x3F60];
	_ =	swait.ge [sflag:s4], $0x0  }
0x19: {  	s7 =	sld [smem:$0x3F61]  }
0x1a: {  	s8 =	sadd.s32 $0xFFFFE003, lr  }
0x1b: {  	s9 =	sadd.s32 $0xFFFFFEF7, lr;
	s5 =	simm.s32 $0xFFFFFFFF;
	p2 =	slt.u32 s8, $0xFFFFF086  }
0x1c: {  	p1 =	slt.u32 s9, $0xF7A;
	s5 =	simm.s32 @!p2 $0x0  }
0x1d: {  	s5 =	simm.s32 @p1 $0x1;
	p0 =	seq.s32 s7, s2  }
0x1e: {  	s7 =	smul.u32 @!p0 $0xF7A, s2;
	p2 =	seq.s32 @!p0 s5, $0x0  }
0x1f: {  	s9 =	smul.u32 $0xF7A, s1;
	s8 =	simm.s32 @!p0 $0x1BF5;
	p2 =	por !p2, p0  }
0x20: {  	[sflag:s8] =	ssyncset.s32 @!p0 $0xFFFFF086;
	s6 =	sadd.s32 @!p0 s3, s7;
	s7 =	simm.s32 @!p0 $0x108  }
0x21: {  	s3 =	sadd.s32 s3, s9;
	s6 =	sadd.s32 @!p0 $0x88, s6;
	s7 =	simm.s32 @p2 $0x1082  }
0x22: {  	[simem:s7], [sflag:s8] =	dma.local @!p0 [hbm:s6], $0xF7A  }
0x23: {  	s9 =	sor.u32 $0xD0000000, s2;
	s6 =	simm.s32 $0x108;
	_ =	swait.ge @!p0 [sflag:s8], $0x0  }
0x24: {  	s3 =	sadd.s32 $0x88, s3;
	s6 =	simm.s32 @!p1 $0x1082;
	[sflag:s4] =	ssyncset.s32 $0xFFFFF086  }
0x25: {  	[simem:s6], [sflag:s4] =	dma.local [hbm:s3], $0xF7A  }
0x26: {  	[smem:$0x3F61] =	sst s1;
	(tag) =	ssettag s2;
	_ =	strace s9  }
0x27: {  	s1 =	sld [smem:$0x3F71]  }
0x28: {  	s2 =	sld [smem:$0x3F72]  }
0x29: {  	s4 =	sld [smem:$0x3F74]  }
0x2a: {  	p0 =	seq.s32 s5, $0x0;
	s5 =	sld [smem:$0x3F75]  }
0x2b: {  	s6 =	sld [smem:$0x3F76]  }
0x2c: {  	s7 =	sld [smem:$0x3F77]  }
0x2d: {  	s3 =	simm.s32 $0x108;
	s8 =	sld [smem:$0x3F78]  }
0x2e: {  	s3 =	simm.s32 @!p0 $0x1082;
	s9 =	sld [smem:$0x3F79]  }
0x2f: {  	lr =	sadd.s32 s0, s3;
	s0 =	sld [smem:$0x3F70]  }
0x30: {  	s3 =	sld [smem:$0x3F73]  }
0x31: {  	[smem:$0x3F7C] =	sst s10  }
0x32: {  	s10 =	sld [smem:$0x3F7A];
	_ =	sdelay $0x3  }
0x33: {  	p0 =	seq.s32 s10, $0x1;
	s10 =	sld [smem:$0x3F7C];
	_ =	sdelay $0x3  }
0x34: {  	[smem:$0x3F7C] =	sst s10  }
0x35: {  	s10 =	sld [smem:$0x3F7B];
	_ =	sdelay $0x3  }
0x36: {  	p1 =	seq.s32 s10, $0x1;
	s10 =	sld [smem:$0x3F7C];
	_ =	sdelay $0x3  }
0x37: {  	[smem:$0x3F7C] =	sst s10  }
0x38: {  	s10 =	sld [smem:$0x3F7D]  }
0x39: {  	_ = 	snop;
	(pc) =	sbr.ind lr, $3  }
0x3a: {  	_ = 	snop  }
0x3b: {  	_ = 	snop  }
0x3c: {  	p2 =	seq.s32 s10, $0x1;
	s10 =	sld [smem:$0x3F7C]  }
0x3d: {  	_ =	shalt  }
0x3e: {  	_ =	shalt  }
0x3f: {  	_ =	shalt  }
0x40: {  	_ =	shalt  }
0x41: {  	_ =	shalt  }
0x42: {  	_ =	shalt  }
0x43: {  	_ =	shalt  }
0x44: {  	_ =	shalt  }
0x45: {  	_ =	shalt  }
0x46: {  	_ =	shalt  }
0x47: {  	_ =	shalt  }
0x48: {  	_ =	shalt  }
0x49: {  	_ =	shalt  }
0x4a: {  	_ =	shalt  }
0x4b: {  	_ =	shalt  }
0x4c: {  	_ =	shalt  }
0x4d: {  	_ =	shalt  }
0x4e: {  	_ =	shalt  }
0x4f: {  	_ =	shalt  }
0x50: {  	_ =	shalt  }
0x51: {  	_ =	shalt  }
0x52: {  	_ =	shalt  }
0x53: {  	_ =	shalt  }
0x54: {  	_ =	shalt  }
0x55: {  	_ =	shalt  }
0x56: {  	_ =	shalt  }
0x57: {  	_ =	shalt  }
0x58: {  	_ =	shalt  }
0x59: {  	_ =	shalt  }
0x5a: {  	_ =	shalt  }
0x5b: {  	_ =	shalt  }
0x5c: {  	_ =	shalt  }
0x5d: {  	_ =	shalt  }
0x5e: {  	_ =	shalt  }
0x5f: {  	_ =	shalt  }
0x60: {  	_ =	shalt  }
0x61: {  	_ =	shalt  }
0x62: {  	_ =	shalt  }
0x63: {  	_ =	shalt  }
0x64: {  	_ =	shalt  }
0x65: {  	_ =	shalt  }
0x66: {  	_ =	shalt  }
0x67: {  	_ =	shalt  }
0x68: {  	_ =	shalt  }
0x69: {  	_ =	shalt  }
0x6a: {  	_ =	shalt  }
0x6b: {  	_ =	shalt  }
0x6c: {  	_ =	shalt  }
0x6d: {  	_ =	shalt  }
0x6e: {  	_ =	shalt  }
0x6f: {  	_ =	shalt  }
0x70: {  	_ =	shalt  }
0x71: {  	_ =	shalt  }
0x72: {  	_ =	shalt  }
0x73: {  	_ =	shalt  }
0x74: {  	_ =	shalt  }
0x75: {  	_ =	shalt  }
0x76: {  	_ =	shalt  }
0x77: {  	_ =	shalt  }
0x78: {  	_ =	shalt  }
0x79: {  	_ =	shalt  }
0x7a: {  	_ =	shalt  }
0x7b: {  	_ =	shalt  }
0x7c: {  	_ =	shalt  }
0x7d: {  	_ =	shalt  }
0x7e: {  	_ =	shalt  }
0x7f: {  	_ =	shalt  }
0x80: {  	_ =	shalt  }
0x81: {  	_ =	shalt  }
0x82: {  	_ =	shalt  }
0x83: {  	_ =	shalt  }
0x84: {  	_ =	shalt  }
0x85: {  	_ =	shalt  }
0x86: {  	_ =	shalt  }
0x87: {  	_ =	shalt  }
.Lfunc_end0:
.L_simem_size_0:
called_computation.2_lowered:
.L_overlay_start_0:
0x88: {  	s2 =	sld [smem:$0x3FD9]  }
0x89: {  	s3 =	sld [smem:$0x3FFE];
	_ =	sdelay $0x1  }
0x8a: {  	s1 =	srdreg.scid  }
0x8b: {  	s0 =	sand.u32 $0x1, s1  }
0x8c: {  	s17 =	sshll.u32 s0, $0xA;
	s2 =	sadd.s32 s3, s2  }
0x8d: {  	s2 =	sadd.s32 s2, s17  }
0x8e: {  	[smem:$0x3F88] =	sst s2  }
0x8f: {  	_ = 	snop  }
0x90: {  	(tm) =	ssettm $0x1  }
0x91: {  	s18 =	sld [smem:$0x3FFB];
	_ =	sdelay $0x3  }
0x92: {  	_ =	strace s18  }
0x93: {  	s2 =	sld [smem:$0x3FFC];
	_ =	sdelay $0x3  }
0x94: {  	_ =	strace s2  }
0x95: {  	s2 =	sld [smem:$0x3FFD];
	_ =	sdelay $0x3  }
0x96: {  	_ =	strace s2  }
0x97: {  	_ =	strace $0x8FFFFFFF  }
0x98: {  	s19 =	sld [smem:$0x3FDB];
	_ =	sdelay $0x1  }
0x99: {  	s20 =	simm.s32 $_scs_section_size  }
0x9a: {  	s4 =	simm.s32 $_size__tile_overlayer_lowered;
	s5 =	simm.s32 $_tile_overlayer_lowered  }
0x9b: {  	s6 =	simm.s32 $0x1BFF;
	s21 =	sshll.u32 s5, $0x1;
	s3 =	sadd.s32 s20, s19  }
0x9c: {  	s22 =	simm.s32 $0x0;
	s4 =	sshll.u32 s4, $0x1;
	s5 =	sadd.s32 s21, s3  }
0x9d: {  	[timem:s22], [sflag:s6] =	dma.local [hbm:s5], s4  }
0x9e: {  	_ =	swait.ge [sflag:s6], s4  }
0x9f: {  	s4 =	ssub.s32 $0x0, s4;
	[sflag:s6] =	ssyncset.done $0x0  }
0xa0: {  	[sflag:s6] =	ssyncadd.s32 s4;
	_ =	sdelay $0x1  }
0xa1: {  	s23 =	simm.s32 $0x1B8B  }
0xa2: {  	_ =	swait.ge [sflag:s23], $0x1  }
0xa3: {  	[sflag:s23] =	ssyncset.done $0x0  }
0xa4: {  	[sflag:s23] =	ssyncadd.s32 $0xFFFFFFFF  }
0xa5: {  	s4 =	sld [smem:$0x0]  }
0xa6: {  	s5 =	sand.u32 $0xFFFFFFFE, s1  }
0xa7: {  	p0 =	sne.s32 s1, s5  }
0xa8: {  	s5 =	sshll.u32 @p0 s5, $0xE  }
0xa9: {  	s5 =	sadd.s32 @p0 $0x11B8D, s5;
	s6 =	sshll.u32 @p0 s4, $0x11  }
0xaa: {  	s5 =	sor.u32 @p0 s6, s5  }
0xab: {  	[sflag:s5] =	ssyncadd.remote.s32 @p0 $0x1;
	_ =	sdelay $0x1  }
0xac: {  	s5 =	simm.s32 @p0 $0x1B8D  }
0xad: {  	_ =	swait.eq @p0 [sflag:s5], $0x1  }
0xae: {  	[sflag:s5] =	ssyncadd.s32 @p0 $0xFFFFFFFF  }
0xaf: {  	s6 =	sshll.u32 @!p0 s1, $0xE  }
0xb0: {  	s6 =	sor.u32 @!p0 $0x4000, s6;
	s5 =	simm.s32 @!p0 $0x1B8D  }
0xb1: {  	s4 =	sshll.u32 @!p0 s4, $0x11;
	s6 =	sadd.s32 @!p0 $0x11B8D, s6;
	_ =	swait.eq @!p0 [sflag:s5], $0x1  }
0xb2: {  	s4 =	sor.u32 @!p0 s4, s6;
	[sflag:s5] =	ssyncadd.s32 @!p0 $0xFFFFFFFF  }
0xb3: {  	s25 =	simm.s32 $0x1B8E;
	s24 =	sld [smem:$0x3FFE];
	[sflag:s4] =	ssyncadd.remote.s32 @!p0 $0x1  }
0xb4: {  	s26 =	simm.s32 $execute0_lowered;
	[smem:$0x3FD2] =	sst s25  }
0xb5: {  	s5 =	sshll.u32 s26, $0x1;
	_ =	strace $0x8000004C;
	[dreg:$0x1] =	wrdreg $0xFFFFFFFF  }
0xb6: {  	s28 =	simm.s32 $_size_execute0_lowered;
	s3 =	sadd.s32 s3, s5;
	[dreg:$0x0] =	wrdreg $0x0  }
0xb7: {  	s5 =	sshll.u32 s28, $0x1;
	[dreg:$0x2] =	wrdreg s3  }
0xb8: {  	[dreg:$0x3] =	wrdreg s5  }
0xb9: {  	[dreg:$0x4] =	wrdreg $0xC0  }
0xba: {  	_ =	task [dreg:s22], $0x5FFFF  }
0xbb: {  	[dreg:$0x1] =	wrdreg $0xFFFFFFFF  }
0xbc: {  	[dreg:$0x0] =	wrdreg $0x60  }
0xbd: {  	[dreg:$0x2] =	wrdreg s24  }
0xbe: {  	[dreg:$0x3] =	wrdreg $0xA  }
0xbf: {  	_ =	task.clear_ibuf [dreg:s22], $0x4FFFF;
	_ =	strace $0x9000004C  }
0xc0: {  	s29 =	simm.s32 $0xA;
	_ =	strace $0x8000004E  }
0xc1: {  	_ =	swait.ge [sflag:s29], $0x1  }
0xc2: {  	[sflag:s29] =	ssyncadd.s32 $0xFFFFFFFF  }
0xc3: {  	_ =	strace $0x9000004E  }
0xc4: {  	_ =	sfence  }
0xc5: {  	s30 =	sld [smem:$0x0];
	_ =	sdelay $0x2  }
0xc6: {  	s31 =	sshll.u32 s1, $0xD;
	s1 =	sshrl.u32 s1, $0x2  }
0xc7: {  	s4 =	sand.u32 $0x4000, s31;
	s1 =	sadd.s32 s1, s30  }
0xc8: {  	s0 =	sor.u32 s4, s0;
	s1 =	sshll.u32 s1, $0x11  }
0xc9: {  	s0 =	sor.u32 s1, s0  }
0xca: {  	s0 =	sadd.s32 $0x8F2B, s0  }
0xcb: {  	[sflag:s0] =	ssyncadd.remote.s32 $0x1  }
0xcc: {  	_ =	sfence.sel $0xFFFF  }
0xcd: {  	[dreg:$0x0] =	wrdreg $0xFFFFFFFF;
	(pc) =	sbr.abs _section_cstart, $3  }
0xce: {  	[dreg:$0x1] =	wrdreg $0xFFFFFFFF  }
0xcf: {  	_ =	task.clear_ibuf [dreg:s22], $0x2FFFF;
	_ =	strace $0x9FFFFFFF  }
0xd0: {  	(tm) =	ssettm $0x7FFFFFFF  }
0xd1: {  	_ =	shalt  }
tec
execute0_lowered:
.L_overlay_start_1:
0x0: {  	(tag) =	ssettag $0x1  }
0x1: {  	s1 =	srdreg.scid;
	s0 =	stileid.u32  }
0x2: {  	s12 =	sand.u32 $0x1, s1;
	s28 =	sshll.u32 s0, $0x1  }
0x3: {  	s8 =	sor.u32 s12, s28  }
0x4: {  	s9 =	rddreg [dreg:$0x0];
	s11 =	smul.u32 $0x180, s8  }
0x5: {  	s2 =	simm.s32 $0x0;
	s1 =	rddreg [dreg:$0x1]  }
0x6: {  	[smem:$0x7FF] =	sst s2;
	s13 =	sadd.s32 $0x2A600, s9;
	s3 =	sshrl.u32 s11, $0x3  }
0x7: {  	_ =	strace $0x8000004D;
	s4 =	sadd.s32 s13, s3;
	s3 =	simm.s32 $0x2  }
0x8: {  	[tilespmem:s2], [sflag:$0x2] =	stream.linear.gather [hbm4b:s4+s2], $0x80, $0x38;
	[tilespmem:$0x4080] =	vst v63  }
0x9: {  	_ =	swait.ge [sflag:s3], $0x80  }
0xa: {  	s6 =	simm.s32 $0x80;
	[sflag:s3] =	ssyncset.done $0x0  }
0xb: {  	s7 =	simm.s32 $0x1;
	s5 =	sadd.s32 $0x1A600, s9;
	[sflag:s3] =	ssyncadd.s32 $0xFFFFFF80  }
0xc: {  	[tilespmem:s6], [sflag:$0x1] =	stream.indirect.gather [hbm4b:s5+s6], $0x80, s2, s6, $0xb8;
	[tilespmem:$0x4080] =	vst v63  }
0xd: {  	s8 =	smul.u32 $0x1800, s8;
	_ =	swait.ge [sflag:s7], $0x4000  }
0xe: {  	s14 =	sadd.s32 $0x2AC00, s9;
	[sflag:s7] =	ssyncset.done $0x0  }
0xf: {  	s8 =	sadd.s32 s14, s8;
	[sflag:s7] =	ssyncadd.s32 $0xFFFFC000  }
0x10: {  	[hbm4b:s8+s2] =	stream.linear.scatter [tilespmem:s6], [sflag:$0x2], $0x4000, $0x38;
	[tilespmem:$0x4080] =	vst v63  }
0x11: {  	s10 =	sadd.s32 $0x80, s11;
	_ =	swait.ge [sflag:s3], $0x4000  }
0x12: {  	s29 =	sshrl.u32 s10, $0x3;
	[sflag:s3] =	ssyncset.done $0x0  }
0x13: {  	s9 =	sadd.s32 s13, s29;
	[sflag:s3] =	ssyncadd.s32 $0xFFFFC000  }
0x14: {  	[tilespmem:s2], [sflag:$0x2] =	stream.linear.gather [hbm4b:s9+s2], $0x80, $0x38;
	[tilespmem:$0x4080] =	vst v63  }
0x15: {  	_ =	swait.ge [sflag:s3], $0x80  }
0x16: {  	[sflag:s3] =	ssyncset.done $0x0  }
0x17: {  	[sflag:s3] =	ssyncadd.s32 $0xFFFFFF80  }
0x18: {  	[tilespmem:s6], [sflag:$0x1] =	stream.indirect.gather [hbm4b:s5+s6], $0x80, s2, s6, $0xb8;
	[tilespmem:$0x4080] =	vst v63  }
0x19: {  	_ =	swait.ge [sflag:s7], $0x4000  }
0x1a: {  	s10 =	sshll.u32 s10, $0x4;
	[sflag:s7] =	ssyncset.done $0x0  }
0x1b: {  	s10 =	sadd.s32 s14, s10;
	[sflag:s7] =	ssyncadd.s32 $0xFFFFC000  }
0x1c: {  	[hbm4b:s10+s2] =	stream.linear.scatter [tilespmem:s6], [sflag:$0x2], $0x4000, $0x38;
	[tilespmem:$0x4080] =	vst v63  }
0x1d: {  	s15 =	sadd.s32 $0x100, s11;
	_ =	swait.ge [sflag:s3], $0x4000  }
0x1e: {  	s11 =	sshrl.u32 s15, $0x3;
	[sflag:s3] =	ssyncset.done $0x0  }
0x1f: {  	s12 =	ssub.s32 $0x2, s12;
	s11 =	sadd.s32 s13, s11;
	[sflag:s3] =	ssyncadd.s32 $0xFFFFC000  }
0x20: {  	[tilespmem:s2], [sflag:$0x2] =	stream.linear.gather [hbm4b:s11+s2], $0x80, $0x38;
	[tilespmem:$0x4080] =	vst v63  }
0x21: {  	s30 =	sshrl.u32 s12, $0x1;
	_ =	swait.ge [sflag:s3], $0x80  }
0x22: {  	s13 =	ssub.s32 s12, s30;
	[sflag:s3] =	ssyncset.done $0x0  }
0x23: {  	s13 =	smax.u32 s13, $0x1;
	[sflag:s3] =	ssyncadd.s32 $0xFFFFFF80  }
0x24: {  	[tilespmem:s6], [sflag:$0x1] =	stream.indirect.gather [hbm4b:s5+s6], $0x80, s2, s6, $0xb8;
	[tilespmem:$0x4080] =	vst v63  }
0x25: {  	p0 =	sne.s32 s13, $0x1;
	_ =	swait.ge [sflag:s7], $0x4000  }
.Ltmp0:
0x26: {  	s31 =	sshll.u32 s15, $0x4;
	[sflag:s7] =	ssyncset.done $0x0;
	(pc) =	sbr.rel @!p0 .LBB2_2-.Ltmp0, $4  }
0x27: {  	s12 =	sadd.s32 s14, s31;
	[sflag:s7] =	ssyncadd.s32 $0xFFFFC000  }
0x28: {  	[hbm4b:s12+s2] =	stream.linear.scatter [tilespmem:s6], [sflag:$0x2], $0x4000, $0x38;
	[tilespmem:$0x4080] =	vst v63  }
0x29: {  	_ =	swait.ge [sflag:s3], $0x4000  }
0x2a: {  	s13 =	sadd.s32 $0xFFFFFFFF, s13;
	[sflag:s3] =	ssyncset.done $0x0  }
.LBB2_1:
0x2b: {  	p0 =	sne.s32 s13, $0x1;
	s13 =	sadd.s32 $0xFFFFFFFF, s13;
	[sflag:s3] =	ssyncadd.s32 $0xFFFFC000  }
0x2c: {  	[tilespmem:s2], [sflag:$0x2] =	stream.linear.gather [hbm4b:s4+s2], $0x80, $0x38;
	[tilespmem:$0x4080] =	vst v63  }
0x2d: {  	_ =	swait.ge [sflag:s3], $0x80  }
0x2e: {  	[sflag:s3] =	ssyncset.done $0x0  }
0x2f: {  	[sflag:s3] =	ssyncadd.s32 $0xFFFFFF80  }
0x30: {  	[tilespmem:s6], [sflag:$0x1] =	stream.indirect.gather [hbm4b:s5+s6], $0x80, s2, s6, $0xb8;
	[tilespmem:$0x4080] =	vst v63  }
0x31: {  	_ =	swait.ge [sflag:s7], $0x4000  }
0x32: {  	[sflag:s7] =	ssyncset.done $0x0  }
0x33: {  	[sflag:s7] =	ssyncadd.s32 $0xFFFFC000  }
0x34: {  	[hbm4b:s8+s2] =	stream.linear.scatter [tilespmem:s6], [sflag:$0x2], $0x4000, $0x38;
	[tilespmem:$0x4080] =	vst v63  }
0x35: {  	_ =	swait.ge [sflag:s3], $0x4000  }
0x36: {  	[sflag:s3] =	ssyncset.done $0x0  }
0x37: {  	[sflag:s3] =	ssyncadd.s32 $0xFFFFC000  }
0x38: {  	[tilespmem:s2], [sflag:$0x2] =	stream.linear.gather [hbm4b:s9+s2], $0x80, $0x38;
	[tilespmem:$0x4080] =	vst v63  }
0x39: {  	_ =	swait.ge [sflag:s3], $0x80  }
0x3a: {  	[sflag:s3] =	ssyncset.done $0x0  }
0x3b: {  	[sflag:s3] =	ssyncadd.s32 $0xFFFFFF80  }
0x3c: {  	[tilespmem:s6], [sflag:$0x1] =	stream.indirect.gather [hbm4b:s5+s6], $0x80, s2, s6, $0xb8;
	[tilespmem:$0x4080] =	vst v63  }
0x3d: {  	_ =	swait.ge [sflag:s7], $0x4000  }
0x3e: {  	[sflag:s7] =	ssyncset.done $0x0  }
0x3f: {  	[sflag:s7] =	ssyncadd.s32 $0xFFFFC000  }
0x40: {  	[hbm4b:s10+s2] =	stream.linear.scatter [tilespmem:s6], [sflag:$0x2], $0x4000, $0x38;
	[tilespmem:$0x4080] =	vst v63  }
0x41: {  	_ =	swait.ge [sflag:s3], $0x4000  }
0x42: {  	[sflag:s3] =	ssyncset.done $0x0  }
0x43: {  	[sflag:s3] =	ssyncadd.s32 $0xFFFFC000  }
0x44: {  	[tilespmem:s2], [sflag:$0x2] =	stream.linear.gather [hbm4b:s11+s2], $0x80, $0x38;
	[tilespmem:$0x4080] =	vst v63  }
0x45: {  	_ =	swait.ge [sflag:s3], $0x80  }
0x46: {  	[sflag:s3] =	ssyncset.done $0x0  }
0x47: {  	[sflag:s3] =	ssyncadd.s32 $0xFFFFFF80  }
0x48: {  	[tilespmem:s6], [sflag:$0x1] =	stream.indirect.gather [hbm4b:s5+s6], $0x80, s2, s6, $0xb8;
	[tilespmem:$0x4080] =	vst v63  }
0x49: {  	_ =	swait.ge [sflag:s7], $0x4000  }
.Ltmp1:
0x4a: {  	[sflag:s7] =	ssyncset.done $0x0;
	(pc) =	sbr.rel @p0 .LBB2_1-.Ltmp1, $4  }
0x4b: {  	[sflag:s7] =	ssyncadd.s32 $0xFFFFC000  }
0x4c: {  	[hbm4b:s12+s2] =	stream.linear.scatter [tilespmem:s6], [sflag:$0x2], $0x4000, $0x38;
	[tilespmem:$0x4080] =	vst v63  }
0x4d: {  	_ =	swait.ge [sflag:s3], $0x4000  }
0x4e: {  	[sflag:s3] =	ssyncset.done $0x0  }
.LBB2_2:
0x4f: {  	[sflag:s3] =	ssyncadd.s32 $0xFFFFC000  }
0x50: {  	_ =	sfence.sel $0x180000  }
0x51: {  	[bflag:$0x0] =	sbarrier.arrive $0xFFFF  }
0x52: {  	p0 =	sne.s32 s0, $0x0;
	_ =	strace $0x9000004D  }
0x53: {  	s0 =	sadd.s32 @!p0 $0x100000, s1;
	[bflag:$0x2] =	sbarrier.arrive $0xFFFF  }
0x54: {  	[sflag:s0] =	ssyncadd.tile.s32 @!p0 $0x1;
	_ =	shalt  }
.Lfunc_end2:
_tile_overlayer_lowered:
.L_overlay_start_2:
0x55: {  	(tag) =	ssettag $0x2  }
0x56: {  	s0 =	rddreg [dreg:$0x0];
	s2 =	stileid.u32  }
0x57: {  	s1 =	rddreg [dreg:$0x1];
	p0 =	sne.s32 s2, $0x0  }
0x58: {  	s3 =	rddreg [dreg:$0x2];
	[bflag:$0x3] =	sbarrier.arrive $0xFFFF;
	s2 =	simm.s32 @!p0 $0x1C02  }
0x59: {  	[timem:s3], [sflag:s2] =	dma.local @!p0 [hbm:s0], s1  }
0x5a: {  	s0 =	simm.s32 @!p0 $0x2  }
0x5b: {  	_ =	swait.ge @!p0 [sflag:s0], s1  }
0x5c: {  	s1 =	ssub.s32 @!p0 $0x0, s1;
	[sflag:s0] =	ssyncset.done @!p0 $0x0  }
0x5d: {  	[sflag:s0] =	ssyncadd.s32 @!p0 s1  }
0x5e: {  	[bflag:$0x3] =	sbarrier.arrive $0xFFFF  }
0x5f: {  	_ =	shalt  }

// kernel: kernel.29.cloned.1.call-start
scs
__scs_entry_jumppad:
0x0: {  	(pc) =	sbr.rel $0x88, $3  }
0x1: {  	(tag) =	ssettag $0x0;
	lr =	simm.s32 $0x1  }
0x2: {  	[smem:$0x3F61] =	sst lr;
	_ =	strace $0xD0000000  }
0x3: {  	_ = 	snop  }
0x4: {  	_ = 	snop  }
0x5: {  	_ = 	snop  }
0x6: {  	_ = 	snop  }
0x7: {  	_ = 	snop  }
__scs_overlays_trampoline_lowered:
0x8: {  	[smem:$0x3F70] =	sst s0  }
0x9: {  	[smem:$0x3F71] =	sst s1  }
0xa: {  	[smem:$0x3F72] =	sst s2  }
0xb: {  	[smem:$0x3F73] =	sst s3  }
0xc: {  	[smem:$0x3F74] =	sst s4  }
0xd: {  	[smem:$0x3F75] =	sst s5  }
0xe: {  	[smem:$0x3F76] =	sst s6  }
0xf: {  	[smem:$0x3F77] =	sst s7  }
0x10: {  	[smem:$0x3F78] =	sst s8  }
0x11: {  	[smem:$0x3F79] =	sst s9;
	s0 =	simm.s32 @!p0 $0x0  }
0x12: {  	s1 =	sld [smem:$0x3F5F];
	s0 =	simm.s32 @p0 $0x1  }
0x13: {  	[smem:$0x3F7A] =	sst s0;
	s0 =	simm.s32 @!p1 $0x0  }
0x14: {  	s2 =	sld [smem:$0x3F5E];
	s0 =	simm.s32 @p1 $0x1  }
0x15: {  	[smem:$0x3F7B] =	sst s0;
	s0 =	simm.s32 @!p2 $0x0  }
0x16: {  	s3 =	sld [smem:$0x3FDB];
	s0 =	simm.s32 @p2 $0x1  }
0x17: {  	s4 =	simm.s32 $0x1BF5;
	[smem:$0x3F7D] =	sst s0  }
0x18: {  	s0 =	sld [smem:$0x3F60];
	_ =	swait.ge [sflag:s4], $0x0  }
0x19: {  	s7 =	sld [smem:$0x3F61]  }
0x1a: {  	s8 =	sadd.s32 $0xFFFFE003, lr  }
0x1b: {  	s9 =	sadd.s32 $0xFFFFFEF7, lr;
	s5 =	simm.s32 $0xFFFFFFFF;
	p2 =	slt.u32 s8, $0xFFFFF086  }
0x1c: {  	p1 =	slt.u32 s9, $0xF7A;
	s5 =	simm.s32 @!p2 $0x0  }
0x1d: {  	s5 =	simm.s32 @p1 $0x1;
	p0 =	seq.s32 s7, s2  }
0x1e: {  	s7 =	smul.u32 @!p0 $0xF7A, s2;
	p2 =	seq.s32 @!p0 s5, $0x0  }
0x1f: {  	s9 =	smul.u32 $0xF7A, s1;
	s8 =	simm.s32 @!p0 $0x1BF5;
	p2 =	por !p2, p0  }
0x20: {  	[sflag:s8] =	ssyncset.s32 @!p0 $0xFFFFF086;
	s6 =	sadd.s32 @!p0 s3, s7;
	s7 =	simm.s32 @!p0 $0x108  }
0x21: {  	s3 =	sadd.s32 s3, s9;
	s6 =	sadd.s32 @!p0 $0x88, s6;
	s7 =	simm.s32 @p2 $0x1082  }
0x22: {  	[simem:s7], [sflag:s8] =	dma.local @!p0 [hbm:s6], $0xF7A  }
0x23: {  	s9 =	sor.u32 $0xD0000000, s2;
	s6 =	simm.s32 $0x108;
	_ =	swait.ge @!p0 [sflag:s8], $0x0  }
0x24: {  	s3 =	sadd.s32 $0x88, s3;
	s6 =	simm.s32 @!p1 $0x1082;
	[sflag:s4] =	ssyncset.s32 $0xFFFFF086  }
0x25: {  	[simem:s6], [sflag:s4] =	dma.local [hbm:s3], $0xF7A  }
0x26: {  	[smem:$0x3F61] =	sst s1;
	(tag) =	ssettag s2;
	_ =	strace s9  }
0x27: {  	s1 =	sld [smem:$0x3F71]  }
0x28: {  	s2 =	sld [smem:$0x3F72]  }
0x29: {  	s4 =	sld [smem:$0x3F74]  }
0x2a: {  	p0 =	seq.s32 s5, $0x0;
	s5 =	sld [smem:$0x3F75]  }
0x2b: {  	s6 =	sld [smem:$0x3F76]  }
0x2c: {  	s7 =	sld [smem:$0x3F77]  }
0x2d: {  	s3 =	simm.s32 $0x108;
	s8 =	sld [smem:$0x3F78]  }
0x2e: {  	s3 =	simm.s32 @!p0 $0x1082;
	s9 =	sld [smem:$0x3F79]  }
0x2f: {  	lr =	sadd.s32 s0, s3;
	s0 =	sld [smem:$0x3F70]  }
0x30: {  	s3 =	sld [smem:$0x3F73]  }
0x31: {  	[smem:$0x3F7C] =	sst s10  }
0x32: {  	s10 =	sld [smem:$0x3F7A];
	_ =	sdelay $0x3  }
0x33: {  	p0 =	seq.s32 s10, $0x1;
	s10 =	sld [smem:$0x3F7C];
	_ =	sdelay $0x3  }
0x34: {  	[smem:$0x3F7C] =	sst s10  }
0x35: {  	s10 =	sld [smem:$0x3F7B];
	_ =	sdelay $0x3  }
0x36: {  	p1 =	seq.s32 s10, $0x1;
	s10 =	sld [smem:$0x3F7C];
	_ =	sdelay $0x3  }
0x37: {  	[smem:$0x3F7C] =	sst s10  }
0x38: {  	s10 =	sld [smem:$0x3F7D]  }
0x39: {  	_ = 	snop;
	(pc) =	sbr.ind lr, $3  }
0x3a: {  	_ = 	snop  }
0x3b: {  	_ = 	snop  }
0x3c: {  	p2 =	seq.s32 s10, $0x1;
	s10 =	sld [smem:$0x3F7C]  }
0x3d: {  	_ =	shalt  }
0x3e: {  	_ =	shalt  }
0x3f: {  	_ =	shalt  }
0x40: {  	_ =	shalt  }
0x41: {  	_ =	shalt  }
0x42: {  	_ =	shalt  }
0x43: {  	_ =	shalt  }
0x44: {  	_ =	shalt  }
0x45: {  	_ =	shalt  }
0x46: {  	_ =	shalt  }
0x47: {  	_ =	shalt  }
0x48: {  	_ =	shalt  }
0x49: {  	_ =	shalt  }
0x4a: {  	_ =	shalt  }
0x4b: {  	_ =	shalt  }
0x4c: {  	_ =	shalt  }
0x4d: {  	_ =	shalt  }
0x4e: {  	_ =	shalt  }
0x4f: {  	_ =	shalt  }
0x50: {  	_ =	shalt  }
0x51: {  	_ =	shalt  }
0x52: {  	_ =	shalt  }
0x53: {  	_ =	shalt  }
0x54: {  	_ =	shalt  }
0x55: {  	_ =	shalt  }
0x56: {  	_ =	shalt  }
0x57: {  	_ =	shalt  }
0x58: {  	_ =	shalt  }
0x59: {  	_ =	shalt  }
0x5a: {  	_ =	shalt  }
0x5b: {  	_ =	shalt  }
0x5c: {  	_ =	shalt  }
0x5d: {  	_ =	shalt  }
0x5e: {  	_ =	shalt  }
0x5f: {  	_ =	shalt  }
0x60: {  	_ =	shalt  }
0x61: {  	_ =	shalt  }
0x62: {  	_ =	shalt  }
0x63: {  	_ =	shalt  }
0x64: {  	_ =	shalt  }
0x65: {  	_ =	shalt  }
0x66: {  	_ =	shalt  }
0x67: {  	_ =	shalt  }
0x68: {  	_ =	shalt  }
0x69: {  	_ =	shalt  }
0x6a: {  	_ =	shalt  }
0x6b: {  	_ =	shalt  }
0x6c: {  	_ =	shalt  }
0x6d: {  	_ =	shalt  }
0x6e: {  	_ =	shalt  }
0x6f: {  	_ =	shalt  }
0x70: {  	_ =	shalt  }
0x71: {  	_ =	shalt  }
0x72: {  	_ =	shalt  }
0x73: {  	_ =	shalt  }
0x74: {  	_ =	shalt  }
0x75: {  	_ =	shalt  }
0x76: {  	_ =	shalt  }
0x77: {  	_ =	shalt  }
0x78: {  	_ =	shalt  }
0x79: {  	_ =	shalt  }
0x7a: {  	_ =	shalt  }
0x7b: {  	_ =	shalt  }
0x7c: {  	_ =	shalt  }
0x7d: {  	_ =	shalt  }
0x7e: {  	_ =	shalt  }
0x7f: {  	_ =	shalt  }
0x80: {  	_ =	shalt  }
0x81: {  	_ =	shalt  }
0x82: {  	_ =	shalt  }
0x83: {  	_ =	shalt  }
0x84: {  	_ =	shalt  }
0x85: {  	_ =	shalt  }
0x86: {  	_ =	shalt  }
0x87: {  	_ =	shalt  }
.Lfunc_end0:
.L_simem_size_0:
called_computation.3_lowered:
.L_overlay_start_0:
0x88: {  	s2 =	sld [smem:$0x3FD9]  }
0x89: {  	s3 =	sld [smem:$0x3FFE];
	_ =	sdelay $0x1  }
0x8a: {  	s1 =	srdreg.scid  }
0x8b: {  	s0 =	sand.u32 $0x1, s1  }
0x8c: {  	s17 =	sshll.u32 s0, $0xA;
	s2 =	sadd.s32 s3, s2  }
0x8d: {  	s2 =	sadd.s32 s2, s17  }
0x8e: {  	[smem:$0x3F88] =	sst s2  }
0x8f: {  	_ = 	snop  }
0x90: {  	(tm) =	ssettm $0x1  }
0x91: {  	s18 =	sld [smem:$0x3FFB];
	_ =	sdelay $0x3  }
0x92: {  	_ =	strace s18  }
0x93: {  	s2 =	sld [smem:$0x3FFC];
	_ =	sdelay $0x3  }
0x94: {  	_ =	strace s2  }
0x95: {  	s2 =	sld [smem:$0x3FFD];
	_ =	sdelay $0x3  }
0x96: {  	_ =	strace s2  }
0x97: {  	_ =	strace $0x8FFFFFFF  }
0x98: {  	s19 =	sld [smem:$0x3FDB];
	_ =	sdelay $0x1  }
0x99: {  	s20 =	simm.s32 $_scs_section_size  }
0x9a: {  	s4 =	simm.s32 $_size__tile_overlayer_lowered;
	s5 =	simm.s32 $_tile_overlayer_lowered  }
0x9b: {  	s6 =	simm.s32 $0x1BFF;
	s21 =	sshll.u32 s5, $0x1;
	s3 =	sadd.s32 s20, s19  }
0x9c: {  	s22 =	simm.s32 $0x0;
	s4 =	sshll.u32 s4, $0x1;
	s5 =	sadd.s32 s21, s3  }
0x9d: {  	[timem:s22], [sflag:s6] =	dma.local [hbm:s5], s4  }
0x9e: {  	_ =	swait.ge [sflag:s6], s4  }
0x9f: {  	s4 =	ssub.s32 $0x0, s4;
	[sflag:s6] =	ssyncset.done $0x0  }
0xa0: {  	[sflag:s6] =	ssyncadd.s32 s4;
	_ =	sdelay $0x1  }
0xa1: {  	s23 =	simm.s32 $0x1B8B  }
0xa2: {  	_ =	swait.ge [sflag:s23], $0x1  }
0xa3: {  	[sflag:s23] =	ssyncset.done $0x0  }
0xa4: {  	[sflag:s23] =	ssyncadd.s32 $0xFFFFFFFF  }
0xa5: {  	s4 =	sld [smem:$0x0]  }
0xa6: {  	s5 =	sand.u32 $0xFFFFFFFE, s1  }
0xa7: {  	p0 =	sne.s32 s1, s5  }
0xa8: {  	s5 =	sshll.u32 @p0 s5, $0xE  }
0xa9: {  	s5 =	sadd.s32 @p0 $0x11B8D, s5;
	s6 =	sshll.u32 @p0 s4, $0x11  }
0xaa: {  	s5 =	sor.u32 @p0 s6, s5  }
0xab: {  	[sflag:s5] =	ssyncadd.remote.s32 @p0 $0x1;
	_ =	sdelay $0x1  }
0xac: {  	s5 =	simm.s32 @p0 $0x1B8D  }
0xad: {  	_ =	swait.eq @p0 [sflag:s5], $0x1  }
0xae: {  	[sflag:s5] =	ssyncadd.s32 @p0 $0xFFFFFFFF  }
0xaf: {  	s6 =	sshll.u32 @!p0 s1, $0xE  }
0xb0: {  	s6 =	sor.u32 @!p0 $0x4000, s6;
	s5 =	simm.s32 @!p0 $0x1B8D  }
0xb1: {  	s4 =	sshll.u32 @!p0 s4, $0x11;
	s6 =	sadd.s32 @!p0 $0x11B8D, s6;
	_ =	swait.eq @!p0 [sflag:s5], $0x1  }
0xb2: {  	s4 =	sor.u32 @!p0 s4, s6;
	[sflag:s5] =	ssyncadd.s32 @!p0 $0xFFFFFFFF  }
0xb3: {  	s25 =	simm.s32 $0x1B8E;
	s24 =	sld [smem:$0x3FFE];
	[sflag:s4] =	ssyncadd.remote.s32 @!p0 $0x1  }
0xb4: {  	s26 =	simm.s32 $execute0_lowered;
	[smem:$0x3FD2] =	sst s25  }
0xb5: {  	s5 =	sshll.u32 s26, $0x1;
	_ =	strace $0x8000004F;
	[dreg:$0x1] =	wrdreg $0xFFFFFFFF  }
0xb6: {  	s28 =	simm.s32 $_size_execute0_lowered;
	s3 =	sadd.s32 s3, s5;
	[dreg:$0x0] =	wrdreg $0x0  }
0xb7: {  	s5 =	sshll.u32 s28, $0x1;
	[dreg:$0x2] =	wrdreg s3  }
0xb8: {  	[dreg:$0x3] =	wrdreg s5  }
0xb9: {  	[dreg:$0x4] =	wrdreg $0xC0  }
0xba: {  	_ =	task [dreg:s22], $0x5FFFF  }
0xbb: {  	[dreg:$0x1] =	wrdreg $0xFFFFFFFF  }
0xbc: {  	[dreg:$0x0] =	wrdreg $0x60  }
0xbd: {  	[dreg:$0x2] =	wrdreg s24  }
0xbe: {  	[dreg:$0x3] =	wrdreg $0xB  }
0xbf: {  	_ =	task.clear_ibuf [dreg:s22], $0x4FFFF;
	_ =	strace $0x9000004F  }
0xc0: {  	s29 =	simm.s32 $0xB;
	_ =	strace $0x80000051  }
0xc1: {  	_ =	swait.ge [sflag:s29], $0x1  }
0xc2: {  	[sflag:s29] =	ssyncadd.s32 $0xFFFFFFFF  }
0xc3: {  	_ =	strace $0x90000051  }
0xc4: {  	_ =	sfence  }
0xc5: {  	s30 =	sld [smem:$0x0];
	_ =	sdelay $0x2  }
0xc6: {  	s31 =	sshll.u32 s1, $0xD;
	s1 =	sshrl.u32 s1, $0x2  }
0xc7: {  	s4 =	sand.u32 $0x4000, s31;
	s1 =	sadd.s32 s1, s30  }
0xc8: {  	s0 =	sor.u32 s4, s0;
	s1 =	sshll.u32 s1, $0x11  }
0xc9: {  	s0 =	sor.u32 s1, s0  }
0xca: {  	s0 =	sadd.s32 $0x8F2B, s0  }
0xcb: {  	[sflag:s0] =	ssyncadd.remote.s32 $0x1  }
0xcc: {  	_ =	sfence.sel $0xFFFF  }
0xcd: {  	[dreg:$0x0] =	wrdreg $0xFFFFFFFF;
	(pc) =	sbr.abs _section_cstart, $3  }
0xce: {  	[dreg:$0x1] =	wrdreg $0xFFFFFFFF  }
0xcf: {  	_ =	task.clear_ibuf [dreg:s22], $0x2FFFF;
	_ =	strace $0x9FFFFFFF  }
0xd0: {  	(tm) =	ssettm $0x7FFFFFFF  }
0xd1: {  	_ =	shalt  }
tec
execute0_lowered:
.L_overlay_start_1:
0x0: {  	(tag) =	ssettag $0x1  }
0x1: {  	s4 =	rddreg [dreg:$0x0];
	s0 =	srdreg.scid  }
0x2: {  	s1 =	stileid.u32;
	s2 =	simm.s32 $0x0;
	s31 =	sand.u32 $0x1, s0  }
0x3: {  	s1 =	sshll.u32 s1, $0xC;
	[smem:$0x7FF] =	sst s2;
	s3 =	sshll.u32 s31, $0xB  }
0x4: {  	s30 =	sadd.s32 $0x5AC00, s4;
	s0 =	sadd.s32 $0x6CC00, s4;
	s1 =	sor.u32 s3, s1  }
0x5: {  	_ =	strace $0x80000050;
	s3 =	sshrl.u32 s1, $0x3;
	s5 =	sshll.u32 s1, $0x4  }
0x6: {  	s9 =	sor.u32 $0x80, s1;
	s6 =	sor.u32 $0x100, s1;
	s3 =	sadd.s32 s30, s3  }
0x7: {  	s8 =	sadd.s32 s0, s5;
	s10 =	sshrl.u32 s9, $0x3;
	[dreg:$0x2] =	wrdreg s3  }
0x8: {  	s5 =	sshll.u32 s9, $0x4;
	[dreg:$0x3] =	wrdreg s8;
	s3 =	sadd.s32 s30, s10  }
0x9: {  	s12 =	sshrl.u32 s6, $0x3;
	s11 =	sadd.s32 s0, s5;
	[dreg:$0x4] =	wrdreg s3  }
0xa: {  	s14 =	sshll.u32 s6, $0x4;
	s13 =	sadd.s32 s30, s12;
	[dreg:$0x5] =	wrdreg s11  }
0xb: {  	s16 =	sor.u32 $0x180, s1;
	s15 =	sadd.s32 s0, s14;
	[dreg:$0x6] =	wrdreg s13  }
0xc: {  	s17 =	sshrl.u32 s16, $0x3;
	[dreg:$0x7] =	wrdreg s15  }
0xd: {  	s5 =	sshll.u32 s16, $0x4;
	s3 =	sadd.s32 s30, s17;
	s18 =	rddreg [dreg:$0x2]  }
0xe: {  	s19 =	sadd.s32 s0, s5;
	[dreg:$0x8] =	wrdreg s3  }
0xf: {  	[dreg:$0x9] =	wrdreg s19;
	s3 =	simm.s32 $0x2  }
0x10: {  	[tilespmem:s2], [sflag:$0x2] =	stream.linear.gather [hbm4b:s18+s2], $0x80, $0x38;
	[tilespmem:$0x4080] =	vst v63  }
0x11: {  	_ =	swait.ge [sflag:s3], $0x80  }
0x12: {  	s4 =	sadd.s32 $0x5CC00, s4;
	[sflag:s3] =	ssyncset.done $0x0  }
0x13: {  	s6 =	simm.s32 $0x1;
	s5 =	simm.s32 $0x80;
	[sflag:s3] =	ssyncadd.s32 $0xFFFFFF80  }
0x14: {  	[tilespmem:s5], [sflag:$0x1] =	stream.indirect.gather [hbm4b:s4+s5], $0x80, s2, s5, $0xb8;
	[tilespmem:$0x4080] =	vst v63  }
0x15: {  	_ =	swait.ge [sflag:s6], $0x4000  }
0x16: {  	[sflag:s6] =	ssyncset.done $0x0  }
0x17: {  	s7 =	rddreg [dreg:$0x3];
	[sflag:s6] =	ssyncadd.s32 $0xFFFFC000  }
0x18: {  	[hbm4b:s7+s2] =	stream.linear.scatter [tilespmem:s5], [sflag:$0x2], $0x4000, $0x38;
	[tilespmem:$0x4080] =	vst v63  }
0x19: {  	_ =	swait.ge [sflag:s3], $0x4000  }
0x1a: {  	[sflag:s3] =	ssyncset.done $0x0  }
0x1b: {  	s20 =	rddreg [dreg:$0x4];
	[sflag:s3] =	ssyncadd.s32 $0xFFFFC000  }
0x1c: {  	[tilespmem:s2], [sflag:$0x2] =	stream.linear.gather [hbm4b:s20+s2], $0x80, $0x38;
	[tilespmem:$0x4080] =	vst v63  }
0x1d: {  	_ =	swait.ge [sflag:s3], $0x80  }
0x1e: {  	[sflag:s3] =	ssyncset.done $0x0  }
0x1f: {  	[sflag:s3] =	ssyncadd.s32 $0xFFFFFF80  }
0x20: {  	[tilespmem:s5], [sflag:$0x1] =	stream.indirect.gather [hbm4b:s4+s5], $0x80, s2, s5, $0xb8;
	[tilespmem:$0x4080] =	vst v63  }
0x21: {  	_ =	swait.ge [sflag:s6], $0x4000  }
0x22: {  	[sflag:s6] =	ssyncset.done $0x0  }
0x23: {  	s21 =	rddreg [dreg:$0x5];
	[sflag:s6] =	ssyncadd.s32 $0xFFFFC000  }
0x24: {  	[hbm4b:s21+s2] =	stream.linear.scatter [tilespmem:s5], [sflag:$0x2], $0x4000, $0x38;
	[tilespmem:$0x4080] =	vst v63  }
0x25: {  	_ =	swait.ge [sflag:s3], $0x4000  }
0x26: {  	[sflag:s3] =	ssyncset.done $0x0  }
0x27: {  	s22 =	rddreg [dreg:$0x6];
	[sflag:s3] =	ssyncadd.s32 $0xFFFFC000  }
0x28: {  	[tilespmem:s2], [sflag:$0x2] =	stream.linear.gather [hbm4b:s22+s2], $0x80, $0x38;
	[tilespmem:$0x4080] =	vst v63  }
0x29: {  	_ =	swait.ge [sflag:s3], $0x80  }
0x2a: {  	[sflag:s3] =	ssyncset.done $0x0  }
0x2b: {  	[sflag:s3] =	ssyncadd.s32 $0xFFFFFF80  }
0x2c: {  	[tilespmem:s5], [sflag:$0x1] =	stream.indirect.gather [hbm4b:s4+s5], $0x80, s2, s5, $0xb8;
	[tilespmem:$0x4080] =	vst v63  }
0x2d: {  	_ =	swait.ge [sflag:s6], $0x4000  }
0x2e: {  	[sflag:s6] =	ssyncset.done $0x0  }
0x2f: {  	s23 =	rddreg [dreg:$0x7];
	[sflag:s6] =	ssyncadd.s32 $0xFFFFC000  }
0x30: {  	[hbm4b:s23+s2] =	stream.linear.scatter [tilespmem:s5], [sflag:$0x2], $0x4000, $0x38;
	[tilespmem:$0x4080] =	vst v63  }
0x31: {  	_ =	swait.ge [sflag:s3], $0x4000  }
0x32: {  	[sflag:s3] =	ssyncset.done $0x0  }
0x33: {  	s24 =	rddreg [dreg:$0x8];
	[sflag:s3] =	ssyncadd.s32 $0xFFFFC000  }
0x34: {  	[tilespmem:s2], [sflag:$0x2] =	stream.linear.gather [hbm4b:s24+s2], $0x80, $0x38;
	[tilespmem:$0x4080] =	vst v63  }
0x35: {  	_ =	swait.ge [sflag:s3], $0x80  }
0x36: {  	[sflag:s3] =	ssyncset.done $0x0  }
0x37: {  	[sflag:s3] =	ssyncadd.s32 $0xFFFFFF80  }
0x38: {  	[tilespmem:s5], [sflag:$0x1] =	stream.indirect.gather [hbm4b:s4+s5], $0x80, s2, s5, $0xb8;
	[tilespmem:$0x4080] =	vst v63  }
0x39: {  	_ =	swait.ge [sflag:s6], $0x4000  }
0x3a: {  	[sflag:s6] =	ssyncset.done $0x0  }
0x3b: {  	s25 =	rddreg [dreg:$0x9];
	[sflag:s6] =	ssyncadd.s32 $0xFFFFC000  }
0x3c: {  	[hbm4b:s25+s2] =	stream.linear.scatter [tilespmem:s5], [sflag:$0x2], $0x4000, $0x38;
	[tilespmem:$0x4080] =	vst v63  }
0x3d: {  	s8 =	sor.u32 $0x200, s1;
	_ =	swait.ge [sflag:s3], $0x4000  }
0x3e: {  	s26 =	sshrl.u32 s8, $0x3;
	[sflag:s3] =	ssyncset.done $0x0  }
0x3f: {  	s7 =	sadd.s32 s30, s26;
	[sflag:s3] =	ssyncadd.s32 $0xFFFFC000  }
0x40: {  	[tilespmem:s2], [sflag:$0x2] =	stream.linear.gather [hbm4b:s7+s2], $0x80, $0x38;
	[tilespmem:$0x4080] =	vst v63  }
0x41: {  	_ =	swait.ge [sflag:s3], $0x80  }
0x42: {  	[sflag:s3] =	ssyncset.done $0x0  }
0x43: {  	[sflag:s3] =	ssyncadd.s32 $0xFFFFFF80  }
0x44: {  	[tilespmem:s5], [sflag:$0x1] =	stream.indirect.gather [hbm4b:s4+s5], $0x80, s2, s5, $0xb8;
	[tilespmem:$0x4080] =	vst v63  }
0x45: {  	_ =	swait.ge [sflag:s6], $0x4000  }
0x46: {  	s8 =	sshll.u32 s8, $0x4;
	[sflag:s6] =	ssyncset.done $0x0  }
0x47: {  	s8 =	sadd.s32 s0, s8;
	[sflag:s6] =	ssyncadd.s32 $0xFFFFC000  }
0x48: {  	[hbm4b:s8+s2] =	stream.linear.scatter [tilespmem:s5], [sflag:$0x2], $0x4000, $0x38;
	[tilespmem:$0x4080] =	vst v63  }
0x49: {  	s10 =	sor.u32 $0x280, s1;
	_ =	swait.ge [sflag:s3], $0x4000  }
0x4a: {  	s9 =	sshrl.u32 s10, $0x3;
	[sflag:s3] =	ssyncset.done $0x0  }
0x4b: {  	s9 =	sadd.s32 s30, s9;
	[sflag:s3] =	ssyncadd.s32 $0xFFFFC000  }
0x4c: {  	[tilespmem:s2], [sflag:$0x2] =	stream.linear.gather [hbm4b:s9+s2], $0x80, $0x38;
	[tilespmem:$0x4080] =	vst v63  }
0x4d: {  	_ =	swait.ge [sflag:s3], $0x80  }
0x4e: {  	[sflag:s3] =	ssyncset.done $0x0  }
0x4f: {  	[sflag:s3] =	ssyncadd.s32 $0xFFFFFF80  }
0x50: {  	[tilespmem:s5], [sflag:$0x1] =	stream.indirect.gather [hbm4b:s4+s5], $0x80, s2, s5, $0xb8;
	[tilespmem:$0x4080] =	vst v63  }
0x51: {  	_ =	swait.ge [sflag:s6], $0x4000  }
0x52: {  	s10 =	sshll.u32 s10, $0x4;
	[sflag:s6] =	ssyncset.done $0x0  }
0x53: {  	s10 =	sadd.s32 s0, s10;
	[sflag:s6] =	ssyncadd.s32 $0xFFFFC000  }
0x54: {  	[hbm4b:s10+s2] =	stream.linear.scatter [tilespmem:s5], [sflag:$0x2], $0x4000, $0x38;
	[tilespmem:$0x4080] =	vst v63  }
0x55: {  	s12 =	sor.u32 $0x300, s1;
	_ =	swait.ge [sflag:s3], $0x4000  }
0x56: {  	s11 =	sshrl.u32 s12, $0x3;
	[sflag:s3] =	ssyncset.done $0x0  }
0x57: {  	s11 =	sadd.s32 s30, s11;
	[sflag:s3] =	ssyncadd.s32 $0xFFFFC000  }
0x58: {  	[tilespmem:s2], [sflag:$0x2] =	stream.linear.gather [hbm4b:s11+s2], $0x80, $0x38;
	[tilespmem:$0x4080] =	vst v63  }
0x59: {  	_ =	swait.ge [sflag:s3], $0x80  }
0x5a: {  	[sflag:s3] =	ssyncset.done $0x0  }
0x5b: {  	[sflag:s3] =	ssyncadd.s32 $0xFFFFFF80  }
0x5c: {  	[tilespmem:s5], [sflag:$0x1] =	stream.indirect.gather [hbm4b:s4+s5], $0x80, s2, s5, $0xb8;
	[tilespmem:$0x4080] =	vst v63  }
0x5d: {  	_ =	swait.ge [sflag:s6], $0x4000  }
0x5e: {  	s12 =	sshll.u32 s12, $0x4;
	[sflag:s6] =	ssyncset.done $0x0  }
0x5f: {  	s12 =	sadd.s32 s0, s12;
	[sflag:s6] =	ssyncadd.s32 $0xFFFFC000  }
0x60: {  	[hbm4b:s12+s2] =	stream.linear.scatter [tilespmem:s5], [sflag:$0x2], $0x4000, $0x38;
	[tilespmem:$0x4080] =	vst v63  }
0x61: {  	s14 =	sor.u32 $0x380, s1;
	_ =	swait.ge [sflag:s3], $0x4000  }
0x62: {  	s13 =	sshrl.u32 s14, $0x3;
	[sflag:s3] =	ssyncset.done $0x0  }
0x63: {  	s13 =	sadd.s32 s30, s13;
	[sflag:s3] =	ssyncadd.s32 $0xFFFFC000  }
0x64: {  	[tilespmem:s2], [sflag:$0x2] =	stream.linear.gather [hbm4b:s13+s2], $0x80, $0x38;
	[tilespmem:$0x4080] =	vst v63  }
0x65: {  	_ =	swait.ge [sflag:s3], $0x80  }
0x66: {  	[sflag:s3] =	ssyncset.done $0x0  }
0x67: {  	[sflag:s3] =	ssyncadd.s32 $0xFFFFFF80  }
0x68: {  	[tilespmem:s5], [sflag:$0x1] =	stream.indirect.gather [hbm4b:s4+s5], $0x80, s2, s5, $0xb8;
	[tilespmem:$0x4080] =	vst v63  }
0x69: {  	_ =	swait.ge [sflag:s6], $0x4000  }
0x6a: {  	s14 =	sshll.u32 s14, $0x4;
	[sflag:s6] =	ssyncset.done $0x0  }
0x6b: {  	s14 =	sadd.s32 s0, s14;
	[sflag:s6] =	ssyncadd.s32 $0xFFFFC000  }
0x6c: {  	[hbm4b:s14+s2] =	stream.linear.scatter [tilespmem:s5], [sflag:$0x2], $0x4000, $0x38;
	[tilespmem:$0x4080] =	vst v63  }
0x6d: {  	s16 =	sor.u32 $0x400, s1;
	_ =	swait.ge [sflag:s3], $0x4000  }
0x6e: {  	s15 =	sshrl.u32 s16, $0x3;
	[sflag:s3] =	ssyncset.done $0x0  }
0x6f: {  	s15 =	sadd.s32 s30, s15;
	[sflag:s3] =	ssyncadd.s32 $0xFFFFC000  }
0x70: {  	[tilespmem:s2], [sflag:$0x2] =	stream.linear.gather [hbm4b:s15+s2], $0x80, $0x38;
	[tilespmem:$0x4080] =	vst v63  }
0x71: {  	_ =	swait.ge [sflag:s3], $0x80  }
0x72: {  	[sflag:s3] =	ssyncset.done $0x0  }
0x73: {  	[sflag:s3] =	ssyncadd.s32 $0xFFFFFF80  }
0x74: {  	[tilespmem:s5], [sflag:$0x1] =	stream.indirect.gather [hbm4b:s4+s5], $0x80, s2, s5, $0xb8;
	[tilespmem:$0x4080] =	vst v63  }
0x75: {  	_ =	swait.ge [sflag:s6], $0x4000  }
0x76: {  	s16 =	sshll.u32 s16, $0x4;
	[sflag:s6] =	ssyncset.done $0x0  }
0x77: {  	s16 =	sadd.s32 s0, s16;
	[sflag:s6] =	ssyncadd.s32 $0xFFFFC000  }
0x78: {  	[hbm4b:s16+s2] =	stream.linear.scatter [tilespmem:s5], [sflag:$0x2], $0x4000, $0x38;
	[tilespmem:$0x4080] =	vst v63  }
0x79: {  	s18 =	sor.u32 $0x480, s1;
	_ =	swait.ge [sflag:s3], $0x4000  }
0x7a: {  	s17 =	sshrl.u32 s18, $0x3;
	[sflag:s3] =	ssyncset.done $0x0  }
0x7b: {  	s17 =	sadd.s32 s30, s17;
	[sflag:s3] =	ssyncadd.s32 $0xFFFFC000  }
0x7c: {  	[tilespmem:s2], [sflag:$0x2] =	stream.linear.gather [hbm4b:s17+s2], $0x80, $0x38;
	[tilespmem:$0x4080] =	vst v63  }
0x7d: {  	_ =	swait.ge [sflag:s3], $0x80  }
0x7e: {  	[sflag:s3] =	ssyncset.done $0x0  }
0x7f: {  	[sflag:s3] =	ssyncadd.s32 $0xFFFFFF80  }
0x80: {  	[tilespmem:s5], [sflag:$0x1] =	stream.indirect.gather [hbm4b:s4+s5], $0x80, s2, s5, $0xb8;
	[tilespmem:$0x4080] =	vst v63  }
0x81: {  	_ =	swait.ge [sflag:s6], $0x4000  }
0x82: {  	s18 =	sshll.u32 s18, $0x4;
	[sflag:s6] =	ssyncset.done $0x0  }
0x83: {  	s18 =	sadd.s32 s0, s18;
	[sflag:s6] =	ssyncadd.s32 $0xFFFFC000  }
0x84: {  	[hbm4b:s18+s2] =	stream.linear.scatter [tilespmem:s5], [sflag:$0x2], $0x4000, $0x38;
	[tilespmem:$0x4080] =	vst v63  }
0x85: {  	s20 =	sor.u32 $0x500, s1;
	_ =	swait.ge [sflag:s3], $0x4000  }
0x86: {  	s19 =	sshrl.u32 s20, $0x3;
	[sflag:s3] =	ssyncset.done $0x0  }
0x87: {  	s19 =	sadd.s32 s30, s19;
	[sflag:s3] =	ssyncadd.s32 $0xFFFFC000  }
0x88: {  	[tilespmem:s2], [sflag:$0x2] =	stream.linear.gather [hbm4b:s19+s2], $0x80, $0x38;
	[tilespmem:$0x4080] =	vst v63  }
0x89: {  	_ =	swait.ge [sflag:s3], $0x80  }
0x8a: {  	[sflag:s3] =	ssyncset.done $0x0  }
0x8b: {  	[sflag:s3] =	ssyncadd.s32 $0xFFFFFF80  }
0x8c: {  	[tilespmem:s5], [sflag:$0x1] =	stream.indirect.gather [hbm4b:s4+s5], $0x80, s2, s5, $0xb8;
	[tilespmem:$0x4080] =	vst v63  }
0x8d: {  	_ =	swait.ge [sflag:s6], $0x4000  }
0x8e: {  	s20 =	sshll.u32 s20, $0x4;
	[sflag:s6] =	ssyncset.done $0x0  }
0x8f: {  	s20 =	sadd.s32 s0, s20;
	[sflag:s6] =	ssyncadd.s32 $0xFFFFC000  }
0x90: {  	[hbm4b:s20+s2] =	stream.linear.scatter [tilespmem:s5], [sflag:$0x2], $0x4000, $0x38;
	[tilespmem:$0x4080] =	vst v63  }
0x91: {  	s22 =	sor.u32 $0x580, s1;
	_ =	swait.ge [sflag:s3], $0x4000  }
0x92: {  	s21 =	sshrl.u32 s22, $0x3;
	[sflag:s3] =	ssyncset.done $0x0  }
0x93: {  	s21 =	sadd.s32 s30, s21;
	[sflag:s3] =	ssyncadd.s32 $0xFFFFC000  }
0x94: {  	[tilespmem:s2], [sflag:$0x2] =	stream.linear.gather [hbm4b:s21+s2], $0x80, $0x38;
	[tilespmem:$0x4080] =	vst v63  }
0x95: {  	_ =	swait.ge [sflag:s3], $0x80  }
0x96: {  	[sflag:s3] =	ssyncset.done $0x0  }
0x97: {  	[sflag:s3] =	ssyncadd.s32 $0xFFFFFF80  }
0x98: {  	[tilespmem:s5], [sflag:$0x1] =	stream.indirect.gather [hbm4b:s4+s5], $0x80, s2, s5, $0xb8;
	[tilespmem:$0x4080] =	vst v63  }
0x99: {  	_ =	swait.ge [sflag:s6], $0x4000  }
0x9a: {  	s22 =	sshll.u32 s22, $0x4;
	[sflag:s6] =	ssyncset.done $0x0  }
0x9b: {  	s22 =	sadd.s32 s0, s22;
	[sflag:s6] =	ssyncadd.s32 $0xFFFFC000  }
0x9c: {  	[hbm4b:s22+s2] =	stream.linear.scatter [tilespmem:s5], [sflag:$0x2], $0x4000, $0x38;
	[tilespmem:$0x4080] =	vst v63  }
0x9d: {  	s24 =	sor.u32 $0x600, s1;
	_ =	swait.ge [sflag:s3], $0x4000  }
0x9e: {  	s23 =	sshrl.u32 s24, $0x3;
	[sflag:s3] =	ssyncset.done $0x0  }
0x9f: {  	s23 =	sadd.s32 s30, s23;
	[sflag:s3] =	ssyncadd.s32 $0xFFFFC000  }
0xa0: {  	[tilespmem:s2], [sflag:$0x2] =	stream.linear.gather [hbm4b:s23+s2], $0x80, $0x38;
	[tilespmem:$0x4080] =	vst v63  }
0xa1: {  	_ =	swait.ge [sflag:s3], $0x80  }
0xa2: {  	[sflag:s3] =	ssyncset.done $0x0  }
0xa3: {  	[sflag:s3] =	ssyncadd.s32 $0xFFFFFF80  }
0xa4: {  	[tilespmem:s5], [sflag:$0x1] =	stream.indirect.gather [hbm4b:s4+s5], $0x80, s2, s5, $0xb8;
	[tilespmem:$0x4080] =	vst v63  }
0xa5: {  	_ =	swait.ge [sflag:s6], $0x4000  }
0xa6: {  	s24 =	sshll.u32 s24, $0x4;
	[sflag:s6] =	ssyncset.done $0x0  }
0xa7: {  	s24 =	sadd.s32 s0, s24;
	[sflag:s6] =	ssyncadd.s32 $0xFFFFC000  }
0xa8: {  	[hbm4b:s24+s2] =	stream.linear.scatter [tilespmem:s5], [sflag:$0x2], $0x4000, $0x38;
	[tilespmem:$0x4080] =	vst v63  }
0xa9: {  	s26 =	sor.u32 $0x680, s1;
	_ =	swait.ge [sflag:s3], $0x4000  }
0xaa: {  	s25 =	sshrl.u32 s26, $0x3;
	[sflag:s3] =	ssyncset.done $0x0  }
0xab: {  	s25 =	sadd.s32 s30, s25;
	[sflag:s3] =	ssyncadd.s32 $0xFFFFC000  }
0xac: {  	[tilespmem:s2], [sflag:$0x2] =	stream.linear.gather [hbm4b:s25+s2], $0x80, $0x38;
	[tilespmem:$0x4080] =	vst v63  }
0xad: {  	_ =	swait.ge [sflag:s3], $0x80  }
0xae: {  	[sflag:s3] =	ssyncset.done $0x0  }
0xaf: {  	[sflag:s3] =	ssyncadd.s32 $0xFFFFFF80  }
0xb0: {  	[tilespmem:s5], [sflag:$0x1] =	stream.indirect.gather [hbm4b:s4+s5], $0x80, s2, s5, $0xb8;
	[tilespmem:$0x4080] =	vst v63  }
0xb1: {  	_ =	swait.ge [sflag:s6], $0x4000  }
0xb2: {  	s26 =	sshll.u32 s26, $0x4;
	[sflag:s6] =	ssyncset.done $0x0  }
0xb3: {  	s26 =	sadd.s32 s0, s26;
	[dreg:$0xa] =	wrdreg s0;
	[sflag:s6] =	ssyncadd.s32 $0xFFFFC000  }
0xb4: {  	[hbm4b:s26+s2] =	stream.linear.scatter [tilespmem:s5], [sflag:$0x2], $0x4000, $0x38;
	[tilespmem:$0x4080] =	vst v63  }
0xb5: {  	s29 =	sor.u32 $0x700, s1;
	_ =	swait.ge [sflag:s3], $0x4000  }
0xb6: {  	s28 =	sshrl.u32 s29, $0x3;
	[sflag:s3] =	ssyncset.done $0x0  }
0xb7: {  	s28 =	sadd.s32 s30, s28;
	[sflag:s3] =	ssyncadd.s32 $0xFFFFC000  }
0xb8: {  	[tilespmem:s2], [sflag:$0x2] =	stream.linear.gather [hbm4b:s28+s2], $0x80, $0x38;
	[tilespmem:$0x4080] =	vst v63  }
0xb9: {  	_ =	swait.ge [sflag:s3], $0x80  }
0xba: {  	[sflag:s3] =	ssyncset.done $0x0  }
0xbb: {  	[sflag:s3] =	ssyncadd.s32 $0xFFFFFF80  }
0xbc: {  	[tilespmem:s5], [sflag:$0x1] =	stream.indirect.gather [hbm4b:s4+s5], $0x80, s2, s5, $0xb8;
	[tilespmem:$0x4080] =	vst v63  }
0xbd: {  	_ =	swait.ge [sflag:s6], $0x4000  }
0xbe: {  	s29 =	sshll.u32 s29, $0x4;
	[sflag:s6] =	ssyncset.done $0x0  }
0xbf: {  	s29 =	sadd.s32 s0, s29;
	s1 =	sor.u32 $0x780, s1;
	[sflag:s6] =	ssyncadd.s32 $0xFFFFC000  }
0xc0: {  	[hbm4b:s29+s2] =	stream.linear.scatter [tilespmem:s5], [sflag:$0x2], $0x4000, $0x38;
	[tilespmem:$0x4080] =	vst v63  }
0xc1: {  	s0 =	sshrl.u32 s1, $0x3;
	_ =	swait.ge [sflag:s3], $0x4000  }
0xc2: {  	s30 =	sadd.s32 s30, s0;
	s0 =	ssub.s32 $0x2, s31;
	[sflag:s3] =	ssyncset.done $0x0  }
0xc3: {  	s31 =	sshrl.u32 s0, $0x1;
	[sflag:s3] =	ssyncadd.s32 $0xFFFFC000  }
0xc4: {  	[tilespmem:s2], [sflag:$0x2] =	stream.linear.gather [hbm4b:s30+s2], $0x80, $0x38;
	[tilespmem:$0x4080] =	vst v63  }
0xc5: {  	s0 =	ssub.s32 s0, s31;
	_ =	swait.ge [sflag:s3], $0x80  }
0xc6: {  	s0 =	smax.u32 s0, $0x1;
	[sflag:s3] =	ssyncset.done $0x0  }
0xc7: {  	p0 =	sne.s32 s0, $0x1;
	[sflag:s3] =	ssyncadd.s32 $0xFFFFFF80  }
0xc8: {  	[tilespmem:s5], [sflag:$0x1] =	stream.indirect.gather [hbm4b:s4+s5], $0x80, s2, s5, $0xb8;
	[tilespmem:$0x4080] =	vst v63  }
.Ltmp0:
0xc9: {  	_ =	swait.ge [sflag:s6], $0x4000;
	(pc) =	sbr.rel @!p0 .LBB2_2-.Ltmp0, $4  }
0xca: {  	s1 =	sshll.u32 s1, $0x4;
	[sflag:s6] =	ssyncset.done $0x0;
	s31 =	rddreg [dreg:$0xa]  }
0xcb: {  	s31 =	sadd.s32 s31, s1;
	[sflag:s6] =	ssyncadd.s32 $0xFFFFC000  }
0xcc: {  	[hbm4b:s31+s2] =	stream.linear.scatter [tilespmem:s5], [sflag:$0x2], $0x4000, $0x38;
	[tilespmem:$0x4080] =	vst v63  }
0xcd: {  	s0 =	sadd.s32 $0xFFFFFFFF, s0;
	_ =	swait.ge [sflag:s3], $0x4000  }
.LBB2_1:
0xce: {  	[sflag:s3] =	ssyncset.done $0x0  }
0xcf: {  	s1 =	rddreg [dreg:$0x2];
	[sflag:s3] =	ssyncadd.s32 $0xFFFFC000  }
0xd0: {  	[tilespmem:s2], [sflag:$0x2] =	stream.linear.gather [hbm4b:s1+s2], $0x80, $0x38;
	[tilespmem:$0x4080] =	vst v63  }
0xd1: {  	_ =	swait.ge [sflag:s3], $0x80  }
0xd2: {  	[sflag:s3] =	ssyncset.done $0x0  }
0xd3: {  	[sflag:s3] =	ssyncadd.s32 $0xFFFFFF80  }
0xd4: {  	[tilespmem:s5], [sflag:$0x1] =	stream.indirect.gather [hbm4b:s4+s5], $0x80, s2, s5, $0xb8;
	[tilespmem:$0x4080] =	vst v63  }
0xd5: {  	_ =	swait.ge [sflag:s6], $0x4000  }
0xd6: {  	[sflag:s6] =	ssyncset.done $0x0  }
0xd7: {  	s1 =	rddreg [dreg:$0x3];
	[sflag:s6] =	ssyncadd.s32 $0xFFFFC000  }
0xd8: {  	[hbm4b:s1+s2] =	stream.linear.scatter [tilespmem:s5], [sflag:$0x2], $0x4000, $0x38;
	[tilespmem:$0x4080] =	vst v63  }
0xd9: {  	_ =	swait.ge [sflag:s3], $0x4000  }
0xda: {  	[sflag:s3] =	ssyncset.done $0x0  }
0xdb: {  	s1 =	rddreg [dreg:$0x4];
	[sflag:s3] =	ssyncadd.s32 $0xFFFFC000  }
0xdc: {  	[tilespmem:s2], [sflag:$0x2] =	stream.linear.gather [hbm4b:s1+s2], $0x80, $0x38;
	[tilespmem:$0x4080] =	vst v63  }
0xdd: {  	_ =	swait.ge [sflag:s3], $0x80  }
0xde: {  	[sflag:s3] =	ssyncset.done $0x0  }
0xdf: {  	[sflag:s3] =	ssyncadd.s32 $0xFFFFFF80  }
0xe0: {  	[tilespmem:s5], [sflag:$0x1] =	stream.indirect.gather [hbm4b:s4+s5], $0x80, s2, s5, $0xb8;
	[tilespmem:$0x4080] =	vst v63  }
0xe1: {  	_ =	swait.ge [sflag:s6], $0x4000  }
0xe2: {  	[sflag:s6] =	ssyncset.done $0x0  }
0xe3: {  	s1 =	rddreg [dreg:$0x5];
	[sflag:s6] =	ssyncadd.s32 $0xFFFFC000  }
0xe4: {  	[hbm4b:s1+s2] =	stream.linear.scatter [tilespmem:s5], [sflag:$0x2], $0x4000, $0x38;
	[tilespmem:$0x4080] =	vst v63  }
0xe5: {  	_ =	swait.ge [sflag:s3], $0x4000  }
0xe6: {  	[sflag:s3] =	ssyncset.done $0x0  }
0xe7: {  	s1 =	rddreg [dreg:$0x6];
	[sflag:s3] =	ssyncadd.s32 $0xFFFFC000  }
0xe8: {  	[tilespmem:s2], [sflag:$0x2] =	stream.linear.gather [hbm4b:s1+s2], $0x80, $0x38;
	[tilespmem:$0x4080] =	vst v63  }
0xe9: {  	_ =	swait.ge [sflag:s3], $0x80  }
0xea: {  	[sflag:s3] =	ssyncset.done $0x0  }
0xeb: {  	[sflag:s3] =	ssyncadd.s32 $0xFFFFFF80  }
0xec: {  	[tilespmem:s5], [sflag:$0x1] =	stream.indirect.gather [hbm4b:s4+s5], $0x80, s2, s5, $0xb8;
	[tilespmem:$0x4080] =	vst v63  }
0xed: {  	_ =	swait.ge [sflag:s6], $0x4000  }
0xee: {  	[sflag:s6] =	ssyncset.done $0x0  }
0xef: {  	s1 =	rddreg [dreg:$0x7];
	[sflag:s6] =	ssyncadd.s32 $0xFFFFC000  }
0xf0: {  	[hbm4b:s1+s2] =	stream.linear.scatter [tilespmem:s5], [sflag:$0x2], $0x4000, $0x38;
	[tilespmem:$0x4080] =	vst v63  }
0xf1: {  	_ =	swait.ge [sflag:s3], $0x4000  }
0xf2: {  	[sflag:s3] =	ssyncset.done $0x0  }
0xf3: {  	s1 =	rddreg [dreg:$0x8];
	[sflag:s3] =	ssyncadd.s32 $0xFFFFC000  }
0xf4: {  	[tilespmem:s2], [sflag:$0x2] =	stream.linear.gather [hbm4b:s1+s2], $0x80, $0x38;
	[tilespmem:$0x4080] =	vst v63  }
0xf5: {  	_ =	swait.ge [sflag:s3], $0x80  }
0xf6: {  	[sflag:s3] =	ssyncset.done $0x0  }
0xf7: {  	[sflag:s3] =	ssyncadd.s32 $0xFFFFFF80  }
0xf8: {  	[tilespmem:s5], [sflag:$0x1] =	stream.indirect.gather [hbm4b:s4+s5], $0x80, s2, s5, $0xb8;
	[tilespmem:$0x4080] =	vst v63  }
0xf9: {  	_ =	swait.ge [sflag:s6], $0x4000  }
0xfa: {  	[sflag:s6] =	ssyncset.done $0x0  }
0xfb: {  	s1 =	rddreg [dreg:$0x9];
	[sflag:s6] =	ssyncadd.s32 $0xFFFFC000  }
0xfc: {  	[hbm4b:s1+s2] =	stream.linear.scatter [tilespmem:s5], [sflag:$0x2], $0x4000, $0x38;
	[tilespmem:$0x4080] =	vst v63  }
0xfd: {  	_ =	swait.ge [sflag:s3], $0x4000  }
0xfe: {  	[sflag:s3] =	ssyncset.done $0x0  }
0xff: {  	[sflag:s3] =	ssyncadd.s32 $0xFFFFC000  }
0x100: {  	[tilespmem:s2], [sflag:$0x2] =	stream.linear.gather [hbm4b:s7+s2], $0x80, $0x38;
	[tilespmem:$0x4080] =	vst v63  }
0x101: {  	_ =	swait.ge [sflag:s3], $0x80  }
0x102: {  	[sflag:s3] =	ssyncset.done $0x0  }
0x103: {  	[sflag:s3] =	ssyncadd.s32 $0xFFFFFF80  }
0x104: {  	[tilespmem:s5], [sflag:$0x1] =	stream.indirect.gather [hbm4b:s4+s5], $0x80, s2, s5, $0xb8;
	[tilespmem:$0x4080] =	vst v63  }
0x105: {  	_ =	swait.ge [sflag:s6], $0x4000  }
0x106: {  	[sflag:s6] =	ssyncset.done $0x0  }
0x107: {  	[sflag:s6] =	ssyncadd.s32 $0xFFFFC000  }
0x108: {  	[hbm4b:s8+s2] =	stream.linear.scatter [tilespmem:s5], [sflag:$0x2], $0x4000, $0x38;
	[tilespmem:$0x4080] =	vst v63  }
0x109: {  	_ =	swait.ge [sflag:s3], $0x4000  }
0x10a: {  	[sflag:s3] =	ssyncset.done $0x0  }
0x10b: {  	[sflag:s3] =	ssyncadd.s32 $0xFFFFC000  }
0x10c: {  	[tilespmem:s2], [sflag:$0x2] =	stream.linear.gather [hbm4b:s9+s2], $0x80, $0x38;
	[tilespmem:$0x4080] =	vst v63  }
0x10d: {  	_ =	swait.ge [sflag:s3], $0x80  }
0x10e: {  	[sflag:s3] =	ssyncset.done $0x0  }
0x10f: {  	[sflag:s3] =	ssyncadd.s32 $0xFFFFFF80  }
0x110: {  	[tilespmem:s5], [sflag:$0x1] =	stream.indirect.gather [hbm4b:s4+s5], $0x80, s2, s5, $0xb8;
	[tilespmem:$0x4080] =	vst v63  }
0x111: {  	_ =	swait.ge [sflag:s6], $0x4000  }
0x112: {  	[sflag:s6] =	ssyncset.done $0x0  }
0x113: {  	[sflag:s6] =	ssyncadd.s32 $0xFFFFC000  }
0x114: {  	[hbm4b:s10+s2] =	stream.linear.scatter [tilespmem:s5], [sflag:$0x2], $0x4000, $0x38;
	[tilespmem:$0x4080] =	vst v63  }
0x115: {  	_ =	swait.ge [sflag:s3], $0x4000  }
0x116: {  	[sflag:s3] =	ssyncset.done $0x0  }
0x117: {  	[sflag:s3] =	ssyncadd.s32 $0xFFFFC000  }
0x118: {  	[tilespmem:s2], [sflag:$0x2] =	stream.linear.gather [hbm4b:s11+s2], $0x80, $0x38;
	[tilespmem:$0x4080] =	vst v63  }
0x119: {  	_ =	swait.ge [sflag:s3], $0x80  }
0x11a: {  	[sflag:s3] =	ssyncset.done $0x0  }
0x11b: {  	[sflag:s3] =	ssyncadd.s32 $0xFFFFFF80  }
0x11c: {  	[tilespmem:s5], [sflag:$0x1] =	stream.indirect.gather [hbm4b:s4+s5], $0x80, s2, s5, $0xb8;
	[tilespmem:$0x4080] =	vst v63  }
0x11d: {  	_ =	swait.ge [sflag:s6], $0x4000  }
0x11e: {  	[sflag:s6] =	ssyncset.done $0x0  }
0x11f: {  	[sflag:s6] =	ssyncadd.s32 $0xFFFFC000  }
0x120: {  	[hbm4b:s12+s2] =	stream.linear.scatter [tilespmem:s5], [sflag:$0x2], $0x4000, $0x38;
	[tilespmem:$0x4080] =	vst v63  }
0x121: {  	_ =	swait.ge [sflag:s3], $0x4000  }
0x122: {  	[sflag:s3] =	ssyncset.done $0x0  }
0x123: {  	[sflag:s3] =	ssyncadd.s32 $0xFFFFC000  }
0x124: {  	[tilespmem:s2], [sflag:$0x2] =	stream.linear.gather [hbm4b:s13+s2], $0x80, $0x38;
	[tilespmem:$0x4080] =	vst v63  }
0x125: {  	_ =	swait.ge [sflag:s3], $0x80  }
0x126: {  	[sflag:s3] =	ssyncset.done $0x0  }
0x127: {  	[sflag:s3] =	ssyncadd.s32 $0xFFFFFF80  }
0x128: {  	[tilespmem:s5], [sflag:$0x1] =	stream.indirect.gather [hbm4b:s4+s5], $0x80, s2, s5, $0xb8;
	[tilespmem:$0x4080] =	vst v63  }
0x129: {  	_ =	swait.ge [sflag:s6], $0x4000  }
0x12a: {  	[sflag:s6] =	ssyncset.done $0x0  }
0x12b: {  	[sflag:s6] =	ssyncadd.s32 $0xFFFFC000  }
0x12c: {  	[hbm4b:s14+s2] =	stream.linear.scatter [tilespmem:s5], [sflag:$0x2], $0x4000, $0x38;
	[tilespmem:$0x4080] =	vst v63  }
0x12d: {  	_ =	swait.ge [sflag:s3], $0x4000  }
0x12e: {  	[sflag:s3] =	ssyncset.done $0x0  }
0x12f: {  	[sflag:s3] =	ssyncadd.s32 $0xFFFFC000  }
0x130: {  	[tilespmem:s2], [sflag:$0x2] =	stream.linear.gather [hbm4b:s15+s2], $0x80, $0x38;
	[tilespmem:$0x4080] =	vst v63  }
0x131: {  	_ =	swait.ge [sflag:s3], $0x80  }
0x132: {  	[sflag:s3] =	ssyncset.done $0x0  }
0x133: {  	[sflag:s3] =	ssyncadd.s32 $0xFFFFFF80  }
0x134: {  	[tilespmem:s5], [sflag:$0x1] =	stream.indirect.gather [hbm4b:s4+s5], $0x80, s2, s5, $0xb8;
	[tilespmem:$0x4080] =	vst v63  }
0x135: {  	_ =	swait.ge [sflag:s6], $0x4000  }
0x136: {  	[sflag:s6] =	ssyncset.done $0x0  }
0x137: {  	[sflag:s6] =	ssyncadd.s32 $0xFFFFC000  }
0x138: {  	[hbm4b:s16+s2] =	stream.linear.scatter [tilespmem:s5], [sflag:$0x2], $0x4000, $0x38;
	[tilespmem:$0x4080] =	vst v63  }
0x139: {  	_ =	swait.ge [sflag:s3], $0x4000  }
0x13a: {  	[sflag:s3] =	ssyncset.done $0x0  }
0x13b: {  	[sflag:s3] =	ssyncadd.s32 $0xFFFFC000  }
0x13c: {  	[tilespmem:s2], [sflag:$0x2] =	stream.linear.gather [hbm4b:s17+s2], $0x80, $0x38;
	[tilespmem:$0x4080] =	vst v63  }
0x13d: {  	_ =	swait.ge [sflag:s3], $0x80  }
0x13e: {  	[sflag:s3] =	ssyncset.done $0x0  }
0x13f: {  	[sflag:s3] =	ssyncadd.s32 $0xFFFFFF80  }
0x140: {  	[tilespmem:s5], [sflag:$0x1] =	stream.indirect.gather [hbm4b:s4+s5], $0x80, s2, s5, $0xb8;
	[tilespmem:$0x4080] =	vst v63  }
0x141: {  	_ =	swait.ge [sflag:s6], $0x4000  }
0x142: {  	[sflag:s6] =	ssyncset.done $0x0  }
0x143: {  	[sflag:s6] =	ssyncadd.s32 $0xFFFFC000  }
0x144: {  	[hbm4b:s18+s2] =	stream.linear.scatter [tilespmem:s5], [sflag:$0x2], $0x4000, $0x38;
	[tilespmem:$0x4080] =	vst v63  }
0x145: {  	_ =	swait.ge [sflag:s3], $0x4000  }
0x146: {  	[sflag:s3] =	ssyncset.done $0x0  }
0x147: {  	[sflag:s3] =	ssyncadd.s32 $0xFFFFC000  }
0x148: {  	[tilespmem:s2], [sflag:$0x2] =	stream.linear.gather [hbm4b:s19+s2], $0x80, $0x38;
	[tilespmem:$0x4080] =	vst v63  }
0x149: {  	_ =	swait.ge [sflag:s3], $0x80  }
0x14a: {  	[sflag:s3] =	ssyncset.done $0x0  }
0x14b: {  	[sflag:s3] =	ssyncadd.s32 $0xFFFFFF80  }
0x14c: {  	[tilespmem:s5], [sflag:$0x1] =	stream.indirect.gather [hbm4b:s4+s5], $0x80, s2, s5, $0xb8;
	[tilespmem:$0x4080] =	vst v63  }
0x14d: {  	_ =	swait.ge [sflag:s6], $0x4000  }
0x14e: {  	[sflag:s6] =	ssyncset.done $0x0  }
0x14f: {  	[sflag:s6] =	ssyncadd.s32 $0xFFFFC000  }
0x150: {  	[hbm4b:s20+s2] =	stream.linear.scatter [tilespmem:s5], [sflag:$0x2], $0x4000, $0x38;
	[tilespmem:$0x4080] =	vst v63  }
0x151: {  	_ =	swait.ge [sflag:s3], $0x4000  }
0x152: {  	[sflag:s3] =	ssyncset.done $0x0  }
0x153: {  	[sflag:s3] =	ssyncadd.s32 $0xFFFFC000  }
0x154: {  	[tilespmem:s2], [sflag:$0x2] =	stream.linear.gather [hbm4b:s21+s2], $0x80, $0x38;
	[tilespmem:$0x4080] =	vst v63  }
0x155: {  	_ =	swait.ge [sflag:s3], $0x80  }
0x156: {  	[sflag:s3] =	ssyncset.done $0x0  }
0x157: {  	[sflag:s3] =	ssyncadd.s32 $0xFFFFFF80  }
0x158: {  	[tilespmem:s5], [sflag:$0x1] =	stream.indirect.gather [hbm4b:s4+s5], $0x80, s2, s5, $0xb8;
	[tilespmem:$0x4080] =	vst v63  }
0x159: {  	_ =	swait.ge [sflag:s6], $0x4000  }
0x15a: {  	[sflag:s6] =	ssyncset.done $0x0  }
0x15b: {  	[sflag:s6] =	ssyncadd.s32 $0xFFFFC000  }
0x15c: {  	[hbm4b:s22+s2] =	stream.linear.scatter [tilespmem:s5], [sflag:$0x2], $0x4000, $0x38;
	[tilespmem:$0x4080] =	vst v63  }
0x15d: {  	_ =	swait.ge [sflag:s3], $0x4000  }
0x15e: {  	[sflag:s3] =	ssyncset.done $0x0  }
0x15f: {  	[sflag:s3] =	ssyncadd.s32 $0xFFFFC000  }
0x160: {  	[tilespmem:s2], [sflag:$0x2] =	stream.linear.gather [hbm4b:s23+s2], $0x80, $0x38;
	[tilespmem:$0x4080] =	vst v63  }
0x161: {  	_ =	swait.ge [sflag:s3], $0x80  }
0x162: {  	[sflag:s3] =	ssyncset.done $0x0  }
0x163: {  	[sflag:s3] =	ssyncadd.s32 $0xFFFFFF80  }
0x164: {  	[tilespmem:s5], [sflag:$0x1] =	stream.indirect.gather [hbm4b:s4+s5], $0x80, s2, s5, $0xb8;
	[tilespmem:$0x4080] =	vst v63  }
0x165: {  	_ =	swait.ge [sflag:s6], $0x4000  }
0x166: {  	[sflag:s6] =	ssyncset.done $0x0  }
0x167: {  	[sflag:s6] =	ssyncadd.s32 $0xFFFFC000  }
0x168: {  	[hbm4b:s24+s2] =	stream.linear.scatter [tilespmem:s5], [sflag:$0x2], $0x4000, $0x38;
	[tilespmem:$0x4080] =	vst v63  }
0x169: {  	_ =	swait.ge [sflag:s3], $0x4000  }
0x16a: {  	[sflag:s3] =	ssyncset.done $0x0  }
0x16b: {  	[sflag:s3] =	ssyncadd.s32 $0xFFFFC000  }
0x16c: {  	[tilespmem:s2], [sflag:$0x2] =	stream.linear.gather [hbm4b:s25+s2], $0x80, $0x38;
	[tilespmem:$0x4080] =	vst v63  }
0x16d: {  	_ =	swait.ge [sflag:s3], $0x80  }
0x16e: {  	[sflag:s3] =	ssyncset.done $0x0  }
0x16f: {  	[sflag:s3] =	ssyncadd.s32 $0xFFFFFF80  }
0x170: {  	[tilespmem:s5], [sflag:$0x1] =	stream.indirect.gather [hbm4b:s4+s5], $0x80, s2, s5, $0xb8;
	[tilespmem:$0x4080] =	vst v63  }
0x171: {  	_ =	swait.ge [sflag:s6], $0x4000  }
0x172: {  	[sflag:s6] =	ssyncset.done $0x0  }
0x173: {  	[sflag:s6] =	ssyncadd.s32 $0xFFFFC000  }
0x174: {  	[hbm4b:s26+s2] =	stream.linear.scatter [tilespmem:s5], [sflag:$0x2], $0x4000, $0x38;
	[tilespmem:$0x4080] =	vst v63  }
0x175: {  	_ =	swait.ge [sflag:s3], $0x4000  }
0x176: {  	[sflag:s3] =	ssyncset.done $0x0  }
0x177: {  	[sflag:s3] =	ssyncadd.s32 $0xFFFFC000  }
0x178: {  	[tilespmem:s2], [sflag:$0x2] =	stream.linear.gather [hbm4b:s28+s2], $0x80, $0x38;
	[tilespmem:$0x4080] =	vst v63  }
0x179: {  	_ =	swait.ge [sflag:s3], $0x80  }
0x17a: {  	[sflag:s3] =	ssyncset.done $0x0  }
0x17b: {  	[sflag:s3] =	ssyncadd.s32 $0xFFFFFF80  }
0x17c: {  	[tilespmem:s5], [sflag:$0x1] =	stream.indirect.gather [hbm4b:s4+s5], $0x80, s2, s5, $0xb8;
	[tilespmem:$0x4080] =	vst v63  }
0x17d: {  	_ =	swait.ge [sflag:s6], $0x4000  }
0x17e: {  	[sflag:s6] =	ssyncset.done $0x0  }
0x17f: {  	[sflag:s6] =	ssyncadd.s32 $0xFFFFC000  }
0x180: {  	[hbm4b:s29+s2] =	stream.linear.scatter [tilespmem:s5], [sflag:$0x2], $0x4000, $0x38;
	[tilespmem:$0x4080] =	vst v63  }
0x181: {  	_ =	swait.ge [sflag:s3], $0x4000  }
0x182: {  	[sflag:s3] =	ssyncset.done $0x0  }
0x183: {  	[sflag:s3] =	ssyncadd.s32 $0xFFFFC000  }
0x184: {  	[tilespmem:s2], [sflag:$0x2] =	stream.linear.gather [hbm4b:s30+s2], $0x80, $0x38;
	[tilespmem:$0x4080] =	vst v63  }
0x185: {  	_ =	swait.ge [sflag:s3], $0x80  }
0x186: {  	[sflag:s3] =	ssyncset.done $0x0  }
0x187: {  	p0 =	sne.s32 s0, $0x1;
	[sflag:s3] =	ssyncadd.s32 $0xFFFFFF80  }
0x188: {  	[tilespmem:s5], [sflag:$0x1] =	stream.indirect.gather [hbm4b:s4+s5], $0x80, s2, s5, $0xb8;
	[tilespmem:$0x4080] =	vst v63  }
.Ltmp1:
0x189: {  	_ =	swait.ge [sflag:s6], $0x4000;
	(pc) =	sbr.rel @p0 .LBB2_1-.Ltmp1, $4  }
0x18a: {  	[sflag:s6] =	ssyncset.done $0x0  }
0x18b: {  	[sflag:s6] =	ssyncadd.s32 $0xFFFFC000  }
0x18c: {  	[hbm4b:s31+s2] =	stream.linear.scatter [tilespmem:s5], [sflag:$0x2], $0x4000, $0x38;
	[tilespmem:$0x4080] =	vst v63  }
0x18d: {  	s0 =	sadd.s32 $0xFFFFFFFF, s0;
	_ =	swait.ge [sflag:s3], $0x4000  }
.LBB2_2:
0x18e: {  	[sflag:s3] =	ssyncset.done $0x0  }
0x18f: {  	[sflag:s3] =	ssyncadd.s32 $0xFFFFC000  }
0x190: {  	_ =	sfence.sel $0x180000  }
0x191: {  	[bflag:$0x0] =	sbarrier.arrive $0xFFFF  }
0x192: {  	_ =	strace $0x90000050  }
0x193: {  	s0 =	stileid.u32;
	[bflag:$0x2] =	sbarrier.arrive $0xFFFF  }
0x194: {  	p0 =	sne.s32 s0, $0x0;
	s0 =	rddreg [dreg:$0x1]  }
0x195: {  	s0 =	sadd.s32 @!p0 $0x100000, s0  }
0x196: {  	[sflag:s0] =	ssyncadd.tile.s32 @!p0 $0x1;
	_ =	shalt  }
.Lfunc_end2:
_tile_overlayer_lowered:
.L_overlay_start_2:
0x197: {  	(tag) =	ssettag $0x2  }
0x198: {  	s0 =	rddreg [dreg:$0x0];
	s2 =	stileid.u32  }
0x199: {  	s1 =	rddreg [dreg:$0x1];
	p0 =	sne.s32 s2, $0x0  }
0x19a: {  	s3 =	rddreg [dreg:$0x2];
	[bflag:$0x3] =	sbarrier.arrive $0xFFFF;
	s2 =	simm.s32 @!p0 $0x1C02  }
0x19b: {  	[timem:s3], [sflag:s2] =	dma.local @!p0 [hbm:s0], s1  }
0x19c: {  	s0 =	simm.s32 @!p0 $0x2  }
0x19d: {  	_ =	swait.ge @!p0 [sflag:s0], s1  }
0x19e: {  	s1 =	ssub.s32 @!p0 $0x0, s1;
	[sflag:s0] =	ssyncset.done @!p0 $0x0  }
0x19f: {  	[sflag:s0] =	ssyncadd.s32 @!p0 s1  }
0x1a0: {  	[bflag:$0x3] =	sbarrier.arrive $0xFFFF  }
0x1a1: {  	_ =	shalt  }

</sc_bundles>
